<compile_context>
chip_gen: v7x
topology: tpu7x:2x2x1
jax: 0.10.2.dev20260603
libtpu: 0.0.44.dev20260713+nightly
codegen_flags: <defaults>
</compile_context>

<pallas_src>
import functools

import jax
import jax.numpy as jnp
from jax import lax
from jax.experimental import pallas as pl
from jax.experimental.pallas import tpu as pltpu
from jax.experimental.pallas import tpu_sc as plsc

T = 256
CB = 512
NC = 2
NS = 16
NW = NC * NS


def _router_kernel(x_ref, wr_ref, br_ref,
                   w_ref, p1_ref, p2_ref, wp_ref, te_ref):
    bt, e_dim = w_ref.shape
    nt = te_ref.shape[0]
    xb = x_ref[...].astype(jnp.bfloat16)
    logits = jnp.dot(xb, wr_ref[...].astype(jnp.bfloat16),
                     preferred_element_type=jnp.float32) + br_ref[...]
    m = jnp.max(logits, axis=-1, keepdims=True)
    ex = jnp.exp(logits - m)
    w = ex / jnp.sum(ex, axis=-1, keepdims=True)
    w_ref[...] = w

    e_iota = lax.broadcasted_iota(jnp.int32, (bt, e_dim), 1)
    w1v = jnp.max(w, axis=-1, keepdims=True)
    m1i = jnp.min(jnp.where(w == w1v, e_iota, e_dim), axis=-1, keepdims=True)
    oh1 = e_iota == m1i
    w_rest = jnp.where(oh1, -jnp.inf, w)
    w2v = jnp.max(w_rest, axis=-1, keepdims=True)
    m2i = jnp.min(jnp.where(w_rest == w2v, e_iota, e_dim), axis=-1, keepdims=True)
    wsum = w1v + w2v + 1e-9
    wp_ref[...] = jnp.concatenate(
        [jnp.broadcast_to(w1v / wsum, (bt, 16)),
         jnp.broadcast_to(w2v / wsum, (bt, 16))], axis=1)

    oh1b = oh1.astype(jnp.bfloat16)
    oh2b = (e_iota == m2i).astype(jnp.bfloat16)
    cb = min(CB, bt)
    r_iota = lax.broadcasted_iota(jnp.int32, (cb, cb), 0)
    c_iota = lax.broadcasted_iota(jnp.int32, (cb, cb), 1)
    ltri = (r_iota > c_iota).astype(jnp.bfloat16)
    ones_row = jnp.ones((1, cb), jnp.bfloat16)

    def excl_ranks(ohb, start):
        run = start
        parts = []
        for b in range(bt // cb):
            blk = lax.slice_in_dim(ohb, b * cb, (b + 1) * cb, axis=0)
            part = jnp.dot(ltri, blk, preferred_element_type=jnp.float32)
            parts.append(part + run)
            run = run + jnp.dot(ones_row, blk, preferred_element_type=jnp.float32)
        return jnp.concatenate(parts, axis=0), run

    zero = jnp.zeros((1, e_dim), jnp.float32)
    excl1, counts1 = excl_ranks(oh1b, zero)
    excl2, counts_tot = excl_ranks(oh2b, counts1)
    rank1 = jnp.sum(excl1 * oh1b.astype(jnp.float32), axis=-1, keepdims=True)
    rank2 = jnp.sum(excl2 * oh2b.astype(jnp.float32), axis=-1, keepdims=True)

    ptiles = jnp.floor((counts_tot + (T - 1)) * (1.0 / T))
    incl8 = (lax.broadcasted_iota(jnp.int32, (e_dim, e_dim), 0)
             <= lax.broadcasted_iota(jnp.int32, (e_dim, e_dim), 1)
             ).astype(jnp.bfloat16)
    cum_tiles = jnp.dot(ptiles.astype(jnp.bfloat16), incl8,
                        preferred_element_type=jnp.float32)
    group_start = (cum_tiles - ptiles) * float(T)

    gs1 = jnp.sum(group_start * oh1b.astype(jnp.float32), axis=-1, keepdims=True)
    gs2 = jnp.sum(group_start * oh2b.astype(jnp.float32), axis=-1, keepdims=True)
    p1_ref[...] = (gs1 + rank1).astype(jnp.int32)
    p2_ref[...] = (gs2 + rank2).astype(jnp.int32)

    t_iota = lax.broadcasted_iota(jnp.int32, (nt, e_dim), 0).astype(jnp.float32)
    te = jnp.sum((t_iota >= cum_tiles).astype(jnp.float32), axis=-1, keepdims=True)
    te_ref[...] = jnp.minimum(te, e_dim - 1).astype(jnp.int32)


def _expert_kernel(te_ref, x_ref, w1_ref, b1_ref, w2_ref, b2_ref, out_ref):
    e = te_ref[pl.program_id(0)]
    xb = x_ref[...].astype(jnp.bfloat16)
    h = jnp.dot(xb, w1_ref[e], preferred_element_type=jnp.float32)
    h = h + b1_ref[e]
    h = 0.5 * h * (1.0 + lax.erf(h * 0.7071067811865476))
    o = jnp.dot(h.astype(jnp.bfloat16), w2_ref[e], preferred_element_type=jnp.float32)
    out_ref[...] = o + b2_ref[e]


def _make_scatter(B, H, RP, tpw, ch):
    nch = tpw // ch
    mesh = plsc.VectorSubcoreMesh(core_axis_name="c", subcore_axis_name="s")

    @functools.partial(
        pl.kernel, mesh=mesh,
        out_type=jax.ShapeDtypeStruct((RP, H), jnp.float32),
        scratch_types=[
            pltpu.VMEM((2 * nch, ch), jnp.int32),
            pltpu.VMEM((ch, H), jnp.float32),
            pltpu.SemaphoreType.DMA,
            pltpu.SemaphoreType.DMA,
        ],
    )
    def _scatter(xb_hbm, pos_hbm, xs_hbm, idx_v, rows_v, sem1, sem2):
        wid = lax.axis_index("s") * NC + lax.axis_index("c")
        base = wid * tpw
        pltpu.sync_copy(pos_hbm.at[0, wid], idx_v.at[pl.ds(0, nch)])
        pltpu.sync_copy(pos_hbm.at[1, wid], idx_v.at[pl.ds(nch, nch)])
        for c in range(nch):
            pltpu.sync_copy(xb_hbm.at[pl.ds(base + c * ch, ch)], rows_v)
            cp1 = pltpu.async_copy(rows_v, xs_hbm.at[idx_v.at[c]], sem1)
            cp2 = pltpu.async_copy(rows_v, xs_hbm.at[idx_v.at[nch + c]], sem2)
            cp1.wait()
            cp2.wait()

    return _scatter


def _make_combine(B, H, RP, tpw, ch):
    nch = tpw // ch
    mesh = plsc.VectorSubcoreMesh(core_axis_name="c", subcore_axis_name="s")

    @functools.partial(
        pl.kernel, mesh=mesh,
        out_type=jax.ShapeDtypeStruct((B, H), jnp.float32),
        scratch_types=[
            pltpu.VMEM((2 * nch, ch), jnp.int32),
            pltpu.VMEM((nch, ch, 32), jnp.float32),
            pltpu.VMEM((ch, H), jnp.float32),
            pltpu.VMEM((ch, H), jnp.float32),
            pltpu.SemaphoreType.DMA,
            pltpu.SemaphoreType.DMA,
        ],
    )
    def _combine(os_hbm, pos_hbm, wn_hbm, comb_hbm,
                 idx_v, wv, bufa, bufb, sema, semb):
        wid = lax.axis_index("s") * NC + lax.axis_index("c")
        base = wid * tpw
        pltpu.sync_copy(pos_hbm.at[0, wid], idx_v.at[pl.ds(0, nch)])
        pltpu.sync_copy(pos_hbm.at[1, wid], idx_v.at[pl.ds(nch, nch)])
        pltpu.sync_copy(wn_hbm.at[wid], wv)
        for c in range(nch):
            cpa = pltpu.async_copy(os_hbm.at[idx_v.at[c]], bufa, sema)
            cpb = pltpu.async_copy(os_hbm.at[idx_v.at[nch + c]], bufb, semb)
            cpa.wait()
            cpb.wait()

            def rbody(r, _, c=c):
                w1s = wv[c, r, pl.ds(0, 16)]
                w2s = wv[c, r, pl.ds(16, 16)]
                for j in range(H // 16):
                    a = bufa[r, pl.ds(16 * j, 16)]
                    b = bufb[r, pl.ds(16 * j, 16)]
                    bufa[r, pl.ds(16 * j, 16)] = w1s * a + w2s * b
                return 0

            lax.fori_loop(0, ch, rbody, 0)
            pltpu.sync_copy(bufa, comb_hbm.at[pl.ds(base + c * ch, ch)])

    return _combine


def kernel(inputs, Wr, br, W1, b1, W2, b2):
    B, H = inputs.shape
    E = Wr.shape[1]
    K = 2
    NT = (B * K) // T + E
    RP = NT * T

    weights, p1, p2, wpair, tile_expert = pl.pallas_call(
        _router_kernel,
        out_shape=[
            jax.ShapeDtypeStruct((B, E), jnp.float32),
            jax.ShapeDtypeStruct((B, 1), jnp.int32),
            jax.ShapeDtypeStruct((B, 1), jnp.int32),
            jax.ShapeDtypeStruct((B, 32), jnp.float32),
            jax.ShapeDtypeStruct((NT, 1), jnp.int32),
        ],
    )(inputs, Wr, br.reshape(1, E))

    tpw = B // NW
    ch = min(64, tpw)
    nch = tpw // ch
    pos_arr = jnp.stack([p1[:, 0].reshape(NW, nch, ch),
                         p2[:, 0].reshape(NW, nch, ch)])
    x_sorted = _make_scatter(B, H, RP, tpw, ch)(inputs, pos_arr)

    w1b = W1.astype(jnp.bfloat16)
    w2b = W2.astype(jnp.bfloat16)
    grid_spec = pltpu.PrefetchScalarGridSpec(
        num_scalar_prefetch=1,
        grid=(NT,),
        in_specs=[
            pl.BlockSpec((T, H), lambda i, te: (i, 0)),
            pl.BlockSpec((E, H, H), lambda i, te: (0, 0, 0)),
            pl.BlockSpec((E, 1, H), lambda i, te: (0, 0, 0)),
            pl.BlockSpec((E, H, H), lambda i, te: (0, 0, 0)),
            pl.BlockSpec((E, 1, H), lambda i, te: (0, 0, 0)),
        ],
        out_specs=pl.BlockSpec((T, H), lambda i, te: (i, 0)),
    )
    out_sorted = pl.pallas_call(
        _expert_kernel,
        grid_spec=grid_spec,
        out_shape=jax.ShapeDtypeStruct((RP, H), jnp.float32),
        compiler_params=pltpu.CompilerParams(
            dimension_semantics=("arbitrary",),
        ),
    )(tile_expert[:, 0], x_sorted, w1b, b1.reshape(E, 1, H), w2b,
      b2.reshape(E, 1, H))

    wn_arr = wpair.reshape(NW, nch, ch, 32)
    combined = _make_combine(B, H, RP, tpw, ch)(out_sorted, pos_arr, wn_arr)
    return (combined, weights)

# --- scband reference (transcript-rebuilt; emitter-appended) ---
"""Pipeline reference for scband-tiny-mo-elayer-29661044146275 (READ-ONLY COPY).

The authoritative reference and input builder live on the scoring server;
editing this copy changes nothing except your own understanding.
"""

import jax, jax.numpy as jnp
import numpy as np

B = 4096
H = 768
E = 8
K = 2


def setup_inputs(seed: int = 0) -> dict:
    key = jax.random.key(seed)
    ks = jax.random.split(key, 6)
    inputs = jax.random.normal(ks[0], (B, H), dtype=jnp.float32)
    Wr = jax.random.normal(ks[1], (H, E), dtype=jnp.float32) * 0.02
    br = jnp.zeros((E,), dtype=jnp.float32)
    W1 = jax.random.normal(ks[2], (E, H, H), dtype=jnp.float32) * 0.02
    b1 = jnp.zeros((E, H), dtype=jnp.float32)
    W2 = jax.random.normal(ks[3], (E, H, H), dtype=jnp.float32) * 0.02
    b2 = jnp.zeros((E, H), dtype=jnp.float32)
    return {"inputs": inputs, "Wr": Wr, "br": br, "W1": W1, "b1": b1, "W2": W2, "b2": b2}


def reference(inputs, Wr, br, W1, b1, W2, b2):
    # router
    logits = inputs @ Wr + br                      # [B, E]
    weights = jax.nn.softmax(logits, axis=-1)      # [B, E]
    # top-k mask (scatter of 1.0 into zeros, as in torch scatter_)
    top_values, top_indices = jax.lax.top_k(weights, K)
    rows = jnp.arange(weights.shape[0])[:, None]
    mask = jnp.zeros_like(weights).at[rows, top_indices].set(1.0)
    masked_weights = weights * mask
    masked_weights = masked_weights / (masked_weights.sum(axis=-1, keepdims=True) + 1e-09)
    # dense experts: every token through every expert (faithful to torch stack over ModuleList)
    hidden = jnp.einsum('bh,ehf->bef', inputs, W1) + b1[None, :, :]   # [B, E, H]
    hidden = jax.nn.gelu(hidden, approximate=False)                    # torch nn.GELU default = exact erf
    expert_outputs = jnp.einsum('bef,efg->beg', hidden, W2) + b2[None, :, :]  # [B, E, H]
    combined = jnp.einsum('be,beh->bh', masked_weights, expert_outputs)       # [B, H]
    return (combined, weights)

if __name__ == "__main__":
    import jax
    _d = setup_inputs()
    print(jax.jit(kernel)(*tuple(_d.values())))

</pallas_src>

<mosaic_0001>
#map = affine_map<(d0, d1) -> (0, 0)>
#map1 = affine_map<(d0, d1) -> (0, 0, 0, 0)>
module attributes {stable_mosaic.version = 14 : i64} {
  func.func @_combine(%arg0: i32, %arg1: i32, %arg2: memref<10240x768xf32, #tpu.memory_space<hbm>>, %arg3: memref<2x32x2x64xi32, #tpu.memory_space<hbm>>, %arg4: memref<32x2x64x32xf32, #tpu.memory_space<hbm>>, %arg5: memref<4096x768xf32, #tpu.memory_space<hbm>>, %arg6: memref<4x64xi32, #tpu.memory_space<vmem>>, %arg7: memref<2x64x32xf32, #tpu.memory_space<vmem>>, %arg8: memref<64x768xf32, #tpu.memory_space<vmem>>, %arg9: memref<64x768xf32, #tpu.memory_space<vmem>>, %arg10: memref<!tpu.dma_semaphore, #tpu.memory_space<semaphore_mem>>, %arg11: memref<!tpu.dma_semaphore, #tpu.memory_space<semaphore_mem>>) attributes {dimension_semantics = [#tpu.dimension_semantics<core_parallel>, #tpu.dimension_semantics<subcore_parallel>], iteration_bounds = array<i64: 2, 16>, scalar_prefetch = 0 : i64, scratch_operands = 6 : i64, tpu.core_type = #tpu.core_type<sc_vector_subcore>, window_params = [{transform_indices = #map}, {transform_indices = #map1}, {transform_indices = #map1}, {transform_indices = #map}]} {
    %mul3A = arith.constant 2 : i32
    %mul3A_0 = arith.muli %arg1, %mul3A : i32
    %add3A = arith.addi %mul3A_0, %arg0 : i32
    %mul3A_1 = arith.constant 128 : i32
    %mul3A_2 = arith.muli %add3A, %mul3A_1 : i32
    %run_scoped3A = arith.constant 0 : i32
    "tpu.region"() ({
      %run_scoped3A_75 = tpu.sem_alloc : memref<!tpu.dma_semaphore, #tpu.memory_space<semaphore_mem>>
      %dma_start3A_76 = arith.constant 0 : i32
      %dma_start3A_77 = arith.constant 0 : i32
      %dma_start3A_78 = tpu.memref_slice %arg6[%dma_start3A_76, %dma_start3A_77] : memref<4x64xi32, #tpu.memory_space<vmem>> -> memref<2x64xi32, #tpu.memory_space<vmem>>
      %dma_start3A_79 = arith.constant 0 : i32
      %dma_start3A_80 = arith.constant 0 : i32
      %dma_start3A_81 = tpu.memref_slice %arg3[%run_scoped3A, %add3A, %dma_start3A_79, %dma_start3A_80] : memref<2x32x2x64xi32, #tpu.memory_space<hbm>> -> memref<1x1x2x64xi32, #tpu.memory_space<hbm>>
      %dma_start3A_82 = tpu.memref_squeeze %dma_start3A_81 : memref<1x1x2x64xi32, #tpu.memory_space<hbm>> -> memref<2x64xi32, #tpu.memory_space<hbm>>
      %dma_start3A_83 = arith.constant 0 : i32
      %dma_start3A_84 = arith.constant 0 : i32
      %dma_start3A_85 = tpu.memref_slice %arg6[%dma_start3A_83, %dma_start3A_84] : memref<4x64xi32, #tpu.memory_space<vmem>> -> memref<2x64xi32, #tpu.memory_space<vmem>>
      %dma_start3A_86 = arith.constant 0 : i32
      %dma_start3A_87 = arith.constant 0 : i32
      %dma_start3A_88 = tpu.memref_slice %arg3[%run_scoped3A, %add3A, %dma_start3A_86, %dma_start3A_87] : memref<2x32x2x64xi32, #tpu.memory_space<hbm>> -> memref<1x1x2x64xi32, #tpu.memory_space<hbm>>
      %dma_start3A_89 = tpu.memref_squeeze %dma_start3A_88 : memref<1x1x2x64xi32, #tpu.memory_space<hbm>> -> memref<2x64xi32, #tpu.memory_space<hbm>>
      tpu.enqueue_dma source(%dma_start3A_89 : memref<2x64xi32, #tpu.memory_space<hbm>>) target(%dma_start3A_85 : memref<2x64xi32, #tpu.memory_space<vmem>>) target_semaphore(%run_scoped3A_75 : memref<!tpu.dma_semaphore, #tpu.memory_space<semaphore_mem>>)
      %dma_wait3A_90 = arith.constant 0 : i32
      %dma_wait3A_91 = arith.constant 0 : i32
      %dma_wait3A_92 = tpu.memref_slice %arg6[%dma_wait3A_90, %dma_wait3A_91] : memref<4x64xi32, #tpu.memory_space<vmem>> -> memref<2x64xi32, #tpu.memory_space<vmem>>
      %dma_wait3A_93 = arith.constant 0 : i32
      %dma_wait3A_94 = arith.constant 0 : i32
      %dma_wait3A_95 = tpu.memref_slice %arg3[%run_scoped3A, %add3A, %dma_wait3A_93, %dma_wait3A_94] : memref<2x32x2x64xi32, #tpu.memory_space<hbm>> -> memref<1x1x2x64xi32, #tpu.memory_space<hbm>>
      %dma_wait3A_96 = tpu.memref_squeeze %dma_wait3A_95 : memref<1x1x2x64xi32, #tpu.memory_space<hbm>> -> memref<2x64xi32, #tpu.memory_space<hbm>>
      %dma_wait3A_97 = arith.constant 0 : i32
      %dma_wait3A_98 = arith.constant 0 : i32
      %dma_wait3A_99 = tpu.memref_slice %arg6[%dma_wait3A_97, %dma_wait3A_98] : memref<4x64xi32, #tpu.memory_space<vmem>> -> memref<2x64xi32, #tpu.memory_space<vmem>>
      %dma_wait3A_100 = arith.constant 0 : i32
      %dma_wait3A_101 = arith.constant 0 : i32
      %dma_wait3A_102 = tpu.memref_slice %arg3[%run_scoped3A, %add3A, %dma_wait3A_100, %dma_wait3A_101] : memref<2x32x2x64xi32, #tpu.memory_space<hbm>> -> memref<1x1x2x64xi32, #tpu.memory_space<hbm>>
      %dma_wait3A_103 = tpu.memref_squeeze %dma_wait3A_102 : memref<1x1x2x64xi32, #tpu.memory_space<hbm>> -> memref<2x64xi32, #tpu.memory_space<hbm>>
      tpu.wait_dma2 semaphore(%run_scoped3A_75 : memref<!tpu.dma_semaphore, #tpu.memory_space<semaphore_mem>>) src(%dma_wait3A_103 : memref<2x64xi32, #tpu.memory_space<hbm>>) dst(%dma_wait3A_99 : memref<2x64xi32, #tpu.memory_space<vmem>>)
      tpu.yield
    }) : () -> ()
    %run_scoped3A_3 = arith.constant 1 : i32
    "tpu.region"() ({
      %run_scoped3A_75 = tpu.sem_alloc : memref<!tpu.dma_semaphore, #tpu.memory_space<semaphore_mem>>
      %dma_start3A_76 = arith.constant 2 : i32
      %dma_start3A_77 = arith.constant 0 : i32
      %dma_start3A_78 = tpu.memref_slice %arg6[%dma_start3A_76, %dma_start3A_77] : memref<4x64xi32, #tpu.memory_space<vmem>> -> memref<2x64xi32, #tpu.memory_space<vmem>>
      %dma_start3A_79 = arith.constant 0 : i32
      %dma_start3A_80 = arith.constant 0 : i32
      %dma_start3A_81 = tpu.memref_slice %arg3[%run_scoped3A_3, %add3A, %dma_start3A_79, %dma_start3A_80] : memref<2x32x2x64xi32, #tpu.memory_space<hbm>> -> memref<1x1x2x64xi32, #tpu.memory_space<hbm>>
      %dma_start3A_82 = tpu.memref_squeeze %dma_start3A_81 : memref<1x1x2x64xi32, #tpu.memory_space<hbm>> -> memref<2x64xi32, #tpu.memory_space<hbm>>
      %dma_start3A_83 = arith.constant 2 : i32
      %dma_start3A_84 = arith.constant 0 : i32
      %dma_start3A_85 = tpu.memref_slice %arg6[%dma_start3A_83, %dma_start3A_84] : memref<4x64xi32, #tpu.memory_space<vmem>> -> memref<2x64xi32, #tpu.memory_space<vmem>>
      %dma_start3A_86 = arith.constant 0 : i32
      %dma_start3A_87 = arith.constant 0 : i32
      %dma_start3A_88 = tpu.memref_slice %arg3[%run_scoped3A_3, %add3A, %dma_start3A_86, %dma_start3A_87] : memref<2x32x2x64xi32, #tpu.memory_space<hbm>> -> memref<1x1x2x64xi32, #tpu.memory_space<hbm>>
      %dma_start3A_89 = tpu.memref_squeeze %dma_start3A_88 : memref<1x1x2x64xi32, #tpu.memory_space<hbm>> -> memref<2x64xi32, #tpu.memory_space<hbm>>
      tpu.enqueue_dma source(%dma_start3A_89 : memref<2x64xi32, #tpu.memory_space<hbm>>) target(%dma_start3A_85 : memref<2x64xi32, #tpu.memory_space<vmem>>) target_semaphore(%run_scoped3A_75 : memref<!tpu.dma_semaphore, #tpu.memory_space<semaphore_mem>>)
      %dma_wait3A_90 = arith.constant 2 : i32
      %dma_wait3A_91 = arith.constant 0 : i32
      %dma_wait3A_92 = tpu.memref_slice %arg6[%dma_wait3A_90, %dma_wait3A_91] : memref<4x64xi32, #tpu.memory_space<vmem>> -> memref<2x64xi32, #tpu.memory_space<vmem>>
      %dma_wait3A_93 = arith.constant 0 : i32
      %dma_wait3A_94 = arith.constant 0 : i32
      %dma_wait3A_95 = tpu.memref_slice %arg3[%run_scoped3A_3, %add3A, %dma_wait3A_93, %dma_wait3A_94] : memref<2x32x2x64xi32, #tpu.memory_space<hbm>> -> memref<1x1x2x64xi32, #tpu.memory_space<hbm>>
      %dma_wait3A_96 = tpu.memref_squeeze %dma_wait3A_95 : memref<1x1x2x64xi32, #tpu.memory_space<hbm>> -> memref<2x64xi32, #tpu.memory_space<hbm>>
      %dma_wait3A_97 = arith.constant 2 : i32
      %dma_wait3A_98 = arith.constant 0 : i32
      %dma_wait3A_99 = tpu.memref_slice %arg6[%dma_wait3A_97, %dma_wait3A_98] : memref<4x64xi32, #tpu.memory_space<vmem>> -> memref<2x64xi32, #tpu.memory_space<vmem>>
      %dma_wait3A_100 = arith.constant 0 : i32
      %dma_wait3A_101 = arith.constant 0 : i32
      %dma_wait3A_102 = tpu.memref_slice %arg3[%run_scoped3A_3, %add3A, %dma_wait3A_100, %dma_wait3A_101] : memref<2x32x2x64xi32, #tpu.memory_space<hbm>> -> memref<1x1x2x64xi32, #tpu.memory_space<hbm>>
      %dma_wait3A_103 = tpu.memref_squeeze %dma_wait3A_102 : memref<1x1x2x64xi32, #tpu.memory_space<hbm>> -> memref<2x64xi32, #tpu.memory_space<hbm>>
      tpu.wait_dma2 semaphore(%run_scoped3A_75 : memref<!tpu.dma_semaphore, #tpu.memory_space<semaphore_mem>>) src(%dma_wait3A_103 : memref<2x64xi32, #tpu.memory_space<hbm>>) dst(%dma_wait3A_99 : memref<2x64xi32, #tpu.memory_space<vmem>>)
      tpu.yield
    }) : () -> ()
    "tpu.region"() ({
      %run_scoped3A_75 = tpu.sem_alloc : memref<!tpu.dma_semaphore, #tpu.memory_space<semaphore_mem>>
      %dma_start3A_76 = arith.constant 0 : i32
      %dma_start3A_77 = arith.constant 0 : i32
      %dma_start3A_78 = arith.constant 0 : i32
      %dma_start3A_79 = tpu.memref_slice %arg4[%add3A, %dma_start3A_76, %dma_start3A_77, %dma_start3A_78] : memref<32x2x64x32xf32, #tpu.memory_space<hbm>> -> memref<1x2x64x32xf32, #tpu.memory_space<hbm>>
      %dma_start3A_80 = tpu.memref_squeeze %dma_start3A_79 : memref<1x2x64x32xf32, #tpu.memory_space<hbm>> -> memref<2x64x32xf32, #tpu.memory_space<hbm>>
      %dma_start3A_81 = arith.constant 0 : i32
      %dma_start3A_82 = arith.constant 0 : i32
      %dma_start3A_83 = arith.constant 0 : i32
      %dma_start3A_84 = tpu.memref_slice %arg4[%add3A, %dma_start3A_81, %dma_start3A_82, %dma_start3A_83] : memref<32x2x64x32xf32, #tpu.memory_space<hbm>> -> memref<1x2x64x32xf32, #tpu.memory_space<hbm>>
      %dma_start3A_85 = tpu.memref_squeeze %dma_start3A_84 : memref<1x2x64x32xf32, #tpu.memory_space<hbm>> -> memref<2x64x32xf32, #tpu.memory_space<hbm>>
      tpu.enqueue_dma source(%dma_start3A_85 : memref<2x64x32xf32, #tpu.memory_space<hbm>>) target(%arg7 : memref<2x64x32xf32, #tpu.memory_space<vmem>>) target_semaphore(%run_scoped3A_75 : memref<!tpu.dma_semaphore, #tpu.memory_space<semaphore_mem>>)
      %dma_wait3A_86 = arith.constant 0 : i32
      %dma_wait3A_87 = arith.constant 0 : i32
      %dma_wait3A_88 = arith.constant 0 : i32
      %dma_wait3A_89 = tpu.memref_slice %arg4[%add3A, %dma_wait3A_86, %dma_wait3A_87, %dma_wait3A_88] : memref<32x2x64x32xf32, #tpu.memory_space<hbm>> -> memref<1x2x64x32xf32, #tpu.memory_space<hbm>>
      %dma_wait3A_90 = tpu.memref_squeeze %dma_wait3A_89 : memref<1x2x64x32xf32, #tpu.memory_space<hbm>> -> memref<2x64x32xf32, #tpu.memory_space<hbm>>
      %dma_wait3A_91 = arith.constant 0 : i32
      %dma_wait3A_92 = arith.constant 0 : i32
      %dma_wait3A_93 = arith.constant 0 : i32
      %dma_wait3A_94 = tpu.memref_slice %arg4[%add3A, %dma_wait3A_91, %dma_wait3A_92, %dma_wait3A_93] : memref<32x2x64x32xf32, #tpu.memory_space<hbm>> -> memref<1x2x64x32xf32, #tpu.memory_space<hbm>>
      %dma_wait3A_95 = tpu.memref_squeeze %dma_wait3A_94 : memref<1x2x64x32xf32, #tpu.memory_space<hbm>> -> memref<2x64x32xf32, #tpu.memory_space<hbm>>
      tpu.wait_dma2 semaphore(%run_scoped3A_75 : memref<!tpu.dma_semaphore, #tpu.memory_space<semaphore_mem>>) src(%dma_wait3A_95 : memref<2x64x32xf32, #tpu.memory_space<hbm>>) dst(%arg7 : memref<2x64x32xf32, #tpu.memory_space<vmem>>)
      tpu.yield
    }) : () -> ()
    %dma_start3A = arith.constant 0 : i32
    %dma_start3A_4 = arith.constant 0 : i32
    %dma_start3A_5 = tpu.memref_slice %arg6[%dma_start3A, %dma_start3A_4] : memref<4x64xi32, #tpu.memory_space<vmem>> -> memref<1x64xi32, #tpu.memory_space<vmem>>
    %dma_start3A_6 = tpu.memref_squeeze %dma_start3A_5 : memref<1x64xi32, #tpu.memory_space<vmem>> -> memref<64xi32, #tpu.memory_space<vmem>>
    %dma_start3A_7 = arith.constant 0 : i32
    %dma_start3A_8 = arith.constant 0 : i32
    %dma_start3A_9 = tpu.memref_slice %arg2[%dma_start3A_7, %dma_start3A_8] : memref<10240x768xf32, #tpu.memory_space<hbm>> -> memref<10240x768xf32, #tpu.memory_space<hbm>>
    tpu.enqueue_indirect_dma source(%dma_start3A_9 : memref<10240x768xf32, #tpu.memory_space<hbm>>) target(%arg8 : memref<64x768xf32, #tpu.memory_space<vmem>>) offsets(%dma_start3A_6 : memref<64xi32, #tpu.memory_space<vmem>>) semaphore(%arg10 : memref<!tpu.dma_semaphore, #tpu.memory_space<semaphore_mem>>)
    %dma_start3A_10 = arith.constant 2 : i32
    %dma_start3A_11 = arith.constant 0 : i32
    %dma_start3A_12 = tpu.memref_slice %arg6[%dma_start3A_10, %dma_start3A_11] : memref<4x64xi32, #tpu.memory_space<vmem>> -> memref<1x64xi32, #tpu.memory_space<vmem>>
    %dma_start3A_13 = tpu.memref_squeeze %dma_start3A_12 : memref<1x64xi32, #tpu.memory_space<vmem>> -> memref<64xi32, #tpu.memory_space<vmem>>
    %dma_start3A_14 = arith.constant 0 : i32
    %dma_start3A_15 = arith.constant 0 : i32
    %dma_start3A_16 = tpu.memref_slice %arg2[%dma_start3A_14, %dma_start3A_15] : memref<10240x768xf32, #tpu.memory_space<hbm>> -> memref<10240x768xf32, #tpu.memory_space<hbm>>
    tpu.enqueue_indirect_dma source(%dma_start3A_16 : memref<10240x768xf32, #tpu.memory_space<hbm>>) target(%arg9 : memref<64x768xf32, #tpu.memory_space<vmem>>) offsets(%dma_start3A_13 : memref<64xi32, #tpu.memory_space<vmem>>) semaphore(%arg11 : memref<!tpu.dma_semaphore, #tpu.memory_space<semaphore_mem>>)
    %dma_wait3A = arith.constant 0 : i32
    %dma_wait3A_17 = arith.constant 0 : i32
    %dma_wait3A_18 = tpu.memref_slice %arg6[%dma_wait3A, %dma_wait3A_17] : memref<4x64xi32, #tpu.memory_space<vmem>> -> memref<1x64xi32, #tpu.memory_space<vmem>>
    %dma_wait3A_19 = tpu.memref_squeeze %dma_wait3A_18 : memref<1x64xi32, #tpu.memory_space<vmem>> -> memref<64xi32, #tpu.memory_space<vmem>>
    %dma_wait3A_20 = arith.constant 0 : i32
    %dma_wait3A_21 = arith.constant 0 : i32
    %dma_wait3A_22 = tpu.memref_slice %arg2[%dma_wait3A_20, %dma_wait3A_21] : memref<10240x768xf32, #tpu.memory_space<hbm>> -> memref<10240x768xf32, #tpu.memory_space<hbm>>
    tpu.wait_indirect_dma semaphore(%arg10 : memref<!tpu.dma_semaphore, #tpu.memory_space<semaphore_mem>>) src(%dma_wait3A_22 : memref<10240x768xf32, #tpu.memory_space<hbm>>) dst(%arg8 : memref<64x768xf32, #tpu.memory_space<vmem>>)
    %dma_wait3A_23 = arith.constant 2 : i32
    %dma_wait3A_24 = arith.constant 0 : i32
    %dma_wait3A_25 = tpu.memref_slice %arg6[%dma_wait3A_23, %dma_wait3A_24] : memref<4x64xi32, #tpu.memory_space<vmem>> -> memref<1x64xi32, #tpu.memory_space<vmem>>
    %dma_wait3A_26 = tpu.memref_squeeze %dma_wait3A_25 : memref<1x64xi32, #tpu.memory_space<vmem>> -> memref<64xi32, #tpu.memory_space<vmem>>
    %dma_wait3A_27 = arith.constant 0 : i32
    %dma_wait3A_28 = arith.constant 0 : i32
    %dma_wait3A_29 = tpu.memref_slice %arg2[%dma_wait3A_27, %dma_wait3A_28] : memref<10240x768xf32, #tpu.memory_space<hbm>> -> memref<10240x768xf32, #tpu.memory_space<hbm>>
    tpu.wait_indirect_dma semaphore(%arg11 : memref<!tpu.dma_semaphore, #tpu.memory_space<semaphore_mem>>) src(%dma_wait3A_29 : memref<10240x768xf32, #tpu.memory_space<hbm>>) dst(%arg9 : memref<64x768xf32, #tpu.memory_space<vmem>>)
    %scan3A = arith.constant 0 : i32
    %scan3A_30 = arith.constant 0 : i32
    %scan3A_31 = arith.constant 64 : i32
    %scan3A_32 = arith.addi %scan3A_30, %scan3A_31 : i32
    %scan3A_33 = arith.constant 1 : i32
    %scan3A_34 = scf.for %scan3A_75 = %scan3A_30 to %scan3A_32 step %scan3A_33 iter_args(%scan3A_76 = %scan3A) -> (i32)  : i32 {
      %get3A = arith.constant 0 : i32
      %get3A_77 = arith.index_cast %get3A : i32 to index
      %get3A_78 = arith.index_cast %scan3A_75 : i32 to index
      %get3A_79 = arith.constant 0 : index
      %get3A_80 = tpu.vector_load %arg7[%get3A_77, %get3A_78, %get3A_79] {strides = array<i32>} : memref<2x64x32xf32, #tpu.memory_space<vmem>>, vector<1x1x16xf32>,
      %get3A_81 = vector.shape_cast %get3A_80 : vector<1x1x16xf32> to vector<16xf32>
      %get3A_82 = arith.constant 0 : i32
      %get3A_83 = arith.index_cast %get3A_82 : i32 to index
      %get3A_84 = arith.index_cast %scan3A_75 : i32 to index
      %get3A_85 = arith.constant 16 : index
      %get3A_86 = tpu.vector_load %arg7[%get3A_83, %get3A_84, %get3A_85] {strides = array<i32>} : memref<2x64x32xf32, #tpu.memory_space<vmem>>, vector<1x1x16xf32>,
      %get3A_87 = vector.shape_cast %get3A_86 : vector<1x1x16xf32> to vector<16xf32>
      %get3A_88 = arith.index_cast %scan3A_75 : i32 to index
      %get3A_89 = arith.constant 0 : index
      %get3A_90 = tpu.vector_load %arg8[%get3A_88, %get3A_89] {strides = array<i32>} : memref<64x768xf32, #tpu.memory_space<vmem>>, vector<1x16xf32>,
      %get3A_91 = vector.shape_cast %get3A_90 : vector<1x16xf32> to vector<16xf32>
      %get3A_92 = arith.index_cast %scan3A_75 : i32 to index
      %get3A_93 = arith.constant 0 : index
      %get3A_94 = tpu.vector_load %arg9[%get3A_92, %get3A_93] {strides = array<i32>} : memref<64x768xf32, #tpu.memory_space<vmem>>, vector<1x16xf32>,
      %get3A_95 = vector.shape_cast %get3A_94 : vector<1x16xf32> to vector<16xf32>
      %mul3A_96 = arith.mulf %get3A_81, %get3A_91 : vector<16xf32>
      %mul3A_97 = arith.mulf %get3A_87, %get3A_95 : vector<16xf32>
      %add3A_98 = arith.addf %mul3A_96, %mul3A_97 : vector<16xf32>
      %swap3A = arith.index_cast %scan3A_75 : i32 to index
      %swap3A_99 = arith.constant 0 : index
      %swap3A_100 = tpu.vector_load %arg8[%swap3A, %swap3A_99] {strides = array<i32>} : memref<64x768xf32, #tpu.memory_space<vmem>>, vector<1x16xf32>,
      %swap3A_101 = vector.shape_cast %swap3A_100 : vector<1x16xf32> to vector<16xf32>
      %swap3A_102 = vector.shape_cast %add3A_98 : vector<16xf32> to vector<1x16xf32>
      tpu.vector_store %arg8[%swap3A, %swap3A_99], %swap3A_102 {strides = array<i32>} : memref<64x768xf32, #tpu.memory_space<vmem>>, vector<1x16xf32>,
      %get3A_103 = arith.index_cast %scan3A_75 : i32 to index
      %get3A_104 = arith.constant 16 : index
      %get3A_105 = tpu.vector_load %arg8[%get3A_103, %get3A_104] {strides = array<i32>} : memref<64x768xf32, #tpu.memory_space<vmem>>, vector<1x16xf32>,
      %get3A_106 = vector.shape_cast %get3A_105 : vector<1x16xf32> to vector<16xf32>
      %get3A_107 = arith.index_cast %scan3A_75 : i32 to index
      %get3A_108 = arith.constant 16 : index
      %get3A_109 = tpu.vector_load %arg9[%get3A_107, %get3A_108] {strides = array<i32>} : memref<64x768xf32, #tpu.memory_space<vmem>>, vector<1x16xf32>,
      %get3A_110 = vector.shape_cast %get3A_109 : vector<1x16xf32> to vector<16xf32>
      %mul3A_111 = arith.mulf %get3A_81, %get3A_106 : vector<16xf32>
      %mul3A_112 = arith.mulf %get3A_87, %get3A_110 : vector<16xf32>
      %add3A_113 = arith.addf %mul3A_111, %mul3A_112 : vector<16xf32>
      %swap3A_114 = arith.index_cast %scan3A_75 : i32 to index
      %swap3A_115 = arith.constant 16 : index
      %swap3A_116 = tpu.vector_load %arg8[%swap3A_114, %swap3A_115] {strides = array<i32>} : memref<64x768xf32, #tpu.memory_space<vmem>>, vector<1x16xf32>,
      %swap3A_117 = vector.shape_cast %swap3A_116 : vector<1x16xf32> to vector<16xf32>
      %swap3A_118 = vector.shape_cast %add3A_113 : vector<16xf32> to vector<1x16xf32>
      tpu.vector_store %arg8[%swap3A_114, %swap3A_115], %swap3A_118 {strides = array<i32>} : memref<64x768xf32, #tpu.memory_space<vmem>>, vector<1x16xf32>,
      %get3A_119 = arith.index_cast %scan3A_75 : i32 to index
      %get3A_120 = arith.constant 32 : index
      %get3A_121 = tpu.vector_load %arg8[%get3A_119, %get3A_120] {strides = array<i32>} : memref<64x768xf32, #tpu.memory_space<vmem>>, vector<1x16xf32>,
      %get3A_122 = vector.shape_cast %get3A_121 : vector<1x16xf32> to vector<16xf32>
      %get3A_123 = arith.index_cast %scan3A_75 : i32 to index
      %get3A_124 = arith.constant 32 : index
      %get3A_125 = tpu.vector_load %arg9[%get3A_123, %get3A_124] {strides = array<i32>} : memref<64x768xf32, #tpu.memory_space<vmem>>, vector<1x16xf32>,
      %get3A_126 = vector.shape_cast %get3A_125 : vector<1x16xf32> to vector<16xf32>
      %mul3A_127 = arith.mulf %get3A_81, %get3A_122 : vector<16xf32>
      %mul3A_128 = arith.mulf %get3A_87, %get3A_126 : vector<16xf32>
      %add3A_129 = arith.addf %mul3A_127, %mul3A_128 : vector<16xf32>
      %swap3A_130 = arith.index_cast %scan3A_75 : i32 to index
      %swap3A_131 = arith.constant 32 : index
      %swap3A_132 = tpu.vector_load %arg8[%swap3A_130, %swap3A_131] {strides = array<i32>} : memref<64x768xf32, #tpu.memory_space<vmem>>, vector<1x16xf32>,
      %swap3A_133 = vector.shape_cast %swap3A_132 : vector<1x16xf32> to vector<16xf32>
      %swap3A_134 = vector.shape_cast %add3A_129 : vector<16xf32> to vector<1x16xf32>
      tpu.vector_store %arg8[%swap3A_130, %swap3A_131], %swap3A_134 {strides = array<i32>} : memref<64x768xf32, #tpu.memory_space<vmem>>, vector<1x16xf32>,
      %get3A_135 = arith.index_cast %scan3A_75 : i32 to index
      %get3A_136 = arith.constant 48 : index
      %get3A_137 = tpu.vector_load %arg8[%get3A_135, %get3A_136] {strides = array<i32>} : memref<64x768xf32, #tpu.memory_space<vmem>>, vector<1x16xf32>,
      %get3A_138 = vector.shape_cast %get3A_137 : vector<1x16xf32> to vector<16xf32>
      %get3A_139 = arith.index_cast %scan3A_75 : i32 to index
      %get3A_140 = arith.constant 48 : index
      %get3A_141 = tpu.vector_load %arg9[%get3A_139, %get3A_140] {strides = array<i32>} : memref<64x768xf32, #tpu.memory_space<vmem>>, vector<1x16xf32>,
      %get3A_142 = vector.shape_cast %get3A_141 : vector<1x16xf32> to vector<16xf32>
      %mul3A_143 = arith.mulf %get3A_81, %get3A_138 : vector<16xf32>
      %mul3A_144 = arith.mulf %get3A_87, %get3A_142 : vector<16xf32>
      %add3A_145 = arith.addf %mul3A_143, %mul3A_144 : vector<16xf32>
      %swap3A_146 = arith.index_cast %scan3A_75 : i32 to index
      %swap3A_147 = arith.constant 48 : index
      %swap3A_148 = tpu.vector_load %arg8[%swap3A_146, %swap3A_147] {strides = array<i32>} : memref<64x768xf32, #tpu.memory_space<vmem>>, vector<1x16xf32>,
      %swap3A_149 = vector.shape_cast %swap3A_148 : vector<1x16xf32> to vector<16xf32>
      %swap3A_150 = vector.shape_cast %add3A_145 : vector<16xf32> to vector<1x16xf32>
      tpu.vector_store %arg8[%swap3A_146, %swap3A_147], %swap3A_150 {strides = array<i32>} : memref<64x768xf32, #tpu.memory_space<vmem>>, vector<1x16xf32>,
      %get3A_151 = arith.index_cast %scan3A_75 : i32 to index
      %get3A_152 = arith.constant 64 : index
      %get3A_153 = tpu.vector_load %arg8[%get3A_151, %get3A_152] {strides = array<i32>} : memref<64x768xf32, #tpu.memory_space<vmem>>, vector<1x16xf32>,
      %get3A_154 = vector.shape_cast %get3A_153 : vector<1x16xf32> to vector<16xf32>
      %get3A_155 = arith.index_cast %scan3A_75 : i32 to index
      %get3A_156 = arith.constant 64 : index
      %get3A_157 = tpu.vector_load %arg9[%get3A_155, %get3A_156] {strides = array<i32>} : memref<64x768xf32, #tpu.memory_space<vmem>>, vector<1x16xf32>,
      %get3A_158 = vector.shape_cast %get3A_157 : vector<1x16xf32> to vector<16xf32>
      %mul3A_159 = arith.mulf %get3A_81, %get3A_154 : vector<16xf32>
      %mul3A_160 = arith.mulf %get3A_87, %get3A_158 : vector<16xf32>
      %add3A_161 = arith.addf %mul3A_159, %mul3A_160 : vector<16xf32>
      %swap3A_162 = arith.index_cast %scan3A_75 : i32 to index
      %swap3A_163 = arith.constant 64 : index
      %swap3A_164 = tpu.vector_load %arg8[%swap3A_162, %swap3A_163] {strides = array<i32>} : memref<64x768xf32, #tpu.memory_space<vmem>>, vector<1x16xf32>,
      %swap3A_165 = vector.shape_cast %swap3A_164 : vector<1x16xf32> to vector<16xf32>
      %swap3A_166 = vector.shape_cast %add3A_161 : vector<16xf32> to vector<1x16xf32>
      tpu.vector_store %arg8[%swap3A_162, %swap3A_163], %swap3A_166 {strides = array<i32>} : memref<64x768xf32, #tpu.memory_space<vmem>>, vector<1x16xf32>,
      %get3A_167 = arith.index_cast %scan3A_75 : i32 to index
      %get3A_168 = arith.constant 80 : index
      %get3A_169 = tpu.vector_load %arg8[%get3A_167, %get3A_168] {strides = array<i32>} : memref<64x768xf32, #tpu.memory_space<vmem>>, vector<1x16xf32>,
      %get3A_170 = vector.shape_cast %get3A_169 : vector<1x16xf32> to vector<16xf32>
      %get3A_171 = arith.index_cast %scan3A_75 : i32 to index
      %get3A_172 = arith.constant 80 : index
      %get3A_173 = tpu.vector_load %arg9[%get3A_171, %get3A_172] {strides = array<i32>} : memref<64x768xf32, #tpu.memory_space<vmem>>, vector<1x16xf32>,
      %get3A_174 = vector.shape_cast %get3A_173 : vector<1x16xf32> to vector<16xf32>
      %mul3A_175 = arith.mulf %get3A_81, %get3A_170 : vector<16xf32>
      %mul3A_176 = arith.mulf %get3A_87, %get3A_174 : vector<16xf32>
      %add3A_177 = arith.addf %mul3A_175, %mul3A_176 : vector<16xf32>
      %swap3A_178 = arith.index_cast %scan3A_75 : i32 to index
      %swap3A_179 = arith.constant 80 : index
      %swap3A_180 = tpu.vector_load %arg8[%swap3A_178, %swap3A_179] {strides = array<i32>} : memref<64x768xf32, #tpu.memory_space<vmem>>, vector<1x16xf32>,
      %swap3A_181 = vector.shape_cast %swap3A_180 : vector<1x16xf32> to vector<16xf32>
      %swap3A_182 = vector.shape_cast %add3A_177 : vector<16xf32> to vector<1x16xf32>
      tpu.vector_store %arg8[%swap3A_178, %swap3A_179], %swap3A_182 {strides = array<i32>} : memref<64x768xf32, #tpu.memory_space<vmem>>, vector<1x16xf32>,
      %get3A_183 = arith.index_cast %scan3A_75 : i32 to index
      %get3A_184 = arith.constant 96 : index
      %get3A_185 = tpu.vector_load %arg8[%get3A_183, %get3A_184] {strides = array<i32>} : memref<64x768xf32, #tpu.memory_space<vmem>>, vector<1x16xf32>,
      %get3A_186 = vector.shape_cast %get3A_185 : vector<1x16xf32> to vector<16xf32>
      %get3A_187 = arith.index_cast %scan3A_75 : i32 to index
      %get3A_188 = arith.constant 96 : index
      %get3A_189 = tpu.vector_load %arg9[%get3A_187, %get3A_188] {strides = array<i32>} : memref<64x768xf32, #tpu.memory_space<vmem>>, vector<1x16xf32>,
      %get3A_190 = vector.shape_cast %get3A_189 : vector<1x16xf32> to vector<16xf32>
      %mul3A_191 = arith.mulf %get3A_81, %get3A_186 : vector<16xf32>
      %mul3A_192 = arith.mulf %get3A_87, %get3A_190 : vector<16xf32>
      %add3A_193 = arith.addf %mul3A_191, %mul3A_192 : vector<16xf32>
      %swap3A_194 = arith.index_cast %scan3A_75 : i32 to index
      %swap3A_195 = arith.constant 96 : index
      %swap3A_196 = tpu.vector_load %arg8[%swap3A_194, %swap3A_195] {strides = array<i32>} : memref<64x768xf32, #tpu.memory_space<vmem>>, vector<1x16xf32>,
      %swap3A_197 = vector.shape_cast %swap3A_196 : vector<1x16xf32> to vector<16xf32>
      %swap3A_198 = vector.shape_cast %add3A_193 : vector<16xf32> to vector<1x16xf32>
      tpu.vector_store %arg8[%swap3A_194, %swap3A_195], %swap3A_198 {strides = array<i32>} : memref<64x768xf32, #tpu.memory_space<vmem>>, vector<1x16xf32>,
      %get3A_199 = arith.index_cast %scan3A_75 : i32 to index
      %get3A_200 = arith.constant 112 : index
      %get3A_201 = tpu.vector_load %arg8[%get3A_199, %get3A_200] {strides = array<i32>} : memref<64x768xf32, #tpu.memory_space<vmem>>, vector<1x16xf32>,
      %get3A_202 = vector.shape_cast %get3A_201 : vector<1x16xf32> to vector<16xf32>
      %get3A_203 = arith.index_cast %scan3A_75 : i32 to index
      %get3A_204 = arith.constant 112 : index
      %get3A_205 = tpu.vector_load %arg9[%get3A_203, %get3A_204] {strides = array<i32>} : memref<64x768xf32, #tpu.memory_space<vmem>>, vector<1x16xf32>,
      %get3A_206 = vector.shape_cast %get3A_205 : vector<1x16xf32> to vector<16xf32>
      %mul3A_207 = arith.mulf %get3A_81, %get3A_202 : vector<16xf32>
      %mul3A_208 = arith.mulf %get3A_87, %get3A_206 : vector<16xf32>
      %add3A_209 = arith.addf %mul3A_207, %mul3A_208 : vector<16xf32>
      %swap3A_210 = arith.index_cast %scan3A_75 : i32 to index
      %swap3A_211 = arith.constant 112 : index
      %swap3A_212 = tpu.vector_load %arg8[%swap3A_210, %swap3A_211] {strides = array<i32>} : memref<64x768xf32, #tpu.memory_space<vmem>>, vector<1x16xf32>,
      %swap3A_213 = vector.shape_cast %swap3A_212 : vector<1x16xf32> to vector<16xf32>
      %swap3A_214 = vector.shape_cast %add3A_209 : vector<16xf32> to vector<1x16xf32>
      tpu.vector_store %arg8[%swap3A_210, %swap3A_211], %swap3A_214 {strides = array<i32>} : memref<64x768xf32, #tpu.memory_space<vmem>>, vector<1x16xf32>,
      %get3A_215 = arith.index_cast %scan3A_75 : i32 to index
      %get3A_216 = arith.constant 128 : index
      %get3A_217 = tpu.vector_load %arg8[%get3A_215, %get3A_216] {strides = array<i32>} : memref<64x768xf32, #tpu.memory_space<vmem>>, vector<1x16xf32>,
      %get3A_218 = vector.shape_cast %get3A_217 : vector<1x16xf32> to vector<16xf32>
      %get3A_219 = arith.index_cast %scan3A_75 : i32 to index
      %get3A_220 = arith.constant 128 : index
      %get3A_221 = tpu.vector_load %arg9[%get3A_219, %get3A_220] {strides = array<i32>} : memref<64x768xf32, #tpu.memory_space<vmem>>, vector<1x16xf32>,
      %get3A_222 = vector.shape_cast %get3A_221 : vector<1x16xf32> to vector<16xf32>
      %mul3A_223 = arith.mulf %get3A_81, %get3A_218 : vector<16xf32>
      %mul3A_224 = arith.mulf %get3A_87, %get3A_222 : vector<16xf32>
      %add3A_225 = arith.addf %mul3A_223, %mul3A_224 : vector<16xf32>
      %swap3A_226 = arith.index_cast %scan3A_75 : i32 to index
      %swap3A_227 = arith.constant 128 : index
      %swap3A_228 = tpu.vector_load %arg8[%swap3A_226, %swap3A_227] {strides = array<i32>} : memref<64x768xf32, #tpu.memory_space<vmem>>, vector<1x16xf32>,
      %swap3A_229 = vector.shape_cast %swap3A_228 : vector<1x16xf32> to vector<16xf32>
      %swap3A_230 = vector.shape_cast %add3A_225 : vector<16xf32> to vector<1x16xf32>
      tpu.vector_store %arg8[%swap3A_226, %swap3A_227], %swap3A_230 {strides = array<i32>} : memref<64x768xf32, #tpu.memory_space<vmem>>, vector<1x16xf32>,
      %get3A_231 = arith.index_cast %scan3A_75 : i32 to index
      %get3A_232 = arith.constant 144 : index
      %get3A_233 = tpu.vector_load %arg8[%get3A_231, %get3A_232] {strides = array<i32>} : memref<64x768xf32, #tpu.memory_space<vmem>>, vector<1x16xf32>,
      %get3A_234 = vector.shape_cast %get3A_233 : vector<1x16xf32> to vector<16xf32>
      %get3A_235 = arith.index_cast %scan3A_75 : i32 to index
      %get3A_236 = arith.constant 144 : index
      %get3A_237 = tpu.vector_load %arg9[%get3A_235, %get3A_236] {strides = array<i32>} : memref<64x768xf32, #tpu.memory_space<vmem>>, vector<1x16xf32>,
      %get3A_238 = vector.shape_cast %get3A_237 : vector<1x16xf32> to vector<16xf32>
      %mul3A_239 = arith.mulf %get3A_81, %get3A_234 : vector<16xf32>
      %mul3A_240 = arith.mulf %get3A_87, %get3A_238 : vector<16xf32>
      %add3A_241 = arith.addf %mul3A_239, %mul3A_240 : vector<16xf32>
      %swap3A_242 = arith.index_cast %scan3A_75 : i32 to index
      %swap3A_243 = arith.constant 144 : index
      %swap3A_244 = tpu.vector_load %arg8[%swap3A_242, %swap3A_243] {strides = array<i32>} : memref<64x768xf32, #tpu.memory_space<vmem>>, vector<1x16xf32>,
      %swap3A_245 = vector.shape_cast %swap3A_244 : vector<1x16xf32> to vector<16xf32>
      %swap3A_246 = vector.shape_cast %add3A_241 : vector<16xf32> to vector<1x16xf32>
      tpu.vector_store %arg8[%swap3A_242, %swap3A_243], %swap3A_246 {strides = array<i32>} : memref<64x768xf32, #tpu.memory_space<vmem>>, vector<1x16xf32>,
      %get3A_247 = arith.index_cast %scan3A_75 : i32 to index
      %get3A_248 = arith.constant 160 : index
      %get3A_249 = tpu.vector_load %arg8[%get3A_247, %get3A_248] {strides = array<i32>} : memref<64x768xf32, #tpu.memory_space<vmem>>, vector<1x16xf32>,
      %get3A_250 = vector.shape_cast %get3A_249 : vector<1x16xf32> to vector<16xf32>
      %get3A_251 = arith.index_cast %scan3A_75 : i32 to index
      %get3A_252 = arith.constant 160 : index
      %get3A_253 = tpu.vector_load %arg9[%get3A_251, %get3A_252] {strides = array<i32>} : memref<64x768xf32, #tpu.memory_space<vmem>>, vector<1x16xf32>,
      %get3A_254 = vector.shape_cast %get3A_253 : vector<1x16xf32> to vector<16xf32>
      %mul3A_255 = arith.mulf %get3A_81, %get3A_250 : vector<16xf32>
      %mul3A_256 = arith.mulf %get3A_87, %get3A_254 : vector<16xf32>
      %add3A_257 = arith.addf %mul3A_255, %mul3A_256 : vector<16xf32>
      %swap3A_258 = arith.index_cast %scan3A_75 : i32 to index
      %swap3A_259 = arith.constant 160 : index
      %swap3A_260 = tpu.vector_load %arg8[%swap3A_258, %swap3A_259] {strides = array<i32>} : memref<64x768xf32, #tpu.memory_space<vmem>>, vector<1x16xf32>,
      %swap3A_261 = vector.shape_cast %swap3A_260 : vector<1x16xf32> to vector<16xf32>
      %swap3A_262 = vector.shape_cast %add3A_257 : vector<16xf32> to vector<1x16xf32>
      tpu.vector_store %arg8[%swap3A_258, %swap3A_259], %swap3A_262 {strides = array<i32>} : memref<64x768xf32, #tpu.memory_space<vmem>>, vector<1x16xf32>,
      %get3A_263 = arith.index_cast %scan3A_75 : i32 to index
      %get3A_264 = arith.constant 176 : index
      %get3A_265 = tpu.vector_load %arg8[%get3A_263, %get3A_264] {strides = array<i32>} : memref<64x768xf32, #tpu.memory_space<vmem>>, vector<1x16xf32>,
      %get3A_266 = vector.shape_cast %get3A_265 : vector<1x16xf32> to vector<16xf32>
      %get3A_267 = arith.index_cast %scan3A_75 : i32 to index
      %get3A_268 = arith.constant 176 : index
      %get3A_269 = tpu.vector_load %arg9[%get3A_267, %get3A_268] {strides = array<i32>} : memref<64x768xf32, #tpu.memory_space<vmem>>, vector<1x16xf32>,
      %get3A_270 = vector.shape_cast %get3A_269 : vector<1x16xf32> to vector<16xf32>
      %mul3A_271 = arith.mulf %get3A_81, %get3A_266 : vector<16xf32>
      %mul3A_272 = arith.mulf %get3A_87, %get3A_270 : vector<16xf32>
      %add3A_273 = arith.addf %mul3A_271, %mul3A_272 : vector<16xf32>
      %swap3A_274 = arith.index_cast %scan3A_75 : i32 to index
      %swap3A_275 = arith.constant 176 : index
      %swap3A_276 = tpu.vector_load %arg8[%swap3A_274, %swap3A_275] {strides = array<i32>} : memref<64x768xf32, #tpu.memory_space<vmem>>, vector<1x16xf32>,
      %swap3A_277 = vector.shape_cast %swap3A_276 : vector<1x16xf32> to vector<16xf32>
      %swap3A_278 = vector.shape_cast %add3A_273 : vector<16xf32> to vector<1x16xf32>
      tpu.vector_store %arg8[%swap3A_274, %swap3A_275], %swap3A_278 {strides = array<i32>} : memref<64x768xf32, #tpu.memory_space<vmem>>, vector<1x16xf32>,
      %get3A_279 = arith.index_cast %scan3A_75 : i32 to index
      %get3A_280 = arith.constant 192 : index
      %get3A_281 = tpu.vector_load %arg8[%get3A_279, %get3A_280] {strides = array<i32>} : memref<64x768xf32, #tpu.memory_space<vmem>>, vector<1x16xf32>,
      %get3A_282 = vector.shape_cast %get3A_281 : vector<1x16xf32> to vector<16xf32>
      %get3A_283 = arith.index_cast %scan3A_75 : i32 to index
      %get3A_284 = arith.constant 192 : index
      %get3A_285 = tpu.vector_load %arg9[%get3A_283, %get3A_284] {strides = array<i32>} : memref<64x768xf32, #tpu.memory_space<vmem>>, vector<1x16xf32>,
      %get3A_286 = vector.shape_cast %get3A_285 : vector<1x16xf32> to vector<16xf32>
      %mul3A_287 = arith.mulf %get3A_81, %get3A_282 : vector<16xf32>
      %mul3A_288 = arith.mulf %get3A_87, %get3A_286 : vector<16xf32>
      %add3A_289 = arith.addf %mul3A_287, %mul3A_288 : vector<16xf32>
      %swap3A_290 = arith.index_cast %scan3A_75 : i32 to index
      %swap3A_291 = arith.constant 192 : index
      %swap3A_292 = tpu.vector_load %arg8[%swap3A_290, %swap3A_291] {strides = array<i32>} : memref<64x768xf32, #tpu.memory_space<vmem>>, vector<1x16xf32>,
      %swap3A_293 = vector.shape_cast %swap3A_292 : vector<1x16xf32> to vector<16xf32>
      %swap3A_294 = vector.shape_cast %add3A_289 : vector<16xf32> to vector<1x16xf32>
      tpu.vector_store %arg8[%swap3A_290, %swap3A_291], %swap3A_294 {strides = array<i32>} : memref<64x768xf32, #tpu.memory_space<vmem>>, vector<1x16xf32>,
      %get3A_295 = arith.index_cast %scan3A_75 : i32 to index
      %get3A_296 = arith.constant 208 : index
      %get3A_297 = tpu.vector_load %arg8[%get3A_295, %get3A_296] {strides = array<i32>} : memref<64x768xf32, #tpu.memory_space<vmem>>, vector<1x16xf32>,
      %get3A_298 = vector.shape_cast %get3A_297 : vector<1x16xf32> to vector<16xf32>
      %get3A_299 = arith.index_cast %scan3A_75 : i32 to index
      %get3A_300 = arith.constant 208 : index
      %get3A_301 = tpu.vector_load %arg9[%get3A_299, %get3A_300] {strides = array<i32>} : memref<64x768xf32, #tpu.memory_space<vmem>>, vector<1x16xf32>,
      %get3A_302 = vector.shape_cast %get3A_301 : vector<1x16xf32> to vector<16xf32>
      %mul3A_303 = arith.mulf %get3A_81, %get3A_298 : vector<16xf32>
      %mul3A_304 = arith.mulf %get3A_87, %get3A_302 : vector<16xf32>
      %add3A_305 = arith.addf %mul3A_303, %mul3A_304 : vector<16xf32>
      %swap3A_306 = arith.index_cast %scan3A_75 : i32 to index
      %swap3A_307 = arith.constant 208 : index
      %swap3A_308 = tpu.vector_load %arg8[%swap3A_306, %swap3A_307] {strides = array<i32>} : memref<64x768xf32, #tpu.memory_space<vmem>>, vector<1x16xf32>,
      %swap3A_309 = vector.shape_cast %swap3A_308 : vector<1x16xf32> to vector<16xf32>
      %swap3A_310 = vector.shape_cast %add3A_305 : vector<16xf32> to vector<1x16xf32>
      tpu.vector_store %arg8[%swap3A_306, %swap3A_307], %swap3A_310 {strides = array<i32>} : memref<64x768xf32, #tpu.memory_space<vmem>>, vector<1x16xf32>,
      %get3A_311 = arith.index_cast %scan3A_75 : i32 to index
      %get3A_312 = arith.constant 224 : index
      %get3A_313 = tpu.vector_load %arg8[%get3A_311, %get3A_312] {strides = array<i32>} : memref<64x768xf32, #tpu.memory_space<vmem>>, vector<1x16xf32>,
      %get3A_314 = vector.shape_cast %get3A_313 : vector<1x16xf32> to vector<16xf32>
      %get3A_315 = arith.index_cast %scan3A_75 : i32 to index
      %get3A_316 = arith.constant 224 : index
      %get3A_317 = tpu.vector_load %arg9[%get3A_315, %get3A_316] {strides = array<i32>} : memref<64x768xf32, #tpu.memory_space<vmem>>, vector<1x16xf32>,
      %get3A_318 = vector.shape_cast %get3A_317 : vector<1x16xf32> to vector<16xf32>
      %mul3A_319 = arith.mulf %get3A_81, %get3A_314 : vector<16xf32>
      %mul3A_320 = arith.mulf %get3A_87, %get3A_318 : vector<16xf32>
      %add3A_321 = arith.addf %mul3A_319, %mul3A_320 : vector<16xf32>
      %swap3A_322 = arith.index_cast %scan3A_75 : i32 to index
      %swap3A_323 = arith.constant 224 : index
      %swap3A_324 = tpu.vector_load %arg8[%swap3A_322, %swap3A_323] {strides = array<i32>} : memref<64x768xf32, #tpu.memory_space<vmem>>, vector<1x16xf32>,
      %swap3A_325 = vector.shape_cast %swap3A_324 : vector<1x16xf32> to vector<16xf32>
      %swap3A_326 = vector.shape_cast %add3A_321 : vector<16xf32> to vector<1x16xf32>
      tpu.vector_store %arg8[%swap3A_322, %swap3A_323], %swap3A_326 {strides = array<i32>} : memref<64x768xf32, #tpu.memory_space<vmem>>, vector<1x16xf32>,
      %get3A_327 = arith.index_cast %scan3A_75 : i32 to index
      %get3A_328 = arith.constant 240 : index
      %get3A_329 = tpu.vector_load %arg8[%get3A_327, %get3A_328] {strides = array<i32>} : memref<64x768xf32, #tpu.memory_space<vmem>>, vector<1x16xf32>,
      %get3A_330 = vector.shape_cast %get3A_329 : vector<1x16xf32> to vector<16xf32>
      %get3A_331 = arith.index_cast %scan3A_75 : i32 to index
      %get3A_332 = arith.constant 240 : index
      %get3A_333 = tpu.vector_load %arg9[%get3A_331, %get3A_332] {strides = array<i32>} : memref<64x768xf32, #tpu.memory_space<vmem>>, vector<1x16xf32>,
      %get3A_334 = vector.shape_cast %get3A_333 : vector<1x16xf32> to vector<16xf32>
      %mul3A_335 = arith.mulf %get3A_81, %get3A_330 : vector<16xf32>
      %mul3A_336 = arith.mulf %get3A_87, %get3A_334 : vector<16xf32>
      %add3A_337 = arith.addf %mul3A_335, %mul3A_336 : vector<16xf32>
      %swap3A_338 = arith.index_cast %scan3A_75 : i32 to index
      %swap3A_339 = arith.constant 240 : index
      %swap3A_340 = tpu.vector_load %arg8[%swap3A_338, %swap3A_339] {strides = array<i32>} : memref<64x768xf32, #tpu.memory_space<vmem>>, vector<1x16xf32>,
      %swap3A_341 = vector.shape_cast %swap3A_340 : vector<1x16xf32> to vector<16xf32>
      %swap3A_342 = vector.shape_cast %add3A_337 : vector<16xf32> to vector<1x16xf32>
      tpu.vector_store %arg8[%swap3A_338, %swap3A_339], %swap3A_342 {strides = array<i32>} : memref<64x768xf32, #tpu.memory_space<vmem>>, vector<1x16xf32>,
      %get3A_343 = arith.index_cast %scan3A_75 : i32 to index
      %get3A_344 = arith.constant 256 : index
      %get3A_345 = tpu.vector_load %arg8[%get3A_343, %get3A_344] {strides = array<i32>} : memref<64x768xf32, #tpu.memory_space<vmem>>, vector<1x16xf32>,
      %get3A_346 = vector.shape_cast %get3A_345 : vector<1x16xf32> to vector<16xf32>
      %get3A_347 = arith.index_cast %scan3A_75 : i32 to index
      %get3A_348 = arith.constant 256 : index
      %get3A_349 = tpu.vector_load %arg9[%get3A_347, %get3A_348] {strides = array<i32>} : memref<64x768xf32, #tpu.memory_space<vmem>>, vector<1x16xf32>,
      %get3A_350 = vector.shape_cast %get3A_349 : vector<1x16xf32> to vector<16xf32>
      %mul3A_351 = arith.mulf %get3A_81, %get3A_346 : vector<16xf32>
      %mul3A_352 = arith.mulf %get3A_87, %get3A_350 : vector<16xf32>
      %add3A_353 = arith.addf %mul3A_351, %mul3A_352 : vector<16xf32>
      %swap3A_354 = arith.index_cast %scan3A_75 : i32 to index
      %swap3A_355 = arith.constant 256 : index
      %swap3A_356 = tpu.vector_load %arg8[%swap3A_354, %swap3A_355] {strides = array<i32>} : memref<64x768xf32, #tpu.memory_space<vmem>>, vector<1x16xf32>,
      %swap3A_357 = vector.shape_cast %swap3A_356 : vector<1x16xf32> to vector<16xf32>
      %swap3A_358 = vector.shape_cast %add3A_353 : vector<16xf32> to vector<1x16xf32>
      tpu.vector_store %arg8[%swap3A_354, %swap3A_355], %swap3A_358 {strides = array<i32>} : memref<64x768xf32, #tpu.memory_space<vmem>>, vector<1x16xf32>,
      %get3A_359 = arith.index_cast %scan3A_75 : i32 to index
      %get3A_360 = arith.constant 272 : index
      %get3A_361 = tpu.vector_load %arg8[%get3A_359, %get3A_360] {strides = array<i32>} : memref<64x768xf32, #tpu.memory_space<vmem>>, vector<1x16xf32>,
      %get3A_362 = vector.shape_cast %get3A_361 : vector<1x16xf32> to vector<16xf32>
      %get3A_363 = arith.index_cast %scan3A_75 : i32 to index
      %get3A_364 = arith.constant 272 : index
      %get3A_365 = tpu.vector_load %arg9[%get3A_363, %get3A_364] {strides = array<i32>} : memref<64x768xf32, #tpu.memory_space<vmem>>, vector<1x16xf32>,
      %get3A_366 = vector.shape_cast %get3A_365 : vector<1x16xf32> to vector<16xf32>
      %mul3A_367 = arith.mulf %get3A_81, %get3A_362 : vector<16xf32>
      %mul3A_368 = arith.mulf %get3A_87, %get3A_366 : vector<16xf32>
      %add3A_369 = arith.addf %mul3A_367, %mul3A_368 : vector<16xf32>
      %swap3A_370 = arith.index_cast %scan3A_75 : i32 to index
      %swap3A_371 = arith.constant 272 : index
      %swap3A_372 = tpu.vector_load %arg8[%swap3A_370, %swap3A_371] {strides = array<i32>} : memref<64x768xf32, #tpu.memory_space<vmem>>, vector<1x16xf32>,
      %swap3A_373 = vector.shape_cast %swap3A_372 : vector<1x16xf32> to vector<16xf32>
      %swap3A_374 = vector.shape_cast %add3A_369 : vector<16xf32> to vector<1x16xf32>
      tpu.vector_store %arg8[%swap3A_370, %swap3A_371], %swap3A_374 {strides = array<i32>} : memref<64x768xf32, #tpu.memory_space<vmem>>, vector<1x16xf32>,
      %get3A_375 = arith.index_cast %scan3A_75 : i32 to index
      %get3A_376 = arith.constant 288 : index
      %get3A_377 = tpu.vector_load %arg8[%get3A_375, %get3A_376] {strides = array<i32>} : memref<64x768xf32, #tpu.memory_space<vmem>>, vector<1x16xf32>,
      %get3A_378 = vector.shape_cast %get3A_377 : vector<1x16xf32> to vector<16xf32>
      %get3A_379 = arith.index_cast %scan3A_75 : i32 to index
      %get3A_380 = arith.constant 288 : index
      %get3A_381 = tpu.vector_load %arg9[%get3A_379, %get3A_380] {strides = array<i32>} : memref<64x768xf32, #tpu.memory_space<vmem>>, vector<1x16xf32>,
      %get3A_382 = vector.shape_cast %get3A_381 : vector<1x16xf32> to vector<16xf32>
      %mul3A_383 = arith.mulf %get3A_81, %get3A_378 : vector<16xf32>
      %mul3A_384 = arith.mulf %get3A_87, %get3A_382 : vector<16xf32>
      %add3A_385 = arith.addf %mul3A_383, %mul3A_384 : vector<16xf32>
      %swap3A_386 = arith.index_cast %scan3A_75 : i32 to index
      %swap3A_387 = arith.constant 288 : index
      %swap3A_388 = tpu.vector_load %arg8[%swap3A_386, %swap3A_387] {strides = array<i32>} : memref<64x768xf32, #tpu.memory_space<vmem>>, vector<1x16xf32>,
      %swap3A_389 = vector.shape_cast %swap3A_388 : vector<1x16xf32> to vector<16xf32>
      %swap3A_390 = vector.shape_cast %add3A_385 : vector<16xf32> to vector<1x16xf32>
      tpu.vector_store %arg8[%swap3A_386, %swap3A_387], %swap3A_390 {strides = array<i32>} : memref<64x768xf32, #tpu.memory_space<vmem>>, vector<1x16xf32>,
      %get3A_391 = arith.index_cast %scan3A_75 : i32 to index
      %get3A_392 = arith.constant 304 : index
      %get3A_393 = tpu.vector_load %arg8[%get3A_391, %get3A_392] {strides = array<i32>} : memref<64x768xf32, #tpu.memory_space<vmem>>, vector<1x16xf32>,
      %get3A_394 = vector.shape_cast %get3A_393 : vector<1x16xf32> to vector<16xf32>
      %get3A_395 = arith.index_cast %scan3A_75 : i32 to index
      %get3A_396 = arith.constant 304 : index
      %get3A_397 = tpu.vector_load %arg9[%get3A_395, %get3A_396] {strides = array<i32>} : memref<64x768xf32, #tpu.memory_space<vmem>>, vector<1x16xf32>,
      %get3A_398 = vector.shape_cast %get3A_397 : vector<1x16xf32> to vector<16xf32>
      %mul3A_399 = arith.mulf %get3A_81, %get3A_394 : vector<16xf32>
      %mul3A_400 = arith.mulf %get3A_87, %get3A_398 : vector<16xf32>
      %add3A_401 = arith.addf %mul3A_399, %mul3A_400 : vector<16xf32>
      %swap3A_402 = arith.index_cast %scan3A_75 : i32 to index
      %swap3A_403 = arith.constant 304 : index
      %swap3A_404 = tpu.vector_load %arg8[%swap3A_402, %swap3A_403] {strides = array<i32>} : memref<64x768xf32, #tpu.memory_space<vmem>>, vector<1x16xf32>,
      %swap3A_405 = vector.shape_cast %swap3A_404 : vector<1x16xf32> to vector<16xf32>
      %swap3A_406 = vector.shape_cast %add3A_401 : vector<16xf32> to vector<1x16xf32>
      tpu.vector_store %arg8[%swap3A_402, %swap3A_403], %swap3A_406 {strides = array<i32>} : memref<64x768xf32, #tpu.memory_space<vmem>>, vector<1x16xf32>,
      %get3A_407 = arith.index_cast %scan3A_75 : i32 to index
      %get3A_408 = arith.constant 320 : index
      %get3A_409 = tpu.vector_load %arg8[%get3A_407, %get3A_408] {strides = array<i32>} : memref<64x768xf32, #tpu.memory_space<vmem>>, vector<1x16xf32>,
      %get3A_410 = vector.shape_cast %get3A_409 : vector<1x16xf32> to vector<16xf32>
      %get3A_411 = arith.index_cast %scan3A_75 : i32 to index
      %get3A_412 = arith.constant 320 : index
      %get3A_413 = tpu.vector_load %arg9[%get3A_411, %get3A_412] {strides = array<i32>} : memref<64x768xf32, #tpu.memory_space<vmem>>, vector<1x16xf32>,
      %get3A_414 = vector.shape_cast %get3A_413 : vector<1x16xf32> to vector<16xf32>
      %mul3A_415 = arith.mulf %get3A_81, %get3A_410 : vector<16xf32>
      %mul3A_416 = arith.mulf %get3A_87, %get3A_414 : vector<16xf32>
      %add3A_417 = arith.addf %mul3A_415, %mul3A_416 : vector<16xf32>
      %swap3A_418 = arith.index_cast %scan3A_75 : i32 to index
      %swap3A_419 = arith.constant 320 : index
      %swap3A_420 = tpu.vector_load %arg8[%swap3A_418, %swap3A_419] {strides = array<i32>} : memref<64x768xf32, #tpu.memory_space<vmem>>, vector<1x16xf32>,
      %swap3A_421 = vector.shape_cast %swap3A_420 : vector<1x16xf32> to vector<16xf32>
      %swap3A_422 = vector.shape_cast %add3A_417 : vector<16xf32> to vector<1x16xf32>
      tpu.vector_store %arg8[%swap3A_418, %swap3A_419], %swap3A_422 {strides = array<i32>} : memref<64x768xf32, #tpu.memory_space<vmem>>, vector<1x16xf32>,
      %get3A_423 = arith.index_cast %scan3A_75 : i32 to index
      %get3A_424 = arith.constant 336 : index
      %get3A_425 = tpu.vector_load %arg8[%get3A_423, %get3A_424] {strides = array<i32>} : memref<64x768xf32, #tpu.memory_space<vmem>>, vector<1x16xf32>,
      %get3A_426 = vector.shape_cast %get3A_425 : vector<1x16xf32> to vector<16xf32>
      %get3A_427 = arith.index_cast %scan3A_75 : i32 to index
      %get3A_428 = arith.constant 336 : index
      %get3A_429 = tpu.vector_load %arg9[%get3A_427, %get3A_428] {strides = array<i32>} : memref<64x768xf32, #tpu.memory_space<vmem>>, vector<1x16xf32>,
      %get3A_430 = vector.shape_cast %get3A_429 : vector<1x16xf32> to vector<16xf32>
      %mul3A_431 = arith.mulf %get3A_81, %get3A_426 : vector<16xf32>
      %mul3A_432 = arith.mulf %get3A_87, %get3A_430 : vector<16xf32>
      %add3A_433 = arith.addf %mul3A_431, %mul3A_432 : vector<16xf32>
      %swap3A_434 = arith.index_cast %scan3A_75 : i32 to index
      %swap3A_435 = arith.constant 336 : index
      %swap3A_436 = tpu.vector_load %arg8[%swap3A_434, %swap3A_435] {strides = array<i32>} : memref<64x768xf32, #tpu.memory_space<vmem>>, vector<1x16xf32>,
      %swap3A_437 = vector.shape_cast %swap3A_436 : vector<1x16xf32> to vector<16xf32>
      %swap3A_438 = vector.shape_cast %add3A_433 : vector<16xf32> to vector<1x16xf32>
      tpu.vector_store %arg8[%swap3A_434, %swap3A_435], %swap3A_438 {strides = array<i32>} : memref<64x768xf32, #tpu.memory_space<vmem>>, vector<1x16xf32>,
      %get3A_439 = arith.index_cast %scan3A_75 : i32 to index
      %get3A_440 = arith.constant 352 : index
      %get3A_441 = tpu.vector_load %arg8[%get3A_439, %get3A_440] {strides = array<i32>} : memref<64x768xf32, #tpu.memory_space<vmem>>, vector<1x16xf32>,
      %get3A_442 = vector.shape_cast %get3A_441 : vector<1x16xf32> to vector<16xf32>
      %get3A_443 = arith.index_cast %scan3A_75 : i32 to index
      %get3A_444 = arith.constant 352 : index
      %get3A_445 = tpu.vector_load %arg9[%get3A_443, %get3A_444] {strides = array<i32>} : memref<64x768xf32, #tpu.memory_space<vmem>>, vector<1x16xf32>,
      %get3A_446 = vector.shape_cast %get3A_445 : vector<1x16xf32> to vector<16xf32>
      %mul3A_447 = arith.mulf %get3A_81, %get3A_442 : vector<16xf32>
      %mul3A_448 = arith.mulf %get3A_87, %get3A_446 : vector<16xf32>
      %add3A_449 = arith.addf %mul3A_447, %mul3A_448 : vector<16xf32>
      %swap3A_450 = arith.index_cast %scan3A_75 : i32 to index
      %swap3A_451 = arith.constant 352 : index
      %swap3A_452 = tpu.vector_load %arg8[%swap3A_450, %swap3A_451] {strides = array<i32>} : memref<64x768xf32, #tpu.memory_space<vmem>>, vector<1x16xf32>,
      %swap3A_453 = vector.shape_cast %swap3A_452 : vector<1x16xf32> to vector<16xf32>
      %swap3A_454 = vector.shape_cast %add3A_449 : vector<16xf32> to vector<1x16xf32>
      tpu.vector_store %arg8[%swap3A_450, %swap3A_451], %swap3A_454 {strides = array<i32>} : memref<64x768xf32, #tpu.memory_space<vmem>>, vector<1x16xf32>,
      %get3A_455 = arith.index_cast %scan3A_75 : i32 to index
      %get3A_456 = arith.constant 368 : index
      %get3A_457 = tpu.vector_load %arg8[%get3A_455, %get3A_456] {strides = array<i32>} : memref<64x768xf32, #tpu.memory_space<vmem>>, vector<1x16xf32>,
      %get3A_458 = vector.shape_cast %get3A_457 : vector<1x16xf32> to vector<16xf32>
      %get3A_459 = arith.index_cast %scan3A_75 : i32 to index
      %get3A_460 = arith.constant 368 : index
      %get3A_461 = tpu.vector_load %arg9[%get3A_459, %get3A_460] {strides = array<i32>} : memref<64x768xf32, #tpu.memory_space<vmem>>, vector<1x16xf32>,
      %get3A_462 = vector.shape_cast %get3A_461 : vector<1x16xf32> to vector<16xf32>
      %mul3A_463 = arith.mulf %get3A_81, %get3A_458 : vector<16xf32>
      %mul3A_464 = arith.mulf %get3A_87, %get3A_462 : vector<16xf32>
      %add3A_465 = arith.addf %mul3A_463, %mul3A_464 : vector<16xf32>
      %swap3A_466 = arith.index_cast %scan3A_75 : i32 to index
      %swap3A_467 = arith.constant 368 : index
      %swap3A_468 = tpu.vector_load %arg8[%swap3A_466, %swap3A_467] {strides = array<i32>} : memref<64x768xf32, #tpu.memory_space<vmem>>, vector<1x16xf32>,
      %swap3A_469 = vector.shape_cast %swap3A_468 : vector<1x16xf32> to vector<16xf32>
      %swap3A_470 = vector.shape_cast %add3A_465 : vector<16xf32> to vector<1x16xf32>
      tpu.vector_store %arg8[%swap3A_466, %swap3A_467], %swap3A_470 {strides = array<i32>} : memref<64x768xf32, #tpu.memory_space<vmem>>, vector<1x16xf32>,
      %get3A_471 = arith.index_cast %scan3A_75 : i32 to index
      %get3A_472 = arith.constant 384 : index
      %get3A_473 = tpu.vector_load %arg8[%get3A_471, %get3A_472] {strides = array<i32>} : memref<64x768xf32, #tpu.memory_space<vmem>>, vector<1x16xf32>,
      %get3A_474 = vector.shape_cast %get3A_473 : vector<1x16xf32> to vector<16xf32>
      %get3A_475 = arith.index_cast %scan3A_75 : i32 to index
      %get3A_476 = arith.constant 384 : index
      %get3A_477 = tpu.vector_load %arg9[%get3A_475, %get3A_476] {strides = array<i32>} : memref<64x768xf32, #tpu.memory_space<vmem>>, vector<1x16xf32>,
      %get3A_478 = vector.shape_cast %get3A_477 : vector<1x16xf32> to vector<16xf32>
      %mul3A_479 = arith.mulf %get3A_81, %get3A_474 : vector<16xf32>
      %mul3A_480 = arith.mulf %get3A_87, %get3A_478 : vector<16xf32>
      %add3A_481 = arith.addf %mul3A_479, %mul3A_480 : vector<16xf32>
      %swap3A_482 = arith.index_cast %scan3A_75 : i32 to index
      %swap3A_483 = arith.constant 384 : index
      %swap3A_484 = tpu.vector_load %arg8[%swap3A_482, %swap3A_483] {strides = array<i32>} : memref<64x768xf32, #tpu.memory_space<vmem>>, vector<1x16xf32>,
      %swap3A_485 = vector.shape_cast %swap3A_484 : vector<1x16xf32> to vector<16xf32>
      %swap3A_486 = vector.shape_cast %add3A_481 : vector<16xf32> to vector<1x16xf32>
      tpu.vector_store %arg8[%swap3A_482, %swap3A_483], %swap3A_486 {strides = array<i32>} : memref<64x768xf32, #tpu.memory_space<vmem>>, vector<1x16xf32>,
      %get3A_487 = arith.index_cast %scan3A_75 : i32 to index
      %get3A_488 = arith.constant 400 : index
      %get3A_489 = tpu.vector_load %arg8[%get3A_487, %get3A_488] {strides = array<i32>} : memref<64x768xf32, #tpu.memory_space<vmem>>, vector<1x16xf32>,
      %get3A_490 = vector.shape_cast %get3A_489 : vector<1x16xf32> to vector<16xf32>
      %get3A_491 = arith.index_cast %scan3A_75 : i32 to index
      %get3A_492 = arith.constant 400 : index
      %get3A_493 = tpu.vector_load %arg9[%get3A_491, %get3A_492] {strides = array<i32>} : memref<64x768xf32, #tpu.memory_space<vmem>>, vector<1x16xf32>,
      %get3A_494 = vector.shape_cast %get3A_493 : vector<1x16xf32> to vector<16xf32>
      %mul3A_495 = arith.mulf %get3A_81, %get3A_490 : vector<16xf32>
      %mul3A_496 = arith.mulf %get3A_87, %get3A_494 : vector<16xf32>
      %add3A_497 = arith.addf %mul3A_495, %mul3A_496 : vector<16xf32>
      %swap3A_498 = arith.index_cast %scan3A_75 : i32 to index
      %swap3A_499 = arith.constant 400 : index
      %swap3A_500 = tpu.vector_load %arg8[%swap3A_498, %swap3A_499] {strides = array<i32>} : memref<64x768xf32, #tpu.memory_space<vmem>>, vector<1x16xf32>,
      %swap3A_501 = vector.shape_cast %swap3A_500 : vector<1x16xf32> to vector<16xf32>
      %swap3A_502 = vector.shape_cast %add3A_497 : vector<16xf32> to vector<1x16xf32>
      tpu.vector_store %arg8[%swap3A_498, %swap3A_499], %swap3A_502 {strides = array<i32>} : memref<64x768xf32, #tpu.memory_space<vmem>>, vector<1x16xf32>,
      %get3A_503 = arith.index_cast %scan3A_75 : i32 to index
      %get3A_504 = arith.constant 416 : index
      %get3A_505 = tpu.vector_load %arg8[%get3A_503, %get3A_504] {strides = array<i32>} : memref<64x768xf32, #tpu.memory_space<vmem>>, vector<1x16xf32>,
      %get3A_506 = vector.shape_cast %get3A_505 : vector<1x16xf32> to vector<16xf32>
      %get3A_507 = arith.index_cast %scan3A_75 : i32 to index
      %get3A_508 = arith.constant 416 : index
      %get3A_509 = tpu.vector_load %arg9[%get3A_507, %get3A_508] {strides = array<i32>} : memref<64x768xf32, #tpu.memory_space<vmem>>, vector<1x16xf32>,
      %get3A_510 = vector.shape_cast %get3A_509 : vector<1x16xf32> to vector<16xf32>
      %mul3A_511 = arith.mulf %get3A_81, %get3A_506 : vector<16xf32>
      %mul3A_512 = arith.mulf %get3A_87, %get3A_510 : vector<16xf32>
      %add3A_513 = arith.addf %mul3A_511, %mul3A_512 : vector<16xf32>
      %swap3A_514 = arith.index_cast %scan3A_75 : i32 to index
      %swap3A_515 = arith.constant 416 : index
      %swap3A_516 = tpu.vector_load %arg8[%swap3A_514, %swap3A_515] {strides = array<i32>} : memref<64x768xf32, #tpu.memory_space<vmem>>, vector<1x16xf32>,
      %swap3A_517 = vector.shape_cast %swap3A_516 : vector<1x16xf32> to vector<16xf32>
      %swap3A_518 = vector.shape_cast %add3A_513 : vector<16xf32> to vector<1x16xf32>
      tpu.vector_store %arg8[%swap3A_514, %swap3A_515], %swap3A_518 {strides = array<i32>} : memref<64x768xf32, #tpu.memory_space<vmem>>, vector<1x16xf32>,
      %get3A_519 = arith.index_cast %scan3A_75 : i32 to index
      %get3A_520 = arith.constant 432 : index
      %get3A_521 = tpu.vector_load %arg8[%get3A_519, %get3A_520] {strides = array<i32>} : memref<64x768xf32, #tpu.memory_space<vmem>>, vector<1x16xf32>,
      %get3A_522 = vector.shape_cast %get3A_521 : vector<1x16xf32> to vector<16xf32>
      %get3A_523 = arith.index_cast %scan3A_75 : i32 to index
      %get3A_524 = arith.constant 432 : index
      %get3A_525 = tpu.vector_load %arg9[%get3A_523, %get3A_524] {strides = array<i32>} : memref<64x768xf32, #tpu.memory_space<vmem>>, vector<1x16xf32>,
      %get3A_526 = vector.shape_cast %get3A_525 : vector<1x16xf32> to vector<16xf32>
      %mul3A_527 = arith.mulf %get3A_81, %get3A_522 : vector<16xf32>
      %mul3A_528 = arith.mulf %get3A_87, %get3A_526 : vector<16xf32>
      %add3A_529 = arith.addf %mul3A_527, %mul3A_528 : vector<16xf32>
      %swap3A_530 = arith.index_cast %scan3A_75 : i32 to index
      %swap3A_531 = arith.constant 432 : index
      %swap3A_532 = tpu.vector_load %arg8[%swap3A_530, %swap3A_531] {strides = array<i32>} : memref<64x768xf32, #tpu.memory_space<vmem>>, vector<1x16xf32>,
      %swap3A_533 = vector.shape_cast %swap3A_532 : vector<1x16xf32> to vector<16xf32>
      %swap3A_534 = vector.shape_cast %add3A_529 : vector<16xf32> to vector<1x16xf32>
      tpu.vector_store %arg8[%swap3A_530, %swap3A_531], %swap3A_534 {strides = array<i32>} : memref<64x768xf32, #tpu.memory_space<vmem>>, vector<1x16xf32>,
      %get3A_535 = arith.index_cast %scan3A_75 : i32 to index
      %get3A_536 = arith.constant 448 : index
      %get3A_537 = tpu.vector_load %arg8[%get3A_535, %get3A_536] {strides = array<i32>} : memref<64x768xf32, #tpu.memory_space<vmem>>, vector<1x16xf32>,
      %get3A_538 = vector.shape_cast %get3A_537 : vector<1x16xf32> to vector<16xf32>
      %get3A_539 = arith.index_cast %scan3A_75 : i32 to index
      %get3A_540 = arith.constant 448 : index
      %get3A_541 = tpu.vector_load %arg9[%get3A_539, %get3A_540] {strides = array<i32>} : memref<64x768xf32, #tpu.memory_space<vmem>>, vector<1x16xf32>,
      %get3A_542 = vector.shape_cast %get3A_541 : vector<1x16xf32> to vector<16xf32>
      %mul3A_543 = arith.mulf %get3A_81, %get3A_538 : vector<16xf32>
      %mul3A_544 = arith.mulf %get3A_87, %get3A_542 : vector<16xf32>
      %add3A_545 = arith.addf %mul3A_543, %mul3A_544 : vector<16xf32>
      %swap3A_546 = arith.index_cast %scan3A_75 : i32 to index
      %swap3A_547 = arith.constant 448 : index
      %swap3A_548 = tpu.vector_load %arg8[%swap3A_546, %swap3A_547] {strides = array<i32>} : memref<64x768xf32, #tpu.memory_space<vmem>>, vector<1x16xf32>,
      %swap3A_549 = vector.shape_cast %swap3A_548 : vector<1x16xf32> to vector<16xf32>
      %swap3A_550 = vector.shape_cast %add3A_545 : vector<16xf32> to vector<1x16xf32>
      tpu.vector_store %arg8[%swap3A_546, %swap3A_547], %swap3A_550 {strides = array<i32>} : memref<64x768xf32, #tpu.memory_space<vmem>>, vector<1x16xf32>,
      %get3A_551 = arith.index_cast %scan3A_75 : i32 to index
      %get3A_552 = arith.constant 464 : index
      %get3A_553 = tpu.vector_load %arg8[%get3A_551, %get3A_552] {strides = array<i32>} : memref<64x768xf32, #tpu.memory_space<vmem>>, vector<1x16xf32>,
      %get3A_554 = vector.shape_cast %get3A_553 : vector<1x16xf32> to vector<16xf32>
      %get3A_555 = arith.index_cast %scan3A_75 : i32 to index
      %get3A_556 = arith.constant 464 : index
      %get3A_557 = tpu.vector_load %arg9[%get3A_555, %get3A_556] {strides = array<i32>} : memref<64x768xf32, #tpu.memory_space<vmem>>, vector<1x16xf32>,
      %get3A_558 = vector.shape_cast %get3A_557 : vector<1x16xf32> to vector<16xf32>
      %mul3A_559 = arith.mulf %get3A_81, %get3A_554 : vector<16xf32>
      %mul3A_560 = arith.mulf %get3A_87, %get3A_558 : vector<16xf32>
      %add3A_561 = arith.addf %mul3A_559, %mul3A_560 : vector<16xf32>
      %swap3A_562 = arith.index_cast %scan3A_75 : i32 to index
      %swap3A_563 = arith.constant 464 : index
      %swap3A_564 = tpu.vector_load %arg8[%swap3A_562, %swap3A_563] {strides = array<i32>} : memref<64x768xf32, #tpu.memory_space<vmem>>, vector<1x16xf32>,
      %swap3A_565 = vector.shape_cast %swap3A_564 : vector<1x16xf32> to vector<16xf32>
      %swap3A_566 = vector.shape_cast %add3A_561 : vector<16xf32> to vector<1x16xf32>
      tpu.vector_store %arg8[%swap3A_562, %swap3A_563], %swap3A_566 {strides = array<i32>} : memref<64x768xf32, #tpu.memory_space<vmem>>, vector<1x16xf32>,
      %get3A_567 = arith.index_cast %scan3A_75 : i32 to index
      %get3A_568 = arith.constant 480 : index
      %get3A_569 = tpu.vector_load %arg8[%get3A_567, %get3A_568] {strides = array<i32>} : memref<64x768xf32, #tpu.memory_space<vmem>>, vector<1x16xf32>,
      %get3A_570 = vector.shape_cast %get3A_569 : vector<1x16xf32> to vector<16xf32>
      %get3A_571 = arith.index_cast %scan3A_75 : i32 to index
      %get3A_572 = arith.constant 480 : index
      %get3A_573 = tpu.vector_load %arg9[%get3A_571, %get3A_572] {strides = array<i32>} : memref<64x768xf32, #tpu.memory_space<vmem>>, vector<1x16xf32>,
      %get3A_574 = vector.shape_cast %get3A_573 : vector<1x16xf32> to vector<16xf32>
      %mul3A_575 = arith.mulf %get3A_81, %get3A_570 : vector<16xf32>
      %mul3A_576 = arith.mulf %get3A_87, %get3A_574 : vector<16xf32>
      %add3A_577 = arith.addf %mul3A_575, %mul3A_576 : vector<16xf32>
      %swap3A_578 = arith.index_cast %scan3A_75 : i32 to index
      %swap3A_579 = arith.constant 480 : index
      %swap3A_580 = tpu.vector_load %arg8[%swap3A_578, %swap3A_579] {strides = array<i32>} : memref<64x768xf32, #tpu.memory_space<vmem>>, vector<1x16xf32>,
      %swap3A_581 = vector.shape_cast %swap3A_580 : vector<1x16xf32> to vector<16xf32>
      %swap3A_582 = vector.shape_cast %add3A_577 : vector<16xf32> to vector<1x16xf32>
      tpu.vector_store %arg8[%swap3A_578, %swap3A_579], %swap3A_582 {strides = array<i32>} : memref<64x768xf32, #tpu.memory_space<vmem>>, vector<1x16xf32>,
      %get3A_583 = arith.index_cast %scan3A_75 : i32 to index
      %get3A_584 = arith.constant 496 : index
      %get3A_585 = tpu.vector_load %arg8[%get3A_583, %get3A_584] {strides = array<i32>} : memref<64x768xf32, #tpu.memory_space<vmem>>, vector<1x16xf32>,
      %get3A_586 = vector.shape_cast %get3A_585 : vector<1x16xf32> to vector<16xf32>
      %get3A_587 = arith.index_cast %scan3A_75 : i32 to index
      %get3A_588 = arith.constant 496 : index
      %get3A_589 = tpu.vector_load %arg9[%get3A_587, %get3A_588] {strides = array<i32>} : memref<64x768xf32, #tpu.memory_space<vmem>>, vector<1x16xf32>,
      %get3A_590 = vector.shape_cast %get3A_589 : vector<1x16xf32> to vector<16xf32>
      %mul3A_591 = arith.mulf %get3A_81, %get3A_586 : vector<16xf32>
      %mul3A_592 = arith.mulf %get3A_87, %get3A_590 : vector<16xf32>
      %add3A_593 = arith.addf %mul3A_591, %mul3A_592 : vector<16xf32>
      %swap3A_594 = arith.index_cast %scan3A_75 : i32 to index
      %swap3A_595 = arith.constant 496 : index
      %swap3A_596 = tpu.vector_load %arg8[%swap3A_594, %swap3A_595] {strides = array<i32>} : memref<64x768xf32, #tpu.memory_space<vmem>>, vector<1x16xf32>,
      %swap3A_597 = vector.shape_cast %swap3A_596 : vector<1x16xf32> to vector<16xf32>
      %swap3A_598 = vector.shape_cast %add3A_593 : vector<16xf32> to vector<1x16xf32>
      tpu.vector_store %arg8[%swap3A_594, %swap3A_595], %swap3A_598 {strides = array<i32>} : memref<64x768xf32, #tpu.memory_space<vmem>>, vector<1x16xf32>,
      %get3A_599 = arith.index_cast %scan3A_75 : i32 to index
      %get3A_600 = arith.constant 512 : index
      %get3A_601 = tpu.vector_load %arg8[%get3A_599, %get3A_600] {strides = array<i32>} : memref<64x768xf32, #tpu.memory_space<vmem>>, vector<1x16xf32>,
      %get3A_602 = vector.shape_cast %get3A_601 : vector<1x16xf32> to vector<16xf32>
      %get3A_603 = arith.index_cast %scan3A_75 : i32 to index
      %get3A_604 = arith.constant 512 : index
      %get3A_605 = tpu.vector_load %arg9[%get3A_603, %get3A_604] {strides = array<i32>} : memref<64x768xf32, #tpu.memory_space<vmem>>, vector<1x16xf32>,
      %get3A_606 = vector.shape_cast %get3A_605 : vector<1x16xf32> to vector<16xf32>
      %mul3A_607 = arith.mulf %get3A_81, %get3A_602 : vector<16xf32>
      %mul3A_608 = arith.mulf %get3A_87, %get3A_606 : vector<16xf32>
      %add3A_609 = arith.addf %mul3A_607, %mul3A_608 : vector<16xf32>
      %swap3A_610 = arith.index_cast %scan3A_75 : i32 to index
      %swap3A_611 = arith.constant 512 : index
      %swap3A_612 = tpu.vector_load %arg8[%swap3A_610, %swap3A_611] {strides = array<i32>} : memref<64x768xf32, #tpu.memory_space<vmem>>, vector<1x16xf32>,
      %swap3A_613 = vector.shape_cast %swap3A_612 : vector<1x16xf32> to vector<16xf32>
      %swap3A_614 = vector.shape_cast %add3A_609 : vector<16xf32> to vector<1x16xf32>
      tpu.vector_store %arg8[%swap3A_610, %swap3A_611], %swap3A_614 {strides = array<i32>} : memref<64x768xf32, #tpu.memory_space<vmem>>, vector<1x16xf32>,
      %get3A_615 = arith.index_cast %scan3A_75 : i32 to index
      %get3A_616 = arith.constant 528 : index
      %get3A_617 = tpu.vector_load %arg8[%get3A_615, %get3A_616] {strides = array<i32>} : memref<64x768xf32, #tpu.memory_space<vmem>>, vector<1x16xf32>,
      %get3A_618 = vector.shape_cast %get3A_617 : vector<1x16xf32> to vector<16xf32>
      %get3A_619 = arith.index_cast %scan3A_75 : i32 to index
      %get3A_620 = arith.constant 528 : index
      %get3A_621 = tpu.vector_load %arg9[%get3A_619, %get3A_620] {strides = array<i32>} : memref<64x768xf32, #tpu.memory_space<vmem>>, vector<1x16xf32>,
      %get3A_622 = vector.shape_cast %get3A_621 : vector<1x16xf32> to vector<16xf32>
      %mul3A_623 = arith.mulf %get3A_81, %get3A_618 : vector<16xf32>
      %mul3A_624 = arith.mulf %get3A_87, %get3A_622 : vector<16xf32>
      %add3A_625 = arith.addf %mul3A_623, %mul3A_624 : vector<16xf32>
      %swap3A_626 = arith.index_cast %scan3A_75 : i32 to index
      %swap3A_627 = arith.constant 528 : index
      %swap3A_628 = tpu.vector_load %arg8[%swap3A_626, %swap3A_627] {strides = array<i32>} : memref<64x768xf32, #tpu.memory_space<vmem>>, vector<1x16xf32>,
      %swap3A_629 = vector.shape_cast %swap3A_628 : vector<1x16xf32> to vector<16xf32>
      %swap3A_630 = vector.shape_cast %add3A_625 : vector<16xf32> to vector<1x16xf32>
      tpu.vector_store %arg8[%swap3A_626, %swap3A_627], %swap3A_630 {strides = array<i32>} : memref<64x768xf32, #tpu.memory_space<vmem>>, vector<1x16xf32>,
      %get3A_631 = arith.index_cast %scan3A_75 : i32 to index
      %get3A_632 = arith.constant 544 : index
      %get3A_633 = tpu.vector_load %arg8[%get3A_631, %get3A_632] {strides = array<i32>} : memref<64x768xf32, #tpu.memory_space<vmem>>, vector<1x16xf32>,
      %get3A_634 = vector.shape_cast %get3A_633 : vector<1x16xf32> to vector<16xf32>
      %get3A_635 = arith.index_cast %scan3A_75 : i32 to index
      %get3A_636 = arith.constant 544 : index
      %get3A_637 = tpu.vector_load %arg9[%get3A_635, %get3A_636] {strides = array<i32>} : memref<64x768xf32, #tpu.memory_space<vmem>>, vector<1x16xf32>,
      %get3A_638 = vector.shape_cast %get3A_637 : vector<1x16xf32> to vector<16xf32>
      %mul3A_639 = arith.mulf %get3A_81, %get3A_634 : vector<16xf32>
      %mul3A_640 = arith.mulf %get3A_87, %get3A_638 : vector<16xf32>
      %add3A_641 = arith.addf %mul3A_639, %mul3A_640 : vector<16xf32>
      %swap3A_642 = arith.index_cast %scan3A_75 : i32 to index
      %swap3A_643 = arith.constant 544 : index
      %swap3A_644 = tpu.vector_load %arg8[%swap3A_642, %swap3A_643] {strides = array<i32>} : memref<64x768xf32, #tpu.memory_space<vmem>>, vector<1x16xf32>,
      %swap3A_645 = vector.shape_cast %swap3A_644 : vector<1x16xf32> to vector<16xf32>
      %swap3A_646 = vector.shape_cast %add3A_641 : vector<16xf32> to vector<1x16xf32>
      tpu.vector_store %arg8[%swap3A_642, %swap3A_643], %swap3A_646 {strides = array<i32>} : memref<64x768xf32, #tpu.memory_space<vmem>>, vector<1x16xf32>,
      %get3A_647 = arith.index_cast %scan3A_75 : i32 to index
      %get3A_648 = arith.constant 560 : index
      %get3A_649 = tpu.vector_load %arg8[%get3A_647, %get3A_648] {strides = array<i32>} : memref<64x768xf32, #tpu.memory_space<vmem>>, vector<1x16xf32>,
      %get3A_650 = vector.shape_cast %get3A_649 : vector<1x16xf32> to vector<16xf32>
      %get3A_651 = arith.index_cast %scan3A_75 : i32 to index
      %get3A_652 = arith.constant 560 : index
      %get3A_653 = tpu.vector_load %arg9[%get3A_651, %get3A_652] {strides = array<i32>} : memref<64x768xf32, #tpu.memory_space<vmem>>, vector<1x16xf32>,
      %get3A_654 = vector.shape_cast %get3A_653 : vector<1x16xf32> to vector<16xf32>
      %mul3A_655 = arith.mulf %get3A_81, %get3A_650 : vector<16xf32>
      %mul3A_656 = arith.mulf %get3A_87, %get3A_654 : vector<16xf32>
      %add3A_657 = arith.addf %mul3A_655, %mul3A_656 : vector<16xf32>
      %swap3A_658 = arith.index_cast %scan3A_75 : i32 to index
      %swap3A_659 = arith.constant 560 : index
      %swap3A_660 = tpu.vector_load %arg8[%swap3A_658, %swap3A_659] {strides = array<i32>} : memref<64x768xf32, #tpu.memory_space<vmem>>, vector<1x16xf32>,
      %swap3A_661 = vector.shape_cast %swap3A_660 : vector<1x16xf32> to vector<16xf32>
      %swap3A_662 = vector.shape_cast %add3A_657 : vector<16xf32> to vector<1x16xf32>
      tpu.vector_store %arg8[%swap3A_658, %swap3A_659], %swap3A_662 {strides = array<i32>} : memref<64x768xf32, #tpu.memory_space<vmem>>, vector<1x16xf32>,
      %get3A_663 = arith.index_cast %scan3A_75 : i32 to index
      %get3A_664 = arith.constant 576 : index
      %get3A_665 = tpu.vector_load %arg8[%get3A_663, %get3A_664] {strides = array<i32>} : memref<64x768xf32, #tpu.memory_space<vmem>>, vector<1x16xf32>,
      %get3A_666 = vector.shape_cast %get3A_665 : vector<1x16xf32> to vector<16xf32>
      %get3A_667 = arith.index_cast %scan3A_75 : i32 to index
      %get3A_668 = arith.constant 576 : index
      %get3A_669 = tpu.vector_load %arg9[%get3A_667, %get3A_668] {strides = array<i32>} : memref<64x768xf32, #tpu.memory_space<vmem>>, vector<1x16xf32>,
      %get3A_670 = vector.shape_cast %get3A_669 : vector<1x16xf32> to vector<16xf32>
      %mul3A_671 = arith.mulf %get3A_81, %get3A_666 : vector<16xf32>
      %mul3A_672 = arith.mulf %get3A_87, %get3A_670 : vector<16xf32>
      %add3A_673 = arith.addf %mul3A_671, %mul3A_672 : vector<16xf32>
      %swap3A_674 = arith.index_cast %scan3A_75 : i32 to index
      %swap3A_675 = arith.constant 576 : index
      %swap3A_676 = tpu.vector_load %arg8[%swap3A_674, %swap3A_675] {strides = array<i32>} : memref<64x768xf32, #tpu.memory_space<vmem>>, vector<1x16xf32>,
      %swap3A_677 = vector.shape_cast %swap3A_676 : vector<1x16xf32> to vector<16xf32>
      %swap3A_678 = vector.shape_cast %add3A_673 : vector<16xf32> to vector<1x16xf32>
      tpu.vector_store %arg8[%swap3A_674, %swap3A_675], %swap3A_678 {strides = array<i32>} : memref<64x768xf32, #tpu.memory_space<vmem>>, vector<1x16xf32>,
      %get3A_679 = arith.index_cast %scan3A_75 : i32 to index
      %get3A_680 = arith.constant 592 : index
      %get3A_681 = tpu.vector_load %arg8[%get3A_679, %get3A_680] {strides = array<i32>} : memref<64x768xf32, #tpu.memory_space<vmem>>, vector<1x16xf32>,
      %get3A_682 = vector.shape_cast %get3A_681 : vector<1x16xf32> to vector<16xf32>
      %get3A_683 = arith.index_cast %scan3A_75 : i32 to index
      %get3A_684 = arith.constant 592 : index
      %get3A_685 = tpu.vector_load %arg9[%get3A_683, %get3A_684] {strides = array<i32>} : memref<64x768xf32, #tpu.memory_space<vmem>>, vector<1x16xf32>,
      %get3A_686 = vector.shape_cast %get3A_685 : vector<1x16xf32> to vector<16xf32>
      %mul3A_687 = arith.mulf %get3A_81, %get3A_682 : vector<16xf32>
      %mul3A_688 = arith.mulf %get3A_87, %get3A_686 : vector<16xf32>
      %add3A_689 = arith.addf %mul3A_687, %mul3A_688 : vector<16xf32>
      %swap3A_690 = arith.index_cast %scan3A_75 : i32 to index
      %swap3A_691 = arith.constant 592 : index
      %swap3A_692 = tpu.vector_load %arg8[%swap3A_690, %swap3A_691] {strides = array<i32>} : memref<64x768xf32, #tpu.memory_space<vmem>>, vector<1x16xf32>,
      %swap3A_693 = vector.shape_cast %swap3A_692 : vector<1x16xf32> to vector<16xf32>
      %swap3A_694 = vector.shape_cast %add3A_689 : vector<16xf32> to vector<1x16xf32>
      tpu.vector_store %arg8[%swap3A_690, %swap3A_691], %swap3A_694 {strides = array<i32>} : memref<64x768xf32, #tpu.memory_space<vmem>>, vector<1x16xf32>,
      %get3A_695 = arith.index_cast %scan3A_75 : i32 to index
      %get3A_696 = arith.constant 608 : index
      %get3A_697 = tpu.vector_load %arg8[%get3A_695, %get3A_696] {strides = array<i32>} : memref<64x768xf32, #tpu.memory_space<vmem>>, vector<1x16xf32>,
      %get3A_698 = vector.shape_cast %get3A_697 : vector<1x16xf32> to vector<16xf32>
      %get3A_699 = arith.index_cast %scan3A_75 : i32 to index
      %get3A_700 = arith.constant 608 : index
      %get3A_701 = tpu.vector_load %arg9[%get3A_699, %get3A_700] {strides = array<i32>} : memref<64x768xf32, #tpu.memory_space<vmem>>, vector<1x16xf32>,
      %get3A_702 = vector.shape_cast %get3A_701 : vector<1x16xf32> to vector<16xf32>
      %mul3A_703 = arith.mulf %get3A_81, %get3A_698 : vector<16xf32>
      %mul3A_704 = arith.mulf %get3A_87, %get3A_702 : vector<16xf32>
      %add3A_705 = arith.addf %mul3A_703, %mul3A_704 : vector<16xf32>
      %swap3A_706 = arith.index_cast %scan3A_75 : i32 to index
      %swap3A_707 = arith.constant 608 : index
      %swap3A_708 = tpu.vector_load %arg8[%swap3A_706, %swap3A_707] {strides = array<i32>} : memref<64x768xf32, #tpu.memory_space<vmem>>, vector<1x16xf32>,
      %swap3A_709 = vector.shape_cast %swap3A_708 : vector<1x16xf32> to vector<16xf32>
      %swap3A_710 = vector.shape_cast %add3A_705 : vector<16xf32> to vector<1x16xf32>
      tpu.vector_store %arg8[%swap3A_706, %swap3A_707], %swap3A_710 {strides = array<i32>} : memref<64x768xf32, #tpu.memory_space<vmem>>, vector<1x16xf32>,
      %get3A_711 = arith.index_cast %scan3A_75 : i32 to index
      %get3A_712 = arith.constant 624 : index
      %get3A_713 = tpu.vector_load %arg8[%get3A_711, %get3A_712] {strides = array<i32>} : memref<64x768xf32, #tpu.memory_space<vmem>>, vector<1x16xf32>,
      %get3A_714 = vector.shape_cast %get3A_713 : vector<1x16xf32> to vector<16xf32>
      %get3A_715 = arith.index_cast %scan3A_75 : i32 to index
      %get3A_716 = arith.constant 624 : index
      %get3A_717 = tpu.vector_load %arg9[%get3A_715, %get3A_716] {strides = array<i32>} : memref<64x768xf32, #tpu.memory_space<vmem>>, vector<1x16xf32>,
      %get3A_718 = vector.shape_cast %get3A_717 : vector<1x16xf32> to vector<16xf32>
      %mul3A_719 = arith.mulf %get3A_81, %get3A_714 : vector<16xf32>
      %mul3A_720 = arith.mulf %get3A_87, %get3A_718 : vector<16xf32>
      %add3A_721 = arith.addf %mul3A_719, %mul3A_720 : vector<16xf32>
      %swap3A_722 = arith.index_cast %scan3A_75 : i32 to index
      %swap3A_723 = arith.constant 624 : index
      %swap3A_724 = tpu.vector_load %arg8[%swap3A_722, %swap3A_723] {strides = array<i32>} : memref<64x768xf32, #tpu.memory_space<vmem>>, vector<1x16xf32>,
      %swap3A_725 = vector.shape_cast %swap3A_724 : vector<1x16xf32> to vector<16xf32>
      %swap3A_726 = vector.shape_cast %add3A_721 : vector<16xf32> to vector<1x16xf32>
      tpu.vector_store %arg8[%swap3A_722, %swap3A_723], %swap3A_726 {strides = array<i32>} : memref<64x768xf32, #tpu.memory_space<vmem>>, vector<1x16xf32>,
      %get3A_727 = arith.index_cast %scan3A_75 : i32 to index
      %get3A_728 = arith.constant 640 : index
      %get3A_729 = tpu.vector_load %arg8[%get3A_727, %get3A_728] {strides = array<i32>} : memref<64x768xf32, #tpu.memory_space<vmem>>, vector<1x16xf32>,
      %get3A_730 = vector.shape_cast %get3A_729 : vector<1x16xf32> to vector<16xf32>
      %get3A_731 = arith.index_cast %scan3A_75 : i32 to index
      %get3A_732 = arith.constant 640 : index
      %get3A_733 = tpu.vector_load %arg9[%get3A_731, %get3A_732] {strides = array<i32>} : memref<64x768xf32, #tpu.memory_space<vmem>>, vector<1x16xf32>,
      %get3A_734 = vector.shape_cast %get3A_733 : vector<1x16xf32> to vector<16xf32>
      %mul3A_735 = arith.mulf %get3A_81, %get3A_730 : vector<16xf32>
      %mul3A_736 = arith.mulf %get3A_87, %get3A_734 : vector<16xf32>
      %add3A_737 = arith.addf %mul3A_735, %mul3A_736 : vector<16xf32>
      %swap3A_738 = arith.index_cast %scan3A_75 : i32 to index
      %swap3A_739 = arith.constant 640 : index
      %swap3A_740 = tpu.vector_load %arg8[%swap3A_738, %swap3A_739] {strides = array<i32>} : memref<64x768xf32, #tpu.memory_space<vmem>>, vector<1x16xf32>,
      %swap3A_741 = vector.shape_cast %swap3A_740 : vector<1x16xf32> to vector<16xf32>
      %swap3A_742 = vector.shape_cast %add3A_737 : vector<16xf32> to vector<1x16xf32>
      tpu.vector_store %arg8[%swap3A_738, %swap3A_739], %swap3A_742 {strides = array<i32>} : memref<64x768xf32, #tpu.memory_space<vmem>>, vector<1x16xf32>,
      %get3A_743 = arith.index_cast %scan3A_75 : i32 to index
      %get3A_744 = arith.constant 656 : index
      %get3A_745 = tpu.vector_load %arg8[%get3A_743, %get3A_744] {strides = array<i32>} : memref<64x768xf32, #tpu.memory_space<vmem>>, vector<1x16xf32>,
      %get3A_746 = vector.shape_cast %get3A_745 : vector<1x16xf32> to vector<16xf32>
      %get3A_747 = arith.index_cast %scan3A_75 : i32 to index
      %get3A_748 = arith.constant 656 : index
      %get3A_749 = tpu.vector_load %arg9[%get3A_747, %get3A_748] {strides = array<i32>} : memref<64x768xf32, #tpu.memory_space<vmem>>, vector<1x16xf32>,
      %get3A_750 = vector.shape_cast %get3A_749 : vector<1x16xf32> to vector<16xf32>
      %mul3A_751 = arith.mulf %get3A_81, %get3A_746 : vector<16xf32>
      %mul3A_752 = arith.mulf %get3A_87, %get3A_750 : vector<16xf32>
      %add3A_753 = arith.addf %mul3A_751, %mul3A_752 : vector<16xf32>
      %swap3A_754 = arith.index_cast %scan3A_75 : i32 to index
      %swap3A_755 = arith.constant 656 : index
      %swap3A_756 = tpu.vector_load %arg8[%swap3A_754, %swap3A_755] {strides = array<i32>} : memref<64x768xf32, #tpu.memory_space<vmem>>, vector<1x16xf32>,
      %swap3A_757 = vector.shape_cast %swap3A_756 : vector<1x16xf32> to vector<16xf32>
      %swap3A_758 = vector.shape_cast %add3A_753 : vector<16xf32> to vector<1x16xf32>
      tpu.vector_store %arg8[%swap3A_754, %swap3A_755], %swap3A_758 {strides = array<i32>} : memref<64x768xf32, #tpu.memory_space<vmem>>, vector<1x16xf32>,
      %get3A_759 = arith.index_cast %scan3A_75 : i32 to index
      %get3A_760 = arith.constant 672 : index
      %get3A_761 = tpu.vector_load %arg8[%get3A_759, %get3A_760] {strides = array<i32>} : memref<64x768xf32, #tpu.memory_space<vmem>>, vector<1x16xf32>,
      %get3A_762 = vector.shape_cast %get3A_761 : vector<1x16xf32> to vector<16xf32>
      %get3A_763 = arith.index_cast %scan3A_75 : i32 to index
      %get3A_764 = arith.constant 672 : index
      %get3A_765 = tpu.vector_load %arg9[%get3A_763, %get3A_764] {strides = array<i32>} : memref<64x768xf32, #tpu.memory_space<vmem>>, vector<1x16xf32>,
      %get3A_766 = vector.shape_cast %get3A_765 : vector<1x16xf32> to vector<16xf32>
      %mul3A_767 = arith.mulf %get3A_81, %get3A_762 : vector<16xf32>
      %mul3A_768 = arith.mulf %get3A_87, %get3A_766 : vector<16xf32>
      %add3A_769 = arith.addf %mul3A_767, %mul3A_768 : vector<16xf32>
      %swap3A_770 = arith.index_cast %scan3A_75 : i32 to index
      %swap3A_771 = arith.constant 672 : index
      %swap3A_772 = tpu.vector_load %arg8[%swap3A_770, %swap3A_771] {strides = array<i32>} : memref<64x768xf32, #tpu.memory_space<vmem>>, vector<1x16xf32>,
      %swap3A_773 = vector.shape_cast %swap3A_772 : vector<1x16xf32> to vector<16xf32>
      %swap3A_774 = vector.shape_cast %add3A_769 : vector<16xf32> to vector<1x16xf32>
      tpu.vector_store %arg8[%swap3A_770, %swap3A_771], %swap3A_774 {strides = array<i32>} : memref<64x768xf32, #tpu.memory_space<vmem>>, vector<1x16xf32>,
      %get3A_775 = arith.index_cast %scan3A_75 : i32 to index
      %get3A_776 = arith.constant 688 : index
      %get3A_777 = tpu.vector_load %arg8[%get3A_775, %get3A_776] {strides = array<i32>} : memref<64x768xf32, #tpu.memory_space<vmem>>, vector<1x16xf32>,
      %get3A_778 = vector.shape_cast %get3A_777 : vector<1x16xf32> to vector<16xf32>
      %get3A_779 = arith.index_cast %scan3A_75 : i32 to index
      %get3A_780 = arith.constant 688 : index
      %get3A_781 = tpu.vector_load %arg9[%get3A_779, %get3A_780] {strides = array<i32>} : memref<64x768xf32, #tpu.memory_space<vmem>>, vector<1x16xf32>,
      %get3A_782 = vector.shape_cast %get3A_781 : vector<1x16xf32> to vector<16xf32>
      %mul3A_783 = arith.mulf %get3A_81, %get3A_778 : vector<16xf32>
      %mul3A_784 = arith.mulf %get3A_87, %get3A_782 : vector<16xf32>
      %add3A_785 = arith.addf %mul3A_783, %mul3A_784 : vector<16xf32>
      %swap3A_786 = arith.index_cast %scan3A_75 : i32 to index
      %swap3A_787 = arith.constant 688 : index
      %swap3A_788 = tpu.vector_load %arg8[%swap3A_786, %swap3A_787] {strides = array<i32>} : memref<64x768xf32, #tpu.memory_space<vmem>>, vector<1x16xf32>,
      %swap3A_789 = vector.shape_cast %swap3A_788 : vector<1x16xf32> to vector<16xf32>
      %swap3A_790 = vector.shape_cast %add3A_785 : vector<16xf32> to vector<1x16xf32>
      tpu.vector_store %arg8[%swap3A_786, %swap3A_787], %swap3A_790 {strides = array<i32>} : memref<64x768xf32, #tpu.memory_space<vmem>>, vector<1x16xf32>,
      %get3A_791 = arith.index_cast %scan3A_75 : i32 to index
      %get3A_792 = arith.constant 704 : index
      %get3A_793 = tpu.vector_load %arg8[%get3A_791, %get3A_792] {strides = array<i32>} : memref<64x768xf32, #tpu.memory_space<vmem>>, vector<1x16xf32>,
      %get3A_794 = vector.shape_cast %get3A_793 : vector<1x16xf32> to vector<16xf32>
      %get3A_795 = arith.index_cast %scan3A_75 : i32 to index
      %get3A_796 = arith.constant 704 : index
      %get3A_797 = tpu.vector_load %arg9[%get3A_795, %get3A_796] {strides = array<i32>} : memref<64x768xf32, #tpu.memory_space<vmem>>, vector<1x16xf32>,
      %get3A_798 = vector.shape_cast %get3A_797 : vector<1x16xf32> to vector<16xf32>
      %mul3A_799 = arith.mulf %get3A_81, %get3A_794 : vector<16xf32>
      %mul3A_800 = arith.mulf %get3A_87, %get3A_798 : vector<16xf32>
      %add3A_801 = arith.addf %mul3A_799, %mul3A_800 : vector<16xf32>
      %swap3A_802 = arith.index_cast %scan3A_75 : i32 to index
      %swap3A_803 = arith.constant 704 : index
      %swap3A_804 = tpu.vector_load %arg8[%swap3A_802, %swap3A_803] {strides = array<i32>} : memref<64x768xf32, #tpu.memory_space<vmem>>, vector<1x16xf32>,
      %swap3A_805 = vector.shape_cast %swap3A_804 : vector<1x16xf32> to vector<16xf32>
      %swap3A_806 = vector.shape_cast %add3A_801 : vector<16xf32> to vector<1x16xf32>
      tpu.vector_store %arg8[%swap3A_802, %swap3A_803], %swap3A_806 {strides = array<i32>} : memref<64x768xf32, #tpu.memory_space<vmem>>, vector<1x16xf32>,
      %get3A_807 = arith.index_cast %scan3A_75 : i32 to index
      %get3A_808 = arith.constant 720 : index
      %get3A_809 = tpu.vector_load %arg8[%get3A_807, %get3A_808] {strides = array<i32>} : memref<64x768xf32, #tpu.memory_space<vmem>>, vector<1x16xf32>,
      %get3A_810 = vector.shape_cast %get3A_809 : vector<1x16xf32> to vector<16xf32>
      %get3A_811 = arith.index_cast %scan3A_75 : i32 to index
      %get3A_812 = arith.constant 720 : index
      %get3A_813 = tpu.vector_load %arg9[%get3A_811, %get3A_812] {strides = array<i32>} : memref<64x768xf32, #tpu.memory_space<vmem>>, vector<1x16xf32>,
      %get3A_814 = vector.shape_cast %get3A_813 : vector<1x16xf32> to vector<16xf32>
      %mul3A_815 = arith.mulf %get3A_81, %get3A_810 : vector<16xf32>
      %mul3A_816 = arith.mulf %get3A_87, %get3A_814 : vector<16xf32>
      %add3A_817 = arith.addf %mul3A_815, %mul3A_816 : vector<16xf32>
      %swap3A_818 = arith.index_cast %scan3A_75 : i32 to index
      %swap3A_819 = arith.constant 720 : index
      %swap3A_820 = tpu.vector_load %arg8[%swap3A_818, %swap3A_819] {strides = array<i32>} : memref<64x768xf32, #tpu.memory_space<vmem>>, vector<1x16xf32>,
      %swap3A_821 = vector.shape_cast %swap3A_820 : vector<1x16xf32> to vector<16xf32>
      %swap3A_822 = vector.shape_cast %add3A_817 : vector<16xf32> to vector<1x16xf32>
      tpu.vector_store %arg8[%swap3A_818, %swap3A_819], %swap3A_822 {strides = array<i32>} : memref<64x768xf32, #tpu.memory_space<vmem>>, vector<1x16xf32>,
      %get3A_823 = arith.index_cast %scan3A_75 : i32 to index
      %get3A_824 = arith.constant 736 : index
      %get3A_825 = tpu.vector_load %arg8[%get3A_823, %get3A_824] {strides = array<i32>} : memref<64x768xf32, #tpu.memory_space<vmem>>, vector<1x16xf32>,
      %get3A_826 = vector.shape_cast %get3A_825 : vector<1x16xf32> to vector<16xf32>
      %get3A_827 = arith.index_cast %scan3A_75 : i32 to index
      %get3A_828 = arith.constant 736 : index
      %get3A_829 = tpu.vector_load %arg9[%get3A_827, %get3A_828] {strides = array<i32>} : memref<64x768xf32, #tpu.memory_space<vmem>>, vector<1x16xf32>,
      %get3A_830 = vector.shape_cast %get3A_829 : vector<1x16xf32> to vector<16xf32>
      %mul3A_831 = arith.mulf %get3A_81, %get3A_826 : vector<16xf32>
      %mul3A_832 = arith.mulf %get3A_87, %get3A_830 : vector<16xf32>
      %add3A_833 = arith.addf %mul3A_831, %mul3A_832 : vector<16xf32>
      %swap3A_834 = arith.index_cast %scan3A_75 : i32 to index
      %swap3A_835 = arith.constant 736 : index
      %swap3A_836 = tpu.vector_load %arg8[%swap3A_834, %swap3A_835] {strides = array<i32>} : memref<64x768xf32, #tpu.memory_space<vmem>>, vector<1x16xf32>,
      %swap3A_837 = vector.shape_cast %swap3A_836 : vector<1x16xf32> to vector<16xf32>
      %swap3A_838 = vector.shape_cast %add3A_833 : vector<16xf32> to vector<1x16xf32>
      tpu.vector_store %arg8[%swap3A_834, %swap3A_835], %swap3A_838 {strides = array<i32>} : memref<64x768xf32, #tpu.memory_space<vmem>>, vector<1x16xf32>,
      %get3A_839 = arith.index_cast %scan3A_75 : i32 to index
      %get3A_840 = arith.constant 752 : index
      %get3A_841 = tpu.vector_load %arg8[%get3A_839, %get3A_840] {strides = array<i32>} : memref<64x768xf32, #tpu.memory_space<vmem>>, vector<1x16xf32>,
      %get3A_842 = vector.shape_cast %get3A_841 : vector<1x16xf32> to vector<16xf32>
      %get3A_843 = arith.index_cast %scan3A_75 : i32 to index
      %get3A_844 = arith.constant 752 : index
      %get3A_845 = tpu.vector_load %arg9[%get3A_843, %get3A_844] {strides = array<i32>} : memref<64x768xf32, #tpu.memory_space<vmem>>, vector<1x16xf32>,
      %get3A_846 = vector.shape_cast %get3A_845 : vector<1x16xf32> to vector<16xf32>
      %mul3A_847 = arith.mulf %get3A_81, %get3A_842 : vector<16xf32>
      %mul3A_848 = arith.mulf %get3A_87, %get3A_846 : vector<16xf32>
      %add3A_849 = arith.addf %mul3A_847, %mul3A_848 : vector<16xf32>
      %swap3A_850 = arith.index_cast %scan3A_75 : i32 to index
      %swap3A_851 = arith.constant 752 : index
      %swap3A_852 = tpu.vector_load %arg8[%swap3A_850, %swap3A_851] {strides = array<i32>} : memref<64x768xf32, #tpu.memory_space<vmem>>, vector<1x16xf32>,
      %swap3A_853 = vector.shape_cast %swap3A_852 : vector<1x16xf32> to vector<16xf32>
      %swap3A_854 = vector.shape_cast %add3A_849 : vector<16xf32> to vector<1x16xf32>
      tpu.vector_store %arg8[%swap3A_850, %swap3A_851], %swap3A_854 {strides = array<i32>} : memref<64x768xf32, #tpu.memory_space<vmem>>, vector<1x16xf32>,
      %scan3A_855 = arith.constant 0 : i32
      scf.yield %scan3A_855 : i32
    }
    %scan3A_35 = arith.constant 64 : i32
    %add3A_36 = arith.constant 0 : i32
    %add3A_37 = arith.addi %mul3A_2, %add3A_36 : i32
    "tpu.region"() ({
      %run_scoped3A_75 = tpu.sem_alloc : memref<!tpu.dma_semaphore, #tpu.memory_space<semaphore_mem>>
      %dma_start3A_76 = arith.constant 0 : i32
      %dma_start3A_77 = tpu.memref_slice %arg5[%add3A_37, %dma_start3A_76] : memref<4096x768xf32, #tpu.memory_space<hbm>> -> memref<64x768xf32, #tpu.memory_space<hbm>>
      %dma_start3A_78 = arith.constant 0 : i32
      %dma_start3A_79 = tpu.memref_slice %arg5[%add3A_37, %dma_start3A_78] : memref<4096x768xf32, #tpu.memory_space<hbm>> -> memref<64x768xf32, #tpu.memory_space<hbm>>
      tpu.enqueue_dma source(%arg8 : memref<64x768xf32, #tpu.memory_space<vmem>>) target(%dma_start3A_79 : memref<64x768xf32, #tpu.memory_space<hbm>>) target_semaphore(%run_scoped3A_75 : memref<!tpu.dma_semaphore, #tpu.memory_space<semaphore_mem>>)
      %dma_wait3A_80 = arith.constant 0 : i32
      %dma_wait3A_81 = tpu.memref_slice %arg5[%add3A_37, %dma_wait3A_80] : memref<4096x768xf32, #tpu.memory_space<hbm>> -> memref<64x768xf32, #tpu.memory_space<hbm>>
      %dma_wait3A_82 = arith.constant 0 : i32
      %dma_wait3A_83 = tpu.memref_slice %arg5[%add3A_37, %dma_wait3A_82] : memref<4096x768xf32, #tpu.memory_space<hbm>> -> memref<64x768xf32, #tpu.memory_space<hbm>>
      tpu.wait_dma2 semaphore(%run_scoped3A_75 : memref<!tpu.dma_semaphore, #tpu.memory_space<semaphore_mem>>) src(%arg8 : memref<64x768xf32, #tpu.memory_space<vmem>>) dst(%dma_wait3A_83 : memref<64x768xf32, #tpu.memory_space<hbm>>)
      tpu.yield
    }) : () -> ()
    %dma_start3A_38 = arith.constant 1 : i32
    %dma_start3A_39 = arith.constant 0 : i32
    %dma_start3A_40 = tpu.memref_slice %arg6[%dma_start3A_38, %dma_start3A_39] : memref<4x64xi32, #tpu.memory_space<vmem>> -> memref<1x64xi32, #tpu.memory_space<vmem>>
    %dma_start3A_41 = tpu.memref_squeeze %dma_start3A_40 : memref<1x64xi32, #tpu.memory_space<vmem>> -> memref<64xi32, #tpu.memory_space<vmem>>
    %dma_start3A_42 = arith.constant 0 : i32
    %dma_start3A_43 = arith.constant 0 : i32
    %dma_start3A_44 = tpu.memref_slice %arg2[%dma_start3A_42, %dma_start3A_43] : memref<10240x768xf32, #tpu.memory_space<hbm>> -> memref<10240x768xf32, #tpu.memory_space<hbm>>
    tpu.enqueue_indirect_dma source(%dma_start3A_44 : memref<10240x768xf32, #tpu.memory_space<hbm>>) target(%arg8 : memref<64x768xf32, #tpu.memory_space<vmem>>) offsets(%dma_start3A_41 : memref<64xi32, #tpu.memory_space<vmem>>) semaphore(%arg10 : memref<!tpu.dma_semaphore, #tpu.memory_space<semaphore_mem>>)
    %dma_start3A_45 = arith.constant 3 : i32
    %dma_start3A_46 = arith.constant 0 : i32
    %dma_start3A_47 = tpu.memref_slice %arg6[%dma_start3A_45, %dma_start3A_46] : memref<4x64xi32, #tpu.memory_space<vmem>> -> memref<1x64xi32, #tpu.memory_space<vmem>>
    %dma_start3A_48 = tpu.memref_squeeze %dma_start3A_47 : memref<1x64xi32, #tpu.memory_space<vmem>> -> memref<64xi32, #tpu.memory_space<vmem>>
    %dma_start3A_49 = arith.constant 0 : i32
    %dma_start3A_50 = arith.constant 0 : i32
    %dma_start3A_51 = tpu.memref_slice %arg2[%dma_start3A_49, %dma_start3A_50] : memref<10240x768xf32, #tpu.memory_space<hbm>> -> memref<10240x768xf32, #tpu.memory_space<hbm>>
    tpu.enqueue_indirect_dma source(%dma_start3A_51 : memref<10240x768xf32, #tpu.memory_space<hbm>>) target(%arg9 : memref<64x768xf32, #tpu.memory_space<vmem>>) offsets(%dma_start3A_48 : memref<64xi32, #tpu.memory_space<vmem>>) semaphore(%arg11 : memref<!tpu.dma_semaphore, #tpu.memory_space<semaphore_mem>>)
    %dma_wait3A_52 = arith.constant 1 : i32
    %dma_wait3A_53 = arith.constant 0 : i32
    %dma_wait3A_54 = tpu.memref_slice %arg6[%dma_wait3A_52, %dma_wait3A_53] : memref<4x64xi32, #tpu.memory_space<vmem>> -> memref<1x64xi32, #tpu.memory_space<vmem>>
    %dma_wait3A_55 = tpu.memref_squeeze %dma_wait3A_54 : memref<1x64xi32, #tpu.memory_space<vmem>> -> memref<64xi32, #tpu.memory_space<vmem>>
    %dma_wait3A_56 = arith.constant 0 : i32
    %dma_wait3A_57 = arith.constant 0 : i32
    %dma_wait3A_58 = tpu.memref_slice %arg2[%dma_wait3A_56, %dma_wait3A_57] : memref<10240x768xf32, #tpu.memory_space<hbm>> -> memref<10240x768xf32, #tpu.memory_space<hbm>>
    tpu.wait_indirect_dma semaphore(%arg10 : memref<!tpu.dma_semaphore, #tpu.memory_space<semaphore_mem>>) src(%dma_wait3A_58 : memref<10240x768xf32, #tpu.memory_space<hbm>>) dst(%arg8 : memref<64x768xf32, #tpu.memory_space<vmem>>)
    %dma_wait3A_59 = arith.constant 3 : i32
    %dma_wait3A_60 = arith.constant 0 : i32
    %dma_wait3A_61 = tpu.memref_slice %arg6[%dma_wait3A_59, %dma_wait3A_60] : memref<4x64xi32, #tpu.memory_space<vmem>> -> memref<1x64xi32, #tpu.memory_space<vmem>>
    %dma_wait3A_62 = tpu.memref_squeeze %dma_wait3A_61 : memref<1x64xi32, #tpu.memory_space<vmem>> -> memref<64xi32, #tpu.memory_space<vmem>>
    %dma_wait3A_63 = arith.constant 0 : i32
    %dma_wait3A_64 = arith.constant 0 : i32
    %dma_wait3A_65 = tpu.memref_slice %arg2[%dma_wait3A_63, %dma_wait3A_64] : memref<10240x768xf32, #tpu.memory_space<hbm>> -> memref<10240x768xf32, #tpu.memory_space<hbm>>
    tpu.wait_indirect_dma semaphore(%arg11 : memref<!tpu.dma_semaphore, #tpu.memory_space<semaphore_mem>>) src(%dma_wait3A_65 : memref<10240x768xf32, #tpu.memory_space<hbm>>) dst(%arg9 : memref<64x768xf32, #tpu.memory_space<vmem>>)
    %scan3A_66 = arith.constant 0 : i32
    %scan3A_67 = arith.constant 0 : i32
    %scan3A_68 = arith.constant 64 : i32
    %scan3A_69 = arith.addi %scan3A_67, %scan3A_68 : i32
    %scan3A_70 = arith.constant 1 : i32
    %scan3A_71 = scf.for %scan3A_75 = %scan3A_67 to %scan3A_69 step %scan3A_70 iter_args(%scan3A_76 = %scan3A_66) -> (i32)  : i32 {
      %get3A = arith.constant 1 : i32
      %get3A_77 = arith.index_cast %get3A : i32 to index
      %get3A_78 = arith.index_cast %scan3A_75 : i32 to index
      %get3A_79 = arith.constant 0 : index
      %get3A_80 = tpu.vector_load %arg7[%get3A_77, %get3A_78, %get3A_79] {strides = array<i32>} : memref<2x64x32xf32, #tpu.memory_space<vmem>>, vector<1x1x16xf32>,
      %get3A_81 = vector.shape_cast %get3A_80 : vector<1x1x16xf32> to vector<16xf32>
      %get3A_82 = arith.constant 1 : i32
      %get3A_83 = arith.index_cast %get3A_82 : i32 to index
      %get3A_84 = arith.index_cast %scan3A_75 : i32 to index
      %get3A_85 = arith.constant 16 : index
      %get3A_86 = tpu.vector_load %arg7[%get3A_83, %get3A_84, %get3A_85] {strides = array<i32>} : memref<2x64x32xf32, #tpu.memory_space<vmem>>, vector<1x1x16xf32>,
      %get3A_87 = vector.shape_cast %get3A_86 : vector<1x1x16xf32> to vector<16xf32>
      %get3A_88 = arith.index_cast %scan3A_75 : i32 to index
      %get3A_89 = arith.constant 0 : index
      %get3A_90 = tpu.vector_load %arg8[%get3A_88, %get3A_89] {strides = array<i32>} : memref<64x768xf32, #tpu.memory_space<vmem>>, vector<1x16xf32>,
      %get3A_91 = vector.shape_cast %get3A_90 : vector<1x16xf32> to vector<16xf32>
      %get3A_92 = arith.index_cast %scan3A_75 : i32 to index
      %get3A_93 = arith.constant 0 : index
      %get3A_94 = tpu.vector_load %arg9[%get3A_92, %get3A_93] {strides = array<i32>} : memref<64x768xf32, #tpu.memory_space<vmem>>, vector<1x16xf32>,
      %get3A_95 = vector.shape_cast %get3A_94 : vector<1x16xf32> to vector<16xf32>
      %mul3A_96 = arith.mulf %get3A_81, %get3A_91 : vector<16xf32>
      %mul3A_97 = arith.mulf %get3A_87, %get3A_95 : vector<16xf32>
      %add3A_98 = arith.addf %mul3A_96, %mul3A_97 : vector<16xf32>
      %swap3A = arith.index_cast %scan3A_75 : i32 to index
      %swap3A_99 = arith.constant 0 : index
      %swap3A_100 = tpu.vector_load %arg8[%swap3A, %swap3A_99] {strides = array<i32>} : memref<64x768xf32, #tpu.memory_space<vmem>>, vector<1x16xf32>,
      %swap3A_101 = vector.shape_cast %swap3A_100 : vector<1x16xf32> to vector<16xf32>
      %swap3A_102 = vector.shape_cast %add3A_98 : vector<16xf32> to vector<1x16xf32>
      tpu.vector_store %arg8[%swap3A, %swap3A_99], %swap3A_102 {strides = array<i32>} : memref<64x768xf32, #tpu.memory_space<vmem>>, vector<1x16xf32>,
      %get3A_103 = arith.index_cast %scan3A_75 : i32 to index
      %get3A_104 = arith.constant 16 : index
      %get3A_105 = tpu.vector_load %arg8[%get3A_103, %get3A_104] {strides = array<i32>} : memref<64x768xf32, #tpu.memory_space<vmem>>, vector<1x16xf32>,
      %get3A_106 = vector.shape_cast %get3A_105 : vector<1x16xf32> to vector<16xf32>
      %get3A_107 = arith.index_cast %scan3A_75 : i32 to index
      %get3A_108 = arith.constant 16 : index
      %get3A_109 = tpu.vector_load %arg9[%get3A_107, %get3A_108] {strides = array<i32>} : memref<64x768xf32, #tpu.memory_space<vmem>>, vector<1x16xf32>,
      %get3A_110 = vector.shape_cast %get3A_109 : vector<1x16xf32> to vector<16xf32>
      %mul3A_111 = arith.mulf %get3A_81, %get3A_106 : vector<16xf32>
      %mul3A_112 = arith.mulf %get3A_87, %get3A_110 : vector<16xf32>
      %add3A_113 = arith.addf %mul3A_111, %mul3A_112 : vector<16xf32>
      %swap3A_114 = arith.index_cast %scan3A_75 : i32 to index
      %swap3A_115 = arith.constant 16 : index
      %swap3A_116 = tpu.vector_load %arg8[%swap3A_114, %swap3A_115] {strides = array<i32>} : memref<64x768xf32, #tpu.memory_space<vmem>>, vector<1x16xf32>,
      %swap3A_117 = vector.shape_cast %swap3A_116 : vector<1x16xf32> to vector<16xf32>
      %swap3A_118 = vector.shape_cast %add3A_113 : vector<16xf32> to vector<1x16xf32>
      tpu.vector_store %arg8[%swap3A_114, %swap3A_115], %swap3A_118 {strides = array<i32>} : memref<64x768xf32, #tpu.memory_space<vmem>>, vector<1x16xf32>,
      %get3A_119 = arith.index_cast %scan3A_75 : i32 to index
      %get3A_120 = arith.constant 32 : index
      %get3A_121 = tpu.vector_load %arg8[%get3A_119, %get3A_120] {strides = array<i32>} : memref<64x768xf32, #tpu.memory_space<vmem>>, vector<1x16xf32>,
      %get3A_122 = vector.shape_cast %get3A_121 : vector<1x16xf32> to vector<16xf32>
      %get3A_123 = arith.index_cast %scan3A_75 : i32 to index
      %get3A_124 = arith.constant 32 : index
      %get3A_125 = tpu.vector_load %arg9[%get3A_123, %get3A_124] {strides = array<i32>} : memref<64x768xf32, #tpu.memory_space<vmem>>, vector<1x16xf32>,
      %get3A_126 = vector.shape_cast %get3A_125 : vector<1x16xf32> to vector<16xf32>
      %mul3A_127 = arith.mulf %get3A_81, %get3A_122 : vector<16xf32>
      %mul3A_128 = arith.mulf %get3A_87, %get3A_126 : vector<16xf32>
      %add3A_129 = arith.addf %mul3A_127, %mul3A_128 : vector<16xf32>
      %swap3A_130 = arith.index_cast %scan3A_75 : i32 to index
      %swap3A_131 = arith.constant 32 : index
      %swap3A_132 = tpu.vector_load %arg8[%swap3A_130, %swap3A_131] {strides = array<i32>} : memref<64x768xf32, #tpu.memory_space<vmem>>, vector<1x16xf32>,
      %swap3A_133 = vector.shape_cast %swap3A_132 : vector<1x16xf32> to vector<16xf32>
      %swap3A_134 = vector.shape_cast %add3A_129 : vector<16xf32> to vector<1x16xf32>
      tpu.vector_store %arg8[%swap3A_130, %swap3A_131], %swap3A_134 {strides = array<i32>} : memref<64x768xf32, #tpu.memory_space<vmem>>, vector<1x16xf32>,
      %get3A_135 = arith.index_cast %scan3A_75 : i32 to index
      %get3A_136 = arith.constant 48 : index
      %get3A_137 = tpu.vector_load %arg8[%get3A_135, %get3A_136] {strides = array<i32>} : memref<64x768xf32, #tpu.memory_space<vmem>>, vector<1x16xf32>,
      %get3A_138 = vector.shape_cast %get3A_137 : vector<1x16xf32> to vector<16xf32>
      %get3A_139 = arith.index_cast %scan3A_75 : i32 to index
      %get3A_140 = arith.constant 48 : index
      %get3A_141 = tpu.vector_load %arg9[%get3A_139, %get3A_140] {strides = array<i32>} : memref<64x768xf32, #tpu.memory_space<vmem>>, vector<1x16xf32>,
      %get3A_142 = vector.shape_cast %get3A_141 : vector<1x16xf32> to vector<16xf32>
      %mul3A_143 = arith.mulf %get3A_81, %get3A_138 : vector<16xf32>
      %mul3A_144 = arith.mulf %get3A_87, %get3A_142 : vector<16xf32>
      %add3A_145 = arith.addf %mul3A_143, %mul3A_144 : vector<16xf32>
      %swap3A_146 = arith.index_cast %scan3A_75 : i32 to index
      %swap3A_147 = arith.constant 48 : index
      %swap3A_148 = tpu.vector_load %arg8[%swap3A_146, %swap3A_147] {strides = array<i32>} : memref<64x768xf32, #tpu.memory_space<vmem>>, vector<1x16xf32>,
      %swap3A_149 = vector.shape_cast %swap3A_148 : vector<1x16xf32> to vector<16xf32>
      %swap3A_150 = vector.shape_cast %add3A_145 : vector<16xf32> to vector<1x16xf32>
      tpu.vector_store %arg8[%swap3A_146, %swap3A_147], %swap3A_150 {strides = array<i32>} : memref<64x768xf32, #tpu.memory_space<vmem>>, vector<1x16xf32>,
      %get3A_151 = arith.index_cast %scan3A_75 : i32 to index
      %get3A_152 = arith.constant 64 : index
      %get3A_153 = tpu.vector_load %arg8[%get3A_151, %get3A_152] {strides = array<i32>} : memref<64x768xf32, #tpu.memory_space<vmem>>, vector<1x16xf32>,
      %get3A_154 = vector.shape_cast %get3A_153 : vector<1x16xf32> to vector<16xf32>
      %get3A_155 = arith.index_cast %scan3A_75 : i32 to index
      %get3A_156 = arith.constant 64 : index
      %get3A_157 = tpu.vector_load %arg9[%get3A_155, %get3A_156] {strides = array<i32>} : memref<64x768xf32, #tpu.memory_space<vmem>>, vector<1x16xf32>,
      %get3A_158 = vector.shape_cast %get3A_157 : vector<1x16xf32> to vector<16xf32>
      %mul3A_159 = arith.mulf %get3A_81, %get3A_154 : vector<16xf32>
      %mul3A_160 = arith.mulf %get3A_87, %get3A_158 : vector<16xf32>
      %add3A_161 = arith.addf %mul3A_159, %mul3A_160 : vector<16xf32>
      %swap3A_162 = arith.index_cast %scan3A_75 : i32 to index
      %swap3A_163 = arith.constant 64 : index
      %swap3A_164 = tpu.vector_load %arg8[%swap3A_162, %swap3A_163] {strides = array<i32>} : memref<64x768xf32, #tpu.memory_space<vmem>>, vector<1x16xf32>,
      %swap3A_165 = vector.shape_cast %swap3A_164 : vector<1x16xf32> to vector<16xf32>
      %swap3A_166 = vector.shape_cast %add3A_161 : vector<16xf32> to vector<1x16xf32>
      tpu.vector_store %arg8[%swap3A_162, %swap3A_163], %swap3A_166 {strides = array<i32>} : memref<64x768xf32, #tpu.memory_space<vmem>>, vector<1x16xf32>,
      %get3A_167 = arith.index_cast %scan3A_75 : i32 to index
      %get3A_168 = arith.constant 80 : index
      %get3A_169 = tpu.vector_load %arg8[%get3A_167, %get3A_168] {strides = array<i32>} : memref<64x768xf32, #tpu.memory_space<vmem>>, vector<1x16xf32>,
      %get3A_170 = vector.shape_cast %get3A_169 : vector<1x16xf32> to vector<16xf32>
      %get3A_171 = arith.index_cast %scan3A_75 : i32 to index
      %get3A_172 = arith.constant 80 : index
      %get3A_173 = tpu.vector_load %arg9[%get3A_171, %get3A_172] {strides = array<i32>} : memref<64x768xf32, #tpu.memory_space<vmem>>, vector<1x16xf32>,
      %get3A_174 = vector.shape_cast %get3A_173 : vector<1x16xf32> to vector<16xf32>
      %mul3A_175 = arith.mulf %get3A_81, %get3A_170 : vector<16xf32>
      %mul3A_176 = arith.mulf %get3A_87, %get3A_174 : vector<16xf32>
      %add3A_177 = arith.addf %mul3A_175, %mul3A_176 : vector<16xf32>
      %swap3A_178 = arith.index_cast %scan3A_75 : i32 to index
      %swap3A_179 = arith.constant 80 : index
      %swap3A_180 = tpu.vector_load %arg8[%swap3A_178, %swap3A_179] {strides = array<i32>} : memref<64x768xf32, #tpu.memory_space<vmem>>, vector<1x16xf32>,
      %swap3A_181 = vector.shape_cast %swap3A_180 : vector<1x16xf32> to vector<16xf32>
      %swap3A_182 = vector.shape_cast %add3A_177 : vector<16xf32> to vector<1x16xf32>
      tpu.vector_store %arg8[%swap3A_178, %swap3A_179], %swap3A_182 {strides = array<i32>} : memref<64x768xf32, #tpu.memory_space<vmem>>, vector<1x16xf32>,
      %get3A_183 = arith.index_cast %scan3A_75 : i32 to index
      %get3A_184 = arith.constant 96 : index
      %get3A_185 = tpu.vector_load %arg8[%get3A_183, %get3A_184] {strides = array<i32>} : memref<64x768xf32, #tpu.memory_space<vmem>>, vector<1x16xf32>,
      %get3A_186 = vector.shape_cast %get3A_185 : vector<1x16xf32> to vector<16xf32>
      %get3A_187 = arith.index_cast %scan3A_75 : i32 to index
      %get3A_188 = arith.constant 96 : index
      %get3A_189 = tpu.vector_load %arg9[%get3A_187, %get3A_188] {strides = array<i32>} : memref<64x768xf32, #tpu.memory_space<vmem>>, vector<1x16xf32>,
      %get3A_190 = vector.shape_cast %get3A_189 : vector<1x16xf32> to vector<16xf32>
      %mul3A_191 = arith.mulf %get3A_81, %get3A_186 : vector<16xf32>
      %mul3A_192 = arith.mulf %get3A_87, %get3A_190 : vector<16xf32>
      %add3A_193 = arith.addf %mul3A_191, %mul3A_192 : vector<16xf32>
      %swap3A_194 = arith.index_cast %scan3A_75 : i32 to index
      %swap3A_195 = arith.constant 96 : index
      %swap3A_196 = tpu.vector_load %arg8[%swap3A_194, %swap3A_195] {strides = array<i32>} : memref<64x768xf32, #tpu.memory_space<vmem>>, vector<1x16xf32>,
      %swap3A_197 = vector.shape_cast %swap3A_196 : vector<1x16xf32> to vector<16xf32>
      %swap3A_198 = vector.shape_cast %add3A_193 : vector<16xf32> to vector<1x16xf32>
      tpu.vector_store %arg8[%swap3A_194, %swap3A_195], %swap3A_198 {strides = array<i32>} : memref<64x768xf32, #tpu.memory_space<vmem>>, vector<1x16xf32>,
      %get3A_199 = arith.index_cast %scan3A_75 : i32 to index
      %get3A_200 = arith.constant 112 : index
      %get3A_201 = tpu.vector_load %arg8[%get3A_199, %get3A_200] {strides = array<i32>} : memref<64x768xf32, #tpu.memory_space<vmem>>, vector<1x16xf32>,
      %get3A_202 = vector.shape_cast %get3A_201 : vector<1x16xf32> to vector<16xf32>
      %get3A_203 = arith.index_cast %scan3A_75 : i32 to index
      %get3A_204 = arith.constant 112 : index
      %get3A_205 = tpu.vector_load %arg9[%get3A_203, %get3A_204] {strides = array<i32>} : memref<64x768xf32, #tpu.memory_space<vmem>>, vector<1x16xf32>,
      %get3A_206 = vector.shape_cast %get3A_205 : vector<1x16xf32> to vector<16xf32>
      %mul3A_207 = arith.mulf %get3A_81, %get3A_202 : vector<16xf32>
      %mul3A_208 = arith.mulf %get3A_87, %get3A_206 : vector<16xf32>
      %add3A_209 = arith.addf %mul3A_207, %mul3A_208 : vector<16xf32>
      %swap3A_210 = arith.index_cast %scan3A_75 : i32 to index
      %swap3A_211 = arith.constant 112 : index
      %swap3A_212 = tpu.vector_load %arg8[%swap3A_210, %swap3A_211] {strides = array<i32>} : memref<64x768xf32, #tpu.memory_space<vmem>>, vector<1x16xf32>,
      %swap3A_213 = vector.shape_cast %swap3A_212 : vector<1x16xf32> to vector<16xf32>
      %swap3A_214 = vector.shape_cast %add3A_209 : vector<16xf32> to vector<1x16xf32>
      tpu.vector_store %arg8[%swap3A_210, %swap3A_211], %swap3A_214 {strides = array<i32>} : memref<64x768xf32, #tpu.memory_space<vmem>>, vector<1x16xf32>,
      %get3A_215 = arith.index_cast %scan3A_75 : i32 to index
      %get3A_216 = arith.constant 128 : index
      %get3A_217 = tpu.vector_load %arg8[%get3A_215, %get3A_216] {strides = array<i32>} : memref<64x768xf32, #tpu.memory_space<vmem>>, vector<1x16xf32>,
      %get3A_218 = vector.shape_cast %get3A_217 : vector<1x16xf32> to vector<16xf32>
      %get3A_219 = arith.index_cast %scan3A_75 : i32 to index
      %get3A_220 = arith.constant 128 : index
      %get3A_221 = tpu.vector_load %arg9[%get3A_219, %get3A_220] {strides = array<i32>} : memref<64x768xf32, #tpu.memory_space<vmem>>, vector<1x16xf32>,
      %get3A_222 = vector.shape_cast %get3A_221 : vector<1x16xf32> to vector<16xf32>
      %mul3A_223 = arith.mulf %get3A_81, %get3A_218 : vector<16xf32>
      %mul3A_224 = arith.mulf %get3A_87, %get3A_222 : vector<16xf32>
      %add3A_225 = arith.addf %mul3A_223, %mul3A_224 : vector<16xf32>
      %swap3A_226 = arith.index_cast %scan3A_75 : i32 to index
      %swap3A_227 = arith.constant 128 : index
      %swap3A_228 = tpu.vector_load %arg8[%swap3A_226, %swap3A_227] {strides = array<i32>} : memref<64x768xf32, #tpu.memory_space<vmem>>, vector<1x16xf32>,
      %swap3A_229 = vector.shape_cast %swap3A_228 : vector<1x16xf32> to vector<16xf32>
      %swap3A_230 = vector.shape_cast %add3A_225 : vector<16xf32> to vector<1x16xf32>
      tpu.vector_store %arg8[%swap3A_226, %swap3A_227], %swap3A_230 {strides = array<i32>} : memref<64x768xf32, #tpu.memory_space<vmem>>, vector<1x16xf32>,
      %get3A_231 = arith.index_cast %scan3A_75 : i32 to index
      %get3A_232 = arith.constant 144 : index
      %get3A_233 = tpu.vector_load %arg8[%get3A_231, %get3A_232] {strides = array<i32>} : memref<64x768xf32, #tpu.memory_space<vmem>>, vector<1x16xf32>,
      %get3A_234 = vector.shape_cast %get3A_233 : vector<1x16xf32> to vector<16xf32>
      %get3A_235 = arith.index_cast %scan3A_75 : i32 to index
      %get3A_236 = arith.constant 144 : index
      %get3A_237 = tpu.vector_load %arg9[%get3A_235, %get3A_236] {strides = array<i32>} : memref<64x768xf32, #tpu.memory_space<vmem>>, vector<1x16xf32>,
      %get3A_238 = vector.shape_cast %get3A_237 : vector<1x16xf32> to vector<16xf32>
      %mul3A_239 = arith.mulf %get3A_81, %get3A_234 : vector<16xf32>
      %mul3A_240 = arith.mulf %get3A_87, %get3A_238 : vector<16xf32>
      %add3A_241 = arith.addf %mul3A_239, %mul3A_240 : vector<16xf32>
      %swap3A_242 = arith.index_cast %scan3A_75 : i32 to index
      %swap3A_243 = arith.constant 144 : index
      %swap3A_244 = tpu.vector_load %arg8[%swap3A_242, %swap3A_243] {strides = array<i32>} : memref<64x768xf32, #tpu.memory_space<vmem>>, vector<1x16xf32>,
      %swap3A_245 = vector.shape_cast %swap3A_244 : vector<1x16xf32> to vector<16xf32>
      %swap3A_246 = vector.shape_cast %add3A_241 : vector<16xf32> to vector<1x16xf32>
      tpu.vector_store %arg8[%swap3A_242, %swap3A_243], %swap3A_246 {strides = array<i32>} : memref<64x768xf32, #tpu.memory_space<vmem>>, vector<1x16xf32>,
      %get3A_247 = arith.index_cast %scan3A_75 : i32 to index
      %get3A_248 = arith.constant 160 : index
      %get3A_249 = tpu.vector_load %arg8[%get3A_247, %get3A_248] {strides = array<i32>} : memref<64x768xf32, #tpu.memory_space<vmem>>, vector<1x16xf32>,
      %get3A_250 = vector.shape_cast %get3A_249 : vector<1x16xf32> to vector<16xf32>
      %get3A_251 = arith.index_cast %scan3A_75 : i32 to index
      %get3A_252 = arith.constant 160 : index
      %get3A_253 = tpu.vector_load %arg9[%get3A_251, %get3A_252] {strides = array<i32>} : memref<64x768xf32, #tpu.memory_space<vmem>>, vector<1x16xf32>,
      %get3A_254 = vector.shape_cast %get3A_253 : vector<1x16xf32> to vector<16xf32>
      %mul3A_255 = arith.mulf %get3A_81, %get3A_250 : vector<16xf32>
      %mul3A_256 = arith.mulf %get3A_87, %get3A_254 : vector<16xf32>
      %add3A_257 = arith.addf %mul3A_255, %mul3A_256 : vector<16xf32>
      %swap3A_258 = arith.index_cast %scan3A_75 : i32 to index
      %swap3A_259 = arith.constant 160 : index
      %swap3A_260 = tpu.vector_load %arg8[%swap3A_258, %swap3A_259] {strides = array<i32>} : memref<64x768xf32, #tpu.memory_space<vmem>>, vector<1x16xf32>,
      %swap3A_261 = vector.shape_cast %swap3A_260 : vector<1x16xf32> to vector<16xf32>
      %swap3A_262 = vector.shape_cast %add3A_257 : vector<16xf32> to vector<1x16xf32>
      tpu.vector_store %arg8[%swap3A_258, %swap3A_259], %swap3A_262 {strides = array<i32>} : memref<64x768xf32, #tpu.memory_space<vmem>>, vector<1x16xf32>,
      %get3A_263 = arith.index_cast %scan3A_75 : i32 to index
      %get3A_264 = arith.constant 176 : index
      %get3A_265 = tpu.vector_load %arg8[%get3A_263, %get3A_264] {strides = array<i32>} : memref<64x768xf32, #tpu.memory_space<vmem>>, vector<1x16xf32>,
      %get3A_266 = vector.shape_cast %get3A_265 : vector<1x16xf32> to vector<16xf32>
      %get3A_267 = arith.index_cast %scan3A_75 : i32 to index
      %get3A_268 = arith.constant 176 : index
      %get3A_269 = tpu.vector_load %arg9[%get3A_267, %get3A_268] {strides = array<i32>} : memref<64x768xf32, #tpu.memory_space<vmem>>, vector<1x16xf32>,
      %get3A_270 = vector.shape_cast %get3A_269 : vector<1x16xf32> to vector<16xf32>
      %mul3A_271 = arith.mulf %get3A_81, %get3A_266 : vector<16xf32>
      %mul3A_272 = arith.mulf %get3A_87, %get3A_270 : vector<16xf32>
      %add3A_273 = arith.addf %mul3A_271, %mul3A_272 : vector<16xf32>
      %swap3A_274 = arith.index_cast %scan3A_75 : i32 to index
      %swap3A_275 = arith.constant 176 : index
      %swap3A_276 = tpu.vector_load %arg8[%swap3A_274, %swap3A_275] {strides = array<i32>} : memref<64x768xf32, #tpu.memory_space<vmem>>, vector<1x16xf32>,
      %swap3A_277 = vector.shape_cast %swap3A_276 : vector<1x16xf32> to vector<16xf32>
      %swap3A_278 = vector.shape_cast %add3A_273 : vector<16xf32> to vector<1x16xf32>
      tpu.vector_store %arg8[%swap3A_274, %swap3A_275], %swap3A_278 {strides = array<i32>} : memref<64x768xf32, #tpu.memory_space<vmem>>, vector<1x16xf32>,
      %get3A_279 = arith.index_cast %scan3A_75 : i32 to index
      %get3A_280 = arith.constant 192 : index
      %get3A_281 = tpu.vector_load %arg8[%get3A_279, %get3A_280] {strides = array<i32>} : memref<64x768xf32, #tpu.memory_space<vmem>>, vector<1x16xf32>,
      %get3A_282 = vector.shape_cast %get3A_281 : vector<1x16xf32> to vector<16xf32>
      %get3A_283 = arith.index_cast %scan3A_75 : i32 to index
      %get3A_284 = arith.constant 192 : index
      %get3A_285 = tpu.vector_load %arg9[%get3A_283, %get3A_284] {strides = array<i32>} : memref<64x768xf32, #tpu.memory_space<vmem>>, vector<1x16xf32>,
      %get3A_286 = vector.shape_cast %get3A_285 : vector<1x16xf32> to vector<16xf32>
      %mul3A_287 = arith.mulf %get3A_81, %get3A_282 : vector<16xf32>
      %mul3A_288 = arith.mulf %get3A_87, %get3A_286 : vector<16xf32>
      %add3A_289 = arith.addf %mul3A_287, %mul3A_288 : vector<16xf32>
      %swap3A_290 = arith.index_cast %scan3A_75 : i32 to index
      %swap3A_291 = arith.constant 192 : index
      %swap3A_292 = tpu.vector_load %arg8[%swap3A_290, %swap3A_291] {strides = array<i32>} : memref<64x768xf32, #tpu.memory_space<vmem>>, vector<1x16xf32>,
      %swap3A_293 = vector.shape_cast %swap3A_292 : vector<1x16xf32> to vector<16xf32>
      %swap3A_294 = vector.shape_cast %add3A_289 : vector<16xf32> to vector<1x16xf32>
      tpu.vector_store %arg8[%swap3A_290, %swap3A_291], %swap3A_294 {strides = array<i32>} : memref<64x768xf32, #tpu.memory_space<vmem>>, vector<1x16xf32>,
      %get3A_295 = arith.index_cast %scan3A_75 : i32 to index
      %get3A_296 = arith.constant 208 : index
      %get3A_297 = tpu.vector_load %arg8[%get3A_295, %get3A_296] {strides = array<i32>} : memref<64x768xf32, #tpu.memory_space<vmem>>, vector<1x16xf32>,
      %get3A_298 = vector.shape_cast %get3A_297 : vector<1x16xf32> to vector<16xf32>
      %get3A_299 = arith.index_cast %scan3A_75 : i32 to index
      %get3A_300 = arith.constant 208 : index
      %get3A_301 = tpu.vector_load %arg9[%get3A_299, %get3A_300] {strides = array<i32>} : memref<64x768xf32, #tpu.memory_space<vmem>>, vector<1x16xf32>,
      %get3A_302 = vector.shape_cast %get3A_301 : vector<1x16xf32> to vector<16xf32>
      %mul3A_303 = arith.mulf %get3A_81, %get3A_298 : vector<16xf32>
      %mul3A_304 = arith.mulf %get3A_87, %get3A_302 : vector<16xf32>
      %add3A_305 = arith.addf %mul3A_303, %mul3A_304 : vector<16xf32>
      %swap3A_306 = arith.index_cast %scan3A_75 : i32 to index
      %swap3A_307 = arith.constant 208 : index
      %swap3A_308 = tpu.vector_load %arg8[%swap3A_306, %swap3A_307] {strides = array<i32>} : memref<64x768xf32, #tpu.memory_space<vmem>>, vector<1x16xf32>,
      %swap3A_309 = vector.shape_cast %swap3A_308 : vector<1x16xf32> to vector<16xf32>
      %swap3A_310 = vector.shape_cast %add3A_305 : vector<16xf32> to vector<1x16xf32>
      tpu.vector_store %arg8[%swap3A_306, %swap3A_307], %swap3A_310 {strides = array<i32>} : memref<64x768xf32, #tpu.memory_space<vmem>>, vector<1x16xf32>,
      %get3A_311 = arith.index_cast %scan3A_75 : i32 to index
      %get3A_312 = arith.constant 224 : index
      %get3A_313 = tpu.vector_load %arg8[%get3A_311, %get3A_312] {strides = array<i32>} : memref<64x768xf32, #tpu.memory_space<vmem>>, vector<1x16xf32>,
      %get3A_314 = vector.shape_cast %get3A_313 : vector<1x16xf32> to vector<16xf32>
      %get3A_315 = arith.index_cast %scan3A_75 : i32 to index
      %get3A_316 = arith.constant 224 : index
      %get3A_317 = tpu.vector_load %arg9[%get3A_315, %get3A_316] {strides = array<i32>} : memref<64x768xf32, #tpu.memory_space<vmem>>, vector<1x16xf32>,
      %get3A_318 = vector.shape_cast %get3A_317 : vector<1x16xf32> to vector<16xf32>
      %mul3A_319 = arith.mulf %get3A_81, %get3A_314 : vector<16xf32>
      %mul3A_320 = arith.mulf %get3A_87, %get3A_318 : vector<16xf32>
      %add3A_321 = arith.addf %mul3A_319, %mul3A_320 : vector<16xf32>
      %swap3A_322 = arith.index_cast %scan3A_75 : i32 to index
      %swap3A_323 = arith.constant 224 : index
      %swap3A_324 = tpu.vector_load %arg8[%swap3A_322, %swap3A_323] {strides = array<i32>} : memref<64x768xf32, #tpu.memory_space<vmem>>, vector<1x16xf32>,
      %swap3A_325 = vector.shape_cast %swap3A_324 : vector<1x16xf32> to vector<16xf32>
      %swap3A_326 = vector.shape_cast %add3A_321 : vector<16xf32> to vector<1x16xf32>
      tpu.vector_store %arg8[%swap3A_322, %swap3A_323], %swap3A_326 {strides = array<i32>} : memref<64x768xf32, #tpu.memory_space<vmem>>, vector<1x16xf32>,
      %get3A_327 = arith.index_cast %scan3A_75 : i32 to index
      %get3A_328 = arith.constant 240 : index
      %get3A_329 = tpu.vector_load %arg8[%get3A_327, %get3A_328] {strides = array<i32>} : memref<64x768xf32, #tpu.memory_space<vmem>>, vector<1x16xf32>,
      %get3A_330 = vector.shape_cast %get3A_329 : vector<1x16xf32> to vector<16xf32>
      %get3A_331 = arith.index_cast %scan3A_75 : i32 to index
      %get3A_332 = arith.constant 240 : index
      %get3A_333 = tpu.vector_load %arg9[%get3A_331, %get3A_332] {strides = array<i32>} : memref<64x768xf32, #tpu.memory_space<vmem>>, vector<1x16xf32>,
      %get3A_334 = vector.shape_cast %get3A_333 : vector<1x16xf32> to vector<16xf32>
      %mul3A_335 = arith.mulf %get3A_81, %get3A_330 : vector<16xf32>
      %mul3A_336 = arith.mulf %get3A_87, %get3A_334 : vector<16xf32>
      %add3A_337 = arith.addf %mul3A_335, %mul3A_336 : vector<16xf32>
      %swap3A_338 = arith.index_cast %scan3A_75 : i32 to index
      %swap3A_339 = arith.constant 240 : index
      %swap3A_340 = tpu.vector_load %arg8[%swap3A_338, %swap3A_339] {strides = array<i32>} : memref<64x768xf32, #tpu.memory_space<vmem>>, vector<1x16xf32>,
      %swap3A_341 = vector.shape_cast %swap3A_340 : vector<1x16xf32> to vector<16xf32>
      %swap3A_342 = vector.shape_cast %add3A_337 : vector<16xf32> to vector<1x16xf32>
      tpu.vector_store %arg8[%swap3A_338, %swap3A_339], %swap3A_342 {strides = array<i32>} : memref<64x768xf32, #tpu.memory_space<vmem>>, vector<1x16xf32>,
      %get3A_343 = arith.index_cast %scan3A_75 : i32 to index
      %get3A_344 = arith.constant 256 : index
      %get3A_345 = tpu.vector_load %arg8[%get3A_343, %get3A_344] {strides = array<i32>} : memref<64x768xf32, #tpu.memory_space<vmem>>, vector<1x16xf32>,
      %get3A_346 = vector.shape_cast %get3A_345 : vector<1x16xf32> to vector<16xf32>
      %get3A_347 = arith.index_cast %scan3A_75 : i32 to index
      %get3A_348 = arith.constant 256 : index
      %get3A_349 = tpu.vector_load %arg9[%get3A_347, %get3A_348] {strides = array<i32>} : memref<64x768xf32, #tpu.memory_space<vmem>>, vector<1x16xf32>,
      %get3A_350 = vector.shape_cast %get3A_349 : vector<1x16xf32> to vector<16xf32>
      %mul3A_351 = arith.mulf %get3A_81, %get3A_346 : vector<16xf32>
      %mul3A_352 = arith.mulf %get3A_87, %get3A_350 : vector<16xf32>
      %add3A_353 = arith.addf %mul3A_351, %mul3A_352 : vector<16xf32>
      %swap3A_354 = arith.index_cast %scan3A_75 : i32 to index
      %swap3A_355 = arith.constant 256 : index
      %swap3A_356 = tpu.vector_load %arg8[%swap3A_354, %swap3A_355] {strides = array<i32>} : memref<64x768xf32, #tpu.memory_space<vmem>>, vector<1x16xf32>,
      %swap3A_357 = vector.shape_cast %swap3A_356 : vector<1x16xf32> to vector<16xf32>
      %swap3A_358 = vector.shape_cast %add3A_353 : vector<16xf32> to vector<1x16xf32>
      tpu.vector_store %arg8[%swap3A_354, %swap3A_355], %swap3A_358 {strides = array<i32>} : memref<64x768xf32, #tpu.memory_space<vmem>>, vector<1x16xf32>,
      %get3A_359 = arith.index_cast %scan3A_75 : i32 to index
      %get3A_360 = arith.constant 272 : index
      %get3A_361 = tpu.vector_load %arg8[%get3A_359, %get3A_360] {strides = array<i32>} : memref<64x768xf32, #tpu.memory_space<vmem>>, vector<1x16xf32>,
      %get3A_362 = vector.shape_cast %get3A_361 : vector<1x16xf32> to vector<16xf32>
      %get3A_363 = arith.index_cast %scan3A_75 : i32 to index
      %get3A_364 = arith.constant 272 : index
      %get3A_365 = tpu.vector_load %arg9[%get3A_363, %get3A_364] {strides = array<i32>} : memref<64x768xf32, #tpu.memory_space<vmem>>, vector<1x16xf32>,
      %get3A_366 = vector.shape_cast %get3A_365 : vector<1x16xf32> to vector<16xf32>
      %mul3A_367 = arith.mulf %get3A_81, %get3A_362 : vector<16xf32>
      %mul3A_368 = arith.mulf %get3A_87, %get3A_366 : vector<16xf32>
      %add3A_369 = arith.addf %mul3A_367, %mul3A_368 : vector<16xf32>
      %swap3A_370 = arith.index_cast %scan3A_75 : i32 to index
      %swap3A_371 = arith.constant 272 : index
      %swap3A_372 = tpu.vector_load %arg8[%swap3A_370, %swap3A_371] {strides = array<i32>} : memref<64x768xf32, #tpu.memory_space<vmem>>, vector<1x16xf32>,
      %swap3A_373 = vector.shape_cast %swap3A_372 : vector<1x16xf32> to vector<16xf32>
      %swap3A_374 = vector.shape_cast %add3A_369 : vector<16xf32> to vector<1x16xf32>
      tpu.vector_store %arg8[%swap3A_370, %swap3A_371], %swap3A_374 {strides = array<i32>} : memref<64x768xf32, #tpu.memory_space<vmem>>, vector<1x16xf32>,
      %get3A_375 = arith.index_cast %scan3A_75 : i32 to index
      %get3A_376 = arith.constant 288 : index
      %get3A_377 = tpu.vector_load %arg8[%get3A_375, %get3A_376] {strides = array<i32>} : memref<64x768xf32, #tpu.memory_space<vmem>>, vector<1x16xf32>,
      %get3A_378 = vector.shape_cast %get3A_377 : vector<1x16xf32> to vector<16xf32>
      %get3A_379 = arith.index_cast %scan3A_75 : i32 to index
      %get3A_380 = arith.constant 288 : index
      %get3A_381 = tpu.vector_load %arg9[%get3A_379, %get3A_380] {strides = array<i32>} : memref<64x768xf32, #tpu.memory_space<vmem>>, vector<1x16xf32>,
      %get3A_382 = vector.shape_cast %get3A_381 : vector<1x16xf32> to vector<16xf32>
      %mul3A_383 = arith.mulf %get3A_81, %get3A_378 : vector<16xf32>
      %mul3A_384 = arith.mulf %get3A_87, %get3A_382 : vector<16xf32>
      %add3A_385 = arith.addf %mul3A_383, %mul3A_384 : vector<16xf32>
      %swap3A_386 = arith.index_cast %scan3A_75 : i32 to index
      %swap3A_387 = arith.constant 288 : index
      %swap3A_388 = tpu.vector_load %arg8[%swap3A_386, %swap3A_387] {strides = array<i32>} : memref<64x768xf32, #tpu.memory_space<vmem>>, vector<1x16xf32>,
      %swap3A_389 = vector.shape_cast %swap3A_388 : vector<1x16xf32> to vector<16xf32>
      %swap3A_390 = vector.shape_cast %add3A_385 : vector<16xf32> to vector<1x16xf32>
      tpu.vector_store %arg8[%swap3A_386, %swap3A_387], %swap3A_390 {strides = array<i32>} : memref<64x768xf32, #tpu.memory_space<vmem>>, vector<1x16xf32>,
      %get3A_391 = arith.index_cast %scan3A_75 : i32 to index
      %get3A_392 = arith.constant 304 : index
      %get3A_393 = tpu.vector_load %arg8[%get3A_391, %get3A_392] {strides = array<i32>} : memref<64x768xf32, #tpu.memory_space<vmem>>, vector<1x16xf32>,
      %get3A_394 = vector.shape_cast %get3A_393 : vector<1x16xf32> to vector<16xf32>
      %get3A_395 = arith.index_cast %scan3A_75 : i32 to index
      %get3A_396 = arith.constant 304 : index
      %get3A_397 = tpu.vector_load %arg9[%get3A_395, %get3A_396] {strides = array<i32>} : memref<64x768xf32, #tpu.memory_space<vmem>>, vector<1x16xf32>,
      %get3A_398 = vector.shape_cast %get3A_397 : vector<1x16xf32> to vector<16xf32>
      %mul3A_399 = arith.mulf %get3A_81, %get3A_394 : vector<16xf32>
      %mul3A_400 = arith.mulf %get3A_87, %get3A_398 : vector<16xf32>
      %add3A_401 = arith.addf %mul3A_399, %mul3A_400 : vector<16xf32>
      %swap3A_402 = arith.index_cast %scan3A_75 : i32 to index
      %swap3A_403 = arith.constant 304 : index
      %swap3A_404 = tpu.vector_load %arg8[%swap3A_402, %swap3A_403] {strides = array<i32>} : memref<64x768xf32, #tpu.memory_space<vmem>>, vector<1x16xf32>,
      %swap3A_405 = vector.shape_cast %swap3A_404 : vector<1x16xf32> to vector<16xf32>
      %swap3A_406 = vector.shape_cast %add3A_401 : vector<16xf32> to vector<1x16xf32>
      tpu.vector_store %arg8[%swap3A_402, %swap3A_403], %swap3A_406 {strides = array<i32>} : memref<64x768xf32, #tpu.memory_space<vmem>>, vector<1x16xf32>,
      %get3A_407 = arith.index_cast %scan3A_75 : i32 to index
      %get3A_408 = arith.constant 320 : index
      %get3A_409 = tpu.vector_load %arg8[%get3A_407, %get3A_408] {strides = array<i32>} : memref<64x768xf32, #tpu.memory_space<vmem>>, vector<1x16xf32>,
      %get3A_410 = vector.shape_cast %get3A_409 : vector<1x16xf32> to vector<16xf32>
      %get3A_411 = arith.index_cast %scan3A_75 : i32 to index
      %get3A_412 = arith.constant 320 : index
      %get3A_413 = tpu.vector_load %arg9[%get3A_411, %get3A_412] {strides = array<i32>} : memref<64x768xf32, #tpu.memory_space<vmem>>, vector<1x16xf32>,
      %get3A_414 = vector.shape_cast %get3A_413 : vector<1x16xf32> to vector<16xf32>
      %mul3A_415 = arith.mulf %get3A_81, %get3A_410 : vector<16xf32>
      %mul3A_416 = arith.mulf %get3A_87, %get3A_414 : vector<16xf32>
      %add3A_417 = arith.addf %mul3A_415, %mul3A_416 : vector<16xf32>
      %swap3A_418 = arith.index_cast %scan3A_75 : i32 to index
      %swap3A_419 = arith.constant 320 : index
      %swap3A_420 = tpu.vector_load %arg8[%swap3A_418, %swap3A_419] {strides = array<i32>} : memref<64x768xf32, #tpu.memory_space<vmem>>, vector<1x16xf32>,
      %swap3A_421 = vector.shape_cast %swap3A_420 : vector<1x16xf32> to vector<16xf32>
      %swap3A_422 = vector.shape_cast %add3A_417 : vector<16xf32> to vector<1x16xf32>
      tpu.vector_store %arg8[%swap3A_418, %swap3A_419], %swap3A_422 {strides = array<i32>} : memref<64x768xf32, #tpu.memory_space<vmem>>, vector<1x16xf32>,
      %get3A_423 = arith.index_cast %scan3A_75 : i32 to index
      %get3A_424 = arith.constant 336 : index
      %get3A_425 = tpu.vector_load %arg8[%get3A_423, %get3A_424] {strides = array<i32>} : memref<64x768xf32, #tpu.memory_space<vmem>>, vector<1x16xf32>,
      %get3A_426 = vector.shape_cast %get3A_425 : vector<1x16xf32> to vector<16xf32>
      %get3A_427 = arith.index_cast %scan3A_75 : i32 to index
      %get3A_428 = arith.constant 336 : index
      %get3A_429 = tpu.vector_load %arg9[%get3A_427, %get3A_428] {strides = array<i32>} : memref<64x768xf32, #tpu.memory_space<vmem>>, vector<1x16xf32>,
      %get3A_430 = vector.shape_cast %get3A_429 : vector<1x16xf32> to vector<16xf32>
      %mul3A_431 = arith.mulf %get3A_81, %get3A_426 : vector<16xf32>
      %mul3A_432 = arith.mulf %get3A_87, %get3A_430 : vector<16xf32>
      %add3A_433 = arith.addf %mul3A_431, %mul3A_432 : vector<16xf32>
      %swap3A_434 = arith.index_cast %scan3A_75 : i32 to index
      %swap3A_435 = arith.constant 336 : index
      %swap3A_436 = tpu.vector_load %arg8[%swap3A_434, %swap3A_435] {strides = array<i32>} : memref<64x768xf32, #tpu.memory_space<vmem>>, vector<1x16xf32>,
      %swap3A_437 = vector.shape_cast %swap3A_436 : vector<1x16xf32> to vector<16xf32>
      %swap3A_438 = vector.shape_cast %add3A_433 : vector<16xf32> to vector<1x16xf32>
      tpu.vector_store %arg8[%swap3A_434, %swap3A_435], %swap3A_438 {strides = array<i32>} : memref<64x768xf32, #tpu.memory_space<vmem>>, vector<1x16xf32>,
      %get3A_439 = arith.index_cast %scan3A_75 : i32 to index
      %get3A_440 = arith.constant 352 : index
      %get3A_441 = tpu.vector_load %arg8[%get3A_439, %get3A_440] {strides = array<i32>} : memref<64x768xf32, #tpu.memory_space<vmem>>, vector<1x16xf32>,
      %get3A_442 = vector.shape_cast %get3A_441 : vector<1x16xf32> to vector<16xf32>
      %get3A_443 = arith.index_cast %scan3A_75 : i32 to index
      %get3A_444 = arith.constant 352 : index
      %get3A_445 = tpu.vector_load %arg9[%get3A_443, %get3A_444] {strides = array<i32>} : memref<64x768xf32, #tpu.memory_space<vmem>>, vector<1x16xf32>,
      %get3A_446 = vector.shape_cast %get3A_445 : vector<1x16xf32> to vector<16xf32>
      %mul3A_447 = arith.mulf %get3A_81, %get3A_442 : vector<16xf32>
      %mul3A_448 = arith.mulf %get3A_87, %get3A_446 : vector<16xf32>
      %add3A_449 = arith.addf %mul3A_447, %mul3A_448 : vector<16xf32>
      %swap3A_450 = arith.index_cast %scan3A_75 : i32 to index
      %swap3A_451 = arith.constant 352 : index
      %swap3A_452 = tpu.vector_load %arg8[%swap3A_450, %swap3A_451] {strides = array<i32>} : memref<64x768xf32, #tpu.memory_space<vmem>>, vector<1x16xf32>,
      %swap3A_453 = vector.shape_cast %swap3A_452 : vector<1x16xf32> to vector<16xf32>
      %swap3A_454 = vector.shape_cast %add3A_449 : vector<16xf32> to vector<1x16xf32>
      tpu.vector_store %arg8[%swap3A_450, %swap3A_451], %swap3A_454 {strides = array<i32>} : memref<64x768xf32, #tpu.memory_space<vmem>>, vector<1x16xf32>,
      %get3A_455 = arith.index_cast %scan3A_75 : i32 to index
      %get3A_456 = arith.constant 368 : index
      %get3A_457 = tpu.vector_load %arg8[%get3A_455, %get3A_456] {strides = array<i32>} : memref<64x768xf32, #tpu.memory_space<vmem>>, vector<1x16xf32>,
      %get3A_458 = vector.shape_cast %get3A_457 : vector<1x16xf32> to vector<16xf32>
      %get3A_459 = arith.index_cast %scan3A_75 : i32 to index
      %get3A_460 = arith.constant 368 : index
      %get3A_461 = tpu.vector_load %arg9[%get3A_459, %get3A_460] {strides = array<i32>} : memref<64x768xf32, #tpu.memory_space<vmem>>, vector<1x16xf32>,
      %get3A_462 = vector.shape_cast %get3A_461 : vector<1x16xf32> to vector<16xf32>
      %mul3A_463 = arith.mulf %get3A_81, %get3A_458 : vector<16xf32>
      %mul3A_464 = arith.mulf %get3A_87, %get3A_462 : vector<16xf32>
      %add3A_465 = arith.addf %mul3A_463, %mul3A_464 : vector<16xf32>
      %swap3A_466 = arith.index_cast %scan3A_75 : i32 to index
      %swap3A_467 = arith.constant 368 : index
      %swap3A_468 = tpu.vector_load %arg8[%swap3A_466, %swap3A_467] {strides = array<i32>} : memref<64x768xf32, #tpu.memory_space<vmem>>, vector<1x16xf32>,
      %swap3A_469 = vector.shape_cast %swap3A_468 : vector<1x16xf32> to vector<16xf32>
      %swap3A_470 = vector.shape_cast %add3A_465 : vector<16xf32> to vector<1x16xf32>
      tpu.vector_store %arg8[%swap3A_466, %swap3A_467], %swap3A_470 {strides = array<i32>} : memref<64x768xf32, #tpu.memory_space<vmem>>, vector<1x16xf32>,
      %get3A_471 = arith.index_cast %scan3A_75 : i32 to index
      %get3A_472 = arith.constant 384 : index
      %get3A_473 = tpu.vector_load %arg8[%get3A_471, %get3A_472] {strides = array<i32>} : memref<64x768xf32, #tpu.memory_space<vmem>>, vector<1x16xf32>,
      %get3A_474 = vector.shape_cast %get3A_473 : vector<1x16xf32> to vector<16xf32>
      %get3A_475 = arith.index_cast %scan3A_75 : i32 to index
      %get3A_476 = arith.constant 384 : index
      %get3A_477 = tpu.vector_load %arg9[%get3A_475, %get3A_476] {strides = array<i32>} : memref<64x768xf32, #tpu.memory_space<vmem>>, vector<1x16xf32>,
      %get3A_478 = vector.shape_cast %get3A_477 : vector<1x16xf32> to vector<16xf32>
      %mul3A_479 = arith.mulf %get3A_81, %get3A_474 : vector<16xf32>
      %mul3A_480 = arith.mulf %get3A_87, %get3A_478 : vector<16xf32>
      %add3A_481 = arith.addf %mul3A_479, %mul3A_480 : vector<16xf32>
      %swap3A_482 = arith.index_cast %scan3A_75 : i32 to index
      %swap3A_483 = arith.constant 384 : index
      %swap3A_484 = tpu.vector_load %arg8[%swap3A_482, %swap3A_483] {strides = array<i32>} : memref<64x768xf32, #tpu.memory_space<vmem>>, vector<1x16xf32>,
      %swap3A_485 = vector.shape_cast %swap3A_484 : vector<1x16xf32> to vector<16xf32>
      %swap3A_486 = vector.shape_cast %add3A_481 : vector<16xf32> to vector<1x16xf32>
      tpu.vector_store %arg8[%swap3A_482, %swap3A_483], %swap3A_486 {strides = array<i32>} : memref<64x768xf32, #tpu.memory_space<vmem>>, vector<1x16xf32>,
      %get3A_487 = arith.index_cast %scan3A_75 : i32 to index
      %get3A_488 = arith.constant 400 : index
      %get3A_489 = tpu.vector_load %arg8[%get3A_487, %get3A_488] {strides = array<i32>} : memref<64x768xf32, #tpu.memory_space<vmem>>, vector<1x16xf32>,
      %get3A_490 = vector.shape_cast %get3A_489 : vector<1x16xf32> to vector<16xf32>
      %get3A_491 = arith.index_cast %scan3A_75 : i32 to index
      %get3A_492 = arith.constant 400 : index
      %get3A_493 = tpu.vector_load %arg9[%get3A_491, %get3A_492] {strides = array<i32>} : memref<64x768xf32, #tpu.memory_space<vmem>>, vector<1x16xf32>,
      %get3A_494 = vector.shape_cast %get3A_493 : vector<1x16xf32> to vector<16xf32>
      %mul3A_495 = arith.mulf %get3A_81, %get3A_490 : vector<16xf32>
      %mul3A_496 = arith.mulf %get3A_87, %get3A_494 : vector<16xf32>
      %add3A_497 = arith.addf %mul3A_495, %mul3A_496 : vector<16xf32>
      %swap3A_498 = arith.index_cast %scan3A_75 : i32 to index
      %swap3A_499 = arith.constant 400 : index
      %swap3A_500 = tpu.vector_load %arg8[%swap3A_498, %swap3A_499] {strides = array<i32>} : memref<64x768xf32, #tpu.memory_space<vmem>>, vector<1x16xf32>,
      %swap3A_501 = vector.shape_cast %swap3A_500 : vector<1x16xf32> to vector<16xf32>
      %swap3A_502 = vector.shape_cast %add3A_497 : vector<16xf32> to vector<1x16xf32>
      tpu.vector_store %arg8[%swap3A_498, %swap3A_499], %swap3A_502 {strides = array<i32>} : memref<64x768xf32, #tpu.memory_space<vmem>>, vector<1x16xf32>,
      %get3A_503 = arith.index_cast %scan3A_75 : i32 to index
      %get3A_504 = arith.constant 416 : index
      %get3A_505 = tpu.vector_load %arg8[%get3A_503, %get3A_504] {strides = array<i32>} : memref<64x768xf32, #tpu.memory_space<vmem>>, vector<1x16xf32>,
      %get3A_506 = vector.shape_cast %get3A_505 : vector<1x16xf32> to vector<16xf32>
      %get3A_507 = arith.index_cast %scan3A_75 : i32 to index
      %get3A_508 = arith.constant 416 : index
      %get3A_509 = tpu.vector_load %arg9[%get3A_507, %get3A_508] {strides = array<i32>} : memref<64x768xf32, #tpu.memory_space<vmem>>, vector<1x16xf32>,
      %get3A_510 = vector.shape_cast %get3A_509 : vector<1x16xf32> to vector<16xf32>
      %mul3A_511 = arith.mulf %get3A_81, %get3A_506 : vector<16xf32>
      %mul3A_512 = arith.mulf %get3A_87, %get3A_510 : vector<16xf32>
      %add3A_513 = arith.addf %mul3A_511, %mul3A_512 : vector<16xf32>
      %swap3A_514 = arith.index_cast %scan3A_75 : i32 to index
      %swap3A_515 = arith.constant 416 : index
      %swap3A_516 = tpu.vector_load %arg8[%swap3A_514, %swap3A_515] {strides = array<i32>} : memref<64x768xf32, #tpu.memory_space<vmem>>, vector<1x16xf32>,
      %swap3A_517 = vector.shape_cast %swap3A_516 : vector<1x16xf32> to vector<16xf32>
      %swap3A_518 = vector.shape_cast %add3A_513 : vector<16xf32> to vector<1x16xf32>
      tpu.vector_store %arg8[%swap3A_514, %swap3A_515], %swap3A_518 {strides = array<i32>} : memref<64x768xf32, #tpu.memory_space<vmem>>, vector<1x16xf32>,
      %get3A_519 = arith.index_cast %scan3A_75 : i32 to index
      %get3A_520 = arith.constant 432 : index
      %get3A_521 = tpu.vector_load %arg8[%get3A_519, %get3A_520] {strides = array<i32>} : memref<64x768xf32, #tpu.memory_space<vmem>>, vector<1x16xf32>,
      %get3A_522 = vector.shape_cast %get3A_521 : vector<1x16xf32> to vector<16xf32>
      %get3A_523 = arith.index_cast %scan3A_75 : i32 to index
      %get3A_524 = arith.constant 432 : index
      %get3A_525 = tpu.vector_load %arg9[%get3A_523, %get3A_524] {strides = array<i32>} : memref<64x768xf32, #tpu.memory_space<vmem>>, vector<1x16xf32>,
      %get3A_526 = vector.shape_cast %get3A_525 : vector<1x16xf32> to vector<16xf32>
      %mul3A_527 = arith.mulf %get3A_81, %get3A_522 : vector<16xf32>
      %mul3A_528 = arith.mulf %get3A_87, %get3A_526 : vector<16xf32>
      %add3A_529 = arith.addf %mul3A_527, %mul3A_528 : vector<16xf32>
      %swap3A_530 = arith.index_cast %scan3A_75 : i32 to index
      %swap3A_531 = arith.constant 432 : index
      %swap3A_532 = tpu.vector_load %arg8[%swap3A_530, %swap3A_531] {strides = array<i32>} : memref<64x768xf32, #tpu.memory_space<vmem>>, vector<1x16xf32>,
      %swap3A_533 = vector.shape_cast %swap3A_532 : vector<1x16xf32> to vector<16xf32>
      %swap3A_534 = vector.shape_cast %add3A_529 : vector<16xf32> to vector<1x16xf32>
      tpu.vector_store %arg8[%swap3A_530, %swap3A_531], %swap3A_534 {strides = array<i32>} : memref<64x768xf32, #tpu.memory_space<vmem>>, vector<1x16xf32>,
      %get3A_535 = arith.index_cast %scan3A_75 : i32 to index
      %get3A_536 = arith.constant 448 : index
      %get3A_537 = tpu.vector_load %arg8[%get3A_535, %get3A_536] {strides = array<i32>} : memref<64x768xf32, #tpu.memory_space<vmem>>, vector<1x16xf32>,
      %get3A_538 = vector.shape_cast %get3A_537 : vector<1x16xf32> to vector<16xf32>
      %get3A_539 = arith.index_cast %scan3A_75 : i32 to index
      %get3A_540 = arith.constant 448 : index
      %get3A_541 = tpu.vector_load %arg9[%get3A_539, %get3A_540] {strides = array<i32>} : memref<64x768xf32, #tpu.memory_space<vmem>>, vector<1x16xf32>,
      %get3A_542 = vector.shape_cast %get3A_541 : vector<1x16xf32> to vector<16xf32>
      %mul3A_543 = arith.mulf %get3A_81, %get3A_538 : vector<16xf32>
      %mul3A_544 = arith.mulf %get3A_87, %get3A_542 : vector<16xf32>
      %add3A_545 = arith.addf %mul3A_543, %mul3A_544 : vector<16xf32>
      %swap3A_546 = arith.index_cast %scan3A_75 : i32 to index
      %swap3A_547 = arith.constant 448 : index
      %swap3A_548 = tpu.vector_load %arg8[%swap3A_546, %swap3A_547] {strides = array<i32>} : memref<64x768xf32, #tpu.memory_space<vmem>>, vector<1x16xf32>,
      %swap3A_549 = vector.shape_cast %swap3A_548 : vector<1x16xf32> to vector<16xf32>
      %swap3A_550 = vector.shape_cast %add3A_545 : vector<16xf32> to vector<1x16xf32>
      tpu.vector_store %arg8[%swap3A_546, %swap3A_547], %swap3A_550 {strides = array<i32>} : memref<64x768xf32, #tpu.memory_space<vmem>>, vector<1x16xf32>,
      %get3A_551 = arith.index_cast %scan3A_75 : i32 to index
      %get3A_552 = arith.constant 464 : index
      %get3A_553 = tpu.vector_load %arg8[%get3A_551, %get3A_552] {strides = array<i32>} : memref<64x768xf32, #tpu.memory_space<vmem>>, vector<1x16xf32>,
      %get3A_554 = vector.shape_cast %get3A_553 : vector<1x16xf32> to vector<16xf32>
      %get3A_555 = arith.index_cast %scan3A_75 : i32 to index
      %get3A_556 = arith.constant 464 : index
      %get3A_557 = tpu.vector_load %arg9[%get3A_555, %get3A_556] {strides = array<i32>} : memref<64x768xf32, #tpu.memory_space<vmem>>, vector<1x16xf32>,
      %get3A_558 = vector.shape_cast %get3A_557 : vector<1x16xf32> to vector<16xf32>
      %mul3A_559 = arith.mulf %get3A_81, %get3A_554 : vector<16xf32>
      %mul3A_560 = arith.mulf %get3A_87, %get3A_558 : vector<16xf32>
      %add3A_561 = arith.addf %mul3A_559, %mul3A_560 : vector<16xf32>
      %swap3A_562 = arith.index_cast %scan3A_75 : i32 to index
      %swap3A_563 = arith.constant 464 : index
      %swap3A_564 = tpu.vector_load %arg8[%swap3A_562, %swap3A_563] {strides = array<i32>} : memref<64x768xf32, #tpu.memory_space<vmem>>, vector<1x16xf32>,
      %swap3A_565 = vector.shape_cast %swap3A_564 : vector<1x16xf32> to vector<16xf32>
      %swap3A_566 = vector.shape_cast %add3A_561 : vector<16xf32> to vector<1x16xf32>
      tpu.vector_store %arg8[%swap3A_562, %swap3A_563], %swap3A_566 {strides = array<i32>} : memref<64x768xf32, #tpu.memory_space<vmem>>, vector<1x16xf32>,
      %get3A_567 = arith.index_cast %scan3A_75 : i32 to index
      %get3A_568 = arith.constant 480 : index
      %get3A_569 = tpu.vector_load %arg8[%get3A_567, %get3A_568] {strides = array<i32>} : memref<64x768xf32, #tpu.memory_space<vmem>>, vector<1x16xf32>,
      %get3A_570 = vector.shape_cast %get3A_569 : vector<1x16xf32> to vector<16xf32>
      %get3A_571 = arith.index_cast %scan3A_75 : i32 to index
      %get3A_572 = arith.constant 480 : index
      %get3A_573 = tpu.vector_load %arg9[%get3A_571, %get3A_572] {strides = array<i32>} : memref<64x768xf32, #tpu.memory_space<vmem>>, vector<1x16xf32>,
      %get3A_574 = vector.shape_cast %get3A_573 : vector<1x16xf32> to vector<16xf32>
      %mul3A_575 = arith.mulf %get3A_81, %get3A_570 : vector<16xf32>
      %mul3A_576 = arith.mulf %get3A_87, %get3A_574 : vector<16xf32>
      %add3A_577 = arith.addf %mul3A_575, %mul3A_576 : vector<16xf32>
      %swap3A_578 = arith.index_cast %scan3A_75 : i32 to index
      %swap3A_579 = arith.constant 480 : index
      %swap3A_580 = tpu.vector_load %arg8[%swap3A_578, %swap3A_579] {strides = array<i32>} : memref<64x768xf32, #tpu.memory_space<vmem>>, vector<1x16xf32>,
      %swap3A_581 = vector.shape_cast %swap3A_580 : vector<1x16xf32> to vector<16xf32>
      %swap3A_582 = vector.shape_cast %add3A_577 : vector<16xf32> to vector<1x16xf32>
      tpu.vector_store %arg8[%swap3A_578, %swap3A_579], %swap3A_582 {strides = array<i32>} : memref<64x768xf32, #tpu.memory_space<vmem>>, vector<1x16xf32>,
      %get3A_583 = arith.index_cast %scan3A_75 : i32 to index
      %get3A_584 = arith.constant 496 : index
      %get3A_585 = tpu.vector_load %arg8[%get3A_583, %get3A_584] {strides = array<i32>} : memref<64x768xf32, #tpu.memory_space<vmem>>, vector<1x16xf32>,
      %get3A_586 = vector.shape_cast %get3A_585 : vector<1x16xf32> to vector<16xf32>
      %get3A_587 = arith.index_cast %scan3A_75 : i32 to index
      %get3A_588 = arith.constant 496 : index
      %get3A_589 = tpu.vector_load %arg9[%get3A_587, %get3A_588] {strides = array<i32>} : memref<64x768xf32, #tpu.memory_space<vmem>>, vector<1x16xf32>,
      %get3A_590 = vector.shape_cast %get3A_589 : vector<1x16xf32> to vector<16xf32>
      %mul3A_591 = arith.mulf %get3A_81, %get3A_586 : vector<16xf32>
      %mul3A_592 = arith.mulf %get3A_87, %get3A_590 : vector<16xf32>
      %add3A_593 = arith.addf %mul3A_591, %mul3A_592 : vector<16xf32>
      %swap3A_594 = arith.index_cast %scan3A_75 : i32 to index
      %swap3A_595 = arith.constant 496 : index
      %swap3A_596 = tpu.vector_load %arg8[%swap3A_594, %swap3A_595] {strides = array<i32>} : memref<64x768xf32, #tpu.memory_space<vmem>>, vector<1x16xf32>,
      %swap3A_597 = vector.shape_cast %swap3A_596 : vector<1x16xf32> to vector<16xf32>
      %swap3A_598 = vector.shape_cast %add3A_593 : vector<16xf32> to vector<1x16xf32>
      tpu.vector_store %arg8[%swap3A_594, %swap3A_595], %swap3A_598 {strides = array<i32>} : memref<64x768xf32, #tpu.memory_space<vmem>>, vector<1x16xf32>,
      %get3A_599 = arith.index_cast %scan3A_75 : i32 to index
      %get3A_600 = arith.constant 512 : index
      %get3A_601 = tpu.vector_load %arg8[%get3A_599, %get3A_600] {strides = array<i32>} : memref<64x768xf32, #tpu.memory_space<vmem>>, vector<1x16xf32>,
      %get3A_602 = vector.shape_cast %get3A_601 : vector<1x16xf32> to vector<16xf32>
      %get3A_603 = arith.index_cast %scan3A_75 : i32 to index
      %get3A_604 = arith.constant 512 : index
      %get3A_605 = tpu.vector_load %arg9[%get3A_603, %get3A_604] {strides = array<i32>} : memref<64x768xf32, #tpu.memory_space<vmem>>, vector<1x16xf32>,
      %get3A_606 = vector.shape_cast %get3A_605 : vector<1x16xf32> to vector<16xf32>
      %mul3A_607 = arith.mulf %get3A_81, %get3A_602 : vector<16xf32>
      %mul3A_608 = arith.mulf %get3A_87, %get3A_606 : vector<16xf32>
      %add3A_609 = arith.addf %mul3A_607, %mul3A_608 : vector<16xf32>
      %swap3A_610 = arith.index_cast %scan3A_75 : i32 to index
      %swap3A_611 = arith.constant 512 : index
      %swap3A_612 = tpu.vector_load %arg8[%swap3A_610, %swap3A_611] {strides = array<i32>} : memref<64x768xf32, #tpu.memory_space<vmem>>, vector<1x16xf32>,
      %swap3A_613 = vector.shape_cast %swap3A_612 : vector<1x16xf32> to vector<16xf32>
      %swap3A_614 = vector.shape_cast %add3A_609 : vector<16xf32> to vector<1x16xf32>
      tpu.vector_store %arg8[%swap3A_610, %swap3A_611], %swap3A_614 {strides = array<i32>} : memref<64x768xf32, #tpu.memory_space<vmem>>, vector<1x16xf32>,
      %get3A_615 = arith.index_cast %scan3A_75 : i32 to index
      %get3A_616 = arith.constant 528 : index
      %get3A_617 = tpu.vector_load %arg8[%get3A_615, %get3A_616] {strides = array<i32>} : memref<64x768xf32, #tpu.memory_space<vmem>>, vector<1x16xf32>,
      %get3A_618 = vector.shape_cast %get3A_617 : vector<1x16xf32> to vector<16xf32>
      %get3A_619 = arith.index_cast %scan3A_75 : i32 to index
      %get3A_620 = arith.constant 528 : index
      %get3A_621 = tpu.vector_load %arg9[%get3A_619, %get3A_620] {strides = array<i32>} : memref<64x768xf32, #tpu.memory_space<vmem>>, vector<1x16xf32>,
      %get3A_622 = vector.shape_cast %get3A_621 : vector<1x16xf32> to vector<16xf32>
      %mul3A_623 = arith.mulf %get3A_81, %get3A_618 : vector<16xf32>
      %mul3A_624 = arith.mulf %get3A_87, %get3A_622 : vector<16xf32>
      %add3A_625 = arith.addf %mul3A_623, %mul3A_624 : vector<16xf32>
      %swap3A_626 = arith.index_cast %scan3A_75 : i32 to index
      %swap3A_627 = arith.constant 528 : index
      %swap3A_628 = tpu.vector_load %arg8[%swap3A_626, %swap3A_627] {strides = array<i32>} : memref<64x768xf32, #tpu.memory_space<vmem>>, vector<1x16xf32>,
      %swap3A_629 = vector.shape_cast %swap3A_628 : vector<1x16xf32> to vector<16xf32>
      %swap3A_630 = vector.shape_cast %add3A_625 : vector<16xf32> to vector<1x16xf32>
      tpu.vector_store %arg8[%swap3A_626, %swap3A_627], %swap3A_630 {strides = array<i32>} : memref<64x768xf32, #tpu.memory_space<vmem>>, vector<1x16xf32>,
      %get3A_631 = arith.index_cast %scan3A_75 : i32 to index
      %get3A_632 = arith.constant 544 : index
      %get3A_633 = tpu.vector_load %arg8[%get3A_631, %get3A_632] {strides = array<i32>} : memref<64x768xf32, #tpu.memory_space<vmem>>, vector<1x16xf32>,
      %get3A_634 = vector.shape_cast %get3A_633 : vector<1x16xf32> to vector<16xf32>
      %get3A_635 = arith.index_cast %scan3A_75 : i32 to index
      %get3A_636 = arith.constant 544 : index
      %get3A_637 = tpu.vector_load %arg9[%get3A_635, %get3A_636] {strides = array<i32>} : memref<64x768xf32, #tpu.memory_space<vmem>>, vector<1x16xf32>,
      %get3A_638 = vector.shape_cast %get3A_637 : vector<1x16xf32> to vector<16xf32>
      %mul3A_639 = arith.mulf %get3A_81, %get3A_634 : vector<16xf32>
      %mul3A_640 = arith.mulf %get3A_87, %get3A_638 : vector<16xf32>
      %add3A_641 = arith.addf %mul3A_639, %mul3A_640 : vector<16xf32>
      %swap3A_642 = arith.index_cast %scan3A_75 : i32 to index
      %swap3A_643 = arith.constant 544 : index
      %swap3A_644 = tpu.vector_load %arg8[%swap3A_642, %swap3A_643] {strides = array<i32>} : memref<64x768xf32, #tpu.memory_space<vmem>>, vector<1x16xf32>,
      %swap3A_645 = vector.shape_cast %swap3A_644 : vector<1x16xf32> to vector<16xf32>
      %swap3A_646 = vector.shape_cast %add3A_641 : vector<16xf32> to vector<1x16xf32>
      tpu.vector_store %arg8[%swap3A_642, %swap3A_643], %swap3A_646 {strides = array<i32>} : memref<64x768xf32, #tpu.memory_space<vmem>>, vector<1x16xf32>,
      %get3A_647 = arith.index_cast %scan3A_75 : i32 to index
      %get3A_648 = arith.constant 560 : index
      %get3A_649 = tpu.vector_load %arg8[%get3A_647, %get3A_648] {strides = array<i32>} : memref<64x768xf32, #tpu.memory_space<vmem>>, vector<1x16xf32>,
      %get3A_650 = vector.shape_cast %get3A_649 : vector<1x16xf32> to vector<16xf32>
      %get3A_651 = arith.index_cast %scan3A_75 : i32 to index
      %get3A_652 = arith.constant 560 : index
      %get3A_653 = tpu.vector_load %arg9[%get3A_651, %get3A_652] {strides = array<i32>} : memref<64x768xf32, #tpu.memory_space<vmem>>, vector<1x16xf32>,
      %get3A_654 = vector.shape_cast %get3A_653 : vector<1x16xf32> to vector<16xf32>
      %mul3A_655 = arith.mulf %get3A_81, %get3A_650 : vector<16xf32>
      %mul3A_656 = arith.mulf %get3A_87, %get3A_654 : vector<16xf32>
      %add3A_657 = arith.addf %mul3A_655, %mul3A_656 : vector<16xf32>
      %swap3A_658 = arith.index_cast %scan3A_75 : i32 to index
      %swap3A_659 = arith.constant 560 : index
      %swap3A_660 = tpu.vector_load %arg8[%swap3A_658, %swap3A_659] {strides = array<i32>} : memref<64x768xf32, #tpu.memory_space<vmem>>, vector<1x16xf32>,
      %swap3A_661 = vector.shape_cast %swap3A_660 : vector<1x16xf32> to vector<16xf32>
      %swap3A_662 = vector.shape_cast %add3A_657 : vector<16xf32> to vector<1x16xf32>
      tpu.vector_store %arg8[%swap3A_658, %swap3A_659], %swap3A_662 {strides = array<i32>} : memref<64x768xf32, #tpu.memory_space<vmem>>, vector<1x16xf32>,
      %get3A_663 = arith.index_cast %scan3A_75 : i32 to index
      %get3A_664 = arith.constant 576 : index
      %get3A_665 = tpu.vector_load %arg8[%get3A_663, %get3A_664] {strides = array<i32>} : memref<64x768xf32, #tpu.memory_space<vmem>>, vector<1x16xf32>,
      %get3A_666 = vector.shape_cast %get3A_665 : vector<1x16xf32> to vector<16xf32>
      %get3A_667 = arith.index_cast %scan3A_75 : i32 to index
      %get3A_668 = arith.constant 576 : index
      %get3A_669 = tpu.vector_load %arg9[%get3A_667, %get3A_668] {strides = array<i32>} : memref<64x768xf32, #tpu.memory_space<vmem>>, vector<1x16xf32>,
      %get3A_670 = vector.shape_cast %get3A_669 : vector<1x16xf32> to vector<16xf32>
      %mul3A_671 = arith.mulf %get3A_81, %get3A_666 : vector<16xf32>
      %mul3A_672 = arith.mulf %get3A_87, %get3A_670 : vector<16xf32>
      %add3A_673 = arith.addf %mul3A_671, %mul3A_672 : vector<16xf32>
      %swap3A_674 = arith.index_cast %scan3A_75 : i32 to index
      %swap3A_675 = arith.constant 576 : index
      %swap3A_676 = tpu.vector_load %arg8[%swap3A_674, %swap3A_675] {strides = array<i32>} : memref<64x768xf32, #tpu.memory_space<vmem>>, vector<1x16xf32>,
      %swap3A_677 = vector.shape_cast %swap3A_676 : vector<1x16xf32> to vector<16xf32>
      %swap3A_678 = vector.shape_cast %add3A_673 : vector<16xf32> to vector<1x16xf32>
      tpu.vector_store %arg8[%swap3A_674, %swap3A_675], %swap3A_678 {strides = array<i32>} : memref<64x768xf32, #tpu.memory_space<vmem>>, vector<1x16xf32>,
      %get3A_679 = arith.index_cast %scan3A_75 : i32 to index
      %get3A_680 = arith.constant 592 : index
      %get3A_681 = tpu.vector_load %arg8[%get3A_679, %get3A_680] {strides = array<i32>} : memref<64x768xf32, #tpu.memory_space<vmem>>, vector<1x16xf32>,
      %get3A_682 = vector.shape_cast %get3A_681 : vector<1x16xf32> to vector<16xf32>
      %get3A_683 = arith.index_cast %scan3A_75 : i32 to index
      %get3A_684 = arith.constant 592 : index
      %get3A_685 = tpu.vector_load %arg9[%get3A_683, %get3A_684] {strides = array<i32>} : memref<64x768xf32, #tpu.memory_space<vmem>>, vector<1x16xf32>,
      %get3A_686 = vector.shape_cast %get3A_685 : vector<1x16xf32> to vector<16xf32>
      %mul3A_687 = arith.mulf %get3A_81, %get3A_682 : vector<16xf32>
      %mul3A_688 = arith.mulf %get3A_87, %get3A_686 : vector<16xf32>
      %add3A_689 = arith.addf %mul3A_687, %mul3A_688 : vector<16xf32>
      %swap3A_690 = arith.index_cast %scan3A_75 : i32 to index
      %swap3A_691 = arith.constant 592 : index
      %swap3A_692 = tpu.vector_load %arg8[%swap3A_690, %swap3A_691] {strides = array<i32>} : memref<64x768xf32, #tpu.memory_space<vmem>>, vector<1x16xf32>,
      %swap3A_693 = vector.shape_cast %swap3A_692 : vector<1x16xf32> to vector<16xf32>
      %swap3A_694 = vector.shape_cast %add3A_689 : vector<16xf32> to vector<1x16xf32>
      tpu.vector_store %arg8[%swap3A_690, %swap3A_691], %swap3A_694 {strides = array<i32>} : memref<64x768xf32, #tpu.memory_space<vmem>>, vector<1x16xf32>,
      %get3A_695 = arith.index_cast %scan3A_75 : i32 to index
      %get3A_696 = arith.constant 608 : index
      %get3A_697 = tpu.vector_load %arg8[%get3A_695, %get3A_696] {strides = array<i32>} : memref<64x768xf32, #tpu.memory_space<vmem>>, vector<1x16xf32>,
      %get3A_698 = vector.shape_cast %get3A_697 : vector<1x16xf32> to vector<16xf32>
      %get3A_699 = arith.index_cast %scan3A_75 : i32 to index
      %get3A_700 = arith.constant 608 : index
      %get3A_701 = tpu.vector_load %arg9[%get3A_699, %get3A_700] {strides = array<i32>} : memref<64x768xf32, #tpu.memory_space<vmem>>, vector<1x16xf32>,
      %get3A_702 = vector.shape_cast %get3A_701 : vector<1x16xf32> to vector<16xf32>
      %mul3A_703 = arith.mulf %get3A_81, %get3A_698 : vector<16xf32>
      %mul3A_704 = arith.mulf %get3A_87, %get3A_702 : vector<16xf32>
      %add3A_705 = arith.addf %mul3A_703, %mul3A_704 : vector<16xf32>
      %swap3A_706 = arith.index_cast %scan3A_75 : i32 to index
      %swap3A_707 = arith.constant 608 : index
      %swap3A_708 = tpu.vector_load %arg8[%swap3A_706, %swap3A_707] {strides = array<i32>} : memref<64x768xf32, #tpu.memory_space<vmem>>, vector<1x16xf32>,
      %swap3A_709 = vector.shape_cast %swap3A_708 : vector<1x16xf32> to vector<16xf32>
      %swap3A_710 = vector.shape_cast %add3A_705 : vector<16xf32> to vector<1x16xf32>
      tpu.vector_store %arg8[%swap3A_706, %swap3A_707], %swap3A_710 {strides = array<i32>} : memref<64x768xf32, #tpu.memory_space<vmem>>, vector<1x16xf32>,
      %get3A_711 = arith.index_cast %scan3A_75 : i32 to index
      %get3A_712 = arith.constant 624 : index
      %get3A_713 = tpu.vector_load %arg8[%get3A_711, %get3A_712] {strides = array<i32>} : memref<64x768xf32, #tpu.memory_space<vmem>>, vector<1x16xf32>,
      %get3A_714 = vector.shape_cast %get3A_713 : vector<1x16xf32> to vector<16xf32>
      %get3A_715 = arith.index_cast %scan3A_75 : i32 to index
      %get3A_716 = arith.constant 624 : index
      %get3A_717 = tpu.vector_load %arg9[%get3A_715, %get3A_716] {strides = array<i32>} : memref<64x768xf32, #tpu.memory_space<vmem>>, vector<1x16xf32>,
      %get3A_718 = vector.shape_cast %get3A_717 : vector<1x16xf32> to vector<16xf32>
      %mul3A_719 = arith.mulf %get3A_81, %get3A_714 : vector<16xf32>
      %mul3A_720 = arith.mulf %get3A_87, %get3A_718 : vector<16xf32>
      %add3A_721 = arith.addf %mul3A_719, %mul3A_720 : vector<16xf32>
      %swap3A_722 = arith.index_cast %scan3A_75 : i32 to index
      %swap3A_723 = arith.constant 624 : index
      %swap3A_724 = tpu.vector_load %arg8[%swap3A_722, %swap3A_723] {strides = array<i32>} : memref<64x768xf32, #tpu.memory_space<vmem>>, vector<1x16xf32>,
      %swap3A_725 = vector.shape_cast %swap3A_724 : vector<1x16xf32> to vector<16xf32>
      %swap3A_726 = vector.shape_cast %add3A_721 : vector<16xf32> to vector<1x16xf32>
      tpu.vector_store %arg8[%swap3A_722, %swap3A_723], %swap3A_726 {strides = array<i32>} : memref<64x768xf32, #tpu.memory_space<vmem>>, vector<1x16xf32>,
      %get3A_727 = arith.index_cast %scan3A_75 : i32 to index
      %get3A_728 = arith.constant 640 : index
      %get3A_729 = tpu.vector_load %arg8[%get3A_727, %get3A_728] {strides = array<i32>} : memref<64x768xf32, #tpu.memory_space<vmem>>, vector<1x16xf32>,
      %get3A_730 = vector.shape_cast %get3A_729 : vector<1x16xf32> to vector<16xf32>
      %get3A_731 = arith.index_cast %scan3A_75 : i32 to index
      %get3A_732 = arith.constant 640 : index
      %get3A_733 = tpu.vector_load %arg9[%get3A_731, %get3A_732] {strides = array<i32>} : memref<64x768xf32, #tpu.memory_space<vmem>>, vector<1x16xf32>,
      %get3A_734 = vector.shape_cast %get3A_733 : vector<1x16xf32> to vector<16xf32>
      %mul3A_735 = arith.mulf %get3A_81, %get3A_730 : vector<16xf32>
      %mul3A_736 = arith.mulf %get3A_87, %get3A_734 : vector<16xf32>
      %add3A_737 = arith.addf %mul3A_735, %mul3A_736 : vector<16xf32>
      %swap3A_738 = arith.index_cast %scan3A_75 : i32 to index
      %swap3A_739 = arith.constant 640 : index
      %swap3A_740 = tpu.vector_load %arg8[%swap3A_738, %swap3A_739] {strides = array<i32>} : memref<64x768xf32, #tpu.memory_space<vmem>>, vector<1x16xf32>,
      %swap3A_741 = vector.shape_cast %swap3A_740 : vector<1x16xf32> to vector<16xf32>
      %swap3A_742 = vector.shape_cast %add3A_737 : vector<16xf32> to vector<1x16xf32>
      tpu.vector_store %arg8[%swap3A_738, %swap3A_739], %swap3A_742 {strides = array<i32>} : memref<64x768xf32, #tpu.memory_space<vmem>>, vector<1x16xf32>,
      %get3A_743 = arith.index_cast %scan3A_75 : i32 to index
      %get3A_744 = arith.constant 656 : index
      %get3A_745 = tpu.vector_load %arg8[%get3A_743, %get3A_744] {strides = array<i32>} : memref<64x768xf32, #tpu.memory_space<vmem>>, vector<1x16xf32>,
      %get3A_746 = vector.shape_cast %get3A_745 : vector<1x16xf32> to vector<16xf32>
      %get3A_747 = arith.index_cast %scan3A_75 : i32 to index
      %get3A_748 = arith.constant 656 : index
      %get3A_749 = tpu.vector_load %arg9[%get3A_747, %get3A_748] {strides = array<i32>} : memref<64x768xf32, #tpu.memory_space<vmem>>, vector<1x16xf32>,
      %get3A_750 = vector.shape_cast %get3A_749 : vector<1x16xf32> to vector<16xf32>
      %mul3A_751 = arith.mulf %get3A_81, %get3A_746 : vector<16xf32>
      %mul3A_752 = arith.mulf %get3A_87, %get3A_750 : vector<16xf32>
      %add3A_753 = arith.addf %mul3A_751, %mul3A_752 : vector<16xf32>
      %swap3A_754 = arith.index_cast %scan3A_75 : i32 to index
      %swap3A_755 = arith.constant 656 : index
      %swap3A_756 = tpu.vector_load %arg8[%swap3A_754, %swap3A_755] {strides = array<i32>} : memref<64x768xf32, #tpu.memory_space<vmem>>, vector<1x16xf32>,
      %swap3A_757 = vector.shape_cast %swap3A_756 : vector<1x16xf32> to vector<16xf32>
      %swap3A_758 = vector.shape_cast %add3A_753 : vector<16xf32> to vector<1x16xf32>
      tpu.vector_store %arg8[%swap3A_754, %swap3A_755], %swap3A_758 {strides = array<i32>} : memref<64x768xf32, #tpu.memory_space<vmem>>, vector<1x16xf32>,
      %get3A_759 = arith.index_cast %scan3A_75 : i32 to index
      %get3A_760 = arith.constant 672 : index
      %get3A_761 = tpu.vector_load %arg8[%get3A_759, %get3A_760] {strides = array<i32>} : memref<64x768xf32, #tpu.memory_space<vmem>>, vector<1x16xf32>,
      %get3A_762 = vector.shape_cast %get3A_761 : vector<1x16xf32> to vector<16xf32>
      %get3A_763 = arith.index_cast %scan3A_75 : i32 to index
      %get3A_764 = arith.constant 672 : index
      %get3A_765 = tpu.vector_load %arg9[%get3A_763, %get3A_764] {strides = array<i32>} : memref<64x768xf32, #tpu.memory_space<vmem>>, vector<1x16xf32>,
      %get3A_766 = vector.shape_cast %get3A_765 : vector<1x16xf32> to vector<16xf32>
      %mul3A_767 = arith.mulf %get3A_81, %get3A_762 : vector<16xf32>
      %mul3A_768 = arith.mulf %get3A_87, %get3A_766 : vector<16xf32>
      %add3A_769 = arith.addf %mul3A_767, %mul3A_768 : vector<16xf32>
      %swap3A_770 = arith.index_cast %scan3A_75 : i32 to index
      %swap3A_771 = arith.constant 672 : index
      %swap3A_772 = tpu.vector_load %arg8[%swap3A_770, %swap3A_771] {strides = array<i32>} : memref<64x768xf32, #tpu.memory_space<vmem>>, vector<1x16xf32>,
      %swap3A_773 = vector.shape_cast %swap3A_772 : vector<1x16xf32> to vector<16xf32>
      %swap3A_774 = vector.shape_cast %add3A_769 : vector<16xf32> to vector<1x16xf32>
      tpu.vector_store %arg8[%swap3A_770, %swap3A_771], %swap3A_774 {strides = array<i32>} : memref<64x768xf32, #tpu.memory_space<vmem>>, vector<1x16xf32>,
      %get3A_775 = arith.index_cast %scan3A_75 : i32 to index
      %get3A_776 = arith.constant 688 : index
      %get3A_777 = tpu.vector_load %arg8[%get3A_775, %get3A_776] {strides = array<i32>} : memref<64x768xf32, #tpu.memory_space<vmem>>, vector<1x16xf32>,
      %get3A_778 = vector.shape_cast %get3A_777 : vector<1x16xf32> to vector<16xf32>
      %get3A_779 = arith.index_cast %scan3A_75 : i32 to index
      %get3A_780 = arith.constant 688 : index
      %get3A_781 = tpu.vector_load %arg9[%get3A_779, %get3A_780] {strides = array<i32>} : memref<64x768xf32, #tpu.memory_space<vmem>>, vector<1x16xf32>,
      %get3A_782 = vector.shape_cast %get3A_781 : vector<1x16xf32> to vector<16xf32>
      %mul3A_783 = arith.mulf %get3A_81, %get3A_778 : vector<16xf32>
      %mul3A_784 = arith.mulf %get3A_87, %get3A_782 : vector<16xf32>
      %add3A_785 = arith.addf %mul3A_783, %mul3A_784 : vector<16xf32>
      %swap3A_786 = arith.index_cast %scan3A_75 : i32 to index
      %swap3A_787 = arith.constant 688 : index
      %swap3A_788 = tpu.vector_load %arg8[%swap3A_786, %swap3A_787] {strides = array<i32>} : memref<64x768xf32, #tpu.memory_space<vmem>>, vector<1x16xf32>,
      %swap3A_789 = vector.shape_cast %swap3A_788 : vector<1x16xf32> to vector<16xf32>
      %swap3A_790 = vector.shape_cast %add3A_785 : vector<16xf32> to vector<1x16xf32>
      tpu.vector_store %arg8[%swap3A_786, %swap3A_787], %swap3A_790 {strides = array<i32>} : memref<64x768xf32, #tpu.memory_space<vmem>>, vector<1x16xf32>,
      %get3A_791 = arith.index_cast %scan3A_75 : i32 to index
      %get3A_792 = arith.constant 704 : index
      %get3A_793 = tpu.vector_load %arg8[%get3A_791, %get3A_792] {strides = array<i32>} : memref<64x768xf32, #tpu.memory_space<vmem>>, vector<1x16xf32>,
      %get3A_794 = vector.shape_cast %get3A_793 : vector<1x16xf32> to vector<16xf32>
      %get3A_795 = arith.index_cast %scan3A_75 : i32 to index
      %get3A_796 = arith.constant 704 : index
      %get3A_797 = tpu.vector_load %arg9[%get3A_795, %get3A_796] {strides = array<i32>} : memref<64x768xf32, #tpu.memory_space<vmem>>, vector<1x16xf32>,
      %get3A_798 = vector.shape_cast %get3A_797 : vector<1x16xf32> to vector<16xf32>
      %mul3A_799 = arith.mulf %get3A_81, %get3A_794 : vector<16xf32>
      %mul3A_800 = arith.mulf %get3A_87, %get3A_798 : vector<16xf32>
      %add3A_801 = arith.addf %mul3A_799, %mul3A_800 : vector<16xf32>
      %swap3A_802 = arith.index_cast %scan3A_75 : i32 to index
      %swap3A_803 = arith.constant 704 : index
      %swap3A_804 = tpu.vector_load %arg8[%swap3A_802, %swap3A_803] {strides = array<i32>} : memref<64x768xf32, #tpu.memory_space<vmem>>, vector<1x16xf32>,
      %swap3A_805 = vector.shape_cast %swap3A_804 : vector<1x16xf32> to vector<16xf32>
      %swap3A_806 = vector.shape_cast %add3A_801 : vector<16xf32> to vector<1x16xf32>
      tpu.vector_store %arg8[%swap3A_802, %swap3A_803], %swap3A_806 {strides = array<i32>} : memref<64x768xf32, #tpu.memory_space<vmem>>, vector<1x16xf32>,
      %get3A_807 = arith.index_cast %scan3A_75 : i32 to index
      %get3A_808 = arith.constant 720 : index
      %get3A_809 = tpu.vector_load %arg8[%get3A_807, %get3A_808] {strides = array<i32>} : memref<64x768xf32, #tpu.memory_space<vmem>>, vector<1x16xf32>,
      %get3A_810 = vector.shape_cast %get3A_809 : vector<1x16xf32> to vector<16xf32>
      %get3A_811 = arith.index_cast %scan3A_75 : i32 to index
      %get3A_812 = arith.constant 720 : index
      %get3A_813 = tpu.vector_load %arg9[%get3A_811, %get3A_812] {strides = array<i32>} : memref<64x768xf32, #tpu.memory_space<vmem>>, vector<1x16xf32>,
      %get3A_814 = vector.shape_cast %get3A_813 : vector<1x16xf32> to vector<16xf32>
      %mul3A_815 = arith.mulf %get3A_81, %get3A_810 : vector<16xf32>
      %mul3A_816 = arith.mulf %get3A_87, %get3A_814 : vector<16xf32>
      %add3A_817 = arith.addf %mul3A_815, %mul3A_816 : vector<16xf32>
      %swap3A_818 = arith.index_cast %scan3A_75 : i32 to index
      %swap3A_819 = arith.constant 720 : index
      %swap3A_820 = tpu.vector_load %arg8[%swap3A_818, %swap3A_819] {strides = array<i32>} : memref<64x768xf32, #tpu.memory_space<vmem>>, vector<1x16xf32>,
      %swap3A_821 = vector.shape_cast %swap3A_820 : vector<1x16xf32> to vector<16xf32>
      %swap3A_822 = vector.shape_cast %add3A_817 : vector<16xf32> to vector<1x16xf32>
      tpu.vector_store %arg8[%swap3A_818, %swap3A_819], %swap3A_822 {strides = array<i32>} : memref<64x768xf32, #tpu.memory_space<vmem>>, vector<1x16xf32>,
      %get3A_823 = arith.index_cast %scan3A_75 : i32 to index
      %get3A_824 = arith.constant 736 : index
      %get3A_825 = tpu.vector_load %arg8[%get3A_823, %get3A_824] {strides = array<i32>} : memref<64x768xf32, #tpu.memory_space<vmem>>, vector<1x16xf32>,
      %get3A_826 = vector.shape_cast %get3A_825 : vector<1x16xf32> to vector<16xf32>
      %get3A_827 = arith.index_cast %scan3A_75 : i32 to index
      %get3A_828 = arith.constant 736 : index
      %get3A_829 = tpu.vector_load %arg9[%get3A_827, %get3A_828] {strides = array<i32>} : memref<64x768xf32, #tpu.memory_space<vmem>>, vector<1x16xf32>,
      %get3A_830 = vector.shape_cast %get3A_829 : vector<1x16xf32> to vector<16xf32>
      %mul3A_831 = arith.mulf %get3A_81, %get3A_826 : vector<16xf32>
      %mul3A_832 = arith.mulf %get3A_87, %get3A_830 : vector<16xf32>
      %add3A_833 = arith.addf %mul3A_831, %mul3A_832 : vector<16xf32>
      %swap3A_834 = arith.index_cast %scan3A_75 : i32 to index
      %swap3A_835 = arith.constant 736 : index
      %swap3A_836 = tpu.vector_load %arg8[%swap3A_834, %swap3A_835] {strides = array<i32>} : memref<64x768xf32, #tpu.memory_space<vmem>>, vector<1x16xf32>,
      %swap3A_837 = vector.shape_cast %swap3A_836 : vector<1x16xf32> to vector<16xf32>
      %swap3A_838 = vector.shape_cast %add3A_833 : vector<16xf32> to vector<1x16xf32>
      tpu.vector_store %arg8[%swap3A_834, %swap3A_835], %swap3A_838 {strides = array<i32>} : memref<64x768xf32, #tpu.memory_space<vmem>>, vector<1x16xf32>,
      %get3A_839 = arith.index_cast %scan3A_75 : i32 to index
      %get3A_840 = arith.constant 752 : index
      %get3A_841 = tpu.vector_load %arg8[%get3A_839, %get3A_840] {strides = array<i32>} : memref<64x768xf32, #tpu.memory_space<vmem>>, vector<1x16xf32>,
      %get3A_842 = vector.shape_cast %get3A_841 : vector<1x16xf32> to vector<16xf32>
      %get3A_843 = arith.index_cast %scan3A_75 : i32 to index
      %get3A_844 = arith.constant 752 : index
      %get3A_845 = tpu.vector_load %arg9[%get3A_843, %get3A_844] {strides = array<i32>} : memref<64x768xf32, #tpu.memory_space<vmem>>, vector<1x16xf32>,
      %get3A_846 = vector.shape_cast %get3A_845 : vector<1x16xf32> to vector<16xf32>
      %mul3A_847 = arith.mulf %get3A_81, %get3A_842 : vector<16xf32>
      %mul3A_848 = arith.mulf %get3A_87, %get3A_846 : vector<16xf32>
      %add3A_849 = arith.addf %mul3A_847, %mul3A_848 : vector<16xf32>
      %swap3A_850 = arith.index_cast %scan3A_75 : i32 to index
      %swap3A_851 = arith.constant 752 : index
      %swap3A_852 = tpu.vector_load %arg8[%swap3A_850, %swap3A_851] {strides = array<i32>} : memref<64x768xf32, #tpu.memory_space<vmem>>, vector<1x16xf32>,
      %swap3A_853 = vector.shape_cast %swap3A_852 : vector<1x16xf32> to vector<16xf32>
      %swap3A_854 = vector.shape_cast %add3A_849 : vector<16xf32> to vector<1x16xf32>
      tpu.vector_store %arg8[%swap3A_850, %swap3A_851], %swap3A_854 {strides = array<i32>} : memref<64x768xf32, #tpu.memory_space<vmem>>, vector<1x16xf32>,
      %scan3A_855 = arith.constant 0 : i32
      scf.yield %scan3A_855 : i32
    }
    %scan3A_72 = arith.constant 64 : i32
    %add3A_73 = arith.constant 64 : i32
    %add3A_74 = arith.addi %mul3A_2, %add3A_73 : i32
    "tpu.region"() ({
      %run_scoped3A_75 = tpu.sem_alloc : memref<!tpu.dma_semaphore, #tpu.memory_space<semaphore_mem>>
      %dma_start3A_76 = arith.constant 0 : i32
      %dma_start3A_77 = tpu.memref_slice %arg5[%add3A_74, %dma_start3A_76] : memref<4096x768xf32, #tpu.memory_space<hbm>> -> memref<64x768xf32, #tpu.memory_space<hbm>>
      %dma_start3A_78 = arith.constant 0 : i32
      %dma_start3A_79 = tpu.memref_slice %arg5[%add3A_74, %dma_start3A_78] : memref<4096x768xf32, #tpu.memory_space<hbm>> -> memref<64x768xf32, #tpu.memory_space<hbm>>
      tpu.enqueue_dma source(%arg8 : memref<64x768xf32, #tpu.memory_space<vmem>>) target(%dma_start3A_79 : memref<64x768xf32, #tpu.memory_space<hbm>>) target_semaphore(%run_scoped3A_75 : memref<!tpu.dma_semaphore, #tpu.memory_space<semaphore_mem>>)
      %dma_wait3A_80 = arith.constant 0 : i32
      %dma_wait3A_81 = tpu.memref_slice %arg5[%add3A_74, %dma_wait3A_80] : memref<4096x768xf32, #tpu.memory_space<hbm>> -> memref<64x768xf32, #tpu.memory_space<hbm>>
      %dma_wait3A_82 = arith.constant 0 : i32
      %dma_wait3A_83 = tpu.memref_slice %arg5[%add3A_74, %dma_wait3A_82] : memref<4096x768xf32, #tpu.memory_space<hbm>> -> memref<64x768xf32, #tpu.memory_space<hbm>>
      tpu.wait_dma2 semaphore(%run_scoped3A_75 : memref<!tpu.dma_semaphore, #tpu.memory_space<semaphore_mem>>) src(%arg8 : memref<64x768xf32, #tpu.memory_space<vmem>>) dst(%dma_wait3A_83 : memref<64x768xf32, #tpu.memory_space<hbm>>)
      tpu.yield
    }) : () -> ()
    return
  }
}

#map = affine_map<(d0, d1) -> (0, 0)>
#map1 = affine_map<(d0, d1) -> (0, 0, 0, 0)>
module attributes {stable_mosaic.version = 14 : i64} {
  func.func @_scatter(%arg0: i32, %arg1: i32, %arg2: memref<4096x768xf32, #tpu.memory_space<hbm>>, %arg3: memref<2x32x2x64xi32, #tpu.memory_space<hbm>>, %arg4: memref<10240x768xf32, #tpu.memory_space<hbm>>, %arg5: memref<4x64xi32, #tpu.memory_space<vmem>>, %arg6: memref<64x768xf32, #tpu.memory_space<vmem>>, %arg7: memref<!tpu.dma_semaphore, #tpu.memory_space<semaphore_mem>>, %arg8: memref<!tpu.dma_semaphore, #tpu.memory_space<semaphore_mem>>) attributes {dimension_semantics = [#tpu.dimension_semantics<core_parallel>, #tpu.dimension_semantics<subcore_parallel>], iteration_bounds = array<i64: 2, 16>, scalar_prefetch = 0 : i64, scratch_operands = 4 : i64, tpu.core_type = #tpu.core_type<sc_vector_subcore>, window_params = [{transform_indices = #map}, {transform_indices = #map1}, {transform_indices = #map}]} {
    %mul3A = arith.constant 2 : i32
    %mul3A_0 = arith.muli %arg1, %mul3A : i32
    %add3A = arith.addi %mul3A_0, %arg0 : i32
    %mul3A_1 = arith.constant 128 : i32
    %mul3A_2 = arith.muli %add3A, %mul3A_1 : i32
    %run_scoped3A = arith.constant 0 : i32
    "tpu.region"() ({
      %run_scoped3A_62 = tpu.sem_alloc : memref<!tpu.dma_semaphore, #tpu.memory_space<semaphore_mem>>
      %dma_start3A_63 = arith.constant 0 : i32
      %dma_start3A_64 = arith.constant 0 : i32
      %dma_start3A_65 = tpu.memref_slice %arg5[%dma_start3A_63, %dma_start3A_64] : memref<4x64xi32, #tpu.memory_space<vmem>> -> memref<2x64xi32, #tpu.memory_space<vmem>>
      %dma_start3A_66 = arith.constant 0 : i32
      %dma_start3A_67 = arith.constant 0 : i32
      %dma_start3A_68 = tpu.memref_slice %arg3[%run_scoped3A, %add3A, %dma_start3A_66, %dma_start3A_67] : memref<2x32x2x64xi32, #tpu.memory_space<hbm>> -> memref<1x1x2x64xi32, #tpu.memory_space<hbm>>
      %dma_start3A_69 = tpu.memref_squeeze %dma_start3A_68 : memref<1x1x2x64xi32, #tpu.memory_space<hbm>> -> memref<2x64xi32, #tpu.memory_space<hbm>>
      %dma_start3A_70 = arith.constant 0 : i32
      %dma_start3A_71 = arith.constant 0 : i32
      %dma_start3A_72 = tpu.memref_slice %arg5[%dma_start3A_70, %dma_start3A_71] : memref<4x64xi32, #tpu.memory_space<vmem>> -> memref<2x64xi32, #tpu.memory_space<vmem>>
      %dma_start3A_73 = arith.constant 0 : i32
      %dma_start3A_74 = arith.constant 0 : i32
      %dma_start3A_75 = tpu.memref_slice %arg3[%run_scoped3A, %add3A, %dma_start3A_73, %dma_start3A_74] : memref<2x32x2x64xi32, #tpu.memory_space<hbm>> -> memref<1x1x2x64xi32, #tpu.memory_space<hbm>>
      %dma_start3A_76 = tpu.memref_squeeze %dma_start3A_75 : memref<1x1x2x64xi32, #tpu.memory_space<hbm>> -> memref<2x64xi32, #tpu.memory_space<hbm>>
      tpu.enqueue_dma source(%dma_start3A_76 : memref<2x64xi32, #tpu.memory_space<hbm>>) target(%dma_start3A_72 : memref<2x64xi32, #tpu.memory_space<vmem>>) target_semaphore(%run_scoped3A_62 : memref<!tpu.dma_semaphore, #tpu.memory_space<semaphore_mem>>)
      %dma_wait3A_77 = arith.constant 0 : i32
      %dma_wait3A_78 = arith.constant 0 : i32
      %dma_wait3A_79 = tpu.memref_slice %arg5[%dma_wait3A_77, %dma_wait3A_78] : memref<4x64xi32, #tpu.memory_space<vmem>> -> memref<2x64xi32, #tpu.memory_space<vmem>>
      %dma_wait3A_80 = arith.constant 0 : i32
      %dma_wait3A_81 = arith.constant 0 : i32
      %dma_wait3A_82 = tpu.memref_slice %arg3[%run_scoped3A, %add3A, %dma_wait3A_80, %dma_wait3A_81] : memref<2x32x2x64xi32, #tpu.memory_space<hbm>> -> memref<1x1x2x64xi32, #tpu.memory_space<hbm>>
      %dma_wait3A_83 = tpu.memref_squeeze %dma_wait3A_82 : memref<1x1x2x64xi32, #tpu.memory_space<hbm>> -> memref<2x64xi32, #tpu.memory_space<hbm>>
      %dma_wait3A_84 = arith.constant 0 : i32
      %dma_wait3A_85 = arith.constant 0 : i32
      %dma_wait3A_86 = tpu.memref_slice %arg5[%dma_wait3A_84, %dma_wait3A_85] : memref<4x64xi32, #tpu.memory_space<vmem>> -> memref<2x64xi32, #tpu.memory_space<vmem>>
      %dma_wait3A_87 = arith.constant 0 : i32
      %dma_wait3A_88 = arith.constant 0 : i32
      %dma_wait3A_89 = tpu.memref_slice %arg3[%run_scoped3A, %add3A, %dma_wait3A_87, %dma_wait3A_88] : memref<2x32x2x64xi32, #tpu.memory_space<hbm>> -> memref<1x1x2x64xi32, #tpu.memory_space<hbm>>
      %dma_wait3A_90 = tpu.memref_squeeze %dma_wait3A_89 : memref<1x1x2x64xi32, #tpu.memory_space<hbm>> -> memref<2x64xi32, #tpu.memory_space<hbm>>
      tpu.wait_dma2 semaphore(%run_scoped3A_62 : memref<!tpu.dma_semaphore, #tpu.memory_space<semaphore_mem>>) src(%dma_wait3A_90 : memref<2x64xi32, #tpu.memory_space<hbm>>) dst(%dma_wait3A_86 : memref<2x64xi32, #tpu.memory_space<vmem>>)
      tpu.yield
    }) : () -> ()
    %run_scoped3A_3 = arith.constant 1 : i32
    "tpu.region"() ({
      %run_scoped3A_62 = tpu.sem_alloc : memref<!tpu.dma_semaphore, #tpu.memory_space<semaphore_mem>>
      %dma_start3A_63 = arith.constant 2 : i32
      %dma_start3A_64 = arith.constant 0 : i32
      %dma_start3A_65 = tpu.memref_slice %arg5[%dma_start3A_63, %dma_start3A_64] : memref<4x64xi32, #tpu.memory_space<vmem>> -> memref<2x64xi32, #tpu.memory_space<vmem>>
      %dma_start3A_66 = arith.constant 0 : i32
      %dma_start3A_67 = arith.constant 0 : i32
      %dma_start3A_68 = tpu.memref_slice %arg3[%run_scoped3A_3, %add3A, %dma_start3A_66, %dma_start3A_67] : memref<2x32x2x64xi32, #tpu.memory_space<hbm>> -> memref<1x1x2x64xi32, #tpu.memory_space<hbm>>
      %dma_start3A_69 = tpu.memref_squeeze %dma_start3A_68 : memref<1x1x2x64xi32, #tpu.memory_space<hbm>> -> memref<2x64xi32, #tpu.memory_space<hbm>>
      %dma_start3A_70 = arith.constant 2 : i32
      %dma_start3A_71 = arith.constant 0 : i32
      %dma_start3A_72 = tpu.memref_slice %arg5[%dma_start3A_70, %dma_start3A_71] : memref<4x64xi32, #tpu.memory_space<vmem>> -> memref<2x64xi32, #tpu.memory_space<vmem>>
      %dma_start3A_73 = arith.constant 0 : i32
      %dma_start3A_74 = arith.constant 0 : i32
      %dma_start3A_75 = tpu.memref_slice %arg3[%run_scoped3A_3, %add3A, %dma_start3A_73, %dma_start3A_74] : memref<2x32x2x64xi32, #tpu.memory_space<hbm>> -> memref<1x1x2x64xi32, #tpu.memory_space<hbm>>
      %dma_start3A_76 = tpu.memref_squeeze %dma_start3A_75 : memref<1x1x2x64xi32, #tpu.memory_space<hbm>> -> memref<2x64xi32, #tpu.memory_space<hbm>>
      tpu.enqueue_dma source(%dma_start3A_76 : memref<2x64xi32, #tpu.memory_space<hbm>>) target(%dma_start3A_72 : memref<2x64xi32, #tpu.memory_space<vmem>>) target_semaphore(%run_scoped3A_62 : memref<!tpu.dma_semaphore, #tpu.memory_space<semaphore_mem>>)
      %dma_wait3A_77 = arith.constant 2 : i32
      %dma_wait3A_78 = arith.constant 0 : i32
      %dma_wait3A_79 = tpu.memref_slice %arg5[%dma_wait3A_77, %dma_wait3A_78] : memref<4x64xi32, #tpu.memory_space<vmem>> -> memref<2x64xi32, #tpu.memory_space<vmem>>
      %dma_wait3A_80 = arith.constant 0 : i32
      %dma_wait3A_81 = arith.constant 0 : i32
      %dma_wait3A_82 = tpu.memref_slice %arg3[%run_scoped3A_3, %add3A, %dma_wait3A_80, %dma_wait3A_81] : memref<2x32x2x64xi32, #tpu.memory_space<hbm>> -> memref<1x1x2x64xi32, #tpu.memory_space<hbm>>
      %dma_wait3A_83 = tpu.memref_squeeze %dma_wait3A_82 : memref<1x1x2x64xi32, #tpu.memory_space<hbm>> -> memref<2x64xi32, #tpu.memory_space<hbm>>
      %dma_wait3A_84 = arith.constant 2 : i32
      %dma_wait3A_85 = arith.constant 0 : i32
      %dma_wait3A_86 = tpu.memref_slice %arg5[%dma_wait3A_84, %dma_wait3A_85] : memref<4x64xi32, #tpu.memory_space<vmem>> -> memref<2x64xi32, #tpu.memory_space<vmem>>
      %dma_wait3A_87 = arith.constant 0 : i32
      %dma_wait3A_88 = arith.constant 0 : i32
      %dma_wait3A_89 = tpu.memref_slice %arg3[%run_scoped3A_3, %add3A, %dma_wait3A_87, %dma_wait3A_88] : memref<2x32x2x64xi32, #tpu.memory_space<hbm>> -> memref<1x1x2x64xi32, #tpu.memory_space<hbm>>
      %dma_wait3A_90 = tpu.memref_squeeze %dma_wait3A_89 : memref<1x1x2x64xi32, #tpu.memory_space<hbm>> -> memref<2x64xi32, #tpu.memory_space<hbm>>
      tpu.wait_dma2 semaphore(%run_scoped3A_62 : memref<!tpu.dma_semaphore, #tpu.memory_space<semaphore_mem>>) src(%dma_wait3A_90 : memref<2x64xi32, #tpu.memory_space<hbm>>) dst(%dma_wait3A_86 : memref<2x64xi32, #tpu.memory_space<vmem>>)
      tpu.yield
    }) : () -> ()
    %add3A_4 = arith.constant 0 : i32
    %add3A_5 = arith.addi %mul3A_2, %add3A_4 : i32
    "tpu.region"() ({
      %run_scoped3A_62 = tpu.sem_alloc : memref<!tpu.dma_semaphore, #tpu.memory_space<semaphore_mem>>
      %dma_start3A_63 = arith.constant 0 : i32
      %dma_start3A_64 = tpu.memref_slice %arg2[%add3A_5, %dma_start3A_63] : memref<4096x768xf32, #tpu.memory_space<hbm>> -> memref<64x768xf32, #tpu.memory_space<hbm>>
      %dma_start3A_65 = arith.constant 0 : i32
      %dma_start3A_66 = tpu.memref_slice %arg2[%add3A_5, %dma_start3A_65] : memref<4096x768xf32, #tpu.memory_space<hbm>> -> memref<64x768xf32, #tpu.memory_space<hbm>>
      tpu.enqueue_dma source(%dma_start3A_66 : memref<64x768xf32, #tpu.memory_space<hbm>>) target(%arg6 : memref<64x768xf32, #tpu.memory_space<vmem>>) target_semaphore(%run_scoped3A_62 : memref<!tpu.dma_semaphore, #tpu.memory_space<semaphore_mem>>)
      %dma_wait3A_67 = arith.constant 0 : i32
      %dma_wait3A_68 = tpu.memref_slice %arg2[%add3A_5, %dma_wait3A_67] : memref<4096x768xf32, #tpu.memory_space<hbm>> -> memref<64x768xf32, #tpu.memory_space<hbm>>
      %dma_wait3A_69 = arith.constant 0 : i32
      %dma_wait3A_70 = tpu.memref_slice %arg2[%add3A_5, %dma_wait3A_69] : memref<4096x768xf32, #tpu.memory_space<hbm>> -> memref<64x768xf32, #tpu.memory_space<hbm>>
      tpu.wait_dma2 semaphore(%run_scoped3A_62 : memref<!tpu.dma_semaphore, #tpu.memory_space<semaphore_mem>>) src(%dma_wait3A_70 : memref<64x768xf32, #tpu.memory_space<hbm>>) dst(%arg6 : memref<64x768xf32, #tpu.memory_space<vmem>>)
      tpu.yield
    }) : () -> ()
    %dma_start3A = arith.constant 0 : i32
    %dma_start3A_6 = arith.constant 0 : i32
    %dma_start3A_7 = tpu.memref_slice %arg5[%dma_start3A, %dma_start3A_6] : memref<4x64xi32, #tpu.memory_space<vmem>> -> memref<1x64xi32, #tpu.memory_space<vmem>>
    %dma_start3A_8 = tpu.memref_squeeze %dma_start3A_7 : memref<1x64xi32, #tpu.memory_space<vmem>> -> memref<64xi32, #tpu.memory_space<vmem>>
    %dma_start3A_9 = arith.constant 0 : i32
    %dma_start3A_10 = arith.constant 0 : i32
    %dma_start3A_11 = tpu.memref_slice %arg4[%dma_start3A_9, %dma_start3A_10] : memref<10240x768xf32, #tpu.memory_space<hbm>> -> memref<10240x768xf32, #tpu.memory_space<hbm>>
    tpu.enqueue_indirect_dma source(%arg6 : memref<64x768xf32, #tpu.memory_space<vmem>>) target(%dma_start3A_11 : memref<10240x768xf32, #tpu.memory_space<hbm>>) offsets(%dma_start3A_8 : memref<64xi32, #tpu.memory_space<vmem>>) semaphore(%arg7 : memref<!tpu.dma_semaphore, #tpu.memory_space<semaphore_mem>>)
    %dma_start3A_12 = arith.constant 2 : i32
    %dma_start3A_13 = arith.constant 0 : i32
    %dma_start3A_14 = tpu.memref_slice %arg5[%dma_start3A_12, %dma_start3A_13] : memref<4x64xi32, #tpu.memory_space<vmem>> -> memref<1x64xi32, #tpu.memory_space<vmem>>
    %dma_start3A_15 = tpu.memref_squeeze %dma_start3A_14 : memref<1x64xi32, #tpu.memory_space<vmem>> -> memref<64xi32, #tpu.memory_space<vmem>>
    %dma_start3A_16 = arith.constant 0 : i32
    %dma_start3A_17 = arith.constant 0 : i32
    %dma_start3A_18 = tpu.memref_slice %arg4[%dma_start3A_16, %dma_start3A_17] : memref<10240x768xf32, #tpu.memory_space<hbm>> -> memref<10240x768xf32, #tpu.memory_space<hbm>>
    tpu.enqueue_indirect_dma source(%arg6 : memref<64x768xf32, #tpu.memory_space<vmem>>) target(%dma_start3A_18 : memref<10240x768xf32, #tpu.memory_space<hbm>>) offsets(%dma_start3A_15 : memref<64xi32, #tpu.memory_space<vmem>>) semaphore(%arg8 : memref<!tpu.dma_semaphore, #tpu.memory_space<semaphore_mem>>)
    %dma_wait3A = arith.constant 0 : i32
    %dma_wait3A_19 = arith.constant 0 : i32
    %dma_wait3A_20 = tpu.memref_slice %arg5[%dma_wait3A, %dma_wait3A_19] : memref<4x64xi32, #tpu.memory_space<vmem>> -> memref<1x64xi32, #tpu.memory_space<vmem>>
    %dma_wait3A_21 = tpu.memref_squeeze %dma_wait3A_20 : memref<1x64xi32, #tpu.memory_space<vmem>> -> memref<64xi32, #tpu.memory_space<vmem>>
    %dma_wait3A_22 = arith.constant 0 : i32
    %dma_wait3A_23 = arith.constant 0 : i32
    %dma_wait3A_24 = tpu.memref_slice %arg4[%dma_wait3A_22, %dma_wait3A_23] : memref<10240x768xf32, #tpu.memory_space<hbm>> -> memref<10240x768xf32, #tpu.memory_space<hbm>>
    tpu.wait_indirect_dma semaphore(%arg7 : memref<!tpu.dma_semaphore, #tpu.memory_space<semaphore_mem>>) src(%arg6 : memref<64x768xf32, #tpu.memory_space<vmem>>) dst(%dma_wait3A_24 : memref<10240x768xf32, #tpu.memory_space<hbm>>)
    %dma_wait3A_25 = arith.constant 2 : i32
    %dma_wait3A_26 = arith.constant 0 : i32
    %dma_wait3A_27 = tpu.memref_slice %arg5[%dma_wait3A_25, %dma_wait3A_26] : memref<4x64xi32, #tpu.memory_space<vmem>> -> memref<1x64xi32, #tpu.memory_space<vmem>>
    %dma_wait3A_28 = tpu.memref_squeeze %dma_wait3A_27 : memref<1x64xi32, #tpu.memory_space<vmem>> -> memref<64xi32, #tpu.memory_space<vmem>>
    %dma_wait3A_29 = arith.constant 0 : i32
    %dma_wait3A_30 = arith.constant 0 : i32
    %dma_wait3A_31 = tpu.memref_slice %arg4[%dma_wait3A_29, %dma_wait3A_30] : memref<10240x768xf32, #tpu.memory_space<hbm>> -> memref<10240x768xf32, #tpu.memory_space<hbm>>
    tpu.wait_indirect_dma semaphore(%arg8 : memref<!tpu.dma_semaphore, #tpu.memory_space<semaphore_mem>>) src(%arg6 : memref<64x768xf32, #tpu.memory_space<vmem>>) dst(%dma_wait3A_31 : memref<10240x768xf32, #tpu.memory_space<hbm>>)
    %add3A_32 = arith.constant 64 : i32
    %add3A_33 = arith.addi %mul3A_2, %add3A_32 : i32
    "tpu.region"() ({
      %run_scoped3A_62 = tpu.sem_alloc : memref<!tpu.dma_semaphore, #tpu.memory_space<semaphore_mem>>
      %dma_start3A_63 = arith.constant 0 : i32
      %dma_start3A_64 = tpu.memref_slice %arg2[%add3A_33, %dma_start3A_63] : memref<4096x768xf32, #tpu.memory_space<hbm>> -> memref<64x768xf32, #tpu.memory_space<hbm>>
      %dma_start3A_65 = arith.constant 0 : i32
      %dma_start3A_66 = tpu.memref_slice %arg2[%add3A_33, %dma_start3A_65] : memref<4096x768xf32, #tpu.memory_space<hbm>> -> memref<64x768xf32, #tpu.memory_space<hbm>>
      tpu.enqueue_dma source(%dma_start3A_66 : memref<64x768xf32, #tpu.memory_space<hbm>>) target(%arg6 : memref<64x768xf32, #tpu.memory_space<vmem>>) target_semaphore(%run_scoped3A_62 : memref<!tpu.dma_semaphore, #tpu.memory_space<semaphore_mem>>)
      %dma_wait3A_67 = arith.constant 0 : i32
      %dma_wait3A_68 = tpu.memref_slice %arg2[%add3A_33, %dma_wait3A_67] : memref<4096x768xf32, #tpu.memory_space<hbm>> -> memref<64x768xf32, #tpu.memory_space<hbm>>
      %dma_wait3A_69 = arith.constant 0 : i32
      %dma_wait3A_70 = tpu.memref_slice %arg2[%add3A_33, %dma_wait3A_69] : memref<4096x768xf32, #tpu.memory_space<hbm>> -> memref<64x768xf32, #tpu.memory_space<hbm>>
      tpu.wait_dma2 semaphore(%run_scoped3A_62 : memref<!tpu.dma_semaphore, #tpu.memory_space<semaphore_mem>>) src(%dma_wait3A_70 : memref<64x768xf32, #tpu.memory_space<hbm>>) dst(%arg6 : memref<64x768xf32, #tpu.memory_space<vmem>>)
      tpu.yield
    }) : () -> ()
    %dma_start3A_34 = arith.constant 1 : i32
    %dma_start3A_35 = arith.constant 0 : i32
    %dma_start3A_36 = tpu.memref_slice %arg5[%dma_start3A_34, %dma_start3A_35] : memref<4x64xi32, #tpu.memory_space<vmem>> -> memref<1x64xi32, #tpu.memory_space<vmem>>
    %dma_start3A_37 = tpu.memref_squeeze %dma_start3A_36 : memref<1x64xi32, #tpu.memory_space<vmem>> -> memref<64xi32, #tpu.memory_space<vmem>>
    %dma_start3A_38 = arith.constant 0 : i32
    %dma_start3A_39 = arith.constant 0 : i32
    %dma_start3A_40 = tpu.memref_slice %arg4[%dma_start3A_38, %dma_start3A_39] : memref<10240x768xf32, #tpu.memory_space<hbm>> -> memref<10240x768xf32, #tpu.memory_space<hbm>>
    tpu.enqueue_indirect_dma source(%arg6 : memref<64x768xf32, #tpu.memory_space<vmem>>) target(%dma_start3A_40 : memref<10240x768xf32, #tpu.memory_space<hbm>>) offsets(%dma_start3A_37 : memref<64xi32, #tpu.memory_space<vmem>>) semaphore(%arg7 : memref<!tpu.dma_semaphore, #tpu.memory_space<semaphore_mem>>)
    %dma_start3A_41 = arith.constant 3 : i32
    %dma_start3A_42 = arith.constant 0 : i32
    %dma_start3A_43 = tpu.memref_slice %arg5[%dma_start3A_41, %dma_start3A_42] : memref<4x64xi32, #tpu.memory_space<vmem>> -> memref<1x64xi32, #tpu.memory_space<vmem>>
    %dma_start3A_44 = tpu.memref_squeeze %dma_start3A_43 : memref<1x64xi32, #tpu.memory_space<vmem>> -> memref<64xi32, #tpu.memory_space<vmem>>
    %dma_start3A_45 = arith.constant 0 : i32
    %dma_start3A_46 = arith.constant 0 : i32
    %dma_start3A_47 = tpu.memref_slice %arg4[%dma_start3A_45, %dma_start3A_46] : memref<10240x768xf32, #tpu.memory_space<hbm>> -> memref<10240x768xf32, #tpu.memory_space<hbm>>
    tpu.enqueue_indirect_dma source(%arg6 : memref<64x768xf32, #tpu.memory_space<vmem>>) target(%dma_start3A_47 : memref<10240x768xf32, #tpu.memory_space<hbm>>) offsets(%dma_start3A_44 : memref<64xi32, #tpu.memory_space<vmem>>) semaphore(%arg8 : memref<!tpu.dma_semaphore, #tpu.memory_space<semaphore_mem>>)
    %dma_wait3A_48 = arith.constant 1 : i32
    %dma_wait3A_49 = arith.constant 0 : i32
    %dma_wait3A_50 = tpu.memref_slice %arg5[%dma_wait3A_48, %dma_wait3A_49] : memref<4x64xi32, #tpu.memory_space<vmem>> -> memref<1x64xi32, #tpu.memory_space<vmem>>
    %dma_wait3A_51 = tpu.memref_squeeze %dma_wait3A_50 : memref<1x64xi32, #tpu.memory_space<vmem>> -> memref<64xi32, #tpu.memory_space<vmem>>
    %dma_wait3A_52 = arith.constant 0 : i32
    %dma_wait3A_53 = arith.constant 0 : i32
    %dma_wait3A_54 = tpu.memref_slice %arg4[%dma_wait3A_52, %dma_wait3A_53] : memref<10240x768xf32, #tpu.memory_space<hbm>> -> memref<10240x768xf32, #tpu.memory_space<hbm>>
    tpu.wait_indirect_dma semaphore(%arg7 : memref<!tpu.dma_semaphore, #tpu.memory_space<semaphore_mem>>) src(%arg6 : memref<64x768xf32, #tpu.memory_space<vmem>>) dst(%dma_wait3A_54 : memref<10240x768xf32, #tpu.memory_space<hbm>>)
    %dma_wait3A_55 = arith.constant 3 : i32
    %dma_wait3A_56 = arith.constant 0 : i32
    %dma_wait3A_57 = tpu.memref_slice %arg5[%dma_wait3A_55, %dma_wait3A_56] : memref<4x64xi32, #tpu.memory_space<vmem>> -> memref<1x64xi32, #tpu.memory_space<vmem>>
    %dma_wait3A_58 = tpu.memref_squeeze %dma_wait3A_57 : memref<1x64xi32, #tpu.memory_space<vmem>> -> memref<64xi32, #tpu.memory_space<vmem>>
    %dma_wait3A_59 = arith.constant 0 : i32
    %dma_wait3A_60 = arith.constant 0 : i32
    %dma_wait3A_61 = tpu.memref_slice %arg4[%dma_wait3A_59, %dma_wait3A_60] : memref<10240x768xf32, #tpu.memory_space<hbm>> -> memref<10240x768xf32, #tpu.memory_space<hbm>>
    tpu.wait_indirect_dma semaphore(%arg8 : memref<!tpu.dma_semaphore, #tpu.memory_space<semaphore_mem>>) src(%arg6 : memref<64x768xf32, #tpu.memory_space<vmem>>) dst(%dma_wait3A_61 : memref<10240x768xf32, #tpu.memory_space<hbm>>)
    return
  }
}

module attributes {stable_mosaic.version = 14 : i64} {
  func.func @_router_kernel(%arg0: memref<4096x768xf32, #tpu.memory_space<vmem>>, %arg1: memref<768x8xf32, #tpu.memory_space<vmem>>, %arg2: memref<1x8xf32, #tpu.memory_space<vmem>>, %arg3: memref<4096x8xf32, #tpu.memory_space<vmem>>, %arg4: memref<4096x1xi32, #tpu.memory_space<vmem>>, %arg5: memref<4096x1xi32, #tpu.memory_space<vmem>>, %arg6: memref<4096x32xf32, #tpu.memory_space<vmem>>, %arg7: memref<40x1xi32, #tpu.memory_space<vmem>>) attributes {dimension_semantics = [], scalar_prefetch = 0 : i64, scratch_operands = 0 : i64, tpu.core_type = #tpu.core_type<tc>} {
    %get3A = arith.constant 0 : index
    %get3A_0 = arith.constant 0 : index
    %get3A_1 = vector.load %arg0[%get3A, %get3A_0] : memref<4096x768xf32, #tpu.memory_space<vmem>>, vector<4096x768xf32>
    %convert_element_type3A = arith.truncf %get3A_1 : vector<4096x768xf32> to vector<4096x768xbf16>
    %get3A_2 = arith.constant 0 : index
    %get3A_3 = arith.constant 0 : index
    %get3A_4 = vector.load %arg1[%get3A_2, %get3A_3] : memref<768x8xf32, #tpu.memory_space<vmem>>, vector<768x8xf32>
    %convert_element_type3A_5 = arith.truncf %get3A_4 : vector<768x8xf32> to vector<768x8xbf16>
    %dot_general3A = arith.constant dense<0.000000e+00> : vector<4096x8xf32>
    %dot_general3A_6 = tpu.matmul %convert_element_type3A, %convert_element_type3A_5, %dot_general3A {dimension_numbers = #tpu.dot_dimension_numbers<[1], [0], [0], [1], [0, 0, 1, 1], [], []>, transpose_lhs_hint = false} : vector<4096x768xbf16>, vector<768x8xbf16>, vector<4096x8xf32> -> vector<4096x8xf32>
    %get3A_7 = arith.constant 0 : index
    %get3A_8 = arith.constant 0 : index
    %get3A_9 = vector.load %arg2[%get3A_7, %get3A_8] : memref<1x8xf32, #tpu.memory_space<vmem>>, vector<1x8xf32>
    %add3A = vector.broadcast %get3A_9 : vector<1x8xf32> to vector<4096x8xf32>
    %add3A_10 = arith.addf %dot_general3A_6, %add3A : vector<4096x8xf32>
    %reduce_max3A = arith.constant dense<0xFF800000> : vector<4096xf32>
    %reduce_max3A_11 = vector.multi_reduction <maximumf>, %add3A_10, %reduce_max3A [1] : vector<4096x8xf32> to vector<4096xf32>
    %broadcast_in_dim3A = vector.shape_cast %reduce_max3A_11 : vector<4096xf32> to vector<4096x1xf32>
    %sub3A = vector.broadcast %broadcast_in_dim3A : vector<4096x1xf32> to vector<4096x8xf32>
    %sub3A_12 = arith.subf %add3A_10, %sub3A : vector<4096x8xf32>
    %exp3A = math.exp %sub3A_12 : vector<4096x8xf32>
    %reduce_sum3A = arith.constant dense<0.000000e+00> : vector<4096xf32>
    %reduce_sum3A_13 = vector.multi_reduction <add>, %exp3A, %reduce_sum3A [1] : vector<4096x8xf32> to vector<4096xf32>
    %broadcast_in_dim3A_14 = vector.shape_cast %reduce_sum3A_13 : vector<4096xf32> to vector<4096x1xf32>
    %div3A = vector.broadcast %broadcast_in_dim3A_14 : vector<4096x1xf32> to vector<4096x8xf32>
    %div3A_15 = arith.divf %exp3A, %div3A : vector<4096x8xf32>
    %swap3A = arith.constant 0 : index
    %swap3A_16 = arith.constant 0 : index
    %swap3A_17 = vector.load %arg3[%swap3A, %swap3A_16] : memref<4096x8xf32, #tpu.memory_space<vmem>>, vector<4096x8xf32>
    tpu.vector_store %arg3[%swap3A, %swap3A_16], %div3A_15 {strides = array<i32>} : memref<4096x8xf32, #tpu.memory_space<vmem>>, vector<4096x8xf32>,
    %iota3A = tpu.iota {dimensions = array<i32: 1>} : vector<4096x8xi32>
    %reduce_max3A_18 = arith.constant dense<0xFF800000> : vector<4096xf32>
    %reduce_max3A_19 = vector.multi_reduction <maximumf>, %div3A_15, %reduce_max3A_18 [1] : vector<4096x8xf32> to vector<4096xf32>
    %broadcast_in_dim3A_20 = vector.shape_cast %reduce_max3A_19 : vector<4096xf32> to vector<4096x1xf32>
    %eq3A = vector.broadcast %broadcast_in_dim3A_20 : vector<4096x1xf32> to vector<4096x8xf32>
    %eq3A_21 = arith.cmpf oeq, %div3A_15, %eq3A : vector<4096x8xf32>
    %jit3A = arith.constant 8 : i32
    %broadcast_in_dim3A_22 = vector.broadcast %jit3A : i32 to vector<4096x8xi32>
    %select_n3A = arith.select %eq3A_21, %iota3A, %broadcast_in_dim3A_22 : vector<4096x8xi1>, vector<4096x8xi32>
    %reduce_min3A = arith.constant dense<2147483647> : vector<4096xi32>
    %reduce_min3A_23 = vector.multi_reduction <minsi>, %select_n3A, %reduce_min3A [1] : vector<4096x8xi32> to vector<4096xi32>
    %broadcast_in_dim3A_24 = vector.shape_cast %reduce_min3A_23 : vector<4096xi32> to vector<4096x1xi32>
    %eq3A_25 = vector.broadcast %broadcast_in_dim3A_24 : vector<4096x1xi32> to vector<4096x8xi32>
    %eq3A_26 = arith.cmpi eq, %iota3A, %eq3A_25 : vector<4096x8xi32>
    %jit3A_27 = arith.constant 0xFF800000 : f32
    %broadcast_in_dim3A_28 = vector.broadcast %jit3A_27 : f32 to vector<4096x8xf32>
    %select_n3A_29 = arith.select %eq3A_26, %broadcast_in_dim3A_28, %div3A_15 : vector<4096x8xi1>, vector<4096x8xf32>
    %reduce_max3A_30 = arith.constant dense<0xFF800000> : vector<4096xf32>
    %reduce_max3A_31 = vector.multi_reduction <maximumf>, %select_n3A_29, %reduce_max3A_30 [1] : vector<4096x8xf32> to vector<4096xf32>
    %broadcast_in_dim3A_32 = vector.shape_cast %reduce_max3A_31 : vector<4096xf32> to vector<4096x1xf32>
    %eq3A_33 = vector.broadcast %broadcast_in_dim3A_32 : vector<4096x1xf32> to vector<4096x8xf32>
    %eq3A_34 = arith.cmpf oeq, %select_n3A_29, %eq3A_33 : vector<4096x8xf32>
    %jit3A_35 = arith.constant 8 : i32
    %broadcast_in_dim3A_36 = vector.broadcast %jit3A_35 : i32 to vector<4096x8xi32>
    %select_n3A_37 = arith.select %eq3A_34, %iota3A, %broadcast_in_dim3A_36 : vector<4096x8xi1>, vector<4096x8xi32>
    %reduce_min3A_38 = arith.constant dense<2147483647> : vector<4096xi32>
    %reduce_min3A_39 = vector.multi_reduction <minsi>, %select_n3A_37, %reduce_min3A_38 [1] : vector<4096x8xi32> to vector<4096xi32>
    %broadcast_in_dim3A_40 = vector.shape_cast %reduce_min3A_39 : vector<4096xi32> to vector<4096x1xi32>
    %add3A_41 = arith.addf %broadcast_in_dim3A_20, %broadcast_in_dim3A_32 : vector<4096x1xf32>
    %add3A_42 = arith.constant 9.99999971E-10 : f32
    %add3A_43 = vector.broadcast %add3A_42 : f32 to vector<4096x1xf32>
    %add3A_44 = arith.addf %add3A_41, %add3A_43 : vector<4096x1xf32>
    %div3A_45 = arith.divf %broadcast_in_dim3A_20, %add3A_44 : vector<4096x1xf32>
    %broadcast_in_dim3A_46 = vector.shape_cast %div3A_45 : vector<4096x1xf32> to vector<4096x1xf32>
    %broadcast_in_dim3A_47 = vector.broadcast %broadcast_in_dim3A_46 : vector<4096x1xf32> to vector<4096x16xf32>
    %div3A_48 = arith.divf %broadcast_in_dim3A_32, %add3A_44 : vector<4096x1xf32>
    %broadcast_in_dim3A_49 = vector.shape_cast %div3A_48 : vector<4096x1xf32> to vector<4096x1xf32>
    %broadcast_in_dim3A_50 = vector.broadcast %broadcast_in_dim3A_49 : vector<4096x1xf32> to vector<4096x16xf32>
    %concatenate3A = tpu.concatenate %broadcast_in_dim3A_47, %broadcast_in_dim3A_50 in 1 : vector<4096x16xf32>, vector<4096x16xf32> -> vector<4096x32xf32>
    %swap3A_51 = arith.constant 0 : index
    %swap3A_52 = arith.constant 0 : index
    %swap3A_53 = vector.load %arg6[%swap3A_51, %swap3A_52] : memref<4096x32xf32, #tpu.memory_space<vmem>>, vector<4096x32xf32>
    tpu.vector_store %arg6[%swap3A_51, %swap3A_52], %concatenate3A {strides = array<i32>} : memref<4096x32xf32, #tpu.memory_space<vmem>>, vector<4096x32xf32>,
    %convert_element_type3A_54 = arith.extui %eq3A_26 : vector<4096x8xi1> to vector<4096x8xi32>
    %convert_element_type3A_55 = arith.sitofp %convert_element_type3A_54 : vector<4096x8xi32> to vector<4096x8xf32>
    %convert_element_type3A_56 = arith.truncf %convert_element_type3A_55 : vector<4096x8xf32> to vector<4096x8xbf16>
    %eq3A_57 = vector.broadcast %broadcast_in_dim3A_40 : vector<4096x1xi32> to vector<4096x8xi32>
    %eq3A_58 = arith.cmpi eq, %iota3A, %eq3A_57 : vector<4096x8xi32>
    %convert_element_type3A_59 = arith.extui %eq3A_58 : vector<4096x8xi1> to vector<4096x8xi32>
    %convert_element_type3A_60 = arith.sitofp %convert_element_type3A_59 : vector<4096x8xi32> to vector<4096x8xf32>
    %convert_element_type3A_61 = arith.truncf %convert_element_type3A_60 : vector<4096x8xf32> to vector<4096x8xbf16>
    %iota3A_62 = tpu.iota {dimensions = array<i32: 0>} : vector<512x512xi32>
    %iota3A_63 = tpu.iota {dimensions = array<i32: 1>} : vector<512x512xi32>
    %gt3A = arith.cmpi sgt, %iota3A_62, %iota3A_63 : vector<512x512xi32>
    %convert_element_type3A_64 = arith.extui %gt3A : vector<512x512xi1> to vector<512x512xi32>
    %convert_element_type3A_65 = arith.sitofp %convert_element_type3A_64 : vector<512x512xi32> to vector<512x512xf32>
    %convert_element_type3A_66 = arith.truncf %convert_element_type3A_65 : vector<512x512xf32> to vector<512x512xbf16>
    %broadcast_in_dim3A_67 = arith.constant 1.000000e+00 : bf16
    %broadcast_in_dim3A_68 = vector.broadcast %broadcast_in_dim3A_67 : bf16 to vector<1x512xbf16>
    %broadcast_in_dim3A_69 = arith.constant 0.000000e+00 : f32
    %broadcast_in_dim3A_70 = vector.broadcast %broadcast_in_dim3A_69 : f32 to vector<1x8xf32>
    %slice3A = vector.extract_strided_slice %convert_element_type3A_56 {offsets = [0, 0], sizes = [512, 8], strides = [1, 1]} : vector<4096x8xbf16> to vector<512x8xbf16>
    %dot_general3A_71 = arith.constant dense<0.000000e+00> : vector<512x8xf32>
    %dot_general3A_72 = tpu.matmul %convert_element_type3A_66, %slice3A, %dot_general3A_71 {dimension_numbers = #tpu.dot_dimension_numbers<[1], [0], [0], [1], [0, 0, 1, 1], [], []>, transpose_lhs_hint = false} : vector<512x512xbf16>, vector<512x8xbf16>, vector<512x8xf32> -> vector<512x8xf32>
    %add3A_73 = vector.broadcast %broadcast_in_dim3A_70 : vector<1x8xf32> to vector<512x8xf32>
    %add3A_74 = arith.addf %dot_general3A_72, %add3A_73 : vector<512x8xf32>
    %dot_general3A_75 = arith.constant dense<0.000000e+00> : vector<1x8xf32>
    %dot_general3A_76 = tpu.matmul %broadcast_in_dim3A_68, %slice3A, %dot_general3A_75 {dimension_numbers = #tpu.dot_dimension_numbers<[1], [0], [0], [1], [0, 0, 1, 1], [], []>, transpose_lhs_hint = false} : vector<1x512xbf16>, vector<512x8xbf16>, vector<1x8xf32> -> vector<1x8xf32>
    %add3A_77 = arith.addf %broadcast_in_dim3A_70, %dot_general3A_76 : vector<1x8xf32>
    %slice3A_78 = vector.extract_strided_slice %convert_element_type3A_56 {offsets = [512, 0], sizes = [512, 8], strides = [1, 1]} : vector<4096x8xbf16> to vector<512x8xbf16>
    %dot_general3A_79 = arith.constant dense<0.000000e+00> : vector<512x8xf32>
    %dot_general3A_80 = tpu.matmul %convert_element_type3A_66, %slice3A_78, %dot_general3A_79 {dimension_numbers = #tpu.dot_dimension_numbers<[1], [0], [0], [1], [0, 0, 1, 1], [], []>, transpose_lhs_hint = false} : vector<512x512xbf16>, vector<512x8xbf16>, vector<512x8xf32> -> vector<512x8xf32>
    %add3A_81 = vector.broadcast %add3A_77 : vector<1x8xf32> to vector<512x8xf32>
    %add3A_82 = arith.addf %dot_general3A_80, %add3A_81 : vector<512x8xf32>
    %dot_general3A_83 = arith.constant dense<0.000000e+00> : vector<1x8xf32>
    %dot_general3A_84 = tpu.matmul %broadcast_in_dim3A_68, %slice3A_78, %dot_general3A_83 {dimension_numbers = #tpu.dot_dimension_numbers<[1], [0], [0], [1], [0, 0, 1, 1], [], []>, transpose_lhs_hint = false} : vector<1x512xbf16>, vector<512x8xbf16>, vector<1x8xf32> -> vector<1x8xf32>
    %add3A_85 = arith.addf %add3A_77, %dot_general3A_84 : vector<1x8xf32>
    %slice3A_86 = vector.extract_strided_slice %convert_element_type3A_56 {offsets = [1024, 0], sizes = [512, 8], strides = [1, 1]} : vector<4096x8xbf16> to vector<512x8xbf16>
    %dot_general3A_87 = arith.constant dense<0.000000e+00> : vector<512x8xf32>
    %dot_general3A_88 = tpu.matmul %convert_element_type3A_66, %slice3A_86, %dot_general3A_87 {dimension_numbers = #tpu.dot_dimension_numbers<[1], [0], [0], [1], [0, 0, 1, 1], [], []>, transpose_lhs_hint = false} : vector<512x512xbf16>, vector<512x8xbf16>, vector<512x8xf32> -> vector<512x8xf32>
    %add3A_89 = vector.broadcast %add3A_85 : vector<1x8xf32> to vector<512x8xf32>
    %add3A_90 = arith.addf %dot_general3A_88, %add3A_89 : vector<512x8xf32>
    %dot_general3A_91 = arith.constant dense<0.000000e+00> : vector<1x8xf32>
    %dot_general3A_92 = tpu.matmul %broadcast_in_dim3A_68, %slice3A_86, %dot_general3A_91 {dimension_numbers = #tpu.dot_dimension_numbers<[1], [0], [0], [1], [0, 0, 1, 1], [], []>, transpose_lhs_hint = false} : vector<1x512xbf16>, vector<512x8xbf16>, vector<1x8xf32> -> vector<1x8xf32>
    %add3A_93 = arith.addf %add3A_85, %dot_general3A_92 : vector<1x8xf32>
    %slice3A_94 = vector.extract_strided_slice %convert_element_type3A_56 {offsets = [1536, 0], sizes = [512, 8], strides = [1, 1]} : vector<4096x8xbf16> to vector<512x8xbf16>
    %dot_general3A_95 = arith.constant dense<0.000000e+00> : vector<512x8xf32>
    %dot_general3A_96 = tpu.matmul %convert_element_type3A_66, %slice3A_94, %dot_general3A_95 {dimension_numbers = #tpu.dot_dimension_numbers<[1], [0], [0], [1], [0, 0, 1, 1], [], []>, transpose_lhs_hint = false} : vector<512x512xbf16>, vector<512x8xbf16>, vector<512x8xf32> -> vector<512x8xf32>
    %add3A_97 = vector.broadcast %add3A_93 : vector<1x8xf32> to vector<512x8xf32>
    %add3A_98 = arith.addf %dot_general3A_96, %add3A_97 : vector<512x8xf32>
    %dot_general3A_99 = arith.constant dense<0.000000e+00> : vector<1x8xf32>
    %dot_general3A_100 = tpu.matmul %broadcast_in_dim3A_68, %slice3A_94, %dot_general3A_99 {dimension_numbers = #tpu.dot_dimension_numbers<[1], [0], [0], [1], [0, 0, 1, 1], [], []>, transpose_lhs_hint = false} : vector<1x512xbf16>, vector<512x8xbf16>, vector<1x8xf32> -> vector<1x8xf32>
    %add3A_101 = arith.addf %add3A_93, %dot_general3A_100 : vector<1x8xf32>
    %slice3A_102 = vector.extract_strided_slice %convert_element_type3A_56 {offsets = [2048, 0], sizes = [512, 8], strides = [1, 1]} : vector<4096x8xbf16> to vector<512x8xbf16>
    %dot_general3A_103 = arith.constant dense<0.000000e+00> : vector<512x8xf32>
    %dot_general3A_104 = tpu.matmul %convert_element_type3A_66, %slice3A_102, %dot_general3A_103 {dimension_numbers = #tpu.dot_dimension_numbers<[1], [0], [0], [1], [0, 0, 1, 1], [], []>, transpose_lhs_hint = false} : vector<512x512xbf16>, vector<512x8xbf16>, vector<512x8xf32> -> vector<512x8xf32>
    %add3A_105 = vector.broadcast %add3A_101 : vector<1x8xf32> to vector<512x8xf32>
    %add3A_106 = arith.addf %dot_general3A_104, %add3A_105 : vector<512x8xf32>
    %dot_general3A_107 = arith.constant dense<0.000000e+00> : vector<1x8xf32>
    %dot_general3A_108 = tpu.matmul %broadcast_in_dim3A_68, %slice3A_102, %dot_general3A_107 {dimension_numbers = #tpu.dot_dimension_numbers<[1], [0], [0], [1], [0, 0, 1, 1], [], []>, transpose_lhs_hint = false} : vector<1x512xbf16>, vector<512x8xbf16>, vector<1x8xf32> -> vector<1x8xf32>
    %add3A_109 = arith.addf %add3A_101, %dot_general3A_108 : vector<1x8xf32>
    %slice3A_110 = vector.extract_strided_slice %convert_element_type3A_56 {offsets = [2560, 0], sizes = [512, 8], strides = [1, 1]} : vector<4096x8xbf16> to vector<512x8xbf16>
    %dot_general3A_111 = arith.constant dense<0.000000e+00> : vector<512x8xf32>
    %dot_general3A_112 = tpu.matmul %convert_element_type3A_66, %slice3A_110, %dot_general3A_111 {dimension_numbers = #tpu.dot_dimension_numbers<[1], [0], [0], [1], [0, 0, 1, 1], [], []>, transpose_lhs_hint = false} : vector<512x512xbf16>, vector<512x8xbf16>, vector<512x8xf32> -> vector<512x8xf32>
    %add3A_113 = vector.broadcast %add3A_109 : vector<1x8xf32> to vector<512x8xf32>
    %add3A_114 = arith.addf %dot_general3A_112, %add3A_113 : vector<512x8xf32>
    %dot_general3A_115 = arith.constant dense<0.000000e+00> : vector<1x8xf32>
    %dot_general3A_116 = tpu.matmul %broadcast_in_dim3A_68, %slice3A_110, %dot_general3A_115 {dimension_numbers = #tpu.dot_dimension_numbers<[1], [0], [0], [1], [0, 0, 1, 1], [], []>, transpose_lhs_hint = false} : vector<1x512xbf16>, vector<512x8xbf16>, vector<1x8xf32> -> vector<1x8xf32>
    %add3A_117 = arith.addf %add3A_109, %dot_general3A_116 : vector<1x8xf32>
    %slice3A_118 = vector.extract_strided_slice %convert_element_type3A_56 {offsets = [3072, 0], sizes = [512, 8], strides = [1, 1]} : vector<4096x8xbf16> to vector<512x8xbf16>
    %dot_general3A_119 = arith.constant dense<0.000000e+00> : vector<512x8xf32>
    %dot_general3A_120 = tpu.matmul %convert_element_type3A_66, %slice3A_118, %dot_general3A_119 {dimension_numbers = #tpu.dot_dimension_numbers<[1], [0], [0], [1], [0, 0, 1, 1], [], []>, transpose_lhs_hint = false} : vector<512x512xbf16>, vector<512x8xbf16>, vector<512x8xf32> -> vector<512x8xf32>
    %add3A_121 = vector.broadcast %add3A_117 : vector<1x8xf32> to vector<512x8xf32>
    %add3A_122 = arith.addf %dot_general3A_120, %add3A_121 : vector<512x8xf32>
    %dot_general3A_123 = arith.constant dense<0.000000e+00> : vector<1x8xf32>
    %dot_general3A_124 = tpu.matmul %broadcast_in_dim3A_68, %slice3A_118, %dot_general3A_123 {dimension_numbers = #tpu.dot_dimension_numbers<[1], [0], [0], [1], [0, 0, 1, 1], [], []>, transpose_lhs_hint = false} : vector<1x512xbf16>, vector<512x8xbf16>, vector<1x8xf32> -> vector<1x8xf32>
    %add3A_125 = arith.addf %add3A_117, %dot_general3A_124 : vector<1x8xf32>
    %slice3A_126 = vector.extract_strided_slice %convert_element_type3A_56 {offsets = [3584, 0], sizes = [512, 8], strides = [1, 1]} : vector<4096x8xbf16> to vector<512x8xbf16>
    %dot_general3A_127 = arith.constant dense<0.000000e+00> : vector<512x8xf32>
    %dot_general3A_128 = tpu.matmul %convert_element_type3A_66, %slice3A_126, %dot_general3A_127 {dimension_numbers = #tpu.dot_dimension_numbers<[1], [0], [0], [1], [0, 0, 1, 1], [], []>, transpose_lhs_hint = false} : vector<512x512xbf16>, vector<512x8xbf16>, vector<512x8xf32> -> vector<512x8xf32>
    %add3A_129 = vector.broadcast %add3A_125 : vector<1x8xf32> to vector<512x8xf32>
    %add3A_130 = arith.addf %dot_general3A_128, %add3A_129 : vector<512x8xf32>
    %dot_general3A_131 = arith.constant dense<0.000000e+00> : vector<1x8xf32>
    %dot_general3A_132 = tpu.matmul %broadcast_in_dim3A_68, %slice3A_126, %dot_general3A_131 {dimension_numbers = #tpu.dot_dimension_numbers<[1], [0], [0], [1], [0, 0, 1, 1], [], []>, transpose_lhs_hint = false} : vector<1x512xbf16>, vector<512x8xbf16>, vector<1x8xf32> -> vector<1x8xf32>
    %add3A_133 = arith.addf %add3A_125, %dot_general3A_132 : vector<1x8xf32>
    %concatenate3A_134 = tpu.concatenate %add3A_74, %add3A_82, %add3A_90, %add3A_98, %add3A_106, %add3A_114, %add3A_122, %add3A_130 in 0 : vector<512x8xf32>, vector<512x8xf32>, vector<512x8xf32>, vector<512x8xf32>, vector<512x8xf32>, vector<512x8xf32>, vector<512x8xf32>, vector<512x8xf32> -> vector<4096x8xf32>
    %slice3A_135 = vector.extract_strided_slice %convert_element_type3A_61 {offsets = [0, 0], sizes = [512, 8], strides = [1, 1]} : vector<4096x8xbf16> to vector<512x8xbf16>
    %dot_general3A_136 = arith.constant dense<0.000000e+00> : vector<512x8xf32>
    %dot_general3A_137 = tpu.matmul %convert_element_type3A_66, %slice3A_135, %dot_general3A_136 {dimension_numbers = #tpu.dot_dimension_numbers<[1], [0], [0], [1], [0, 0, 1, 1], [], []>, transpose_lhs_hint = false} : vector<512x512xbf16>, vector<512x8xbf16>, vector<512x8xf32> -> vector<512x8xf32>
    %add3A_138 = vector.broadcast %add3A_133 : vector<1x8xf32> to vector<512x8xf32>
    %add3A_139 = arith.addf %dot_general3A_137, %add3A_138 : vector<512x8xf32>
    %dot_general3A_140 = arith.constant dense<0.000000e+00> : vector<1x8xf32>
    %dot_general3A_141 = tpu.matmul %broadcast_in_dim3A_68, %slice3A_135, %dot_general3A_140 {dimension_numbers = #tpu.dot_dimension_numbers<[1], [0], [0], [1], [0, 0, 1, 1], [], []>, transpose_lhs_hint = false} : vector<1x512xbf16>, vector<512x8xbf16>, vector<1x8xf32> -> vector<1x8xf32>
    %add3A_142 = arith.addf %add3A_133, %dot_general3A_141 : vector<1x8xf32>
    %slice3A_143 = vector.extract_strided_slice %convert_element_type3A_61 {offsets = [512, 0], sizes = [512, 8], strides = [1, 1]} : vector<4096x8xbf16> to vector<512x8xbf16>
    %dot_general3A_144 = arith.constant dense<0.000000e+00> : vector<512x8xf32>
    %dot_general3A_145 = tpu.matmul %convert_element_type3A_66, %slice3A_143, %dot_general3A_144 {dimension_numbers = #tpu.dot_dimension_numbers<[1], [0], [0], [1], [0, 0, 1, 1], [], []>, transpose_lhs_hint = false} : vector<512x512xbf16>, vector<512x8xbf16>, vector<512x8xf32> -> vector<512x8xf32>
    %add3A_146 = vector.broadcast %add3A_142 : vector<1x8xf32> to vector<512x8xf32>
    %add3A_147 = arith.addf %dot_general3A_145, %add3A_146 : vector<512x8xf32>
    %dot_general3A_148 = arith.constant dense<0.000000e+00> : vector<1x8xf32>
    %dot_general3A_149 = tpu.matmul %broadcast_in_dim3A_68, %slice3A_143, %dot_general3A_148 {dimension_numbers = #tpu.dot_dimension_numbers<[1], [0], [0], [1], [0, 0, 1, 1], [], []>, transpose_lhs_hint = false} : vector<1x512xbf16>, vector<512x8xbf16>, vector<1x8xf32> -> vector<1x8xf32>
    %add3A_150 = arith.addf %add3A_142, %dot_general3A_149 : vector<1x8xf32>
    %slice3A_151 = vector.extract_strided_slice %convert_element_type3A_61 {offsets = [1024, 0], sizes = [512, 8], strides = [1, 1]} : vector<4096x8xbf16> to vector<512x8xbf16>
    %dot_general3A_152 = arith.constant dense<0.000000e+00> : vector<512x8xf32>
    %dot_general3A_153 = tpu.matmul %convert_element_type3A_66, %slice3A_151, %dot_general3A_152 {dimension_numbers = #tpu.dot_dimension_numbers<[1], [0], [0], [1], [0, 0, 1, 1], [], []>, transpose_lhs_hint = false} : vector<512x512xbf16>, vector<512x8xbf16>, vector<512x8xf32> -> vector<512x8xf32>
    %add3A_154 = vector.broadcast %add3A_150 : vector<1x8xf32> to vector<512x8xf32>
    %add3A_155 = arith.addf %dot_general3A_153, %add3A_154 : vector<512x8xf32>
    %dot_general3A_156 = arith.constant dense<0.000000e+00> : vector<1x8xf32>
    %dot_general3A_157 = tpu.matmul %broadcast_in_dim3A_68, %slice3A_151, %dot_general3A_156 {dimension_numbers = #tpu.dot_dimension_numbers<[1], [0], [0], [1], [0, 0, 1, 1], [], []>, transpose_lhs_hint = false} : vector<1x512xbf16>, vector<512x8xbf16>, vector<1x8xf32> -> vector<1x8xf32>
    %add3A_158 = arith.addf %add3A_150, %dot_general3A_157 : vector<1x8xf32>
    %slice3A_159 = vector.extract_strided_slice %convert_element_type3A_61 {offsets = [1536, 0], sizes = [512, 8], strides = [1, 1]} : vector<4096x8xbf16> to vector<512x8xbf16>
    %dot_general3A_160 = arith.constant dense<0.000000e+00> : vector<512x8xf32>
    %dot_general3A_161 = tpu.matmul %convert_element_type3A_66, %slice3A_159, %dot_general3A_160 {dimension_numbers = #tpu.dot_dimension_numbers<[1], [0], [0], [1], [0, 0, 1, 1], [], []>, transpose_lhs_hint = false} : vector<512x512xbf16>, vector<512x8xbf16>, vector<512x8xf32> -> vector<512x8xf32>
    %add3A_162 = vector.broadcast %add3A_158 : vector<1x8xf32> to vector<512x8xf32>
    %add3A_163 = arith.addf %dot_general3A_161, %add3A_162 : vector<512x8xf32>
    %dot_general3A_164 = arith.constant dense<0.000000e+00> : vector<1x8xf32>
    %dot_general3A_165 = tpu.matmul %broadcast_in_dim3A_68, %slice3A_159, %dot_general3A_164 {dimension_numbers = #tpu.dot_dimension_numbers<[1], [0], [0], [1], [0, 0, 1, 1], [], []>, transpose_lhs_hint = false} : vector<1x512xbf16>, vector<512x8xbf16>, vector<1x8xf32> -> vector<1x8xf32>
    %add3A_166 = arith.addf %add3A_158, %dot_general3A_165 : vector<1x8xf32>
    %slice3A_167 = vector.extract_strided_slice %convert_element_type3A_61 {offsets = [2048, 0], sizes = [512, 8], strides = [1, 1]} : vector<4096x8xbf16> to vector<512x8xbf16>
    %dot_general3A_168 = arith.constant dense<0.000000e+00> : vector<512x8xf32>
    %dot_general3A_169 = tpu.matmul %convert_element_type3A_66, %slice3A_167, %dot_general3A_168 {dimension_numbers = #tpu.dot_dimension_numbers<[1], [0], [0], [1], [0, 0, 1, 1], [], []>, transpose_lhs_hint = false} : vector<512x512xbf16>, vector<512x8xbf16>, vector<512x8xf32> -> vector<512x8xf32>
    %add3A_170 = vector.broadcast %add3A_166 : vector<1x8xf32> to vector<512x8xf32>
    %add3A_171 = arith.addf %dot_general3A_169, %add3A_170 : vector<512x8xf32>
    %dot_general3A_172 = arith.constant dense<0.000000e+00> : vector<1x8xf32>
    %dot_general3A_173 = tpu.matmul %broadcast_in_dim3A_68, %slice3A_167, %dot_general3A_172 {dimension_numbers = #tpu.dot_dimension_numbers<[1], [0], [0], [1], [0, 0, 1, 1], [], []>, transpose_lhs_hint = false} : vector<1x512xbf16>, vector<512x8xbf16>, vector<1x8xf32> -> vector<1x8xf32>
    %add3A_174 = arith.addf %add3A_166, %dot_general3A_173 : vector<1x8xf32>
    %slice3A_175 = vector.extract_strided_slice %convert_element_type3A_61 {offsets = [2560, 0], sizes = [512, 8], strides = [1, 1]} : vector<4096x8xbf16> to vector<512x8xbf16>
    %dot_general3A_176 = arith.constant dense<0.000000e+00> : vector<512x8xf32>
    %dot_general3A_177 = tpu.matmul %convert_element_type3A_66, %slice3A_175, %dot_general3A_176 {dimension_numbers = #tpu.dot_dimension_numbers<[1], [0], [0], [1], [0, 0, 1, 1], [], []>, transpose_lhs_hint = false} : vector<512x512xbf16>, vector<512x8xbf16>, vector<512x8xf32> -> vector<512x8xf32>
    %add3A_178 = vector.broadcast %add3A_174 : vector<1x8xf32> to vector<512x8xf32>
    %add3A_179 = arith.addf %dot_general3A_177, %add3A_178 : vector<512x8xf32>
    %dot_general3A_180 = arith.constant dense<0.000000e+00> : vector<1x8xf32>
    %dot_general3A_181 = tpu.matmul %broadcast_in_dim3A_68, %slice3A_175, %dot_general3A_180 {dimension_numbers = #tpu.dot_dimension_numbers<[1], [0], [0], [1], [0, 0, 1, 1], [], []>, transpose_lhs_hint = false} : vector<1x512xbf16>, vector<512x8xbf16>, vector<1x8xf32> -> vector<1x8xf32>
    %add3A_182 = arith.addf %add3A_174, %dot_general3A_181 : vector<1x8xf32>
    %slice3A_183 = vector.extract_strided_slice %convert_element_type3A_61 {offsets = [3072, 0], sizes = [512, 8], strides = [1, 1]} : vector<4096x8xbf16> to vector<512x8xbf16>
    %dot_general3A_184 = arith.constant dense<0.000000e+00> : vector<512x8xf32>
    %dot_general3A_185 = tpu.matmul %convert_element_type3A_66, %slice3A_183, %dot_general3A_184 {dimension_numbers = #tpu.dot_dimension_numbers<[1], [0], [0], [1], [0, 0, 1, 1], [], []>, transpose_lhs_hint = false} : vector<512x512xbf16>, vector<512x8xbf16>, vector<512x8xf32> -> vector<512x8xf32>
    %add3A_186 = vector.broadcast %add3A_182 : vector<1x8xf32> to vector<512x8xf32>
    %add3A_187 = arith.addf %dot_general3A_185, %add3A_186 : vector<512x8xf32>
    %dot_general3A_188 = arith.constant dense<0.000000e+00> : vector<1x8xf32>
    %dot_general3A_189 = tpu.matmul %broadcast_in_dim3A_68, %slice3A_183, %dot_general3A_188 {dimension_numbers = #tpu.dot_dimension_numbers<[1], [0], [0], [1], [0, 0, 1, 1], [], []>, transpose_lhs_hint = false} : vector<1x512xbf16>, vector<512x8xbf16>, vector<1x8xf32> -> vector<1x8xf32>
    %add3A_190 = arith.addf %add3A_182, %dot_general3A_189 : vector<1x8xf32>
    %slice3A_191 = vector.extract_strided_slice %convert_element_type3A_61 {offsets = [3584, 0], sizes = [512, 8], strides = [1, 1]} : vector<4096x8xbf16> to vector<512x8xbf16>
    %dot_general3A_192 = arith.constant dense<0.000000e+00> : vector<512x8xf32>
    %dot_general3A_193 = tpu.matmul %convert_element_type3A_66, %slice3A_191, %dot_general3A_192 {dimension_numbers = #tpu.dot_dimension_numbers<[1], [0], [0], [1], [0, 0, 1, 1], [], []>, transpose_lhs_hint = false} : vector<512x512xbf16>, vector<512x8xbf16>, vector<512x8xf32> -> vector<512x8xf32>
    %add3A_194 = vector.broadcast %add3A_190 : vector<1x8xf32> to vector<512x8xf32>
    %add3A_195 = arith.addf %dot_general3A_193, %add3A_194 : vector<512x8xf32>
    %dot_general3A_196 = arith.constant dense<0.000000e+00> : vector<1x8xf32>
    %dot_general3A_197 = tpu.matmul %broadcast_in_dim3A_68, %slice3A_191, %dot_general3A_196 {dimension_numbers = #tpu.dot_dimension_numbers<[1], [0], [0], [1], [0, 0, 1, 1], [], []>, transpose_lhs_hint = false} : vector<1x512xbf16>, vector<512x8xbf16>, vector<1x8xf32> -> vector<1x8xf32>
    %add3A_198 = arith.addf %add3A_190, %dot_general3A_197 : vector<1x8xf32>
    %concatenate3A_199 = tpu.concatenate %add3A_139, %add3A_147, %add3A_155, %add3A_163, %add3A_171, %add3A_179, %add3A_187, %add3A_195 in 0 : vector<512x8xf32>, vector<512x8xf32>, vector<512x8xf32>, vector<512x8xf32>, vector<512x8xf32>, vector<512x8xf32>, vector<512x8xf32>, vector<512x8xf32> -> vector<4096x8xf32>
    %convert_element_type3A_200 = arith.extf %convert_element_type3A_56 : vector<4096x8xbf16> to vector<4096x8xf32>
    %mul3A = arith.mulf %concatenate3A_134, %convert_element_type3A_200 : vector<4096x8xf32>
    %reduce_sum3A_201 = arith.constant dense<0.000000e+00> : vector<4096xf32>
    %reduce_sum3A_202 = vector.multi_reduction <add>, %mul3A, %reduce_sum3A_201 [1] : vector<4096x8xf32> to vector<4096xf32>
    %broadcast_in_dim3A_203 = vector.shape_cast %reduce_sum3A_202 : vector<4096xf32> to vector<4096x1xf32>
    %convert_element_type3A_204 = arith.extf %convert_element_type3A_61 : vector<4096x8xbf16> to vector<4096x8xf32>
    %mul3A_205 = arith.mulf %concatenate3A_199, %convert_element_type3A_204 : vector<4096x8xf32>
    %reduce_sum3A_206 = arith.constant dense<0.000000e+00> : vector<4096xf32>
    %reduce_sum3A_207 = vector.multi_reduction <add>, %mul3A_205, %reduce_sum3A_206 [1] : vector<4096x8xf32> to vector<4096xf32>
    %broadcast_in_dim3A_208 = vector.shape_cast %reduce_sum3A_207 : vector<4096xf32> to vector<4096x1xf32>
    %add3A_209 = arith.constant 2.550000e+02 : f32
    %add3A_210 = vector.broadcast %add3A_209 : f32 to vector<1x8xf32>
    %add3A_211 = arith.addf %add3A_198, %add3A_210 : vector<1x8xf32>
    %mul3A_212 = arith.constant 3.906250e-03 : f32
    %mul3A_213 = vector.broadcast %mul3A_212 : f32 to vector<1x8xf32>
    %mul3A_214 = arith.mulf %add3A_211, %mul3A_213 : vector<1x8xf32>
    %floor3A = math.floor %mul3A_214 : vector<1x8xf32>
    %iota3A_215 = tpu.iota {dimensions = array<i32: 0>} : vector<8x8xi32>
    %iota3A_216 = tpu.iota {dimensions = array<i32: 1>} : vector<8x8xi32>
    %le3A = arith.cmpi sle, %iota3A_215, %iota3A_216 : vector<8x8xi32>
    %convert_element_type3A_217 = arith.extui %le3A : vector<8x8xi1> to vector<8x8xi32>
    %convert_element_type3A_218 = arith.sitofp %convert_element_type3A_217 : vector<8x8xi32> to vector<8x8xf32>
    %convert_element_type3A_219 = arith.truncf %convert_element_type3A_218 : vector<8x8xf32> to vector<8x8xbf16>
    %convert_element_type3A_220 = arith.truncf %floor3A : vector<1x8xf32> to vector<1x8xbf16>
    %dot_general3A_221 = arith.constant dense<0.000000e+00> : vector<1x8xf32>
    %dot_general3A_222 = tpu.matmul %convert_element_type3A_220, %convert_element_type3A_219, %dot_general3A_221 {dimension_numbers = #tpu.dot_dimension_numbers<[1], [0], [0], [1], [0, 0, 1, 1], [], []>, transpose_lhs_hint = false} : vector<1x8xbf16>, vector<8x8xbf16>, vector<1x8xf32> -> vector<1x8xf32>
    %sub3A_223 = arith.subf %dot_general3A_222, %floor3A : vector<1x8xf32>
    %mul3A_224 = arith.constant 2.560000e+02 : f32
    %mul3A_225 = vector.broadcast %mul3A_224 : f32 to vector<1x8xf32>
    %mul3A_226 = arith.mulf %sub3A_223, %mul3A_225 : vector<1x8xf32>
    %convert_element_type3A_227 = arith.extf %convert_element_type3A_56 : vector<4096x8xbf16> to vector<4096x8xf32>
    %mul3A_228 = vector.broadcast %mul3A_226 : vector<1x8xf32> to vector<4096x8xf32>
    %mul3A_229 = arith.mulf %mul3A_228, %convert_element_type3A_227 : vector<4096x8xf32>
    %reduce_sum3A_230 = arith.constant dense<0.000000e+00> : vector<4096xf32>
    %reduce_sum3A_231 = vector.multi_reduction <add>, %mul3A_229, %reduce_sum3A_230 [1] : vector<4096x8xf32> to vector<4096xf32>
    %broadcast_in_dim3A_232 = vector.shape_cast %reduce_sum3A_231 : vector<4096xf32> to vector<4096x1xf32>
    %convert_element_type3A_233 = arith.extf %convert_element_type3A_61 : vector<4096x8xbf16> to vector<4096x8xf32>
    %mul3A_234 = vector.broadcast %mul3A_226 : vector<1x8xf32> to vector<4096x8xf32>
    %mul3A_235 = arith.mulf %mul3A_234, %convert_element_type3A_233 : vector<4096x8xf32>
    %reduce_sum3A_236 = arith.constant dense<0.000000e+00> : vector<4096xf32>
    %reduce_sum3A_237 = vector.multi_reduction <add>, %mul3A_235, %reduce_sum3A_236 [1] : vector<4096x8xf32> to vector<4096xf32>
    %broadcast_in_dim3A_238 = vector.shape_cast %reduce_sum3A_237 : vector<4096xf32> to vector<4096x1xf32>
    %add3A_239 = arith.addf %broadcast_in_dim3A_232, %broadcast_in_dim3A_203 : vector<4096x1xf32>
    %convert_element_type3A_240 = arith.fptosi %add3A_239 : vector<4096x1xf32> to vector<4096x1xi32>
    %swap3A_241 = arith.constant 0 : index
    %swap3A_242 = arith.constant 0 : index
    %swap3A_243 = vector.load %arg4[%swap3A_241, %swap3A_242] : memref<4096x1xi32, #tpu.memory_space<vmem>>, vector<4096x1xi32>
    tpu.vector_store %arg4[%swap3A_241, %swap3A_242], %convert_element_type3A_240 {strides = array<i32>} : memref<4096x1xi32, #tpu.memory_space<vmem>>, vector<4096x1xi32>,
    %add3A_244 = arith.addf %broadcast_in_dim3A_238, %broadcast_in_dim3A_208 : vector<4096x1xf32>
    %convert_element_type3A_245 = arith.fptosi %add3A_244 : vector<4096x1xf32> to vector<4096x1xi32>
    %swap3A_246 = arith.constant 0 : index
    %swap3A_247 = arith.constant 0 : index
    %swap3A_248 = vector.load %arg5[%swap3A_246, %swap3A_247] : memref<4096x1xi32, #tpu.memory_space<vmem>>, vector<4096x1xi32>
    tpu.vector_store %arg5[%swap3A_246, %swap3A_247], %convert_element_type3A_245 {strides = array<i32>} : memref<4096x1xi32, #tpu.memory_space<vmem>>, vector<4096x1xi32>,
    %iota3A_249 = tpu.iota {dimensions = array<i32: 0>} : vector<40x8xi32>
    %convert_element_type3A_250 = arith.sitofp %iota3A_249 : vector<40x8xi32> to vector<40x8xf32>
    %ge3A = vector.broadcast %dot_general3A_222 : vector<1x8xf32> to vector<40x8xf32>
    %ge3A_251 = arith.cmpf oge, %convert_element_type3A_250, %ge3A : vector<40x8xf32>
    %convert_element_type3A_252 = arith.extui %ge3A_251 : vector<40x8xi1> to vector<40x8xi32>
    %convert_element_type3A_253 = arith.sitofp %convert_element_type3A_252 : vector<40x8xi32> to vector<40x8xf32>
    %reduce_sum3A_254 = arith.constant dense<0.000000e+00> : vector<40xf32>
    %reduce_sum3A_255 = vector.multi_reduction <add>, %convert_element_type3A_253, %reduce_sum3A_254 [1] : vector<40x8xf32> to vector<40xf32>
    %broadcast_in_dim3A_256 = vector.shape_cast %reduce_sum3A_255 : vector<40xf32> to vector<40x1xf32>
    %min3A = arith.constant 7.000000e+00 : f32
    %min3A_257 = vector.broadcast %min3A : f32 to vector<40x1xf32>
    %min3A_258 = arith.minimumf %broadcast_in_dim3A_256, %min3A_257 : vector<40x1xf32>
    %convert_element_type3A_259 = arith.fptosi %min3A_258 : vector<40x1xf32> to vector<40x1xi32>
    %swap3A_260 = arith.constant 0 : index
    %swap3A_261 = arith.constant 0 : index
    %swap3A_262 = vector.load %arg7[%swap3A_260, %swap3A_261] : memref<40x1xi32, #tpu.memory_space<vmem>>, vector<40x1xi32>
    tpu.vector_store %arg7[%swap3A_260, %swap3A_261], %convert_element_type3A_259 {strides = array<i32>} : memref<40x1xi32, #tpu.memory_space<vmem>>, vector<40x1xi32>,
    return
  }
}

module attributes {stable_mosaic.version = 14 : i64} {
  func.func @_expert_kernel(%arg0: i32, %arg1: memref<40xi32, #tpu.memory_space<smem>>, %arg2: memref<256x768xf32, #tpu.memory_space<vmem>>, %arg3: memref<8x768x768xbf16, #tpu.memory_space<vmem>>, %arg4: memref<8x1x768xf32, #tpu.memory_space<vmem>>, %arg5: memref<8x768x768xbf16, #tpu.memory_space<vmem>>, %arg6: memref<8x1x768xf32, #tpu.memory_space<vmem>>, %arg7: memref<256x768xf32, #tpu.memory_space<vmem>>) attributes {dimension_semantics = [#tpu.dimension_semantics<arbitrary>], iteration_bounds = array<i64: 40>, scalar_prefetch = 1 : i64, scratch_operands = 0 : i64, tpu.core_type = #tpu.core_type<tc>, window_params = [{transform_indices = @transform_0, window_bounds = array<i64: 256, 768>}, {pipeline_mode = #tpu.pipeline_mode<synchronous>, transform_indices = @transform_1, window_bounds = array<i64: 8, 768, 768>}, {pipeline_mode = #tpu.pipeline_mode<synchronous>, transform_indices = @transform_2, window_bounds = array<i64: 8, 1, 768>}, {pipeline_mode = #tpu.pipeline_mode<synchronous>, transform_indices = @transform_3, window_bounds = array<i64: 8, 768, 768>}, {pipeline_mode = #tpu.pipeline_mode<synchronous>, transform_indices = @transform_4, window_bounds = array<i64: 8, 1, 768>}, {transform_indices = @transform_5, window_bounds = array<i64: 256, 768>}]} {
    %get3A = arith.index_cast %arg0 : i32 to index
    %get3A_0 = memref.load %arg1[%get3A] : memref<40xi32, #tpu.memory_space<smem>>
    %get3A_1 = arith.constant 0 : index
    %get3A_2 = arith.constant 0 : index
    %get3A_3 = vector.load %arg2[%get3A_1, %get3A_2] : memref<256x768xf32, #tpu.memory_space<vmem>>, vector<256x768xf32>
    %convert_element_type3A = arith.truncf %get3A_3 : vector<256x768xf32> to vector<256x768xbf16>
    %get3A_4 = arith.index_cast %get3A_0 : i32 to index
    %get3A_5 = arith.constant 0 : index
    %get3A_6 = arith.constant 0 : index
    %get3A_7 = vector.load %arg3[%get3A_4, %get3A_5, %get3A_6] : memref<8x768x768xbf16, #tpu.memory_space<vmem>>, vector<1x768x768xbf16>
    %get3A_8 = vector.shape_cast %get3A_7 : vector<1x768x768xbf16> to vector<768x768xbf16>
    %dot_general3A = arith.constant dense<0.000000e+00> : vector<256x768xf32>
    %dot_general3A_9 = tpu.matmul %convert_element_type3A, %get3A_8, %dot_general3A {dimension_numbers = #tpu.dot_dimension_numbers<[1], [0], [0], [1], [0, 0, 1, 1], [], []>, transpose_lhs_hint = false} : vector<256x768xbf16>, vector<768x768xbf16>, vector<256x768xf32> -> vector<256x768xf32>
    %get3A_10 = arith.index_cast %get3A_0 : i32 to index
    %get3A_11 = arith.constant 0 : index
    %get3A_12 = arith.constant 0 : index
    %get3A_13 = vector.load %arg4[%get3A_10, %get3A_11, %get3A_12] : memref<8x1x768xf32, #tpu.memory_space<vmem>>, vector<1x1x768xf32>
    %get3A_14 = vector.shape_cast %get3A_13 : vector<1x1x768xf32> to vector<1x768xf32>
    %add3A = vector.broadcast %get3A_14 : vector<1x768xf32> to vector<256x768xf32>
    %add3A_15 = arith.addf %dot_general3A_9, %add3A : vector<256x768xf32>
    %mul3A = arith.constant 5.000000e-01 : f32
    %mul3A_16 = vector.broadcast %mul3A : f32 to vector<256x768xf32>
    %mul3A_17 = arith.mulf %mul3A_16, %add3A_15 : vector<256x768xf32>
    %mul3A_18 = arith.constant 0.707106769 : f32
    %mul3A_19 = vector.broadcast %mul3A_18 : f32 to vector<256x768xf32>
    %mul3A_20 = arith.mulf %add3A_15, %mul3A_19 : vector<256x768xf32>
    %erf3A = math.erf %mul3A_20 : vector<256x768xf32>
    %add3A_21 = arith.constant 1.000000e+00 : f32
    %add3A_22 = vector.broadcast %add3A_21 : f32 to vector<256x768xf32>
    %add3A_23 = arith.addf %add3A_22, %erf3A : vector<256x768xf32>
    %mul3A_24 = arith.mulf %mul3A_17, %add3A_23 : vector<256x768xf32>
    %convert_element_type3A_25 = arith.truncf %mul3A_24 : vector<256x768xf32> to vector<256x768xbf16>
    %get3A_26 = arith.index_cast %get3A_0 : i32 to index
    %get3A_27 = arith.constant 0 : index
    %get3A_28 = arith.constant 0 : index
    %get3A_29 = vector.load %arg5[%get3A_26, %get3A_27, %get3A_28] : memref<8x768x768xbf16, #tpu.memory_space<vmem>>, vector<1x768x768xbf16>
    %get3A_30 = vector.shape_cast %get3A_29 : vector<1x768x768xbf16> to vector<768x768xbf16>
    %dot_general3A_31 = arith.constant dense<0.000000e+00> : vector<256x768xf32>
    %dot_general3A_32 = tpu.matmul %convert_element_type3A_25, %get3A_30, %dot_general3A_31 {dimension_numbers = #tpu.dot_dimension_numbers<[1], [0], [0], [1], [0, 0, 1, 1], [], []>, transpose_lhs_hint = false} : vector<256x768xbf16>, vector<768x768xbf16>, vector<256x768xf32> -> vector<256x768xf32>
    %get3A_33 = arith.index_cast %get3A_0 : i32 to index
    %get3A_34 = arith.constant 0 : index
    %get3A_35 = arith.constant 0 : index
    %get3A_36 = vector.load %arg6[%get3A_33, %get3A_34, %get3A_35] : memref<8x1x768xf32, #tpu.memory_space<vmem>>, vector<1x1x768xf32>
    %get3A_37 = vector.shape_cast %get3A_36 : vector<1x1x768xf32> to vector<1x768xf32>
    %add3A_38 = vector.broadcast %get3A_37 : vector<1x768xf32> to vector<256x768xf32>
    %add3A_39 = arith.addf %dot_general3A_32, %add3A_38 : vector<256x768xf32>
    %swap3A = arith.constant 0 : index
    %swap3A_40 = arith.constant 0 : index
    %swap3A_41 = vector.load %arg7[%swap3A, %swap3A_40] : memref<256x768xf32, #tpu.memory_space<vmem>>, vector<256x768xf32>
    tpu.vector_store %arg7[%swap3A, %swap3A_40], %add3A_39 {strides = array<i32>} : memref<256x768xf32, #tpu.memory_space<vmem>>, vector<256x768xf32>,
    return
  }
  func.func @transform_0(%arg0: i32, %arg1: memref<40xi32, #tpu.memory_space<smem>>) -> (i32, i32) {
    %c0_i32 = arith.constant 0 : i32
    %c0_i32_0 = arith.constant 0 : i32
    return %arg0, %c0_i32 : i32, i32
  }
  func.func @transform_1(%arg0: i32, %arg1: memref<40xi32, #tpu.memory_space<smem>>) -> (i32, i32, i32) {
    %c0_i32 = arith.constant 0 : i32
    %c0_i32_0 = arith.constant 0 : i32
    %c0_i32_1 = arith.constant 0 : i32
    %c0_i32_2 = arith.constant 0 : i32
    return %c0_i32, %c0_i32_0, %c0_i32_1 : i32, i32, i32
  }
  func.func @transform_2(%arg0: i32, %arg1: memref<40xi32, #tpu.memory_space<smem>>) -> (i32, i32, i32) {
    %c0_i32 = arith.constant 0 : i32
    %c0_i32_0 = arith.constant 0 : i32
    %c0_i32_1 = arith.constant 0 : i32
    %c0_i32_2 = arith.constant 0 : i32
    return %c0_i32, %c0_i32_0, %c0_i32_1 : i32, i32, i32
  }
  func.func @transform_3(%arg0: i32, %arg1: memref<40xi32, #tpu.memory_space<smem>>) -> (i32, i32, i32) {
    %c0_i32 = arith.constant 0 : i32
    %c0_i32_0 = arith.constant 0 : i32
    %c0_i32_1 = arith.constant 0 : i32
    %c0_i32_2 = arith.constant 0 : i32
    return %c0_i32, %c0_i32_0, %c0_i32_1 : i32, i32, i32
  }
  func.func @transform_4(%arg0: i32, %arg1: memref<40xi32, #tpu.memory_space<smem>>) -> (i32, i32, i32) {
    %c0_i32 = arith.constant 0 : i32
    %c0_i32_0 = arith.constant 0 : i32
    %c0_i32_1 = arith.constant 0 : i32
    %c0_i32_2 = arith.constant 0 : i32
    return %c0_i32, %c0_i32_0, %c0_i32_1 : i32, i32, i32
  }
  func.func @transform_5(%arg0: i32, %arg1: memref<40xi32, #tpu.memory_space<smem>>) -> (i32, i32) {
    %c0_i32 = arith.constant 0 : i32
    %c0_i32_0 = arith.constant 0 : i32
    return %arg0, %c0_i32 : i32, i32
  }
}

</mosaic_0001>

<sc_bundles>
// kernel: kernel.6.cloned.1.call-start
scs
__scs_entry_jumppad:
0x0: {  	(pc) =	sbr.rel $0x88, $3  }
0x1: {  	(tag) =	ssettag $0x0;
	lr =	simm.s32 $0x1  }
0x2: {  	[smem:$0x3F9A] =	sst lr;
	_ =	strace $0xD0000000  }
0x3: {  	_ = 	snop  }
0x4: {  	_ = 	snop  }
0x5: {  	_ = 	snop  }
0x6: {  	_ = 	snop  }
0x7: {  	_ = 	snop  }
__scs_overlays_trampoline_lowered:
0x8: {  	[smem:$0x3FA9] =	sst s0  }
0x9: {  	[smem:$0x3FAA] =	sst s1  }
0xa: {  	[smem:$0x3FAB] =	sst s2  }
0xb: {  	[smem:$0x3FAC] =	sst s3  }
0xc: {  	[smem:$0x3FAD] =	sst s4  }
0xd: {  	[smem:$0x3FAE] =	sst s5  }
0xe: {  	[smem:$0x3FAF] =	sst s6  }
0xf: {  	[smem:$0x3FB0] =	sst s7  }
0x10: {  	[smem:$0x3FB1] =	sst s8  }
0x11: {  	[smem:$0x3FB2] =	sst s9;
	s0 =	simm.s32 @!p0 $0x0  }
0x12: {  	s1 =	sld [smem:$0x3F98];
	s0 =	simm.s32 @p0 $0x1  }
0x13: {  	[smem:$0x3FB3] =	sst s0;
	s0 =	simm.s32 @!p1 $0x0  }
0x14: {  	s2 =	sld [smem:$0x3F97];
	s0 =	simm.s32 @p1 $0x1  }
0x15: {  	[smem:$0x3FB4] =	sst s0;
	s0 =	simm.s32 @!p2 $0x0  }
0x16: {  	s3 =	sld [smem:$0x3FDB];
	s0 =	simm.s32 @p2 $0x1  }
0x17: {  	s4 =	simm.s32 $0x1BF5;
	[smem:$0x3FB6] =	sst s0  }
0x18: {  	s0 =	sld [smem:$0x3F99];
	_ =	swait.ge [sflag:s4], $0x0  }
0x19: {  	s7 =	sld [smem:$0x3F9A]  }
0x1a: {  	s8 =	sadd.s32 $0xFFFFE003, lr  }
0x1b: {  	s9 =	sadd.s32 $0xFFFFFEF7, lr;
	s5 =	simm.s32 $0xFFFFFFFF;
	p2 =	slt.u32 s8, $0xFFFFF086  }
0x1c: {  	p1 =	slt.u32 s9, $0xF7A;
	s5 =	simm.s32 @!p2 $0x0  }
0x1d: {  	s5 =	simm.s32 @p1 $0x1;
	p0 =	seq.s32 s7, s2  }
0x1e: {  	s7 =	smul.u32 @!p0 $0xF7A, s2;
	p2 =	seq.s32 @!p0 s5, $0x0  }
0x1f: {  	s9 =	smul.u32 $0xF7A, s1;
	s8 =	simm.s32 @!p0 $0x1BF5;
	p2 =	por !p2, p0  }
0x20: {  	[sflag:s8] =	ssyncset.s32 @!p0 $0xFFFFF086;
	s6 =	sadd.s32 @!p0 s3, s7;
	s7 =	simm.s32 @!p0 $0x108  }
0x21: {  	s3 =	sadd.s32 s3, s9;
	s6 =	sadd.s32 @!p0 $0x88, s6;
	s7 =	simm.s32 @p2 $0x1082  }
0x22: {  	[simem:s7], [sflag:s8] =	dma.local @!p0 [hbm:s6], $0xF7A  }
0x23: {  	s9 =	sor.u32 $0xD0000000, s2;
	s6 =	simm.s32 $0x108;
	_ =	swait.ge @!p0 [sflag:s8], $0x0  }
0x24: {  	s3 =	sadd.s32 $0x88, s3;
	s6 =	simm.s32 @!p1 $0x1082;
	[sflag:s4] =	ssyncset.s32 $0xFFFFF086  }
0x25: {  	[simem:s6], [sflag:s4] =	dma.local [hbm:s3], $0xF7A  }
0x26: {  	[smem:$0x3F9A] =	sst s1;
	(tag) =	ssettag s2;
	_ =	strace s9  }
0x27: {  	s1 =	sld [smem:$0x3FAA]  }
0x28: {  	s2 =	sld [smem:$0x3FAB]  }
0x29: {  	s4 =	sld [smem:$0x3FAD]  }
0x2a: {  	p0 =	seq.s32 s5, $0x0;
	s5 =	sld [smem:$0x3FAE]  }
0x2b: {  	s6 =	sld [smem:$0x3FAF]  }
0x2c: {  	s7 =	sld [smem:$0x3FB0]  }
0x2d: {  	s3 =	simm.s32 $0x108;
	s8 =	sld [smem:$0x3FB1]  }
0x2e: {  	s3 =	simm.s32 @!p0 $0x1082;
	s9 =	sld [smem:$0x3FB2]  }
0x2f: {  	lr =	sadd.s32 s0, s3;
	s0 =	sld [smem:$0x3FA9]  }
0x30: {  	s3 =	sld [smem:$0x3FAC]  }
0x31: {  	[smem:$0x3FB5] =	sst s10  }
0x32: {  	s10 =	sld [smem:$0x3FB3];
	_ =	sdelay $0x3  }
0x33: {  	p0 =	seq.s32 s10, $0x1;
	s10 =	sld [smem:$0x3FB5];
	_ =	sdelay $0x3  }
0x34: {  	[smem:$0x3FB5] =	sst s10  }
0x35: {  	s10 =	sld [smem:$0x3FB4];
	_ =	sdelay $0x3  }
0x36: {  	p1 =	seq.s32 s10, $0x1;
	s10 =	sld [smem:$0x3FB5];
	_ =	sdelay $0x3  }
0x37: {  	[smem:$0x3FB5] =	sst s10  }
0x38: {  	s10 =	sld [smem:$0x3FB6]  }
0x39: {  	_ = 	snop;
	(pc) =	sbr.ind lr, $3  }
0x3a: {  	_ = 	snop  }
0x3b: {  	_ = 	snop  }
0x3c: {  	p2 =	seq.s32 s10, $0x1;
	s10 =	sld [smem:$0x3FB5]  }
0x3d: {  	_ =	shalt  }
0x3e: {  	_ =	shalt  }
0x3f: {  	_ =	shalt  }
0x40: {  	_ =	shalt  }
0x41: {  	_ =	shalt  }
0x42: {  	_ =	shalt  }
0x43: {  	_ =	shalt  }
0x44: {  	_ =	shalt  }
0x45: {  	_ =	shalt  }
0x46: {  	_ =	shalt  }
0x47: {  	_ =	shalt  }
0x48: {  	_ =	shalt  }
0x49: {  	_ =	shalt  }
0x4a: {  	_ =	shalt  }
0x4b: {  	_ =	shalt  }
0x4c: {  	_ =	shalt  }
0x4d: {  	_ =	shalt  }
0x4e: {  	_ =	shalt  }
0x4f: {  	_ =	shalt  }
0x50: {  	_ =	shalt  }
0x51: {  	_ =	shalt  }
0x52: {  	_ =	shalt  }
0x53: {  	_ =	shalt  }
0x54: {  	_ =	shalt  }
0x55: {  	_ =	shalt  }
0x56: {  	_ =	shalt  }
0x57: {  	_ =	shalt  }
0x58: {  	_ =	shalt  }
0x59: {  	_ =	shalt  }
0x5a: {  	_ =	shalt  }
0x5b: {  	_ =	shalt  }
0x5c: {  	_ =	shalt  }
0x5d: {  	_ =	shalt  }
0x5e: {  	_ =	shalt  }
0x5f: {  	_ =	shalt  }
0x60: {  	_ =	shalt  }
0x61: {  	_ =	shalt  }
0x62: {  	_ =	shalt  }
0x63: {  	_ =	shalt  }
0x64: {  	_ =	shalt  }
0x65: {  	_ =	shalt  }
0x66: {  	_ =	shalt  }
0x67: {  	_ =	shalt  }
0x68: {  	_ =	shalt  }
0x69: {  	_ =	shalt  }
0x6a: {  	_ =	shalt  }
0x6b: {  	_ =	shalt  }
0x6c: {  	_ =	shalt  }
0x6d: {  	_ =	shalt  }
0x6e: {  	_ =	shalt  }
0x6f: {  	_ =	shalt  }
0x70: {  	_ =	shalt  }
0x71: {  	_ =	shalt  }
0x72: {  	_ =	shalt  }
0x73: {  	_ =	shalt  }
0x74: {  	_ =	shalt  }
0x75: {  	_ =	shalt  }
0x76: {  	_ =	shalt  }
0x77: {  	_ =	shalt  }
0x78: {  	_ =	shalt  }
0x79: {  	_ =	shalt  }
0x7a: {  	_ =	shalt  }
0x7b: {  	_ =	shalt  }
0x7c: {  	_ =	shalt  }
0x7d: {  	_ =	shalt  }
0x7e: {  	_ =	shalt  }
0x7f: {  	_ =	shalt  }
0x80: {  	_ =	shalt  }
0x81: {  	_ =	shalt  }
0x82: {  	_ =	shalt  }
0x83: {  	_ =	shalt  }
0x84: {  	_ =	shalt  }
0x85: {  	_ =	shalt  }
0x86: {  	_ =	shalt  }
0x87: {  	_ =	shalt  }
.Lfunc_end0:
.L_simem_size_0:
called_computation_lowered:
.L_overlay_start_0:
0x88: {  	s2 =	sld [smem:$0x3FD9]  }
0x89: {  	s3 =	sld [smem:$0x3FFE];
	_ =	sdelay $0x1  }
0x8a: {  	s1 =	srdreg.scid  }
0x8b: {  	s0 =	sand.u32 $0x1, s1  }
0x8c: {  	s17 =	sshll.u32 s0, $0xA;
	s2 =	sadd.s32 s3, s2  }
0x8d: {  	s2 =	sadd.s32 s2, s17  }
0x8e: {  	[smem:$0x3FC1] =	sst s2  }
0x8f: {  	_ = 	snop  }
0x90: {  	s2 =	sld [smem:$0x3FC9];
	(tm) =	ssettm $0x1  }
0x91: {  	s18 =	sld [smem:$0x3FFB];
	_ =	sdelay $0x3  }
0x92: {  	_ =	strace s18  }
0x93: {  	s3 =	sld [smem:$0x3FFC];
	_ =	sdelay $0x3  }
0x94: {  	_ =	strace s3  }
0x95: {  	s3 =	sld [smem:$0x3FFD];
	_ =	sdelay $0x3  }
0x96: {  	_ =	strace s3  }
0x97: {  	_ =	strace $0x8FFFFFFF  }
0x98: {  	s19 =	sld [smem:$0x3FDB];
	_ =	sdelay $0x1  }
0x99: {  	s4 =	simm.s32 $_scs_section_size  }
0x9a: {  	s5 =	simm.s32 $_size__tile_overlayer_lowered;
	s6 =	simm.s32 $_tile_overlayer_lowered  }
0x9b: {  	s22 =	simm.s32 $0x1BFF;
	s21 =	sshll.u32 s6, $0x1;
	s3 =	sadd.s32 s4, s19  }
0x9c: {  	s7 =	simm.s32 $0x0;
	s20 =	sshll.u32 s5, $0x1;
	s5 =	sadd.s32 s21, s3  }
0x9d: {  	[timem:s7], [sflag:s22] =	dma.local [hbm:s5], s20  }
0x9e: {  	_ =	swait.ge [sflag:s22], s20  }
0x9f: {  	s4 =	ssub.s32 $0x0, s20;
	[sflag:s22] =	ssyncset.done $0x0  }
0xa0: {  	[sflag:s22] =	ssyncadd.s32 s4;
	_ =	sdelay $0x1  }
0xa1: {  	s23 =	simm.s32 $0x1B8B  }
0xa2: {  	_ =	swait.ge [sflag:s23], $0x1  }
0xa3: {  	[sflag:s23] =	ssyncset.done $0x0  }
0xa4: {  	s25 =	simm.s32 $0x1B8E;
	s24 =	sld [smem:$0x3FFE];
	[sflag:s23] =	ssyncadd.s32 $0xFFFFFFFF  }
0xa5: {  	s26 =	simm.s32 $execute0_lowered;
	[smem:$0x3FD2] =	sst s25  }
0xa6: {  	s5 =	sshll.u32 s26, $0x1;
	_ =	strace $0x80000046;
	[dreg:$0x1] =	wrdreg $0xFFFFFFFF  }
0xa7: {  	s28 =	simm.s32 $_size_execute0_lowered;
	s3 =	sadd.s32 s3, s5;
	[dreg:$0x0] =	wrdreg $0x0  }
0xa8: {  	s5 =	sshll.u32 s28, $0x1;
	[dreg:$0x2] =	wrdreg s3  }
0xa9: {  	[dreg:$0x3] =	wrdreg s5  }
0xaa: {  	[dreg:$0x4] =	wrdreg $0xC0  }
0xab: {  	_ =	task [dreg:s7], $0x5FFFF  }
0xac: {  	[dreg:$0x1] =	wrdreg $0xFFFFFFFF  }
0xad: {  	[dreg:$0x0] =	wrdreg $0x60  }
0xae: {  	[dreg:$0x2] =	wrdreg s2  }
0xaf: {  	[dreg:$0x3] =	wrdreg s24  }
0xb0: {  	[dreg:$0x4] =	wrdreg $0x9  }
0xb1: {  	_ =	task.clear_ibuf [dreg:s7], $0x5FFFF;
	_ =	strace $0x90000046  }
0xb2: {  	s29 =	simm.s32 $0x9;
	_ =	strace $0x80000048  }
0xb3: {  	_ =	swait.ge [sflag:s29], $0x1  }
0xb4: {  	[sflag:s29] =	ssyncadd.s32 $0xFFFFFFFF  }
0xb5: {  	_ =	strace $0x90000048  }
0xb6: {  	_ =	sfence  }
0xb7: {  	s30 =	sld [smem:$0x0];
	_ =	sdelay $0x2  }
0xb8: {  	s31 =	sshll.u32 s1, $0xD;
	s1 =	sshrl.u32 s1, $0x2  }
0xb9: {  	s3 =	sand.u32 $0x4000, s31;
	s1 =	sadd.s32 s1, s30  }
0xba: {  	s0 =	sor.u32 s3, s0;
	s1 =	sshll.u32 s1, $0x11  }
0xbb: {  	s0 =	sor.u32 s1, s0  }
0xbc: {  	s0 =	sadd.s32 $0x8F2B, s0  }
0xbd: {  	[sflag:s0] =	ssyncadd.remote.s32 $0x1  }
0xbe: {  	_ =	sfence.sel $0xFFFF  }
0xbf: {  	[dreg:$0x0] =	wrdreg $0xFFFFFFFF;
	(pc) =	sbr.abs _section_cstart, $3  }
0xc0: {  	[dreg:$0x1] =	wrdreg $0xFFFFFFFF  }
0xc1: {  	_ =	task.clear_ibuf [dreg:s7], $0x2FFFF;
	_ =	strace $0x9FFFFFFF  }
0xc2: {  	(tm) =	ssettm $0x7FFFFFFF  }
0xc3: {  	_ =	shalt  }
tec
execute0_lowered:
.L_overlay_start_1:
0x0: {  	(tag) =	ssettag $0x1  }
0x1: {  	s0 =	rddreg [dreg:$0x0];
	s1 =	srdreg.scid  }
0x2: {  	s2 =	stileid.u32;
	s5 =	rddreg [dreg:$0x1];
	s30 =	simm.s32 $0x100  }
0x3: {  	s1 =	sand.u32 $0x1, s1;
	s3 =	sshll.u32 s2, $0x1;
	s2 =	simm.s32 $0x0  }
0x4: {  	s31 =	simm.s32 $0x9A00;
	s4 =	sor.u32 s1, s3;
	[smem:$0x7FF] =	sst s2  }
0x5: {  	s1 =	ssub.s32 $0x2, s1;
	s3 =	sshll.u32 s4, $0x5;
	_ =	strace $0x80000047  }
0x6: {  	s7 =	smul.u32 $0x18000, s4;
	s8 =	sshrl.u32 s1, $0x1;
	s6 =	sadd.s32 s3, s5  }
0x7: {  	s4 =	smul.u32 $0x3000, s4;
	[dreg:$0x7] =	wrdreg s30;
	s9 =	sadd.s32 $0x11A00, s6  }
0x8: {  	s3 =	sadd.s32 $0x12200, s5;
	s6 =	sadd.s32 $0x11E00, s6;
	[dreg:$0x3] =	wrdreg s9  }
0x9: {  	s7 =	sshrl.u32 s7, $0x3;
	s4 =	sadd.s32 s0, s4;
	[dreg:$0x4] =	wrdreg s6  }
0xa: {  	v2 =	vlaneseq.u32;
	s1 =	ssub.s32 s1, s8;
	s0 =	sadd.s32 s0, s7;
	[dreg:$0x5] =	wrdreg s4  }
0xb: {  	vm0 =	vmmov $0xffff;
	v1 =	vshrl.u32 v2, $0x3;
	s4 =	sadd.s32 $0x12300, s5;
	s5 =	sadd.s32 $0x12400, s5;
	s0 =	sadd.s32 $0x1800, s0  }
0xc: {  	v0 =	vand.u32 $0x7, v2;
	v2 =	vor.u32 $0x8, v2;
	v1 =	vmul.u32 $0x8, v1;
	s6 =	smax.u32 s1, $0x1;
	s7 =	simm.s32 $0x3;
	[dreg:$0x6] =	wrdreg s0  }
.LBB2_1:
0xd: {  	s10 =	rddreg [dreg:$0x3]  }
0xe: {  	[tilespmem:s2], [sflag:$0x3] =	stream.linear.gather [hbm4b:s10+s2], $0x100, $0x38;
	[tilespmem:$0xC200] =	vst v63  }
0xf: {  	_ =	swait.ge [sflag:s7], $0x100  }
0x10: {  	s8 =	rddreg [dreg:$0x4];
	[sflag:s7] =	ssyncset.done $0x0  }
0x11: {  	s11 =	rddreg [dreg:$0x7];
	[sflag:s7] =	ssyncadd.s32 $0xFFFFFF00  }
0x12: {  	[tilespmem:s11], [sflag:$0x3] =	stream.linear.gather [hbm4b:s8+s2], $0x100, $0x38;
	[tilespmem:$0xC200] =	vst v63  }
0x13: {  	_ =	swait.ge [sflag:s7], $0x100  }
0x14: {  	[sflag:s7] =	ssyncset.done $0x0  }
0x15: {  	s11 =	simm.s32 $0x200;
	s9 =	rddreg [dreg:$0x5];
	[sflag:s7] =	ssyncadd.s32 $0xFFFFFF00  }
0x16: {  	[tilespmem:s11], [sflag:$0x3] =	stream.linear.gather [hbm4b:s9+s2], $0xC000, $0x38;
	[tilespmem:$0xC200] =	vst v63  }
0x17: {  	_ =	swait.ge [sflag:s7], $0xC000  }
0x18: {  	[sflag:s7] =	ssyncset.done $0x0  }
0x19: {  	[sflag:s7] =	ssyncadd.s32 $0xFFFF4000  }
0x1a: {  	v3 =	vld [tilespmem:$0x0];
	_ =	sdelay $0x4  }
0x1b: {  	v4 =	vshrl.u32 v3, $0x3  }
0x1c: {  	v4 =	vmul.u32 $0x30, v4  }
0x1d: {  	v3 =	vand.u32 $0x7, v3  }
0x1e: {  	v3 =	vor.u32 v3, v4  }
0x1f: {  	v4 =	vperm.xlane v3, v0;
	_ =	sdelay $0x1  }
0x20: {  	v4 =	vadd.s32 v1, v4;
	_ =	sdelay $0x3  }
0x21: {  	v3 =	vperm.xlane v3, v2  }
0x22: {  	[hbm4b:s3+s2] =	stream.indirect_vreg.scatter [tilespmem:s11], [sflag:$0x1], $0x80, v4, vm0, $0xb8;
	[tilespmem:$0xC200] =	vst v63  }
0x23: {  	s0 =	simm.s32 $0xA00;
	v3 =	vadd.s32 v1, v3  }
0x24: {  	[hbm4b:s4+s2] =	stream.indirect_vreg.scatter [tilespmem:s0], [sflag:$0x1], $0x80, v4, vm0, $0xb8;
	[tilespmem:$0xC200] =	vst v63  }
0x25: {  	s10 =	simm.s32 $0x1200  }
0x26: {  	[hbm4b:s5+s2] =	stream.indirect_vreg.scatter [tilespmem:s10], [sflag:$0x1], $0x80, v4, vm0, $0xb8;
	[tilespmem:$0xC200] =	vst v63  }
0x27: {  	s12 =	simm.s32 $0x1A00  }
0x28: {  	[hbm4b:s3+s2] =	stream.indirect_vreg.scatter [tilespmem:s12], [sflag:$0x1], $0x80, v3, vm0, $0xb8;
	[tilespmem:$0xC200] =	vst v63  }
0x29: {  	s13 =	simm.s32 $0x2200  }
0x2a: {  	[hbm4b:s4+s2] =	stream.indirect_vreg.scatter [tilespmem:s13], [sflag:$0x1], $0x80, v3, vm0, $0xb8;
	[tilespmem:$0xC200] =	vst v63  }
0x2b: {  	s14 =	simm.s32 $0x2A00  }
0x2c: {  	[hbm4b:s5+s2] =	stream.indirect_vreg.scatter [tilespmem:s14], [sflag:$0x1], $0x80, v3, vm0, $0xb8;
	[tilespmem:$0xC200] =	vst v63  }
0x2d: {  	v3 =	vld [tilespmem:$0x10];
	_ =	sdelay $0x4  }
0x2e: {  	v49 =	vshrl.u32 v3, $0x3  }
0x2f: {  	v4 =	vmul.u32 $0x30, v49  }
0x30: {  	v3 =	vand.u32 $0x7, v3  }
0x31: {  	v3 =	vor.u32 v3, v4  }
0x32: {  	v4 =	vperm.xlane v3, v0;
	_ =	sdelay $0x1  }
0x33: {  	v4 =	vadd.s32 v1, v4;
	_ =	sdelay $0x3  }
0x34: {  	s15 =	simm.s32 $0x3200;
	v3 =	vperm.xlane v3, v2  }
0x35: {  	[hbm4b:s3+s2] =	stream.indirect_vreg.scatter [tilespmem:s15], [sflag:$0x1], $0x80, v4, vm0, $0xb8;
	[tilespmem:$0xC200] =	vst v63  }
0x36: {  	s16 =	simm.s32 $0x3A00;
	v3 =	vadd.s32 v1, v3  }
0x37: {  	[hbm4b:s4+s2] =	stream.indirect_vreg.scatter [tilespmem:s16], [sflag:$0x1], $0x80, v4, vm0, $0xb8;
	[tilespmem:$0xC200] =	vst v63  }
0x38: {  	s17 =	simm.s32 $0x4200  }
0x39: {  	[hbm4b:s5+s2] =	stream.indirect_vreg.scatter [tilespmem:s17], [sflag:$0x1], $0x80, v4, vm0, $0xb8;
	[tilespmem:$0xC200] =	vst v63  }
0x3a: {  	s18 =	simm.s32 $0x4A00  }
0x3b: {  	[hbm4b:s3+s2] =	stream.indirect_vreg.scatter [tilespmem:s18], [sflag:$0x1], $0x80, v3, vm0, $0xb8;
	[tilespmem:$0xC200] =	vst v63  }
0x3c: {  	s19 =	simm.s32 $0x5200  }
0x3d: {  	[hbm4b:s4+s2] =	stream.indirect_vreg.scatter [tilespmem:s19], [sflag:$0x1], $0x80, v3, vm0, $0xb8;
	[tilespmem:$0xC200] =	vst v63  }
0x3e: {  	s20 =	simm.s32 $0x5A00  }
0x3f: {  	[hbm4b:s5+s2] =	stream.indirect_vreg.scatter [tilespmem:s20], [sflag:$0x1], $0x80, v3, vm0, $0xb8;
	[tilespmem:$0xC200] =	vst v63  }
0x40: {  	v3 =	vld [tilespmem:$0x20];
	_ =	sdelay $0x4  }
0x41: {  	v50 =	vshrl.u32 v3, $0x3  }
0x42: {  	v4 =	vmul.u32 $0x30, v50  }
0x43: {  	v3 =	vand.u32 $0x7, v3  }
0x44: {  	v3 =	vor.u32 v3, v4  }
0x45: {  	v4 =	vperm.xlane v3, v0;
	_ =	sdelay $0x1  }
0x46: {  	v4 =	vadd.s32 v1, v4;
	_ =	sdelay $0x3  }
0x47: {  	s21 =	simm.s32 $0x6200;
	v3 =	vperm.xlane v3, v2  }
0x48: {  	[hbm4b:s3+s2] =	stream.indirect_vreg.scatter [tilespmem:s21], [sflag:$0x1], $0x80, v4, vm0, $0xb8;
	[tilespmem:$0xC200] =	vst v63  }
0x49: {  	s22 =	simm.s32 $0x6A00;
	v3 =	vadd.s32 v1, v3  }
0x4a: {  	[hbm4b:s4+s2] =	stream.indirect_vreg.scatter [tilespmem:s22], [sflag:$0x1], $0x80, v4, vm0, $0xb8;
	[tilespmem:$0xC200] =	vst v63  }
0x4b: {  	s23 =	simm.s32 $0x7200  }
0x4c: {  	[hbm4b:s5+s2] =	stream.indirect_vreg.scatter [tilespmem:s23], [sflag:$0x1], $0x80, v4, vm0, $0xb8;
	[tilespmem:$0xC200] =	vst v63  }
0x4d: {  	s24 =	simm.s32 $0x7A00  }
0x4e: {  	[hbm4b:s3+s2] =	stream.indirect_vreg.scatter [tilespmem:s24], [sflag:$0x1], $0x80, v3, vm0, $0xb8;
	[tilespmem:$0xC200] =	vst v63  }
0x4f: {  	s25 =	simm.s32 $0x8200  }
0x50: {  	[hbm4b:s4+s2] =	stream.indirect_vreg.scatter [tilespmem:s25], [sflag:$0x1], $0x80, v3, vm0, $0xb8;
	[tilespmem:$0xC200] =	vst v63  }
0x51: {  	s26 =	simm.s32 $0x8A00  }
0x52: {  	[hbm4b:s5+s2] =	stream.indirect_vreg.scatter [tilespmem:s26], [sflag:$0x1], $0x80, v3, vm0, $0xb8;
	[tilespmem:$0xC200] =	vst v63  }
0x53: {  	v3 =	vld [tilespmem:$0x30];
	_ =	sdelay $0x4  }
0x54: {  	v51 =	vshrl.u32 v3, $0x3  }
0x55: {  	v4 =	vmul.u32 $0x30, v51  }
0x56: {  	v3 =	vand.u32 $0x7, v3  }
0x57: {  	v3 =	vor.u32 v3, v4  }
0x58: {  	v4 =	vperm.xlane v3, v0;
	_ =	sdelay $0x1  }
0x59: {  	v4 =	vadd.s32 v1, v4;
	_ =	sdelay $0x3  }
0x5a: {  	s28 =	simm.s32 $0x9200;
	v3 =	vperm.xlane v3, v2  }
0x5b: {  	[hbm4b:s3+s2] =	stream.indirect_vreg.scatter [tilespmem:s28], [sflag:$0x1], $0x80, v4, vm0, $0xb8;
	[tilespmem:$0xC200] =	vst v63  }
0x5c: {  	s29 =	simm.s32 $0x9A00;
	v3 =	vadd.s32 v1, v3  }
0x5d: {  	[hbm4b:s4+s2] =	stream.indirect_vreg.scatter [tilespmem:s29], [sflag:$0x1], $0x80, v4, vm0, $0xb8;
	[tilespmem:$0xC200] =	vst v63  }
0x5e: {  	s30 =	simm.s32 $0xA200  }
0x5f: {  	[hbm4b:s5+s2] =	stream.indirect_vreg.scatter [tilespmem:s30], [sflag:$0x1], $0x80, v4, vm0, $0xb8;
	[tilespmem:$0xC200] =	vst v63  }
0x60: {  	s1 =	simm.s32 $0xAA00  }
0x61: {  	[hbm4b:s3+s2] =	stream.indirect_vreg.scatter [tilespmem:s1], [sflag:$0x1], $0x80, v3, vm0, $0xb8;
	[tilespmem:$0xC200] =	vst v63  }
0x62: {  	s9 =	simm.s32 $0xB200  }
0x63: {  	[hbm4b:s4+s2] =	stream.indirect_vreg.scatter [tilespmem:s9], [sflag:$0x1], $0x80, v3, vm0, $0xb8;
	[tilespmem:$0xC200] =	vst v63  }
0x64: {  	s9 =	simm.s32 $0xBA00  }
0x65: {  	[hbm4b:s5+s2] =	stream.indirect_vreg.scatter [tilespmem:s9], [sflag:$0x1], $0x80, v3, vm0, $0xb8;
	[tilespmem:$0xC200] =	vst v63  }
0x66: {  	v3 =	vld [tilespmem:$0x100];
	_ =	sdelay $0x4  }
0x67: {  	v52 =	vshrl.u32 v3, $0x3  }
0x68: {  	v4 =	vmul.u32 $0x30, v52  }
0x69: {  	v3 =	vand.u32 $0x7, v3  }
0x6a: {  	v3 =	vor.u32 v3, v4  }
0x6b: {  	v4 =	vperm.xlane v3, v0;
	_ =	sdelay $0x1  }
0x6c: {  	v4 =	vadd.s32 v1, v4;
	_ =	sdelay $0x3  }
0x6d: {  	v3 =	vperm.xlane v3, v2  }
0x6e: {  	[hbm4b:s3+s2] =	stream.indirect_vreg.scatter [tilespmem:s11], [sflag:$0x2], $0x80, v4, vm0, $0xb8;
	[tilespmem:$0xC200] =	vst v63  }
0x6f: {  	s8 =	simm.s32 $0xA00;
	v3 =	vadd.s32 v1, v3  }
0x70: {  	[hbm4b:s4+s2] =	stream.indirect_vreg.scatter [tilespmem:s8], [sflag:$0x2], $0x80, v4, vm0, $0xb8;
	[tilespmem:$0xC200] =	vst v63  }
0x71: {  	s10 =	simm.s32 $0x1200  }
0x72: {  	[hbm4b:s5+s2] =	stream.indirect_vreg.scatter [tilespmem:s10], [sflag:$0x2], $0x80, v4, vm0, $0xb8;
	[tilespmem:$0xC200] =	vst v63  }
0x73: {  	s12 =	simm.s32 $0x1A00  }
0x74: {  	[hbm4b:s3+s2] =	stream.indirect_vreg.scatter [tilespmem:s12], [sflag:$0x2], $0x80, v3, vm0, $0xb8;
	[tilespmem:$0xC200] =	vst v63  }
0x75: {  	s13 =	simm.s32 $0x2200  }
0x76: {  	[hbm4b:s4+s2] =	stream.indirect_vreg.scatter [tilespmem:s13], [sflag:$0x2], $0x80, v3, vm0, $0xb8;
	[tilespmem:$0xC200] =	vst v63  }
0x77: {  	s14 =	simm.s32 $0x2A00  }
0x78: {  	[hbm4b:s5+s2] =	stream.indirect_vreg.scatter [tilespmem:s14], [sflag:$0x2], $0x80, v3, vm0, $0xb8;
	[tilespmem:$0xC200] =	vst v63  }
0x79: {  	v3 =	vld [tilespmem:$0x110];
	_ =	sdelay $0x4  }
0x7a: {  	v53 =	vshrl.u32 v3, $0x3  }
0x7b: {  	v4 =	vmul.u32 $0x30, v53  }
0x7c: {  	v3 =	vand.u32 $0x7, v3  }
0x7d: {  	v3 =	vor.u32 v3, v4  }
0x7e: {  	v4 =	vperm.xlane v3, v0;
	_ =	sdelay $0x1  }
0x7f: {  	v4 =	vadd.s32 v1, v4;
	_ =	sdelay $0x3  }
0x80: {  	s15 =	simm.s32 $0x3200;
	v3 =	vperm.xlane v3, v2  }
0x81: {  	[hbm4b:s3+s2] =	stream.indirect_vreg.scatter [tilespmem:s15], [sflag:$0x2], $0x80, v4, vm0, $0xb8;
	[tilespmem:$0xC200] =	vst v63  }
0x82: {  	s16 =	simm.s32 $0x3A00;
	v3 =	vadd.s32 v1, v3  }
0x83: {  	[hbm4b:s4+s2] =	stream.indirect_vreg.scatter [tilespmem:s16], [sflag:$0x2], $0x80, v4, vm0, $0xb8;
	[tilespmem:$0xC200] =	vst v63  }
0x84: {  	s17 =	simm.s32 $0x4200  }
0x85: {  	[hbm4b:s5+s2] =	stream.indirect_vreg.scatter [tilespmem:s17], [sflag:$0x2], $0x80, v4, vm0, $0xb8;
	[tilespmem:$0xC200] =	vst v63  }
0x86: {  	s18 =	simm.s32 $0x4A00  }
0x87: {  	[hbm4b:s3+s2] =	stream.indirect_vreg.scatter [tilespmem:s18], [sflag:$0x2], $0x80, v3, vm0, $0xb8;
	[tilespmem:$0xC200] =	vst v63  }
0x88: {  	s19 =	simm.s32 $0x5200  }
0x89: {  	[hbm4b:s4+s2] =	stream.indirect_vreg.scatter [tilespmem:s19], [sflag:$0x2], $0x80, v3, vm0, $0xb8;
	[tilespmem:$0xC200] =	vst v63  }
0x8a: {  	s20 =	simm.s32 $0x5A00  }
0x8b: {  	[hbm4b:s5+s2] =	stream.indirect_vreg.scatter [tilespmem:s20], [sflag:$0x2], $0x80, v3, vm0, $0xb8;
	[tilespmem:$0xC200] =	vst v63  }
0x8c: {  	v3 =	vld [tilespmem:$0x120];
	_ =	sdelay $0x4  }
0x8d: {  	v54 =	vshrl.u32 v3, $0x3  }
0x8e: {  	v4 =	vmul.u32 $0x30, v54  }
0x8f: {  	v3 =	vand.u32 $0x7, v3  }
0x90: {  	v3 =	vor.u32 v3, v4  }
0x91: {  	v4 =	vperm.xlane v3, v0;
	_ =	sdelay $0x1  }
0x92: {  	v4 =	vadd.s32 v1, v4;
	_ =	sdelay $0x3  }
0x93: {  	s21 =	simm.s32 $0x6200;
	v3 =	vperm.xlane v3, v2  }
0x94: {  	[hbm4b:s3+s2] =	stream.indirect_vreg.scatter [tilespmem:s21], [sflag:$0x2], $0x80, v4, vm0, $0xb8;
	[tilespmem:$0xC200] =	vst v63  }
0x95: {  	s22 =	simm.s32 $0x6A00;
	v3 =	vadd.s32 v1, v3  }
0x96: {  	[hbm4b:s4+s2] =	stream.indirect_vreg.scatter [tilespmem:s22], [sflag:$0x2], $0x80, v4, vm0, $0xb8;
	[tilespmem:$0xC200] =	vst v63  }
0x97: {  	s23 =	simm.s32 $0x7200  }
0x98: {  	[hbm4b:s5+s2] =	stream.indirect_vreg.scatter [tilespmem:s23], [sflag:$0x2], $0x80, v4, vm0, $0xb8;
	[tilespmem:$0xC200] =	vst v63  }
0x99: {  	s24 =	simm.s32 $0x7A00  }
0x9a: {  	[hbm4b:s3+s2] =	stream.indirect_vreg.scatter [tilespmem:s24], [sflag:$0x2], $0x80, v3, vm0, $0xb8;
	[tilespmem:$0xC200] =	vst v63  }
0x9b: {  	s25 =	simm.s32 $0x8200  }
0x9c: {  	[hbm4b:s4+s2] =	stream.indirect_vreg.scatter [tilespmem:s25], [sflag:$0x2], $0x80, v3, vm0, $0xb8;
	[tilespmem:$0xC200] =	vst v63  }
0x9d: {  	s26 =	simm.s32 $0x8A00  }
0x9e: {  	[hbm4b:s5+s2] =	stream.indirect_vreg.scatter [tilespmem:s26], [sflag:$0x2], $0x80, v3, vm0, $0xb8;
	[tilespmem:$0xC200] =	vst v63  }
0x9f: {  	v3 =	vld [tilespmem:$0x130];
	_ =	sdelay $0x4  }
0xa0: {  	v55 =	vshrl.u32 v3, $0x3  }
0xa1: {  	v4 =	vmul.u32 $0x30, v55  }
0xa2: {  	v3 =	vand.u32 $0x7, v3  }
0xa3: {  	v3 =	vor.u32 v3, v4  }
0xa4: {  	v4 =	vperm.xlane v3, v0;
	_ =	sdelay $0x1  }
0xa5: {  	v4 =	vadd.s32 v1, v4;
	_ =	sdelay $0x3  }
0xa6: {  	s28 =	simm.s32 $0x9200;
	v3 =	vperm.xlane v3, v2  }
0xa7: {  	[hbm4b:s3+s2] =	stream.indirect_vreg.scatter [tilespmem:s28], [sflag:$0x2], $0x80, v4, vm0, $0xb8;
	[tilespmem:$0xC200] =	vst v63  }
0xa8: {  	s29 =	simm.s32 $0x9A00;
	v3 =	vadd.s32 v1, v3  }
0xa9: {  	[hbm4b:s4+s2] =	stream.indirect_vreg.scatter [tilespmem:s29], [sflag:$0x2], $0x80, v4, vm0, $0xb8;
	[tilespmem:$0xC200] =	vst v63  }
0xaa: {  	s30 =	simm.s32 $0xA200  }
0xab: {  	[hbm4b:s5+s2] =	stream.indirect_vreg.scatter [tilespmem:s30], [sflag:$0x2], $0x80, v4, vm0, $0xb8;
	[tilespmem:$0xC200] =	vst v63  }
0xac: {  	s1 =	simm.s32 $0xAA00  }
0xad: {  	[hbm4b:s3+s2] =	stream.indirect_vreg.scatter [tilespmem:s1], [sflag:$0x2], $0x80, v3, vm0, $0xb8;
	[tilespmem:$0xC200] =	vst v63  }
0xae: {  	s0 =	simm.s32 $0xB200  }
0xaf: {  	[hbm4b:s4+s2] =	stream.indirect_vreg.scatter [tilespmem:s0], [sflag:$0x2], $0x80, v3, vm0, $0xb8;
	[tilespmem:$0xC200] =	vst v63  }
0xb0: {  	s9 =	simm.s32 $0xBA00;
	s0 =	simm.s32 $0x1  }
0xb1: {  	[hbm4b:s5+s2] =	stream.indirect_vreg.scatter [tilespmem:s9], [sflag:$0x2], $0x80, v3, vm0, $0xb8;
	[tilespmem:$0xC200] =	vst v63  }
0xb2: {  	_ =	swait.ge [sflag:s0], $0xC000  }
0xb3: {  	[sflag:s0] =	ssyncset.done $0x0  }
0xb4: {  	s1 =	simm.s32 $0x2;
	[sflag:s0] =	ssyncadd.s32 $0xFFFF4000  }
0xb5: {  	_ =	swait.ge [sflag:s1], $0xC000  }
0xb6: {  	[sflag:s1] =	ssyncset.done $0x0  }
0xb7: {  	s12 =	rddreg [dreg:$0x6];
	[sflag:s1] =	ssyncadd.s32 $0xFFFF4000  }
0xb8: {  	[tilespmem:s11], [sflag:$0x3] =	stream.linear.gather [hbm4b:s12+s2], $0xC000, $0x38;
	[tilespmem:$0xC200] =	vst v63  }
0xb9: {  	_ =	swait.ge [sflag:s7], $0xC000  }
0xba: {  	[sflag:s7] =	ssyncset.done $0x0  }
0xbb: {  	[sflag:s7] =	ssyncadd.s32 $0xFFFF4000  }
0xbc: {  	v3 =	vld [tilespmem:$0x80];
	_ =	sdelay $0x4  }
0xbd: {  	v56 =	vshrl.u32 v3, $0x3  }
0xbe: {  	v4 =	vmul.u32 $0x30, v56  }
0xbf: {  	v3 =	vand.u32 $0x7, v3  }
0xc0: {  	v3 =	vor.u32 v3, v4  }
0xc1: {  	v4 =	vperm.xlane v3, v0;
	_ =	sdelay $0x1  }
0xc2: {  	v4 =	vadd.s32 v1, v4;
	_ =	sdelay $0x3  }
0xc3: {  	v3 =	vperm.xlane v3, v2  }
0xc4: {  	[hbm4b:s3+s2] =	stream.indirect_vreg.scatter [tilespmem:s11], [sflag:$0x1], $0x80, v4, vm0, $0xb8;
	[tilespmem:$0xC200] =	vst v63  }
0xc5: {  	s8 =	simm.s32 $0xA00;
	v3 =	vadd.s32 v1, v3  }
0xc6: {  	[hbm4b:s4+s2] =	stream.indirect_vreg.scatter [tilespmem:s8], [sflag:$0x1], $0x80, v4, vm0, $0xb8;
	[tilespmem:$0xC200] =	vst v63  }
0xc7: {  	s13 =	simm.s32 $0x1200  }
0xc8: {  	[hbm4b:s5+s2] =	stream.indirect_vreg.scatter [tilespmem:s13], [sflag:$0x1], $0x80, v4, vm0, $0xb8;
	[tilespmem:$0xC200] =	vst v63  }
0xc9: {  	s14 =	simm.s32 $0x1A00  }
0xca: {  	[hbm4b:s3+s2] =	stream.indirect_vreg.scatter [tilespmem:s14], [sflag:$0x1], $0x80, v3, vm0, $0xb8;
	[tilespmem:$0xC200] =	vst v63  }
0xcb: {  	s15 =	simm.s32 $0x2200  }
0xcc: {  	[hbm4b:s4+s2] =	stream.indirect_vreg.scatter [tilespmem:s15], [sflag:$0x1], $0x80, v3, vm0, $0xb8;
	[tilespmem:$0xC200] =	vst v63  }
0xcd: {  	s16 =	simm.s32 $0x2A00  }
0xce: {  	[hbm4b:s5+s2] =	stream.indirect_vreg.scatter [tilespmem:s16], [sflag:$0x1], $0x80, v3, vm0, $0xb8;
	[tilespmem:$0xC200] =	vst v63  }
0xcf: {  	v3 =	vld [tilespmem:$0x90];
	_ =	sdelay $0x4  }
0xd0: {  	v57 =	vshrl.u32 v3, $0x3  }
0xd1: {  	v4 =	vmul.u32 $0x30, v57  }
0xd2: {  	v3 =	vand.u32 $0x7, v3  }
0xd3: {  	v3 =	vor.u32 v3, v4  }
0xd4: {  	v4 =	vperm.xlane v3, v0;
	_ =	sdelay $0x1  }
0xd5: {  	v4 =	vadd.s32 v1, v4;
	_ =	sdelay $0x3  }
0xd6: {  	s17 =	simm.s32 $0x3200;
	v3 =	vperm.xlane v3, v2  }
0xd7: {  	[hbm4b:s3+s2] =	stream.indirect_vreg.scatter [tilespmem:s17], [sflag:$0x1], $0x80, v4, vm0, $0xb8;
	[tilespmem:$0xC200] =	vst v63  }
0xd8: {  	s18 =	simm.s32 $0x3A00;
	v3 =	vadd.s32 v1, v3  }
0xd9: {  	[hbm4b:s4+s2] =	stream.indirect_vreg.scatter [tilespmem:s18], [sflag:$0x1], $0x80, v4, vm0, $0xb8;
	[tilespmem:$0xC200] =	vst v63  }
0xda: {  	s19 =	simm.s32 $0x4200  }
0xdb: {  	[hbm4b:s5+s2] =	stream.indirect_vreg.scatter [tilespmem:s19], [sflag:$0x1], $0x80, v4, vm0, $0xb8;
	[tilespmem:$0xC200] =	vst v63  }
0xdc: {  	s20 =	simm.s32 $0x4A00  }
0xdd: {  	[hbm4b:s3+s2] =	stream.indirect_vreg.scatter [tilespmem:s20], [sflag:$0x1], $0x80, v3, vm0, $0xb8;
	[tilespmem:$0xC200] =	vst v63  }
0xde: {  	s21 =	simm.s32 $0x5200  }
0xdf: {  	[hbm4b:s4+s2] =	stream.indirect_vreg.scatter [tilespmem:s21], [sflag:$0x1], $0x80, v3, vm0, $0xb8;
	[tilespmem:$0xC200] =	vst v63  }
0xe0: {  	s22 =	simm.s32 $0x5A00  }
0xe1: {  	[hbm4b:s5+s2] =	stream.indirect_vreg.scatter [tilespmem:s22], [sflag:$0x1], $0x80, v3, vm0, $0xb8;
	[tilespmem:$0xC200] =	vst v63  }
0xe2: {  	v3 =	vld [tilespmem:$0xA0];
	_ =	sdelay $0x4  }
0xe3: {  	v58 =	vshrl.u32 v3, $0x3  }
0xe4: {  	v4 =	vmul.u32 $0x30, v58  }
0xe5: {  	v3 =	vand.u32 $0x7, v3  }
0xe6: {  	v3 =	vor.u32 v3, v4  }
0xe7: {  	v4 =	vperm.xlane v3, v0;
	_ =	sdelay $0x1  }
0xe8: {  	v4 =	vadd.s32 v1, v4;
	_ =	sdelay $0x3  }
0xe9: {  	s23 =	simm.s32 $0x6200;
	v3 =	vperm.xlane v3, v2  }
0xea: {  	[hbm4b:s3+s2] =	stream.indirect_vreg.scatter [tilespmem:s23], [sflag:$0x1], $0x80, v4, vm0, $0xb8;
	[tilespmem:$0xC200] =	vst v63  }
0xeb: {  	s24 =	simm.s32 $0x6A00;
	v3 =	vadd.s32 v1, v3  }
0xec: {  	[hbm4b:s4+s2] =	stream.indirect_vreg.scatter [tilespmem:s24], [sflag:$0x1], $0x80, v4, vm0, $0xb8;
	[tilespmem:$0xC200] =	vst v63  }
0xed: {  	s25 =	simm.s32 $0x7200  }
0xee: {  	[hbm4b:s5+s2] =	stream.indirect_vreg.scatter [tilespmem:s25], [sflag:$0x1], $0x80, v4, vm0, $0xb8;
	[tilespmem:$0xC200] =	vst v63  }
0xef: {  	s26 =	simm.s32 $0x7A00  }
0xf0: {  	[hbm4b:s3+s2] =	stream.indirect_vreg.scatter [tilespmem:s26], [sflag:$0x1], $0x80, v3, vm0, $0xb8;
	[tilespmem:$0xC200] =	vst v63  }
0xf1: {  	s28 =	simm.s32 $0x8200  }
0xf2: {  	[hbm4b:s4+s2] =	stream.indirect_vreg.scatter [tilespmem:s28], [sflag:$0x1], $0x80, v3, vm0, $0xb8;
	[tilespmem:$0xC200] =	vst v63  }
0xf3: {  	s29 =	simm.s32 $0x8A00  }
0xf4: {  	[hbm4b:s5+s2] =	stream.indirect_vreg.scatter [tilespmem:s29], [sflag:$0x1], $0x80, v3, vm0, $0xb8;
	[tilespmem:$0xC200] =	vst v63  }
0xf5: {  	v3 =	vld [tilespmem:$0xB0];
	_ =	sdelay $0x4  }
0xf6: {  	v59 =	vshrl.u32 v3, $0x3  }
0xf7: {  	v4 =	vmul.u32 $0x30, v59  }
0xf8: {  	v3 =	vand.u32 $0x7, v3  }
0xf9: {  	v3 =	vor.u32 v3, v4  }
0xfa: {  	v4 =	vperm.xlane v3, v0;
	_ =	sdelay $0x1  }
0xfb: {  	v4 =	vadd.s32 v1, v4;
	_ =	sdelay $0x3  }
0xfc: {  	s30 =	simm.s32 $0x9200;
	v3 =	vperm.xlane v3, v2  }
0xfd: {  	[hbm4b:s3+s2] =	stream.indirect_vreg.scatter [tilespmem:s30], [sflag:$0x1], $0x80, v4, vm0, $0xb8;
	[tilespmem:$0xC200] =	vst v63  }
0xfe: {  	s9 =	simm.s32 $0x9A00;
	v3 =	vadd.s32 v1, v3  }
0xff: {  	[hbm4b:s4+s2] =	stream.indirect_vreg.scatter [tilespmem:s9], [sflag:$0x1], $0x80, v4, vm0, $0xb8;
	[tilespmem:$0xC200] =	vst v63  }
0x100: {  	s10 =	simm.s32 $0xA200  }
0x101: {  	[hbm4b:s5+s2] =	stream.indirect_vreg.scatter [tilespmem:s10], [sflag:$0x1], $0x80, v4, vm0, $0xb8;
	[tilespmem:$0xC200] =	vst v63  }
0x102: {  	s10 =	simm.s32 $0xAA00  }
0x103: {  	[hbm4b:s3+s2] =	stream.indirect_vreg.scatter [tilespmem:s10], [sflag:$0x1], $0x80, v3, vm0, $0xb8;
	[tilespmem:$0xC200] =	vst v63  }
0x104: {  	s8 =	simm.s32 $0xB200  }
0x105: {  	[hbm4b:s4+s2] =	stream.indirect_vreg.scatter [tilespmem:s8], [sflag:$0x1], $0x80, v3, vm0, $0xb8;
	[tilespmem:$0xC200] =	vst v63  }
0x106: {  	s8 =	simm.s32 $0xBA00  }
0x107: {  	[hbm4b:s5+s2] =	stream.indirect_vreg.scatter [tilespmem:s8], [sflag:$0x1], $0x80, v3, vm0, $0xb8;
	[tilespmem:$0xC200] =	vst v63  }
0x108: {  	v3 =	vld [tilespmem:$0x180];
	_ =	sdelay $0x4  }
0x109: {  	v60 =	vshrl.u32 v3, $0x3  }
0x10a: {  	v4 =	vmul.u32 $0x30, v60  }
0x10b: {  	v3 =	vand.u32 $0x7, v3  }
0x10c: {  	v3 =	vor.u32 v3, v4  }
0x10d: {  	v4 =	vperm.xlane v3, v0;
	_ =	sdelay $0x1  }
0x10e: {  	v4 =	vadd.s32 v1, v4;
	_ =	sdelay $0x3  }
0x10f: {  	v3 =	vperm.xlane v3, v2  }
0x110: {  	[hbm4b:s3+s2] =	stream.indirect_vreg.scatter [tilespmem:s11], [sflag:$0x2], $0x80, v4, vm0, $0xb8;
	[tilespmem:$0xC200] =	vst v63  }
0x111: {  	s12 =	simm.s32 $0xA00;
	v3 =	vadd.s32 v1, v3  }
0x112: {  	[hbm4b:s4+s2] =	stream.indirect_vreg.scatter [tilespmem:s12], [sflag:$0x2], $0x80, v4, vm0, $0xb8;
	[tilespmem:$0xC200] =	vst v63  }
0x113: {  	s13 =	simm.s32 $0x1200  }
0x114: {  	[hbm4b:s5+s2] =	stream.indirect_vreg.scatter [tilespmem:s13], [sflag:$0x2], $0x80, v4, vm0, $0xb8;
	[tilespmem:$0xC200] =	vst v63  }
0x115: {  	s14 =	simm.s32 $0x1A00  }
0x116: {  	[hbm4b:s3+s2] =	stream.indirect_vreg.scatter [tilespmem:s14], [sflag:$0x2], $0x80, v3, vm0, $0xb8;
	[tilespmem:$0xC200] =	vst v63  }
0x117: {  	s15 =	simm.s32 $0x2200  }
0x118: {  	[hbm4b:s4+s2] =	stream.indirect_vreg.scatter [tilespmem:s15], [sflag:$0x2], $0x80, v3, vm0, $0xb8;
	[tilespmem:$0xC200] =	vst v63  }
0x119: {  	s16 =	simm.s32 $0x2A00  }
0x11a: {  	[hbm4b:s5+s2] =	stream.indirect_vreg.scatter [tilespmem:s16], [sflag:$0x2], $0x80, v3, vm0, $0xb8;
	[tilespmem:$0xC200] =	vst v63  }
0x11b: {  	v3 =	vld [tilespmem:$0x190];
	_ =	sdelay $0x4  }
0x11c: {  	v61 =	vshrl.u32 v3, $0x3  }
0x11d: {  	v4 =	vmul.u32 $0x30, v61  }
0x11e: {  	v3 =	vand.u32 $0x7, v3  }
0x11f: {  	v3 =	vor.u32 v3, v4  }
0x120: {  	v4 =	vperm.xlane v3, v0;
	_ =	sdelay $0x1  }
0x121: {  	v4 =	vadd.s32 v1, v4;
	_ =	sdelay $0x3  }
0x122: {  	s17 =	simm.s32 $0x3200;
	v3 =	vperm.xlane v3, v2  }
0x123: {  	[hbm4b:s3+s2] =	stream.indirect_vreg.scatter [tilespmem:s17], [sflag:$0x2], $0x80, v4, vm0, $0xb8;
	[tilespmem:$0xC200] =	vst v63  }
0x124: {  	s18 =	simm.s32 $0x3A00;
	v3 =	vadd.s32 v1, v3  }
0x125: {  	[hbm4b:s4+s2] =	stream.indirect_vreg.scatter [tilespmem:s18], [sflag:$0x2], $0x80, v4, vm0, $0xb8;
	[tilespmem:$0xC200] =	vst v63  }
0x126: {  	s19 =	simm.s32 $0x4200  }
0x127: {  	[hbm4b:s5+s2] =	stream.indirect_vreg.scatter [tilespmem:s19], [sflag:$0x2], $0x80, v4, vm0, $0xb8;
	[tilespmem:$0xC200] =	vst v63  }
0x128: {  	s20 =	simm.s32 $0x4A00  }
0x129: {  	[hbm4b:s3+s2] =	stream.indirect_vreg.scatter [tilespmem:s20], [sflag:$0x2], $0x80, v3, vm0, $0xb8;
	[tilespmem:$0xC200] =	vst v63  }
0x12a: {  	s21 =	simm.s32 $0x5200  }
0x12b: {  	[hbm4b:s4+s2] =	stream.indirect_vreg.scatter [tilespmem:s21], [sflag:$0x2], $0x80, v3, vm0, $0xb8;
	[tilespmem:$0xC200] =	vst v63  }
0x12c: {  	s22 =	simm.s32 $0x5A00  }
0x12d: {  	[hbm4b:s5+s2] =	stream.indirect_vreg.scatter [tilespmem:s22], [sflag:$0x2], $0x80, v3, vm0, $0xb8;
	[tilespmem:$0xC200] =	vst v63  }
0x12e: {  	v3 =	vld [tilespmem:$0x1A0];
	_ =	sdelay $0x4  }
0x12f: {  	v62 =	vshrl.u32 v3, $0x3  }
0x130: {  	v4 =	vmul.u32 $0x30, v62  }
0x131: {  	v3 =	vand.u32 $0x7, v3  }
0x132: {  	v3 =	vor.u32 v3, v4  }
0x133: {  	v4 =	vperm.xlane v3, v0;
	_ =	sdelay $0x1  }
0x134: {  	v4 =	vadd.s32 v1, v4;
	_ =	sdelay $0x3  }
0x135: {  	s23 =	simm.s32 $0x6200;
	v3 =	vperm.xlane v3, v2  }
0x136: {  	[hbm4b:s3+s2] =	stream.indirect_vreg.scatter [tilespmem:s23], [sflag:$0x2], $0x80, v4, vm0, $0xb8;
	[tilespmem:$0xC200] =	vst v63  }
0x137: {  	s24 =	simm.s32 $0x6A00;
	v3 =	vadd.s32 v1, v3  }
0x138: {  	[hbm4b:s4+s2] =	stream.indirect_vreg.scatter [tilespmem:s24], [sflag:$0x2], $0x80, v4, vm0, $0xb8;
	[tilespmem:$0xC200] =	vst v63  }
0x139: {  	s25 =	simm.s32 $0x7200  }
0x13a: {  	[hbm4b:s5+s2] =	stream.indirect_vreg.scatter [tilespmem:s25], [sflag:$0x2], $0x80, v4, vm0, $0xb8;
	[tilespmem:$0xC200] =	vst v63  }
0x13b: {  	s26 =	simm.s32 $0x7A00  }
0x13c: {  	[hbm4b:s3+s2] =	stream.indirect_vreg.scatter [tilespmem:s26], [sflag:$0x2], $0x80, v3, vm0, $0xb8;
	[tilespmem:$0xC200] =	vst v63  }
0x13d: {  	s28 =	simm.s32 $0x8200  }
0x13e: {  	[hbm4b:s4+s2] =	stream.indirect_vreg.scatter [tilespmem:s28], [sflag:$0x2], $0x80, v3, vm0, $0xb8;
	[tilespmem:$0xC200] =	vst v63  }
0x13f: {  	s29 =	simm.s32 $0x8A00  }
0x140: {  	[hbm4b:s5+s2] =	stream.indirect_vreg.scatter [tilespmem:s29], [sflag:$0x2], $0x80, v3, vm0, $0xb8;
	[tilespmem:$0xC200] =	vst v63  }
0x141: {  	v3 =	vld [tilespmem:$0x1B0];
	_ =	sdelay $0x4  }
0x142: {  	v63 =	vshrl.u32 v3, $0x3  }
0x143: {  	v4 =	vmul.u32 $0x30, v63  }
0x144: {  	v3 =	vand.u32 $0x7, v3  }
0x145: {  	v3 =	vor.u32 v3, v4  }
0x146: {  	v4 =	vperm.xlane v3, v0;
	_ =	sdelay $0x1  }
0x147: {  	v4 =	vadd.s32 v1, v4;
	_ =	sdelay $0x3  }
0x148: {  	s30 =	simm.s32 $0x9200;
	v3 =	vperm.xlane v3, v2  }
0x149: {  	[hbm4b:s3+s2] =	stream.indirect_vreg.scatter [tilespmem:s30], [sflag:$0x2], $0x80, v4, vm0, $0xb8;
	[tilespmem:$0xC200] =	vst v63  }
0x14a: {  	v3 =	vadd.s32 v1, v3  }
0x14b: {  	[hbm4b:s4+s2] =	stream.indirect_vreg.scatter [tilespmem:s31], [sflag:$0x2], $0x80, v4, vm0, $0xb8;
	[tilespmem:$0xC200] =	vst v63  }
0x14c: {  	s30 =	simm.s32 $0xA200  }
0x14d: {  	[hbm4b:s5+s2] =	stream.indirect_vreg.scatter [tilespmem:s30], [sflag:$0x2], $0x80, v4, vm0, $0xb8;
	[tilespmem:$0xC200] =	vst v63  }
0x14e: {  	_ = 	snop  }
0x14f: {  	[hbm4b:s3+s2] =	stream.indirect_vreg.scatter [tilespmem:s10], [sflag:$0x2], $0x80, v3, vm0, $0xb8;
	[tilespmem:$0xC200] =	vst v63  }
0x150: {  	s9 =	simm.s32 $0xB200  }
0x151: {  	[hbm4b:s4+s2] =	stream.indirect_vreg.scatter [tilespmem:s9], [sflag:$0x2], $0x80, v3, vm0, $0xb8;
	[tilespmem:$0xC200] =	vst v63  }
0x152: {  	_ = 	snop  }
0x153: {  	[hbm4b:s5+s2] =	stream.indirect_vreg.scatter [tilespmem:s8], [sflag:$0x2], $0x80, v3, vm0, $0xb8;
	[tilespmem:$0xC200] =	vst v63  }
0x154: {  	p0 =	sne.s32 s6, $0x1;
	_ =	swait.ge [sflag:s0], $0xC000  }
.Ltmp0:
0x155: {  	[sflag:s0] =	ssyncset.done $0x0;
	(pc) =	sbr.rel @p0 .LBB2_1-.Ltmp0, $4  }
0x156: {  	[sflag:s0] =	ssyncadd.s32 $0xFFFF4000  }
0x157: {  	_ =	swait.ge [sflag:s1], $0xC000  }
0x158: {  	[sflag:s1] =	ssyncset.done $0x0  }
0x159: {  	s6 =	sadd.s32 $0xFFFFFFFF, s6;
	[sflag:s1] =	ssyncadd.s32 $0xFFFF4000  }
0x15a: {  	_ =	sfence.sel $0x180000  }
0x15b: {  	[bflag:$0x0] =	sbarrier.arrive $0xFFFF  }
0x15c: {  	_ =	strace $0x90000047  }
0x15d: {  	s0 =	stileid.u32;
	[bflag:$0x2] =	sbarrier.arrive $0xFFFF  }
0x15e: {  	p0 =	sne.s32 s0, $0x0;
	s0 =	rddreg [dreg:$0x2]  }
0x15f: {  	s0 =	sadd.s32 @!p0 $0x100000, s0  }
0x160: {  	[sflag:s0] =	ssyncadd.tile.s32 @!p0 $0x1;
	_ =	shalt  }
.Lfunc_end2:
_tile_overlayer_lowered:
.L_overlay_start_2:
0x161: {  	(tag) =	ssettag $0x2  }
0x162: {  	s0 =	rddreg [dreg:$0x0];
	s2 =	stileid.u32  }
0x163: {  	s1 =	rddreg [dreg:$0x1];
	p0 =	sne.s32 s2, $0x0  }
0x164: {  	s3 =	rddreg [dreg:$0x2];
	[bflag:$0x3] =	sbarrier.arrive $0xFFFF;
	s2 =	simm.s32 @!p0 $0x1C03  }
0x165: {  	[timem:s3], [sflag:s2] =	dma.local @!p0 [hbm:s0], s1  }
0x166: {  	s0 =	simm.s32 @!p0 $0x3  }
0x167: {  	_ =	swait.ge @!p0 [sflag:s0], s1  }
0x168: {  	s1 =	ssub.s32 @!p0 $0x0, s1;
	[sflag:s0] =	ssyncset.done @!p0 $0x0  }
0x169: {  	[sflag:s0] =	ssyncadd.s32 @!p0 s1  }
0x16a: {  	[bflag:$0x3] =	sbarrier.arrive $0xFFFF  }
0x16b: {  	_ =	shalt  }

// kernel: kernel.9.cloned.1.call-start
scs
__scs_entry_jumppad:
0x0: {  	(pc) =	sbr.rel $0x88, $3  }
0x1: {  	(tag) =	ssettag $0x0;
	lr =	simm.s32 $0x1  }
0x2: {  	[smem:$0x3F9A] =	sst lr;
	_ =	strace $0xD0000000  }
0x3: {  	_ = 	snop  }
0x4: {  	_ = 	snop  }
0x5: {  	_ = 	snop  }
0x6: {  	_ = 	snop  }
0x7: {  	_ = 	snop  }
__scs_overlays_trampoline_lowered:
0x8: {  	[smem:$0x3FA9] =	sst s0  }
0x9: {  	[smem:$0x3FAA] =	sst s1  }
0xa: {  	[smem:$0x3FAB] =	sst s2  }
0xb: {  	[smem:$0x3FAC] =	sst s3  }
0xc: {  	[smem:$0x3FAD] =	sst s4  }
0xd: {  	[smem:$0x3FAE] =	sst s5  }
0xe: {  	[smem:$0x3FAF] =	sst s6  }
0xf: {  	[smem:$0x3FB0] =	sst s7  }
0x10: {  	[smem:$0x3FB1] =	sst s8  }
0x11: {  	[smem:$0x3FB2] =	sst s9;
	s0 =	simm.s32 @!p0 $0x0  }
0x12: {  	s1 =	sld [smem:$0x3F98];
	s0 =	simm.s32 @p0 $0x1  }
0x13: {  	[smem:$0x3FB3] =	sst s0;
	s0 =	simm.s32 @!p1 $0x0  }
0x14: {  	s2 =	sld [smem:$0x3F97];
	s0 =	simm.s32 @p1 $0x1  }
0x15: {  	[smem:$0x3FB4] =	sst s0;
	s0 =	simm.s32 @!p2 $0x0  }
0x16: {  	s3 =	sld [smem:$0x3FDB];
	s0 =	simm.s32 @p2 $0x1  }
0x17: {  	s4 =	simm.s32 $0x1BF5;
	[smem:$0x3FB6] =	sst s0  }
0x18: {  	s0 =	sld [smem:$0x3F99];
	_ =	swait.ge [sflag:s4], $0x0  }
0x19: {  	s7 =	sld [smem:$0x3F9A]  }
0x1a: {  	s8 =	sadd.s32 $0xFFFFE003, lr  }
0x1b: {  	s9 =	sadd.s32 $0xFFFFFEF7, lr;
	s5 =	simm.s32 $0xFFFFFFFF;
	p2 =	slt.u32 s8, $0xFFFFF086  }
0x1c: {  	p1 =	slt.u32 s9, $0xF7A;
	s5 =	simm.s32 @!p2 $0x0  }
0x1d: {  	s5 =	simm.s32 @p1 $0x1;
	p0 =	seq.s32 s7, s2  }
0x1e: {  	s7 =	smul.u32 @!p0 $0xF7A, s2;
	p2 =	seq.s32 @!p0 s5, $0x0  }
0x1f: {  	s9 =	smul.u32 $0xF7A, s1;
	s8 =	simm.s32 @!p0 $0x1BF5;
	p2 =	por !p2, p0  }
0x20: {  	[sflag:s8] =	ssyncset.s32 @!p0 $0xFFFFF086;
	s6 =	sadd.s32 @!p0 s3, s7;
	s7 =	simm.s32 @!p0 $0x108  }
0x21: {  	s3 =	sadd.s32 s3, s9;
	s6 =	sadd.s32 @!p0 $0x88, s6;
	s7 =	simm.s32 @p2 $0x1082  }
0x22: {  	[simem:s7], [sflag:s8] =	dma.local @!p0 [hbm:s6], $0xF7A  }
0x23: {  	s9 =	sor.u32 $0xD0000000, s2;
	s6 =	simm.s32 $0x108;
	_ =	swait.ge @!p0 [sflag:s8], $0x0  }
0x24: {  	s3 =	sadd.s32 $0x88, s3;
	s6 =	simm.s32 @!p1 $0x1082;
	[sflag:s4] =	ssyncset.s32 $0xFFFFF086  }
0x25: {  	[simem:s6], [sflag:s4] =	dma.local [hbm:s3], $0xF7A  }
0x26: {  	[smem:$0x3F9A] =	sst s1;
	(tag) =	ssettag s2;
	_ =	strace s9  }
0x27: {  	s1 =	sld [smem:$0x3FAA]  }
0x28: {  	s2 =	sld [smem:$0x3FAB]  }
0x29: {  	s4 =	sld [smem:$0x3FAD]  }
0x2a: {  	p0 =	seq.s32 s5, $0x0;
	s5 =	sld [smem:$0x3FAE]  }
0x2b: {  	s6 =	sld [smem:$0x3FAF]  }
0x2c: {  	s7 =	sld [smem:$0x3FB0]  }
0x2d: {  	s3 =	simm.s32 $0x108;
	s8 =	sld [smem:$0x3FB1]  }
0x2e: {  	s3 =	simm.s32 @!p0 $0x1082;
	s9 =	sld [smem:$0x3FB2]  }
0x2f: {  	lr =	sadd.s32 s0, s3;
	s0 =	sld [smem:$0x3FA9]  }
0x30: {  	s3 =	sld [smem:$0x3FAC]  }
0x31: {  	[smem:$0x3FB5] =	sst s10  }
0x32: {  	s10 =	sld [smem:$0x3FB3];
	_ =	sdelay $0x3  }
0x33: {  	p0 =	seq.s32 s10, $0x1;
	s10 =	sld [smem:$0x3FB5];
	_ =	sdelay $0x3  }
0x34: {  	[smem:$0x3FB5] =	sst s10  }
0x35: {  	s10 =	sld [smem:$0x3FB4];
	_ =	sdelay $0x3  }
0x36: {  	p1 =	seq.s32 s10, $0x1;
	s10 =	sld [smem:$0x3FB5];
	_ =	sdelay $0x3  }
0x37: {  	[smem:$0x3FB5] =	sst s10  }
0x38: {  	s10 =	sld [smem:$0x3FB6]  }
0x39: {  	_ = 	snop;
	(pc) =	sbr.ind lr, $3  }
0x3a: {  	_ = 	snop  }
0x3b: {  	_ = 	snop  }
0x3c: {  	p2 =	seq.s32 s10, $0x1;
	s10 =	sld [smem:$0x3FB5]  }
0x3d: {  	_ =	shalt  }
0x3e: {  	_ =	shalt  }
0x3f: {  	_ =	shalt  }
0x40: {  	_ =	shalt  }
0x41: {  	_ =	shalt  }
0x42: {  	_ =	shalt  }
0x43: {  	_ =	shalt  }
0x44: {  	_ =	shalt  }
0x45: {  	_ =	shalt  }
0x46: {  	_ =	shalt  }
0x47: {  	_ =	shalt  }
0x48: {  	_ =	shalt  }
0x49: {  	_ =	shalt  }
0x4a: {  	_ =	shalt  }
0x4b: {  	_ =	shalt  }
0x4c: {  	_ =	shalt  }
0x4d: {  	_ =	shalt  }
0x4e: {  	_ =	shalt  }
0x4f: {  	_ =	shalt  }
0x50: {  	_ =	shalt  }
0x51: {  	_ =	shalt  }
0x52: {  	_ =	shalt  }
0x53: {  	_ =	shalt  }
0x54: {  	_ =	shalt  }
0x55: {  	_ =	shalt  }
0x56: {  	_ =	shalt  }
0x57: {  	_ =	shalt  }
0x58: {  	_ =	shalt  }
0x59: {  	_ =	shalt  }
0x5a: {  	_ =	shalt  }
0x5b: {  	_ =	shalt  }
0x5c: {  	_ =	shalt  }
0x5d: {  	_ =	shalt  }
0x5e: {  	_ =	shalt  }
0x5f: {  	_ =	shalt  }
0x60: {  	_ =	shalt  }
0x61: {  	_ =	shalt  }
0x62: {  	_ =	shalt  }
0x63: {  	_ =	shalt  }
0x64: {  	_ =	shalt  }
0x65: {  	_ =	shalt  }
0x66: {  	_ =	shalt  }
0x67: {  	_ =	shalt  }
0x68: {  	_ =	shalt  }
0x69: {  	_ =	shalt  }
0x6a: {  	_ =	shalt  }
0x6b: {  	_ =	shalt  }
0x6c: {  	_ =	shalt  }
0x6d: {  	_ =	shalt  }
0x6e: {  	_ =	shalt  }
0x6f: {  	_ =	shalt  }
0x70: {  	_ =	shalt  }
0x71: {  	_ =	shalt  }
0x72: {  	_ =	shalt  }
0x73: {  	_ =	shalt  }
0x74: {  	_ =	shalt  }
0x75: {  	_ =	shalt  }
0x76: {  	_ =	shalt  }
0x77: {  	_ =	shalt  }
0x78: {  	_ =	shalt  }
0x79: {  	_ =	shalt  }
0x7a: {  	_ =	shalt  }
0x7b: {  	_ =	shalt  }
0x7c: {  	_ =	shalt  }
0x7d: {  	_ =	shalt  }
0x7e: {  	_ =	shalt  }
0x7f: {  	_ =	shalt  }
0x80: {  	_ =	shalt  }
0x81: {  	_ =	shalt  }
0x82: {  	_ =	shalt  }
0x83: {  	_ =	shalt  }
0x84: {  	_ =	shalt  }
0x85: {  	_ =	shalt  }
0x86: {  	_ =	shalt  }
0x87: {  	_ =	shalt  }
.Lfunc_end0:
.L_simem_size_0:
called_computation.1_lowered:
.L_overlay_start_0:
0x88: {  	s2 =	sld [smem:$0x3FD9]  }
0x89: {  	s3 =	sld [smem:$0x3FFE];
	_ =	sdelay $0x1  }
0x8a: {  	s1 =	srdreg.scid  }
0x8b: {  	s0 =	sand.u32 $0x1, s1  }
0x8c: {  	s14 =	sshll.u32 s0, $0xA;
	s2 =	sadd.s32 s3, s2  }
0x8d: {  	s2 =	sadd.s32 s2, s14  }
0x8e: {  	[smem:$0x3FC1] =	sst s2  }
0x8f: {  	_ = 	snop  }
0x90: {  	s2 =	sld [smem:$0x3FD0];
	_ =	sdelay $0x2  }
0x91: {  	s15 =	simm.s32 $0xA;
	s4 =	simm.s32 $0x10  }
0x92: {  	[smem:s4], [sflag:s15] =	dma.local [hbm:s2], $0x1  }
0x93: {  	_ =	swait.eq [sflag:s15], $0x1  }
0x94: {  	[sflag:s15] =	ssyncset.done $0x0  }
0x95: {  	[sflag:s15] =	ssyncadd.s32 $0xFFFFFFFF  }
0x96: {  	s16 =	sld [smem:$0x10];
	(tm) =	ssettm $0x1  }
0x97: {  	s17 =	sld [smem:$0x3FFB];
	_ =	sdelay $0x3  }
0x98: {  	_ =	strace s17  }
0x99: {  	s3 =	sld [smem:$0x3FFC];
	_ =	sdelay $0x3  }
0x9a: {  	_ =	strace s3  }
0x9b: {  	s3 =	sld [smem:$0x3FFD];
	_ =	sdelay $0x3  }
0x9c: {  	_ =	strace s3  }
0x9d: {  	_ =	strace $0x8FFFFFFF  }
0x9e: {  	s18 =	sld [smem:$0x3FDB];
	_ =	sdelay $0x1  }
0x9f: {  	s19 =	simm.s32 $_scs_section_size  }
0xa0: {  	s5 =	simm.s32 $_size__tile_overlayer_lowered;
	s6 =	simm.s32 $_tile_overlayer_lowered  }
0xa1: {  	s22 =	simm.s32 $0x1BFF;
	s21 =	sshll.u32 s6, $0x1;
	s3 =	sadd.s32 s19, s18  }
0xa2: {  	s7 =	simm.s32 $0x0;
	s20 =	sshll.u32 s5, $0x1;
	s5 =	sadd.s32 s21, s3  }
0xa3: {  	[timem:s7], [sflag:s22] =	dma.local [hbm:s5], s20  }
0xa4: {  	_ =	swait.ge [sflag:s22], s20  }
0xa5: {  	s4 =	ssub.s32 $0x0, s20;
	[sflag:s22] =	ssyncset.done $0x0  }
0xa6: {  	[sflag:s22] =	ssyncadd.s32 s4;
	_ =	sdelay $0x1  }
0xa7: {  	s23 =	simm.s32 $0x1B8B  }
0xa8: {  	_ =	swait.ge [sflag:s23], $0x1  }
0xa9: {  	[sflag:s23] =	ssyncset.done $0x0  }
0xaa: {  	s25 =	simm.s32 $0x1B8E;
	s24 =	sld [smem:$0x3FFE];
	[sflag:s23] =	ssyncadd.s32 $0xFFFFFFFF  }
0xab: {  	s26 =	simm.s32 $execute0_lowered;
	[smem:$0x3FD2] =	sst s25  }
0xac: {  	s5 =	sshll.u32 s26, $0x1;
	_ =	strace $0x80000049;
	[dreg:$0x1] =	wrdreg $0xFFFFFFFF  }
0xad: {  	s28 =	simm.s32 $_size_execute0_lowered;
	s3 =	sadd.s32 s3, s5;
	[dreg:$0x0] =	wrdreg $0x0  }
0xae: {  	s5 =	sshll.u32 s28, $0x1;
	[dreg:$0x2] =	wrdreg s3  }
0xaf: {  	[dreg:$0x3] =	wrdreg s5  }
0xb0: {  	[dreg:$0x4] =	wrdreg $0xC0  }
0xb1: {  	_ =	task [dreg:s7], $0x5FFFF  }
0xb2: {  	[dreg:$0x1] =	wrdreg $0xFFFFFFFF  }
0xb3: {  	[dreg:$0x0] =	wrdreg $0x60  }
0xb4: {  	[dreg:$0x2] =	wrdreg s24  }
0xb5: {  	[dreg:$0x3] =	wrdreg s16  }
0xb6: {  	[dreg:$0x4] =	wrdreg $0x9  }
0xb7: {  	_ =	task.clear_ibuf [dreg:s7], $0x5FFFF;
	_ =	strace $0x90000049  }
0xb8: {  	s29 =	simm.s32 $0x9;
	_ =	strace $0x8000004B  }
0xb9: {  	_ =	swait.ge [sflag:s29], $0x1  }
0xba: {  	[sflag:s29] =	ssyncadd.s32 $0xFFFFFFFF  }
0xbb: {  	_ =	strace $0x9000004B  }
0xbc: {  	_ =	sfence  }
0xbd: {  	s30 =	sld [smem:$0x0];
	_ =	sdelay $0x2  }
0xbe: {  	s31 =	sshll.u32 s1, $0xD;
	s1 =	sshrl.u32 s1, $0x2  }
0xbf: {  	s3 =	sand.u32 $0x4000, s31;
	s1 =	sadd.s32 s1, s30  }
0xc0: {  	s0 =	sor.u32 s3, s0;
	s1 =	sshll.u32 s1, $0x11  }
0xc1: {  	s0 =	sor.u32 s1, s0  }
0xc2: {  	s0 =	sadd.s32 $0x8F2B, s0  }
0xc3: {  	[sflag:s0] =	ssyncadd.remote.s32 $0x1  }
0xc4: {  	_ =	sfence.sel $0xFFFF  }
0xc5: {  	[dreg:$0x0] =	wrdreg $0xFFFFFFFF;
	(pc) =	sbr.abs _section_cstart, $3  }
0xc6: {  	[dreg:$0x1] =	wrdreg $0xFFFFFFFF  }
0xc7: {  	_ =	task.clear_ibuf [dreg:s7], $0x2FFFF;
	_ =	strace $0x9FFFFFFF  }
0xc8: {  	(tm) =	ssettm $0x7FFFFFFF  }
0xc9: {  	_ =	shalt  }
tec
execute0_lowered:
.L_overlay_start_1:
0x0: {  	(tag) =	ssettag $0x1  }
0x1: {  	s0 =	rddreg [dreg:$0x0]  }
0x2: {  	s1 =	rddreg [dreg:$0x1];
	s3 =	srdreg.scid  }
0x3: {  	s5 =	stileid.u32;
	s2 =	simm.s32 $0x0;
	s12 =	simm.s32 $0x3  }
0x4: {  	s15 =	simm.s32 $0x4200;
	s29 =	simm.s32 $0x14200;
	s30 =	simm.s32 $0x14A00  }
0x5: {  	s31 =	simm.s32 $0x15200;
	s13 =	simm.s32 $0x16A00;
	s14 =	simm.s32 $0x17200  }
0x6: {  	s16 =	simm.s32 $0x17A00;
	s17 =	simm.s32 $0x18200;
	s18 =	simm.s32 $0x19200  }
0x7: {  	s19 =	simm.s32 $0x1A200;
	s20 =	simm.s32 $0x1B200;
	s21 =	simm.s32 $0x1BA00  }
0x8: {  	s4 =	sand.u32 $0x1, s3;
	s22 =	sshll.u32 s5, $0x1;
	[smem:$0x7FF] =	sst s2  }
0x9: {  	s3 =	sadd.s32 $0x102200, s0;
	s5 =	sor.u32 s4, s22;
	_ =	strace $0x8000004A  }
0xa: {  	s4 =	ssub.s32 $0x2, s4;
	s22 =	simm.s32 $0x1;
	s6 =	sshll.u32 s5, $0x5  }
0xb: {  	s7 =	sshll.u32 s5, $0xB;
	s8 =	sshrl.u32 s4, $0x1;
	s9 =	smul.u32 $0x18000, s5  }
0xc: {  	s5 =	smul.u32 $0x3000, s5;
	s6 =	sadd.s32 s6, s0;
	s7 =	sadd.s32 s7, s0  }
0xd: {  	s4 =	ssub.s32 s4, s8;
	s8 =	sadd.s32 $0x102400, s0;
	s23 =	sadd.s32 $0x11A00, s6  }
0xe: {  	s6 =	sadd.s32 $0x11E00, s6;
	s24 =	sadd.s32 $0x1A00, s7;
	[dreg:$0x3] =	wrdreg s23  }
0xf: {  	s25 =	sshrl.u32 s9, $0x3;
	s7 =	sadd.s32 $0x102300, s0;
	[dreg:$0x4] =	wrdreg s6  }
0x10: {  	s28 =	smax.u32 s4, $0x1;
	s4 =	simm.s32 $0x18A00;
	[dreg:$0x5] =	wrdreg s24  }
0x11: {  	s26 =	sadd.s32 s1, s25;
	s1 =	sadd.s32 s1, s5;
	[dreg:$0x8] =	wrdreg s28  }
0x12: {  	v2 =	vlaneseq.u32;
	s5 =	simm.s32 $0x19A00;
	s6 =	simm.s32 $0x1AA00;
	s23 =	simm.s32 $0x2  }
0x13: {  	vm0 =	vmmov $0xffff;
	v1 =	vshrl.u32 v2, $0x3;
	s24 =	simm.s32 $0x0;
	[dreg:$0x6] =	wrdreg s1;
	s0 =	sadd.s32 $0x1800, s26  }
0x14: {  	v0 =	vand.u32 $0x7, v2;
	v2 =	vor.u32 $0x8, v2;
	v1 =	vmul.u32 $0x8, v1;
	s1 =	simm.s32 $0x16200;
	[dreg:$0x7] =	wrdreg s0;
	s0 =	simm.s32 $0x15A00  }
.LBB2_1:
0x15: {  	s9 =	rddreg [dreg:$0x3]  }
0x16: {  	[tilespmem:s2], [sflag:$0x3] =	stream.linear.gather [hbm4b:s9+s2], $0x100, $0x38;
	[tilespmem:$0x1C200] =	vst v63  }
0x17: {  	_ =	swait.ge [sflag:s12], $0x100  }
0x18: {  	[sflag:s12] =	ssyncset.done $0x0  }
0x19: {  	s10 =	simm.s32 $0x100;
	s28 =	rddreg [dreg:$0x4];
	[sflag:s12] =	ssyncadd.s32 $0xFFFFFF00  }
0x1a: {  	[tilespmem:s10], [sflag:$0x3] =	stream.linear.gather [hbm4b:s28+s2], $0x100, $0x38;
	[tilespmem:$0x1C200] =	vst v63  }
0x1b: {  	_ =	swait.ge [sflag:s12], $0x100  }
0x1c: {  	[sflag:s12] =	ssyncset.done $0x0  }
0x1d: {  	s11 =	simm.s32 $0x200;
	s10 =	rddreg [dreg:$0x5];
	[sflag:s12] =	ssyncadd.s32 $0xFFFFFF00  }
0x1e: {  	[tilespmem:s11], [sflag:$0x3] =	stream.linear.gather [hbm4b:s10+s2], $0x4000, $0x38;
	[tilespmem:$0x1C200] =	vst v63  }
0x1f: {  	_ =	swait.ge [sflag:s12], $0x4000  }
0x20: {  	[sflag:s12] =	ssyncset.done $0x0  }
0x21: {  	[sflag:s12] =	ssyncadd.s32 $0xFFFFC000  }
0x22: {  	v3 =	vld [tilespmem:$0x0];
	_ =	sdelay $0x4  }
0x23: {  	v4 =	vshrl.u32 v3, $0x3  }
0x24: {  	v4 =	vmul.u32 $0x30, v4  }
0x25: {  	v3 =	vand.u32 $0x7, v3  }
0x26: {  	v3 =	vor.u32 v3, v4  }
0x27: {  	v4 =	vperm.xlane v3, v0;
	_ =	sdelay $0x1  }
0x28: {  	v4 =	vadd.s32 v1, v4;
	_ =	sdelay $0x3  }
0x29: {  	v3 =	vperm.xlane v3, v2  }
0x2a: {  	[tilespmem:s15], [sflag:$0x1] =	stream.indirect_vreg.gather [hbm4b:s3+s2], $0x80, v4, vm0, $0xb8;
	[tilespmem:$0x1C200] =	vst v63  }
0x2b: {  	s25 =	simm.s32 $0x4A00;
	v3 =	vadd.s32 v1, v3  }
0x2c: {  	[tilespmem:s25], [sflag:$0x1] =	stream.indirect_vreg.gather [hbm4b:s7+s2], $0x80, v4, vm0, $0xb8;
	[tilespmem:$0x1C200] =	vst v63  }
0x2d: {  	s26 =	simm.s32 $0x5200  }
0x2e: {  	[tilespmem:s26], [sflag:$0x1] =	stream.indirect_vreg.gather [hbm4b:s8+s2], $0x80, v4, vm0, $0xb8;
	[tilespmem:$0x1C200] =	vst v63  }
0x2f: {  	s28 =	simm.s32 $0x5A00  }
0x30: {  	[tilespmem:s28], [sflag:$0x1] =	stream.indirect_vreg.gather [hbm4b:s3+s2], $0x80, v3, vm0, $0xb8;
	[tilespmem:$0x1C200] =	vst v63  }
0x31: {  	s10 =	simm.s32 $0x6200  }
0x32: {  	[tilespmem:s10], [sflag:$0x1] =	stream.indirect_vreg.gather [hbm4b:s7+s2], $0x80, v3, vm0, $0xb8;
	[tilespmem:$0x1C200] =	vst v63  }
0x33: {  	s11 =	simm.s32 $0x6A00  }
0x34: {  	[tilespmem:s11], [sflag:$0x1] =	stream.indirect_vreg.gather [hbm4b:s8+s2], $0x80, v3, vm0, $0xb8;
	[tilespmem:$0x1C200] =	vst v63  }
0x35: {  	v3 =	vld [tilespmem:$0x10];
	_ =	sdelay $0x4  }
0x36: {  	v4 =	vshrl.u32 v3, $0x3  }
0x37: {  	v4 =	vmul.u32 $0x30, v4  }
0x38: {  	v3 =	vand.u32 $0x7, v3  }
0x39: {  	v3 =	vor.u32 v3, v4  }
0x3a: {  	v4 =	vperm.xlane v3, v0;
	_ =	sdelay $0x1  }
0x3b: {  	v4 =	vadd.s32 v1, v4;
	_ =	sdelay $0x3  }
0x3c: {  	s25 =	simm.s32 $0x7200;
	v3 =	vperm.xlane v3, v2  }
0x3d: {  	[tilespmem:s25], [sflag:$0x1] =	stream.indirect_vreg.gather [hbm4b:s3+s2], $0x80, v4, vm0, $0xb8;
	[tilespmem:$0x1C200] =	vst v63  }
0x3e: {  	s26 =	simm.s32 $0x7A00;
	v3 =	vadd.s32 v1, v3  }
0x3f: {  	[tilespmem:s26], [sflag:$0x1] =	stream.indirect_vreg.gather [hbm4b:s7+s2], $0x80, v4, vm0, $0xb8;
	[tilespmem:$0x1C200] =	vst v63  }
0x40: {  	s28 =	simm.s32 $0x8200  }
0x41: {  	[tilespmem:s28], [sflag:$0x1] =	stream.indirect_vreg.gather [hbm4b:s8+s2], $0x80, v4, vm0, $0xb8;
	[tilespmem:$0x1C200] =	vst v63  }
0x42: {  	s10 =	simm.s32 $0x8A00  }
0x43: {  	[tilespmem:s10], [sflag:$0x1] =	stream.indirect_vreg.gather [hbm4b:s3+s2], $0x80, v3, vm0, $0xb8;
	[tilespmem:$0x1C200] =	vst v63  }
0x44: {  	s11 =	simm.s32 $0x9200  }
0x45: {  	[tilespmem:s11], [sflag:$0x1] =	stream.indirect_vreg.gather [hbm4b:s7+s2], $0x80, v3, vm0, $0xb8;
	[tilespmem:$0x1C200] =	vst v63  }
0x46: {  	s25 =	simm.s32 $0x9A00  }
0x47: {  	[tilespmem:s25], [sflag:$0x1] =	stream.indirect_vreg.gather [hbm4b:s8+s2], $0x80, v3, vm0, $0xb8;
	[tilespmem:$0x1C200] =	vst v63  }
0x48: {  	v3 =	vld [tilespmem:$0x20];
	_ =	sdelay $0x4  }
0x49: {  	v4 =	vshrl.u32 v3, $0x3  }
0x4a: {  	v4 =	vmul.u32 $0x30, v4  }
0x4b: {  	v3 =	vand.u32 $0x7, v3  }
0x4c: {  	v3 =	vor.u32 v3, v4  }
0x4d: {  	v4 =	vperm.xlane v3, v0;
	_ =	sdelay $0x1  }
0x4e: {  	v4 =	vadd.s32 v1, v4;
	_ =	sdelay $0x3  }
0x4f: {  	s26 =	simm.s32 $0xA200;
	v3 =	vperm.xlane v3, v2  }
0x50: {  	[tilespmem:s26], [sflag:$0x1] =	stream.indirect_vreg.gather [hbm4b:s3+s2], $0x80, v4, vm0, $0xb8;
	[tilespmem:$0x1C200] =	vst v63  }
0x51: {  	s28 =	simm.s32 $0xAA00;
	v3 =	vadd.s32 v1, v3  }
0x52: {  	[tilespmem:s28], [sflag:$0x1] =	stream.indirect_vreg.gather [hbm4b:s7+s2], $0x80, v4, vm0, $0xb8;
	[tilespmem:$0x1C200] =	vst v63  }
0x53: {  	s10 =	simm.s32 $0xB200  }
0x54: {  	[tilespmem:s10], [sflag:$0x1] =	stream.indirect_vreg.gather [hbm4b:s8+s2], $0x80, v4, vm0, $0xb8;
	[tilespmem:$0x1C200] =	vst v63  }
0x55: {  	s11 =	simm.s32 $0xBA00  }
0x56: {  	[tilespmem:s11], [sflag:$0x1] =	stream.indirect_vreg.gather [hbm4b:s3+s2], $0x80, v3, vm0, $0xb8;
	[tilespmem:$0x1C200] =	vst v63  }
0x57: {  	s25 =	simm.s32 $0xC200  }
0x58: {  	[tilespmem:s25], [sflag:$0x1] =	stream.indirect_vreg.gather [hbm4b:s7+s2], $0x80, v3, vm0, $0xb8;
	[tilespmem:$0x1C200] =	vst v63  }
0x59: {  	s26 =	simm.s32 $0xCA00  }
0x5a: {  	[tilespmem:s26], [sflag:$0x1] =	stream.indirect_vreg.gather [hbm4b:s8+s2], $0x80, v3, vm0, $0xb8;
	[tilespmem:$0x1C200] =	vst v63  }
0x5b: {  	v3 =	vld [tilespmem:$0x30];
	_ =	sdelay $0x4  }
0x5c: {  	v4 =	vshrl.u32 v3, $0x3  }
0x5d: {  	v4 =	vmul.u32 $0x30, v4  }
0x5e: {  	v3 =	vand.u32 $0x7, v3  }
0x5f: {  	v3 =	vor.u32 v3, v4  }
0x60: {  	v4 =	vperm.xlane v3, v0;
	_ =	sdelay $0x1  }
0x61: {  	v4 =	vadd.s32 v1, v4;
	_ =	sdelay $0x3  }
0x62: {  	s28 =	simm.s32 $0xD200;
	v3 =	vperm.xlane v3, v2  }
0x63: {  	[tilespmem:s28], [sflag:$0x1] =	stream.indirect_vreg.gather [hbm4b:s3+s2], $0x80, v4, vm0, $0xb8;
	[tilespmem:$0x1C200] =	vst v63  }
0x64: {  	s10 =	simm.s32 $0xDA00;
	v3 =	vadd.s32 v1, v3  }
0x65: {  	[tilespmem:s10], [sflag:$0x1] =	stream.indirect_vreg.gather [hbm4b:s7+s2], $0x80, v4, vm0, $0xb8;
	[tilespmem:$0x1C200] =	vst v63  }
0x66: {  	s11 =	simm.s32 $0xE200  }
0x67: {  	[tilespmem:s11], [sflag:$0x1] =	stream.indirect_vreg.gather [hbm4b:s8+s2], $0x80, v4, vm0, $0xb8;
	[tilespmem:$0x1C200] =	vst v63  }
0x68: {  	s25 =	simm.s32 $0xEA00  }
0x69: {  	[tilespmem:s25], [sflag:$0x1] =	stream.indirect_vreg.gather [hbm4b:s3+s2], $0x80, v3, vm0, $0xb8;
	[tilespmem:$0x1C200] =	vst v63  }
0x6a: {  	s26 =	simm.s32 $0xF200  }
0x6b: {  	[tilespmem:s26], [sflag:$0x1] =	stream.indirect_vreg.gather [hbm4b:s7+s2], $0x80, v3, vm0, $0xb8;
	[tilespmem:$0x1C200] =	vst v63  }
0x6c: {  	s28 =	simm.s32 $0xFA00  }
0x6d: {  	[tilespmem:s28], [sflag:$0x1] =	stream.indirect_vreg.gather [hbm4b:s8+s2], $0x80, v3, vm0, $0xb8;
	[tilespmem:$0x1C200] =	vst v63  }
0x6e: {  	v3 =	vld [tilespmem:$0x100];
	_ =	sdelay $0x4  }
0x6f: {  	v4 =	vshrl.u32 v3, $0x3  }
0x70: {  	v4 =	vmul.u32 $0x30, v4  }
0x71: {  	v3 =	vand.u32 $0x7, v3  }
0x72: {  	v3 =	vor.u32 v3, v4  }
0x73: {  	v4 =	vperm.xlane v3, v0;
	_ =	sdelay $0x1  }
0x74: {  	v4 =	vadd.s32 v1, v4;
	_ =	sdelay $0x3  }
0x75: {  	s10 =	simm.s32 $0x10200;
	v3 =	vperm.xlane v3, v2  }
0x76: {  	[tilespmem:s10], [sflag:$0x2] =	stream.indirect_vreg.gather [hbm4b:s3+s2], $0x80, v4, vm0, $0xb8;
	[tilespmem:$0x1C200] =	vst v63  }
0x77: {  	s11 =	simm.s32 $0x10A00;
	v3 =	vadd.s32 v1, v3  }
0x78: {  	[tilespmem:s11], [sflag:$0x2] =	stream.indirect_vreg.gather [hbm4b:s7+s2], $0x80, v4, vm0, $0xb8;
	[tilespmem:$0x1C200] =	vst v63  }
0x79: {  	s25 =	simm.s32 $0x11200  }
0x7a: {  	[tilespmem:s25], [sflag:$0x2] =	stream.indirect_vreg.gather [hbm4b:s8+s2], $0x80, v4, vm0, $0xb8;
	[tilespmem:$0x1C200] =	vst v63  }
0x7b: {  	s26 =	simm.s32 $0x11A00  }
0x7c: {  	[tilespmem:s26], [sflag:$0x2] =	stream.indirect_vreg.gather [hbm4b:s3+s2], $0x80, v3, vm0, $0xb8;
	[tilespmem:$0x1C200] =	vst v63  }
0x7d: {  	s28 =	simm.s32 $0x12200  }
0x7e: {  	[tilespmem:s28], [sflag:$0x2] =	stream.indirect_vreg.gather [hbm4b:s7+s2], $0x80, v3, vm0, $0xb8;
	[tilespmem:$0x1C200] =	vst v63  }
0x7f: {  	s10 =	simm.s32 $0x12A00  }
0x80: {  	[tilespmem:s10], [sflag:$0x2] =	stream.indirect_vreg.gather [hbm4b:s8+s2], $0x80, v3, vm0, $0xb8;
	[tilespmem:$0x1C200] =	vst v63  }
0x81: {  	v3 =	vld [tilespmem:$0x110];
	_ =	sdelay $0x4  }
0x82: {  	v4 =	vshrl.u32 v3, $0x3  }
0x83: {  	v4 =	vmul.u32 $0x30, v4  }
0x84: {  	v3 =	vand.u32 $0x7, v3  }
0x85: {  	v3 =	vor.u32 v3, v4  }
0x86: {  	v4 =	vperm.xlane v3, v0;
	_ =	sdelay $0x1  }
0x87: {  	v4 =	vadd.s32 v1, v4;
	_ =	sdelay $0x3  }
0x88: {  	s11 =	simm.s32 $0x13200;
	v3 =	vperm.xlane v3, v2  }
0x89: {  	[tilespmem:s11], [sflag:$0x2] =	stream.indirect_vreg.gather [hbm4b:s3+s2], $0x80, v4, vm0, $0xb8;
	[tilespmem:$0x1C200] =	vst v63  }
0x8a: {  	s25 =	simm.s32 $0x13A00;
	v3 =	vadd.s32 v1, v3  }
0x8b: {  	[tilespmem:s25], [sflag:$0x2] =	stream.indirect_vreg.gather [hbm4b:s7+s2], $0x80, v4, vm0, $0xb8;
	[tilespmem:$0x1C200] =	vst v63  }
0x8c: {  	_ = 	snop  }
0x8d: {  	[tilespmem:s29], [sflag:$0x2] =	stream.indirect_vreg.gather [hbm4b:s8+s2], $0x80, v4, vm0, $0xb8;
	[tilespmem:$0x1C200] =	vst v63  }
0x8e: {  	_ = 	snop  }
0x8f: {  	[tilespmem:s30], [sflag:$0x2] =	stream.indirect_vreg.gather [hbm4b:s3+s2], $0x80, v3, vm0, $0xb8;
	[tilespmem:$0x1C200] =	vst v63  }
0x90: {  	_ = 	snop  }
0x91: {  	[tilespmem:s31], [sflag:$0x2] =	stream.indirect_vreg.gather [hbm4b:s7+s2], $0x80, v3, vm0, $0xb8;
	[tilespmem:$0x1C200] =	vst v63  }
0x92: {  	_ = 	snop  }
0x93: {  	[tilespmem:s0], [sflag:$0x2] =	stream.indirect_vreg.gather [hbm4b:s8+s2], $0x80, v3, vm0, $0xb8;
	[tilespmem:$0x1C200] =	vst v63  }
0x94: {  	v3 =	vld [tilespmem:$0x120];
	_ =	sdelay $0x4  }
0x95: {  	v4 =	vshrl.u32 v3, $0x3  }
0x96: {  	v4 =	vmul.u32 $0x30, v4  }
0x97: {  	v3 =	vand.u32 $0x7, v3  }
0x98: {  	v3 =	vor.u32 v3, v4  }
0x99: {  	v4 =	vperm.xlane v3, v0;
	_ =	sdelay $0x1  }
0x9a: {  	v4 =	vadd.s32 v1, v4;
	_ =	sdelay $0x3  }
0x9b: {  	v3 =	vperm.xlane v3, v2  }
0x9c: {  	[tilespmem:s1], [sflag:$0x2] =	stream.indirect_vreg.gather [hbm4b:s3+s2], $0x80, v4, vm0, $0xb8;
	[tilespmem:$0x1C200] =	vst v63  }
0x9d: {  	v3 =	vadd.s32 v1, v3  }
0x9e: {  	[tilespmem:s13], [sflag:$0x2] =	stream.indirect_vreg.gather [hbm4b:s7+s2], $0x80, v4, vm0, $0xb8;
	[tilespmem:$0x1C200] =	vst v63  }
0x9f: {  	_ = 	snop  }
0xa0: {  	[tilespmem:s14], [sflag:$0x2] =	stream.indirect_vreg.gather [hbm4b:s8+s2], $0x80, v4, vm0, $0xb8;
	[tilespmem:$0x1C200] =	vst v63  }
0xa1: {  	_ = 	snop  }
0xa2: {  	[tilespmem:s16], [sflag:$0x2] =	stream.indirect_vreg.gather [hbm4b:s3+s2], $0x80, v3, vm0, $0xb8;
	[tilespmem:$0x1C200] =	vst v63  }
0xa3: {  	_ = 	snop  }
0xa4: {  	[tilespmem:s17], [sflag:$0x2] =	stream.indirect_vreg.gather [hbm4b:s7+s2], $0x80, v3, vm0, $0xb8;
	[tilespmem:$0x1C200] =	vst v63  }
0xa5: {  	_ = 	snop  }
0xa6: {  	[tilespmem:s4], [sflag:$0x2] =	stream.indirect_vreg.gather [hbm4b:s8+s2], $0x80, v3, vm0, $0xb8;
	[tilespmem:$0x1C200] =	vst v63  }
0xa7: {  	v3 =	vld [tilespmem:$0x130];
	_ =	sdelay $0x4  }
0xa8: {  	v4 =	vshrl.u32 v3, $0x3  }
0xa9: {  	v4 =	vmul.u32 $0x30, v4  }
0xaa: {  	v3 =	vand.u32 $0x7, v3  }
0xab: {  	v3 =	vor.u32 v3, v4  }
0xac: {  	v4 =	vperm.xlane v3, v0;
	_ =	sdelay $0x1  }
0xad: {  	v4 =	vadd.s32 v1, v4;
	_ =	sdelay $0x3  }
0xae: {  	v3 =	vperm.xlane v3, v2  }
0xaf: {  	[tilespmem:s18], [sflag:$0x2] =	stream.indirect_vreg.gather [hbm4b:s3+s2], $0x80, v4, vm0, $0xb8;
	[tilespmem:$0x1C200] =	vst v63  }
0xb0: {  	v3 =	vadd.s32 v1, v3  }
0xb1: {  	[tilespmem:s5], [sflag:$0x2] =	stream.indirect_vreg.gather [hbm4b:s7+s2], $0x80, v4, vm0, $0xb8;
	[tilespmem:$0x1C200] =	vst v63  }
0xb2: {  	_ = 	snop  }
0xb3: {  	[tilespmem:s19], [sflag:$0x2] =	stream.indirect_vreg.gather [hbm4b:s8+s2], $0x80, v4, vm0, $0xb8;
	[tilespmem:$0x1C200] =	vst v63  }
0xb4: {  	_ = 	snop  }
0xb5: {  	[tilespmem:s6], [sflag:$0x2] =	stream.indirect_vreg.gather [hbm4b:s3+s2], $0x80, v3, vm0, $0xb8;
	[tilespmem:$0x1C200] =	vst v63  }
0xb6: {  	_ = 	snop  }
0xb7: {  	[tilespmem:s20], [sflag:$0x2] =	stream.indirect_vreg.gather [hbm4b:s7+s2], $0x80, v3, vm0, $0xb8;
	[tilespmem:$0x1C200] =	vst v63  }
0xb8: {  	_ = 	snop  }
0xb9: {  	[tilespmem:s21], [sflag:$0x2] =	stream.indirect_vreg.gather [hbm4b:s8+s2], $0x80, v3, vm0, $0xb8;
	[tilespmem:$0x1C200] =	vst v63  }
0xba: {  	_ =	swait.ge [sflag:s22], $0xC000  }
0xbb: {  	[sflag:s22] =	ssyncset.done $0x0  }
0xbc: {  	s26 =	simm.s32 $0x0;
	[sflag:s22] =	ssyncadd.s32 $0xFFFF4000  }
0xbd: {  	s9 =	smul.u32 $0x1800, s26;
	_ =	swait.ge [sflag:s23], $0xC000  }
0xbe: {  	s28 =	sand.u32 $0x380, s2;
	[sflag:s23] =	ssyncset.done $0x0  }
0xbf: {  	s10 =	sor.u32 s28, s9;
	[sflag:s23] =	ssyncadd.s32 $0xFFFF4000  }
0xc0: {  	v4 =	vld [tilespmem:s10+$0x4210]  }
0xc1: {  	v3 =	vld [tilespmem:s10+$0x10210]  }
0xc2: {  	v6 =	vld [tilespmem:s10+$0x4220]  }
0xc3: {  	v5 =	vld [tilespmem:s10+$0x10220]  }
0xc4: {  	v10 =	vld [tilespmem:s10+$0x4230]  }
0xc5: {  	v7 =	vld [tilespmem:s10+$0x10230]  }
0xc6: {  	v12 =	vld [tilespmem:s10+$0x4240]  }
0xc7: {  	v11 =	vld [tilespmem:s10+$0x10240]  }
0xc8: {  	v13 =	vld [tilespmem:s10+$0x4260]  }
0xc9: {  	v14 =	vld [tilespmem:s10+$0x4270]  }
0xca: {  	v15 =	vld [tilespmem:s10+$0x4600]  }
0xcb: {  	v16 =	vld [tilespmem:s10+$0x4610]  }
0xcc: {  	v17 =	vld [tilespmem:s10+$0x4620]  }
0xcd: {  	v18 =	vld [tilespmem:s10+$0x4630]  }
0xce: {  	v19 =	vld [tilespmem:s10+$0x4640]  }
0xcf: {  	v20 =	vld [tilespmem:s10+$0x4650]  }
0xd0: {  	v21 =	vld [tilespmem:s10+$0x4660]  }
0xd1: {  	v22 =	vld [tilespmem:s10+$0x4670]  }
0xd2: {  	v23 =	vld [tilespmem:s10+$0x4A00]  }
0xd3: {  	v24 =	vld [tilespmem:s10+$0x4A10]  }
0xd4: {  	v25 =	vld [tilespmem:s10+$0x4A20]  }
0xd5: {  	v26 =	vld [tilespmem:s10+$0x4A30]  }
0xd6: {  	v27 =	vld [tilespmem:s10+$0x4A40]  }
0xd7: {  	v28 =	vld [tilespmem:s10+$0x4A50]  }
0xd8: {  	v29 =	vld [tilespmem:s10+$0x4A60]  }
0xd9: {  	v30 =	vld [tilespmem:s10+$0x4A70]  }
0xda: {  	v31 =	vld [tilespmem:s10+$0x4E00]  }
0xdb: {  	v32 =	vld [tilespmem:s10+$0x4E10]  }
0xdc: {  	v33 =	vld [tilespmem:s10+$0x4E20]  }
0xdd: {  	v34 =	vld [tilespmem:s10+$0x4E30]  }
0xde: {  	v35 =	vld [tilespmem:s10+$0x4E40]  }
0xdf: {  	v36 =	vld [tilespmem:s10+$0x4E50]  }
0xe0: {  	v37 =	vld [tilespmem:s10+$0x4E60]  }
0xe1: {  	v38 =	vld [tilespmem:s10+$0x4E70]  }
0xe2: {  	v39 =	vld [tilespmem:s10+$0x5200]  }
0xe3: {  	v40 =	vld [tilespmem:s10+$0x5210]  }
0xe4: {  	v41 =	vld [tilespmem:s10+$0x5220]  }
0xe5: {  	v42 =	vld [tilespmem:s10+$0x5230]  }
0xe6: {  	v43 =	vld [tilespmem:s10+$0x5240]  }
0xe7: {  	v44 =	vld [tilespmem:s10+$0x5250]  }
0xe8: {  	v45 =	vld [tilespmem:s10+$0x5260]  }
0xe9: {  	v46 =	vld [tilespmem:s10+$0x5600]  }
0xea: {  	v47 =	vld [tilespmem:s10+$0x5610]  }
0xeb: {  	v48 =	vld [tilespmem:s10+$0x11610]  }
0xec: {  	v49 =	vld [tilespmem:s10+$0x11630]  }
0xed: {  	v50 =	vld [tilespmem:s10+$0x5630]  }
0xee: {  	s9 =	simm.s32 $0x210;
	v51 =	vld [tilespmem:s10+$0x5620]  }
0xef: {  	v8 =	vld [tilespmem:s9+$0xFFFFFFF0]  }
0xf0: {  	v9 =	vld [tilespmem:s9+$0x0]  }
0xf1: {  	v52 =	vld [tilespmem:s10+$0x11620]  }
0xf2: {  	v53 =	vld [tilespmem:s10+$0x11600]  }
0xf3: {  	v54 =	vld [tilespmem:s10+$0x5270]  }
0xf4: {  	v55 =	vld [tilespmem:s10+$0x11270];
	v50 =	vmul.f32 v50, v8  }
0xf5: {  	v56 =	vld [tilespmem:s10+$0x11260];
	v49 =	vmul.f32 v49, v9;
	v51 =	vmul.f32 v51, v8  }
0xf6: {  	v61 =	vld [tilespmem:s10+$0x11200];
	v52 =	vmul.f32 v52, v9;
	v47 =	vmul.f32 v47, v8  }
0xf7: {  	v57 =	vld [tilespmem:s10+$0x11250];
	v48 =	vmul.f32 v48, v9;
	v46 =	vmul.f32 v46, v8;
	v49 =	vadd.f32 v49, v50  }
0xf8: {  	v58 =	vld [tilespmem:s10+$0x11240];
	v62 =	vmul.f32 v53, v9;
	v63 =	vmul.f32 v54, v8;
	v51 =	vadd.f32 v52, v51  }
0xf9: {  	v53 =	vld [tilespmem:s10+$0x11230];
	v59 =	vmul.f32 v55, v9;
	v45 =	vmul.f32 v45, v8;
	v47 =	vadd.f32 v48, v47;
	[tilespmem:s10+$0x5630] =	vst v49  }
0xfa: {  	v60 =	vmul.f32 v56, v9;
	v56 =	vld [tilespmem:s10+$0x10E60];
	v39 =	vmul.f32 v39, v8;
	v46 =	vadd.f32 v62, v46;
	[tilespmem:s10+$0x5620] =	vst v51  }
0xfb: {  	v61 =	vmul.f32 v61, v9;
	v55 =	vld [tilespmem:s10+$0x10A70];
	v12 =	vmul.f32 v12, v8;
	v52 =	vadd.f32 v59, v63;
	[tilespmem:s10+$0x5610] =	vst v47  }
0xfc: {  	v11 =	vmul.f32 v11, v9;
	v10 =	vmul.f32 v10, v8;
	v48 =	vld [tilespmem:s10+$0x11220];
	v45 =	vadd.f32 v60, v45;
	[tilespmem:s10+$0x5600] =	vst v46  }
0xfd: {  	v7 =	vmul.f32 v7, v9;
	v63 =	vmul.f32 v58, v9;
	v58 =	vld [tilespmem:s10+$0x10E50];
	v39 =	vadd.f32 v61, v39;
	[tilespmem:s10+$0x5270] =	vst v52  }
0xfe: {  	v44 =	vmul.f32 v44, v8;
	v62 =	vmul.f32 v57, v9;
	v59 =	vld [tilespmem:s10+$0x10E40];
	v11 =	vadd.f32 v11, v12;
	[tilespmem:s10+$0x5260] =	vst v45  }
0xff: {  	v43 =	vmul.f32 v43, v8;
	v60 =	vld [tilespmem:s10+$0x10E30];
	v7 =	vadd.f32 v7, v10;
	[tilespmem:s10+$0x5200] =	vst v39  }
0x100: {  	v42 =	vmul.f32 v42, v8;
	v61 =	vld [tilespmem:s10+$0x10A10];
	v44 =	vadd.f32 v62, v44;
	[tilespmem:s10+$0x4240] =	vst v11;
	v57 =	vmul.f32 v53, v9  }
0x101: {  	v37 =	vmul.f32 v37, v8;
	v49 =	vld [tilespmem:s10+$0x11210];
	v43 =	vadd.f32 v63, v43;
	[tilespmem:s10+$0x4230] =	vst v7;
	v46 =	vmul.f32 v56, v9  }
0x102: {  	v41 =	vmul.f32 v41, v8;
	v47 =	vld [tilespmem:s10+$0x10E70];
	[tilespmem:s10+$0x5250] =	vst v44;
	v48 =	vmul.f32 v48, v9;
	v42 =	vadd.f32 v57, v42  }
0x103: {  	v36 =	vmul.f32 v36, v8;
	v62 =	vld [tilespmem:s10+$0x10E20];
	[tilespmem:s10+$0x5240] =	vst v43;
	v54 =	vmul.f32 v58, v9;
	v37 =	vadd.f32 v46, v37  }
0x104: {  	v35 =	vmul.f32 v35, v8;
	v63 =	vld [tilespmem:s10+$0x10E10];
	v45 =	vmul.f32 v59, v9;
	v41 =	vadd.f32 v48, v41;
	[tilespmem:s10+$0x5230] =	vst v42  }
0x105: {  	v34 =	vmul.f32 v34, v8;
	v56 =	vld [tilespmem:s10+$0x10A60];
	v44 =	vmul.f32 v60, v9;
	v36 =	vadd.f32 v54, v36;
	[tilespmem:s10+$0x4E60] =	vst v37  }
0x106: {  	v40 =	vmul.f32 v40, v8;
	v53 =	vld [tilespmem:s10+$0x10E00];
	v49 =	vmul.f32 v49, v9;
	v35 =	vadd.f32 v45, v35;
	[tilespmem:s10+$0x5220] =	vst v41  }
0x107: {  	v38 =	vmul.f32 v38, v8;
	v12 =	vld [tilespmem:s10+$0x5660];
	v47 =	vmul.f32 v47, v9;
	v34 =	vadd.f32 v44, v34;
	[tilespmem:s10+$0x4E50] =	vst v36  }
0x108: {  	v33 =	vmul.f32 v33, v8;
	v58 =	vld [tilespmem:s10+$0x10A40];
	v43 =	vmul.f32 v62, v9;
	v40 =	vadd.f32 v49, v40;
	[tilespmem:s10+$0x4E40] =	vst v35  }
0x109: {  	v32 =	vmul.f32 v32, v8;
	v57 =	vld [tilespmem:s10+$0x10A50];
	v42 =	vmul.f32 v63, v9;
	v38 =	vadd.f32 v47, v38;
	[tilespmem:s10+$0x4E30] =	vst v34  }
0x10a: {  	v29 =	vmul.f32 v29, v8;
	v60 =	vld [tilespmem:s10+$0x10A20];
	v39 =	vmul.f32 v56, v9;
	v33 =	vadd.f32 v43, v33;
	[tilespmem:s10+$0x5210] =	vst v40  }
0x10b: {  	v31 =	vmul.f32 v31, v8;
	v59 =	vld [tilespmem:s10+$0x10A30];
	v41 =	vmul.f32 v53, v9;
	v32 =	vadd.f32 v42, v32;
	[tilespmem:s10+$0x4E70] =	vst v38  }
0x10c: {  	v24 =	vmul.f32 v24, v8;
	v62 =	vld [tilespmem:s10+$0x10A00];
	v34 =	vmul.f32 v61, v9;
	v29 =	vadd.f32 v39, v29;
	[tilespmem:s10+$0x4E20] =	vst v33  }
0x10d: {  	v27 =	vmul.f32 v27, v8;
	v63 =	vld [tilespmem:s10+$0x10670];
	v37 =	vmul.f32 v58, v9;
	v31 =	vadd.f32 v41, v31;
	[tilespmem:s10+$0x4E10] =	vst v32  }
0x10e: {  	v30 =	vmul.f32 v30, v8;
	v40 =	vmul.f32 v55, v9;
	v24 =	vadd.f32 v34, v24;
	[tilespmem:s10+$0x4A60] =	vst v29;
	v29 =	vld [tilespmem:s10+$0x10640]  }
0x10f: {  	v25 =	vmul.f32 v25, v8;
	v35 =	vmul.f32 v60, v9;
	v27 =	vadd.f32 v37, v27;
	[tilespmem:s10+$0x4E00] =	vst v31;
	v31 =	vld [tilespmem:s10+$0x10660]  }
0x110: {  	v28 =	vmul.f32 v28, v8;
	v38 =	vmul.f32 v57, v9;
	v30 =	vadd.f32 v40, v30;
	[tilespmem:s10+$0x4A10] =	vst v24;
	v24 =	vld [tilespmem:s10+$0x10270]  }
0x111: {  	v23 =	vmul.f32 v23, v8;
	v33 =	vmul.f32 v62, v9;
	v25 =	vadd.f32 v35, v25;
	[tilespmem:s10+$0x4A40] =	vst v27;
	v27 =	vld [tilespmem:s10+$0x10620]  }
0x112: {  	v26 =	vmul.f32 v26, v8;
	v36 =	vmul.f32 v59, v9;
	v28 =	vadd.f32 v38, v28;
	[tilespmem:s10+$0x4A70] =	vst v30;
	v30 =	vld [tilespmem:s10+$0x10650]  }
0x113: {  	v22 =	vmul.f32 v22, v8;
	v32 =	vmul.f32 v63, v9;
	v23 =	vadd.f32 v33, v23;
	[tilespmem:s10+$0x4A20] =	vst v25;
	v25 =	vld [tilespmem:s10+$0x10600]  }
0x114: {  	v19 =	vmul.f32 v19, v8;
	v26 =	vadd.f32 v36, v26;
	[tilespmem:s10+$0x4A50] =	vst v28;
	v28 =	vld [tilespmem:s10+$0x10630];
	v29 =	vmul.f32 v29, v9  }
0x115: {  	v21 =	vmul.f32 v21, v8;
	v22 =	vadd.f32 v32, v22;
	[tilespmem:s10+$0x4A00] =	vst v23;
	v23 =	vld [tilespmem:s10+$0x10260];
	v31 =	vmul.f32 v31, v9  }
0x116: {  	v17 =	vmul.f32 v17, v8;
	[tilespmem:s10+$0x4A30] =	vst v26;
	v26 =	vld [tilespmem:s10+$0x10610];
	v27 =	vmul.f32 v27, v9;
	v19 =	vadd.f32 v29, v19  }
0x117: {  	v20 =	vmul.f32 v20, v8;
	[tilespmem:s10+$0x4670] =	vst v22;
	v22 =	vld [tilespmem:s10+$0x4250];
	v30 =	vmul.f32 v30, v9;
	v21 =	vadd.f32 v31, v21  }
0x118: {  	v15 =	vmul.f32 v15, v8;
	v25 =	vmul.f32 v25, v9;
	v17 =	vadd.f32 v27, v17;
	[tilespmem:s10+$0x4640] =	vst v19;
	v19 =	vld [tilespmem:s10+$0x11650]  }
0x119: {  	v18 =	vmul.f32 v18, v8;
	v28 =	vmul.f32 v28, v9;
	v20 =	vadd.f32 v30, v20;
	[tilespmem:s10+$0x4660] =	vst v21;
	v21 =	vld [tilespmem:s10+$0x10250]  }
0x11a: {  	v13 =	vmul.f32 v13, v8;
	v23 =	vmul.f32 v23, v9;
	v15 =	vadd.f32 v25, v15;
	[tilespmem:s10+$0x4620] =	vst v17;
	v17 =	vld [tilespmem:s10+$0x5640]  }
0x11b: {  	v6 =	vmul.f32 v6, v8;
	v5 =	vmul.f32 v5, v9;
	v18 =	vadd.f32 v28, v18;
	[tilespmem:s10+$0x4650] =	vst v20;
	v20 =	vld [tilespmem:s10+$0x11640]  }
0x11c: {  	v14 =	vmul.f32 v14, v8;
	v24 =	vmul.f32 v24, v9;
	v13 =	vadd.f32 v23, v13;
	[tilespmem:s10+$0x4600] =	vst v15;
	v15 =	vld [tilespmem:s10+$0x5650]  }
0x11d: {  	v4 =	vmul.f32 v4, v8;
	v3 =	vmul.f32 v3, v9;
	v5 =	vadd.f32 v5, v6;
	[tilespmem:s10+$0x4630] =	vst v18;
	v18 =	vld [tilespmem:s10+$0x11660]  }
0x11e: {  	v6 =	vld [tilespmem:s10+$0x4200];
	v14 =	vadd.f32 v24, v14;
	v10 =	vmul.f32 v22, v8;
	[tilespmem:s10+$0x4260] =	vst v13;
	v13 =	vmul.f32 v21, v9  }
0x11f: {  	s25 =	simm.s32 $0x0;
	v16 =	vmul.f32 v16, v8;
	v3 =	vadd.f32 v3, v4;
	v7 =	vld [tilespmem:s10+$0x10200];
	[tilespmem:s10+$0x4220] =	vst v5;
	v26 =	vmul.f32 v26, v9  }
0x120: {  	s26 =	simm.s32 $0x80;
	s25 =	smul.u32 $0x1800, s25;
	[tilespmem:s10+$0x4270] =	vst v14;
	v14 =	vld [tilespmem:s10+$0x5670];
	v11 =	vmul.f32 v17, v8;
	v17 =	vmul.f32 v20, v9;
	v4 =	vadd.f32 v13, v10  }
0x121: {  	s28 =	sand.u32 $0x380, s26;
	[tilespmem:s10+$0x4210] =	vst v3;
	v16 =	vadd.f32 v26, v16;
	v5 =	vmul.f32 v15, v8;
	v10 =	vmul.f32 v19, v9  }
0x122: {  	s25 =	sor.u32 s28, s25;
	v11 =	vadd.f32 v17, v11;
	[tilespmem:s10+$0x4250] =	vst v4;
	v4 =	vmul.f32 v12, v8;
	v12 =	vmul.f32 v18, v9  }
0x123: {  	v3 =	vld [tilespmem:s25+$0x4210];
	[tilespmem:s10+$0x4610] =	vst v16;
	v5 =	vadd.f32 v10, v5  }
0x124: {  	v7 =	vmul.f32 v7, v9;
	v16 =	vld [tilespmem:s10+$0x11670];
	[tilespmem:s10+$0x5640] =	vst v11;
	v12 =	vadd.f32 v12, v4  }
0x125: {  	v10 =	vmul.f32 v14, v8;
	v8 =	vmul.f32 v6, v8;
	v4 =	vld [tilespmem:s25+$0x10210];
	[tilespmem:s10+$0x5650] =	vst v5  }
0x126: {  	v6 =	vld [tilespmem:s25+$0x4220];
	[tilespmem:s10+$0x5660] =	vst v12  }
0x127: {  	v7 =	vadd.f32 v7, v8;
	v5 =	vld [tilespmem:s25+$0x10220]  }
0x128: {  	v8 =	vld [tilespmem:s25+$0x4230]  }
0x129: {  	[tilespmem:s10+$0x4200] =	vst v7;
	v18 =	vld [tilespmem:s25+$0x4630]  }
0x12a: {  	v11 =	vmul.f32 v16, v9;
	v26 =	vld [tilespmem:s25+$0x4A30]  }
0x12b: {  	v36 =	vld [tilespmem:s25+$0x4E30]  }
0x12c: {  	v9 =	vadd.f32 v11, v10;
	v44 =	vld [tilespmem:s25+$0x5230]  }
0x12d: {  	v48 =	vld [tilespmem:s25+$0x5600]  }
0x12e: {  	[tilespmem:s10+$0x5670] =	vst v9;
	v50 =	vld [tilespmem:s25+$0x5610]  }
0x12f: {  	v7 =	vld [tilespmem:s25+$0x10230]  }
0x130: {  	v10 =	vld [tilespmem:s25+$0x4240]  }
0x131: {  	v9 =	vld [tilespmem:s25+$0x10240]  }
0x132: {  	v12 =	vld [tilespmem:s25+$0x4250]  }
0x133: {  	v11 =	vld [tilespmem:s25+$0x10250]  }
0x134: {  	v13 =	vld [tilespmem:s25+$0x4260]  }
0x135: {  	v14 =	vld [tilespmem:s25+$0x4270]  }
0x136: {  	v15 =	vld [tilespmem:s25+$0x4600]  }
0x137: {  	v16 =	vld [tilespmem:s25+$0x4610]  }
0x138: {  	v17 =	vld [tilespmem:s25+$0x4620]  }
0x139: {  	v19 =	vld [tilespmem:s25+$0x4640]  }
0x13a: {  	v20 =	vld [tilespmem:s25+$0x4650]  }
0x13b: {  	v21 =	vld [tilespmem:s25+$0x4660]  }
0x13c: {  	v22 =	vld [tilespmem:s25+$0x4670]  }
0x13d: {  	v23 =	vld [tilespmem:s25+$0x4A00]  }
0x13e: {  	v24 =	vld [tilespmem:s25+$0x4A10]  }
0x13f: {  	v25 =	vld [tilespmem:s25+$0x4A20]  }
0x140: {  	v27 =	vld [tilespmem:s25+$0x4A40]  }
0x141: {  	v28 =	vld [tilespmem:s25+$0x4A50]  }
0x142: {  	v29 =	vld [tilespmem:s25+$0x4A60]  }
0x143: {  	v30 =	vld [tilespmem:s25+$0x4A70]  }
0x144: {  	v32 =	vld [tilespmem:s25+$0x4E00]  }
0x145: {  	v34 =	vld [tilespmem:s25+$0x4E10]  }
0x146: {  	v35 =	vld [tilespmem:s25+$0x4E20]  }
0x147: {  	v37 =	vld [tilespmem:s25+$0x4E40]  }
0x148: {  	v38 =	vld [tilespmem:s25+$0x4E50]  }
0x149: {  	v39 =	vld [tilespmem:s25+$0x4E60]  }
0x14a: {  	v40 =	vld [tilespmem:s25+$0x4E70]  }
0x14b: {  	v41 =	vld [tilespmem:s25+$0x5200]  }
0x14c: {  	v42 =	vld [tilespmem:s25+$0x5210]  }
0x14d: {  	v43 =	vld [tilespmem:s25+$0x5220]  }
0x14e: {  	v45 =	vld [tilespmem:s25+$0x5240]  }
0x14f: {  	v46 =	vld [tilespmem:s25+$0x5250]  }
0x150: {  	v47 =	vld [tilespmem:s25+$0x5260]  }
0x151: {  	v49 =	vld [tilespmem:s25+$0x11610]  }
0x152: {  	s10 =	simm.s32 $0x2;
	v51 =	vld [tilespmem:s25+$0x11630]  }
.LBB2_2:
0x153: {  	p0 =	sne.s32 s10, $0x3F;
	v52 =	vld [tilespmem:s25+$0x5630]  }
0x154: {  	s9 =	sadd.s32 $0x80, s9;
	v53 =	vld [tilespmem:s25+$0x5620]  }
0x155: {  	v33 =	vld [tilespmem:s9+$0xFFFFFFF0]  }
0x156: {  	v31 =	vld [tilespmem:s9+$0x0]  }
0x157: {  	v54 =	vld [tilespmem:s25+$0x11620]  }
0x158: {  	v55 =	vld [tilespmem:s25+$0x11600]  }
0x159: {  	v56 =	vld [tilespmem:s25+$0x5270]  }
0x15a: {  	v57 =	vld [tilespmem:s25+$0x11270];
	v50 =	vmul.f32 v50, v33;
	v53 =	vmul.f32 v53, v33  }
0x15b: {  	v52 =	vmul.f32 v52, v33;
	v58 =	vld [tilespmem:s25+$0x11260];
	v51 =	vmul.f32 v51, v31  }
0x15c: {  	v49 =	vmul.f32 v49, v31;
	v59 =	vld [tilespmem:s25+$0x11250];
	v54 =	vmul.f32 v54, v31  }
0x15d: {  	v48 =	vmul.f32 v48, v33;
	v60 =	vld [tilespmem:s25+$0x11240];
	v55 =	vmul.f32 v55, v31;
	v51 =	vadd.f32 v51, v52  }
0x15e: {  	v49 =	vadd.f32 v49, v50;
	v52 =	vld [tilespmem:s25+$0x11230];
	v56 =	vmul.f32 v56, v33;
	v50 =	vadd.f32 v54, v53  }
0x15f: {  	v47 =	vmul.f32 v47, v33;
	v53 =	vld [tilespmem:s25+$0x11220];
	v54 =	vmul.f32 v57, v31;
	v48 =	vadd.f32 v55, v48;
	[tilespmem:s25+$0x5630] =	vst v51  }
0x160: {  	v46 =	vmul.f32 v46, v33;
	v51 =	vld [tilespmem:s25+$0x11210];
	v55 =	vmul.f32 v58, v31;
	[tilespmem:s25+$0x5620] =	vst v50  }
0x161: {  	v45 =	vmul.f32 v45, v33;
	v50 =	vld [tilespmem:s25+$0x11200];
	v57 =	vmul.f32 v59, v31;
	v54 =	vadd.f32 v54, v56;
	[tilespmem:s25+$0x5610] =	vst v49  }
0x162: {  	v44 =	vmul.f32 v44, v33;
	v49 =	vld [tilespmem:s25+$0x10E70];
	v56 =	vmul.f32 v60, v31;
	v47 =	vadd.f32 v55, v47;
	[tilespmem:s25+$0x5600] =	vst v48  }
0x163: {  	v43 =	vmul.f32 v43, v33;
	v48 =	vld [tilespmem:s25+$0x10E60];
	v52 =	vmul.f32 v52, v31;
	v46 =	vadd.f32 v57, v46;
	[tilespmem:s25+$0x5270] =	vst v54  }
0x164: {  	v42 =	vmul.f32 v42, v33;
	v54 =	vld [tilespmem:s25+$0x10E50];
	v53 =	vmul.f32 v53, v31;
	v45 =	vadd.f32 v56, v45;
	[tilespmem:s25+$0x5260] =	vst v47  }
0x165: {  	v41 =	vmul.f32 v41, v33;
	v47 =	vld [tilespmem:s25+$0x10E40];
	v51 =	vmul.f32 v51, v31;
	v44 =	vadd.f32 v52, v44;
	[tilespmem:s25+$0x5250] =	vst v46  }
0x166: {  	v40 =	vmul.f32 v40, v33;
	v46 =	vld [tilespmem:s25+$0x10E30];
	v50 =	vmul.f32 v50, v31;
	v43 =	vadd.f32 v53, v43;
	[tilespmem:s25+$0x5240] =	vst v45  }
0x167: {  	v39 =	vmul.f32 v39, v33;
	v45 =	vld [tilespmem:s25+$0x10E20];
	v49 =	vmul.f32 v49, v31;
	v42 =	vadd.f32 v51, v42;
	[tilespmem:s25+$0x5230] =	vst v44  }
0x168: {  	v38 =	vmul.f32 v38, v33;
	v44 =	vld [tilespmem:s25+$0x10E10];
	v48 =	vmul.f32 v48, v31;
	v41 =	vadd.f32 v50, v41;
	[tilespmem:s25+$0x5220] =	vst v43  }
0x169: {  	v37 =	vmul.f32 v37, v33;
	v43 =	vld [tilespmem:s25+$0x10E00];
	v50 =	vmul.f32 v54, v31;
	v40 =	vadd.f32 v49, v40;
	[tilespmem:s25+$0x5210] =	vst v42  }
0x16a: {  	v36 =	vmul.f32 v36, v33;
	v42 =	vld [tilespmem:s25+$0x10A70];
	v47 =	vmul.f32 v47, v31;
	v39 =	vadd.f32 v48, v39;
	[tilespmem:s25+$0x5200] =	vst v41  }
0x16b: {  	v35 =	vmul.f32 v35, v33;
	v41 =	vld [tilespmem:s25+$0x10A60];
	v46 =	vmul.f32 v46, v31;
	v38 =	vadd.f32 v50, v38;
	[tilespmem:s25+$0x4E70] =	vst v40  }
0x16c: {  	v34 =	vmul.f32 v34, v33;
	v40 =	vld [tilespmem:s25+$0x10A50];
	v45 =	vmul.f32 v45, v31;
	v37 =	vadd.f32 v47, v37;
	[tilespmem:s25+$0x4E60] =	vst v39  }
0x16d: {  	v32 =	vmul.f32 v32, v33;
	v39 =	vld [tilespmem:s25+$0x10A40];
	v44 =	vmul.f32 v44, v31;
	v36 =	vadd.f32 v46, v36;
	[tilespmem:s25+$0x4E50] =	vst v38  }
0x16e: {  	v30 =	vmul.f32 v30, v33;
	v38 =	vld [tilespmem:s25+$0x10A30];
	v43 =	vmul.f32 v43, v31;
	v35 =	vadd.f32 v45, v35;
	[tilespmem:s25+$0x4E40] =	vst v37  }
0x16f: {  	v29 =	vmul.f32 v29, v33;
	v37 =	vld [tilespmem:s25+$0x10A20];
	v42 =	vmul.f32 v42, v31;
	v34 =	vadd.f32 v44, v34;
	[tilespmem:s25+$0x4E30] =	vst v36  }
0x170: {  	v28 =	vmul.f32 v28, v33;
	v36 =	vld [tilespmem:s25+$0x10A10];
	v41 =	vmul.f32 v41, v31;
	v32 =	vadd.f32 v43, v32;
	[tilespmem:s25+$0x4E20] =	vst v35  }
0x171: {  	v27 =	vmul.f32 v27, v33;
	v35 =	vld [tilespmem:s25+$0x10A00];
	v40 =	vmul.f32 v40, v31;
	v30 =	vadd.f32 v42, v30;
	[tilespmem:s25+$0x4E10] =	vst v34  }
0x172: {  	v26 =	vmul.f32 v26, v33;
	v34 =	vld [tilespmem:s25+$0x10670];
	v39 =	vmul.f32 v39, v31;
	v29 =	vadd.f32 v41, v29;
	[tilespmem:s25+$0x4E00] =	vst v32  }
0x173: {  	v25 =	vmul.f32 v25, v33;
	v32 =	vld [tilespmem:s25+$0x10660];
	v38 =	vmul.f32 v38, v31;
	v28 =	vadd.f32 v40, v28;
	[tilespmem:s25+$0x4A70] =	vst v30  }
0x174: {  	v24 =	vmul.f32 v24, v33;
	v30 =	vld [tilespmem:s25+$0x10650];
	v37 =	vmul.f32 v37, v31;
	v27 =	vadd.f32 v39, v27;
	[tilespmem:s25+$0x4A60] =	vst v29  }
0x175: {  	v23 =	vmul.f32 v23, v33;
	v29 =	vld [tilespmem:s25+$0x10640];
	v36 =	vmul.f32 v36, v31;
	v26 =	vadd.f32 v38, v26;
	[tilespmem:s25+$0x4A50] =	vst v28  }
0x176: {  	v22 =	vmul.f32 v22, v33;
	v28 =	vld [tilespmem:s25+$0x10630];
	v35 =	vmul.f32 v35, v31;
	v25 =	vadd.f32 v37, v25;
	[tilespmem:s25+$0x4A40] =	vst v27  }
0x177: {  	v21 =	vmul.f32 v21, v33;
	v27 =	vld [tilespmem:s25+$0x10620];
	v34 =	vmul.f32 v34, v31;
	v24 =	vadd.f32 v36, v24;
	[tilespmem:s25+$0x4A30] =	vst v26  }
0x178: {  	v20 =	vmul.f32 v20, v33;
	v26 =	vld [tilespmem:s25+$0x10610];
	v32 =	vmul.f32 v32, v31;
	v23 =	vadd.f32 v35, v23;
	[tilespmem:s25+$0x4A20] =	vst v25  }
0x179: {  	v19 =	vmul.f32 v19, v33;
	v25 =	vld [tilespmem:s25+$0x10600];
	v30 =	vmul.f32 v30, v31;
	v22 =	vadd.f32 v34, v22;
	[tilespmem:s25+$0x4A10] =	vst v24  }
0x17a: {  	v18 =	vmul.f32 v18, v33;
	v24 =	vld [tilespmem:s25+$0x10270];
	v29 =	vmul.f32 v29, v31;
	v21 =	vadd.f32 v32, v21;
	[tilespmem:s25+$0x4A00] =	vst v23  }
0x17b: {  	v17 =	vmul.f32 v17, v33;
	v23 =	vld [tilespmem:s25+$0x10260];
	v28 =	vmul.f32 v28, v31;
	v20 =	vadd.f32 v30, v20;
	[tilespmem:s25+$0x4670] =	vst v22  }
0x17c: {  	v16 =	vmul.f32 v16, v33;
	v22 =	vmul.f32 v27, v31;
	v19 =	vadd.f32 v29, v19;
	[tilespmem:s25+$0x4660] =	vst v21;
	v21 =	vld [tilespmem:s25+$0x11640]  }
0x17d: {  	v15 =	vmul.f32 v15, v33;
	v26 =	vmul.f32 v26, v31;
	v18 =	vadd.f32 v28, v18;
	[tilespmem:s25+$0x4650] =	vst v20;
	v20 =	vld [tilespmem:s25+$0x11650]  }
0x17e: {  	v14 =	vmul.f32 v14, v33;
	v25 =	vmul.f32 v25, v31;
	v17 =	vadd.f32 v22, v17;
	[tilespmem:s25+$0x4640] =	vst v19;
	v19 =	vld [tilespmem:s25+$0x11660]  }
0x17f: {  	v13 =	vmul.f32 v13, v33;
	v22 =	vmul.f32 v24, v31;
	v16 =	vadd.f32 v26, v16;
	[tilespmem:s25+$0x4630] =	vst v18;
	v18 =	vld [tilespmem:s25+$0x11670]  }
0x180: {  	v12 =	vmul.f32 v12, v33;
	v23 =	vmul.f32 v23, v31;
	v15 =	vadd.f32 v25, v15;
	[tilespmem:s25+$0x4620] =	vst v17;
	v17 =	vld [tilespmem:s25+$0x5640]  }
0x181: {  	v10 =	vmul.f32 v10, v33;
	v11 =	vmul.f32 v11, v31;
	v14 =	vadd.f32 v22, v14;
	[tilespmem:s25+$0x4610] =	vst v16;
	v16 =	vld [tilespmem:s25+$0x5650]  }
0x182: {  	v8 =	vmul.f32 v8, v33;
	v9 =	vmul.f32 v9, v31;
	v13 =	vadd.f32 v23, v13;
	[tilespmem:s25+$0x4600] =	vst v15;
	v15 =	vld [tilespmem:s25+$0x5660]  }
0x183: {  	v6 =	vmul.f32 v6, v33;
	v7 =	vmul.f32 v7, v31;
	v11 =	vadd.f32 v11, v12;
	[tilespmem:s25+$0x4270] =	vst v14;
	v12 =	vld [tilespmem:s25+$0x5670]  }
0x184: {  	v3 =	vmul.f32 v3, v33;
	v5 =	vmul.f32 v5, v31;
	v9 =	vadd.f32 v9, v10;
	v14 =	vld [tilespmem:s25+$0x4200];
	[tilespmem:s25+$0x4260] =	vst v13  }
0x185: {  	v4 =	vmul.f32 v4, v31;
	v7 =	vadd.f32 v7, v8;
	v10 =	vld [tilespmem:s25+$0x10200];
	[tilespmem:s25+$0x4250] =	vst v11;
	v8 =	vmul.f32 v17, v33  }
0x186: {  	s28 =	sshrl.u32 s10, $0x3;
	v5 =	vadd.f32 v5, v6;
	v6 =	vmul.f32 v21, v31;
	[tilespmem:s25+$0x4240] =	vst v9;
	v9 =	vmul.f32 v16, v33  }
0x187: {  	s26 =	sadd.s32 $0x80, s26;
	s28 =	smul.u32 $0x1800, s28;
	v3 =	vadd.f32 v4, v3;
	v4 =	vmul.f32 v20, v31;
	[tilespmem:s25+$0x4230] =	vst v7;
	v7 =	vmul.f32 v15, v33  }
0x188: {  	s11 =	sand.u32 $0x380, s26;
	[tilespmem:s25+$0x4220] =	vst v5;
	v5 =	vadd.f32 v6, v8;
	v6 =	vmul.f32 v19, v31;
	v8 =	vmul.f32 v12, v33  }
0x189: {  	s11 =	sor.u32 s11, s28;
	v9 =	vadd.f32 v4, v9;
	v12 =	vmul.f32 v18, v31;
	v11 =	vmul.f32 v14, v33;
	[tilespmem:s25+$0x4210] =	vst v3  }
0x18a: {  	v3 =	vld [tilespmem:s11+$0x4210];
	v10 =	vmul.f32 v10, v31;
	[tilespmem:s25+$0x5640] =	vst v5;
	v5 =	vadd.f32 v6, v7  }
0x18b: {  	v7 =	vadd.f32 v12, v8;
	v4 =	vld [tilespmem:s11+$0x10210];
	[tilespmem:s25+$0x5650] =	vst v9  }
0x18c: {  	v6 =	vld [tilespmem:s11+$0x4220];
	v9 =	vadd.f32 v10, v11;
	[tilespmem:s25+$0x5660] =	vst v5  }
0x18d: {  	v5 =	vld [tilespmem:s11+$0x10220];
	[tilespmem:s25+$0x5670] =	vst v7  }
0x18e: {  	v8 =	vld [tilespmem:s11+$0x4230];
	[tilespmem:s25+$0x4200] =	vst v9;
	s25 =	smov.u32 s11  }
0x18f: {  	v7 =	vld [tilespmem:s25+$0x10230]  }
0x190: {  	v10 =	vld [tilespmem:s25+$0x4240]  }
0x191: {  	v9 =	vld [tilespmem:s25+$0x10240]  }
0x192: {  	v12 =	vld [tilespmem:s25+$0x4250]  }
0x193: {  	v11 =	vld [tilespmem:s25+$0x10250]  }
0x194: {  	v13 =	vld [tilespmem:s25+$0x4260]  }
0x195: {  	v14 =	vld [tilespmem:s25+$0x4270]  }
0x196: {  	v15 =	vld [tilespmem:s25+$0x4600]  }
0x197: {  	v16 =	vld [tilespmem:s25+$0x4610]  }
0x198: {  	v17 =	vld [tilespmem:s25+$0x4620]  }
0x199: {  	v18 =	vld [tilespmem:s25+$0x4630]  }
0x19a: {  	v19 =	vld [tilespmem:s25+$0x4640]  }
0x19b: {  	v20 =	vld [tilespmem:s25+$0x4650]  }
0x19c: {  	v21 =	vld [tilespmem:s25+$0x4660]  }
0x19d: {  	v22 =	vld [tilespmem:s25+$0x4670]  }
0x19e: {  	v23 =	vld [tilespmem:s25+$0x4A00]  }
0x19f: {  	v24 =	vld [tilespmem:s25+$0x4A10]  }
0x1a0: {  	v25 =	vld [tilespmem:s25+$0x4A20]  }
0x1a1: {  	v26 =	vld [tilespmem:s25+$0x4A30]  }
0x1a2: {  	v27 =	vld [tilespmem:s25+$0x4A40]  }
0x1a3: {  	v28 =	vld [tilespmem:s25+$0x4A50]  }
0x1a4: {  	v29 =	vld [tilespmem:s25+$0x4A60]  }
0x1a5: {  	v30 =	vld [tilespmem:s25+$0x4A70]  }
0x1a6: {  	v32 =	vld [tilespmem:s25+$0x4E00]  }
0x1a7: {  	v34 =	vld [tilespmem:s25+$0x4E10]  }
0x1a8: {  	v35 =	vld [tilespmem:s25+$0x4E20]  }
0x1a9: {  	v36 =	vld [tilespmem:s25+$0x4E30]  }
0x1aa: {  	v37 =	vld [tilespmem:s25+$0x4E40]  }
0x1ab: {  	v38 =	vld [tilespmem:s25+$0x4E50]  }
0x1ac: {  	v39 =	vld [tilespmem:s25+$0x4E60]  }
0x1ad: {  	v40 =	vld [tilespmem:s25+$0x4E70]  }
0x1ae: {  	v41 =	vld [tilespmem:s25+$0x5200]  }
0x1af: {  	v42 =	vld [tilespmem:s25+$0x5210]  }
0x1b0: {  	v43 =	vld [tilespmem:s25+$0x5220]  }
0x1b1: {  	v44 =	vld [tilespmem:s25+$0x5230]  }
0x1b2: {  	v45 =	vld [tilespmem:s25+$0x5240]  }
0x1b3: {  	v46 =	vld [tilespmem:s25+$0x5250]  }
.Ltmp0:
0x1b4: {  	v47 =	vld [tilespmem:s25+$0x5260];
	(pc) =	sbr.rel @p0 .LBB2_2-.Ltmp0, $4  }
0x1b5: {  	v48 =	vld [tilespmem:s25+$0x5600]  }
0x1b6: {  	v50 =	vld [tilespmem:s25+$0x5610]  }
0x1b7: {  	v49 =	vld [tilespmem:s25+$0x11610]  }
0x1b8: {  	s10 =	sadd.s32 $0x1, s10;
	v51 =	vld [tilespmem:s25+$0x11630]  }
0x1b9: {  	v52 =	vld [tilespmem:s25+$0x5630]  }
0x1ba: {  	v53 =	vld [tilespmem:s25+$0x5620];
	s9 =	sadd.s32 $0x80, s9  }
0x1bb: {  	v31 =	vld [tilespmem:s9+$0xFFFFFFF0]  }
0x1bc: {  	v33 =	vld [tilespmem:s9+$0x0]  }
0x1bd: {  	v54 =	vld [tilespmem:s25+$0x11620]  }
0x1be: {  	v55 =	vld [tilespmem:s25+$0x11600]  }
0x1bf: {  	v56 =	vld [tilespmem:s25+$0x5270]  }
0x1c0: {  	v57 =	vld [tilespmem:s25+$0x11270];
	v52 =	vmul.f32 v52, v31  }
0x1c1: {  	v58 =	vld [tilespmem:s25+$0x11260];
	v51 =	vmul.f32 v51, v33;
	v53 =	vmul.f32 v53, v31  }
0x1c2: {  	v54 =	vmul.f32 v54, v33;
	v50 =	vmul.f32 v50, v31  }
0x1c3: {  	v49 =	vmul.f32 v49, v33;
	v48 =	vmul.f32 v48, v31  }
0x1c4: {  	v59 =	vld [tilespmem:s25+$0x11250];
	v62 =	vmul.f32 v55, v33;
	v63 =	vmul.f32 v56, v31  }
0x1c5: {  	v60 =	vld [tilespmem:s25+$0x11240];
	v57 =	vmul.f32 v57, v33;
	v47 =	vmul.f32 v47, v31;
	v51 =	vadd.f32 v51, v52  }
0x1c6: {  	v61 =	vld [tilespmem:s25+$0x11220];
	v58 =	vmul.f32 v58, v33;
	v46 =	vmul.f32 v46, v31;
	v53 =	vadd.f32 v54, v53  }
0x1c7: {  	v45 =	vmul.f32 v45, v31;
	v44 =	vmul.f32 v44, v31;
	v52 =	vld [tilespmem:s25+$0x11230];
	v49 =	vadd.f32 v49, v50;
	[tilespmem:s25+$0x5630] =	vst v51  }
0x1c8: {  	v43 =	vmul.f32 v43, v31;
	v42 =	vmul.f32 v42, v31;
	v50 =	vld [tilespmem:s25+$0x11200];
	v48 =	vadd.f32 v62, v48;
	[tilespmem:s25+$0x5620] =	vst v53  }
0x1c9: {  	v41 =	vmul.f32 v41, v31;
	v62 =	vmul.f32 v59, v33;
	v47 =	vadd.f32 v58, v47;
	v59 =	vld [tilespmem:s25+$0x10E20];
	[tilespmem:s25+$0x5610] =	vst v49  }
0x1ca: {  	v40 =	vmul.f32 v40, v31;
	v51 =	vld [tilespmem:s25+$0x11210];
	v53 =	vadd.f32 v57, v63;
	[tilespmem:s25+$0x5600] =	vst v48;
	v63 =	vmul.f32 v60, v33  }
0x1cb: {  	v39 =	vmul.f32 v39, v31;
	v58 =	vmul.f32 v61, v33;
	v49 =	vld [tilespmem:s25+$0x10E70];
	v46 =	vadd.f32 v62, v46;
	[tilespmem:s25+$0x5260] =	vst v47  }
0x1cc: {  	v38 =	vmul.f32 v38, v31;
	v48 =	vld [tilespmem:s25+$0x10E60];
	[tilespmem:s25+$0x5270] =	vst v53;
	v45 =	vadd.f32 v63, v45;
	v52 =	vmul.f32 v52, v33  }
0x1cd: {  	v37 =	vmul.f32 v37, v31;
	v47 =	vld [tilespmem:s25+$0x10E40];
	v43 =	vadd.f32 v58, v43;
	[tilespmem:s25+$0x5250] =	vst v46;
	v50 =	vmul.f32 v50, v33  }
0x1ce: {  	v35 =	vmul.f32 v35, v31;
	v57 =	vld [tilespmem:s25+$0x10E30];
	[tilespmem:s25+$0x5240] =	vst v45;
	v45 =	vmul.f32 v59, v33;
	v44 =	vadd.f32 v52, v44  }
0x1cf: {  	v36 =	vmul.f32 v36, v31;
	v53 =	vld [tilespmem:s25+$0x10E50];
	[tilespmem:s25+$0x5220] =	vst v43;
	v51 =	vmul.f32 v51, v33;
	v41 =	vadd.f32 v50, v41  }
0x1d0: {  	v34 =	vmul.f32 v34, v31;
	v60 =	vld [tilespmem:s25+$0x10E10];
	v49 =	vmul.f32 v49, v33;
	v35 =	vadd.f32 v45, v35;
	[tilespmem:s25+$0x5230] =	vst v44  }
0x1d1: {  	v30 =	vmul.f32 v30, v31;
	v63 =	vld [tilespmem:s25+$0x10A60];
	v48 =	vmul.f32 v48, v33;
	v42 =	vadd.f32 v51, v42;
	[tilespmem:s25+$0x5200] =	vst v41  }
0x1d2: {  	v29 =	vmul.f32 v29, v31;
	v58 =	vld [tilespmem:s25+$0x10A00];
	v47 =	vmul.f32 v47, v33;
	v40 =	vadd.f32 v49, v40;
	[tilespmem:s25+$0x4E20] =	vst v35  }
0x1d3: {  	v28 =	vmul.f32 v28, v31;
	v62 =	vld [tilespmem:s25+$0x10A70];
	v46 =	vmul.f32 v57, v33;
	v39 =	vadd.f32 v48, v39;
	[tilespmem:s25+$0x5210] =	vst v42  }
0x1d4: {  	v27 =	vmul.f32 v27, v31;
	v54 =	vld [tilespmem:s25+$0x10A40];
	v52 =	vmul.f32 v53, v33;
	v37 =	vadd.f32 v47, v37;
	[tilespmem:s25+$0x4E70] =	vst v40  }
0x1d5: {  	v26 =	vmul.f32 v26, v31;
	v53 =	vld [tilespmem:s25+$0x10A50];
	v36 =	vadd.f32 v46, v36;
	v44 =	vmul.f32 v60, v33;
	[tilespmem:s25+$0x4E60] =	vst v39  }
0x1d6: {  	v25 =	vmul.f32 v25, v31;
	v57 =	vld [tilespmem:s25+$0x10A10];
	v41 =	vmul.f32 v63, v33;
	v38 =	vadd.f32 v52, v38;
	[tilespmem:s25+$0x4E40] =	vst v37  }
0x1d7: {  	v55 =	vld [tilespmem:s25+$0x10A30];
	v23 =	vmul.f32 v23, v31;
	v35 =	vmul.f32 v58, v33;
	[tilespmem:s25+$0x4E30] =	vst v36;
	v34 =	vadd.f32 v44, v34  }
0x1d8: {  	v24 =	vmul.f32 v24, v31;
	v59 =	vld [tilespmem:s25+$0x10670];
	v42 =	vmul.f32 v62, v33;
	v29 =	vadd.f32 v41, v29;
	[tilespmem:s25+$0x4E50] =	vst v38  }
0x1d9: {  	v56 =	vld [tilespmem:s25+$0x10A20];
	v22 =	vmul.f32 v22, v31;
	v39 =	vmul.f32 v54, v33;
	v23 =	vadd.f32 v35, v23;
	[tilespmem:s25+$0x4E10] =	vst v34  }
0x1da: {  	v21 =	vmul.f32 v21, v31;
	v60 =	vld [tilespmem:s25+$0x10660];
	v30 =	vadd.f32 v42, v30;
	[tilespmem:s25+$0x4A60] =	vst v29;
	v40 =	vmul.f32 v53, v33  }
0x1db: {  	v20 =	vmul.f32 v20, v31;
	v36 =	vmul.f32 v57, v33;
	v29 =	vld [tilespmem:s25+$0x10640];
	v27 =	vadd.f32 v39, v27;
	[tilespmem:s25+$0x4A00] =	vst v23  }
0x1dc: {  	v19 =	vmul.f32 v19, v31;
	v38 =	vmul.f32 v55, v33;
	[tilespmem:s25+$0x4A70] =	vst v30;
	v30 =	vld [tilespmem:s25+$0x10650];
	v28 =	vadd.f32 v40, v28  }
0x1dd: {  	v10 =	vmul.f32 v10, v31;
	v61 =	vld [tilespmem:s25+$0x10E00];
	v34 =	vmul.f32 v59, v33;
	v24 =	vadd.f32 v36, v24;
	[tilespmem:s25+$0x4A40] =	vst v27  }
0x1de: {  	v9 =	vmul.f32 v9, v33;
	v37 =	vmul.f32 v56, v33;
	v26 =	vadd.f32 v38, v26;
	[tilespmem:s25+$0x4A50] =	vst v28;
	v28 =	vld [tilespmem:s25+$0x10630]  }
0x1df: {  	v12 =	vmul.f32 v12, v31;
	v11 =	vmul.f32 v11, v33;
	v27 =	vld [tilespmem:s25+$0x10620];
	v22 =	vadd.f32 v34, v22;
	[tilespmem:s25+$0x4A10] =	vst v24  }
0x1e0: {  	v9 =	vadd.f32 v9, v10;
	v10 =	vld [tilespmem:s25+$0x10200];
	v25 =	vadd.f32 v37, v25;
	v24 =	vmul.f32 v60, v33;
	[tilespmem:s25+$0x4A30] =	vst v26  }
0x1e1: {  	v11 =	vadd.f32 v11, v12;
	v26 =	vld [tilespmem:s25+$0x10610];
	[tilespmem:s25+$0x4670] =	vst v22;
	v22 =	vmul.f32 v29, v33;
	v23 =	vmul.f32 v30, v33  }
0x1e2: {  	v18 =	vmul.f32 v18, v31;
	v43 =	vmul.f32 v61, v33;
	[tilespmem:s25+$0x4A20] =	vst v25;
	v25 =	vld [tilespmem:s25+$0x10600];
	v21 =	vadd.f32 v24, v21  }
0x1e3: {  	[tilespmem:s25+$0x4250] =	vst v11;
	v61 =	vld [tilespmem:s25+$0x10270];
	v19 =	vadd.f32 v22, v19;
	v20 =	vadd.f32 v23, v20;
	v23 =	vmul.f32 v28, v33  }
0x1e4: {  	v17 =	vmul.f32 v17, v31;
	v24 =	vld [tilespmem:s25+$0x10260];
	[tilespmem:s25+$0x4660] =	vst v21;
	v22 =	vmul.f32 v27, v33  }
0x1e5: {  	v21 =	vld [tilespmem:s25+$0x11640];
	[tilespmem:s25+$0x4640] =	vst v19;
	v18 =	vadd.f32 v23, v18  }
0x1e6: {  	v16 =	vmul.f32 v16, v31;
	v19 =	vld [tilespmem:s25+$0x11660];
	v17 =	vadd.f32 v22, v17;
	[tilespmem:s25+$0x4650] =	vst v20;
	v23 =	vmul.f32 v26, v33  }
0x1e7: {  	v15 =	vmul.f32 v15, v31;
	v22 =	vld [tilespmem:s25+$0x11670];
	[tilespmem:s25+$0x4630] =	vst v18;
	v18 =	vmul.f32 v25, v33  }
0x1e8: {  	v14 =	vmul.f32 v14, v31;
	v20 =	vld [tilespmem:s25+$0x11650];
	[tilespmem:s25+$0x4620] =	vst v17;
	v17 =	vmul.f32 v61, v33;
	v16 =	vadd.f32 v23, v16  }
0x1e9: {  	v8 =	vmul.f32 v8, v31;
	v7 =	vmul.f32 v7, v33;
	[tilespmem:s25+$0x4240] =	vst v9;
	v15 =	vadd.f32 v18, v15;
	v18 =	vld [tilespmem:s25+$0x5640]  }
0x1ea: {  	v6 =	vmul.f32 v6, v31;
	v5 =	vmul.f32 v5, v33;
	v14 =	vadd.f32 v17, v14;
	[tilespmem:s25+$0x4610] =	vst v16;
	v16 =	vld [tilespmem:s25+$0x5650]  }
0x1eb: {  	v3 =	vmul.f32 v3, v31;
	v4 =	vmul.f32 v4, v33;
	v7 =	vadd.f32 v7, v8;
	[tilespmem:s25+$0x4600] =	vst v15;
	v15 =	vld [tilespmem:s25+$0x5660]  }
0x1ec: {  	v32 =	vmul.f32 v32, v31;
	v5 =	vadd.f32 v5, v6;
	[tilespmem:s25+$0x4270] =	vst v14;
	v14 =	vld [tilespmem:s25+$0x5670]  }
0x1ed: {  	v13 =	vmul.f32 v13, v31;
	v12 =	vld [tilespmem:s25+$0x4200];
	v3 =	vadd.f32 v4, v3;
	[tilespmem:s25+$0x4230] =	vst v7;
	v23 =	vmul.f32 v24, v33  }
0x1ee: {  	[tilespmem:s25+$0x4220] =	vst v5;
	v32 =	vadd.f32 v43, v32;
	v6 =	vmul.f32 v21, v33;
	v8 =	vmul.f32 v18, v31  }
0x1ef: {  	[tilespmem:s25+$0x4210] =	vst v3;
	v13 =	vadd.f32 v23, v13;
	v4 =	vmul.f32 v20, v33;
	v9 =	vmul.f32 v16, v31  }
0x1f0: {  	[tilespmem:s25+$0x4E00] =	vst v32;
	v7 =	vmul.f32 v15, v31;
	v5 =	vadd.f32 v6, v8;
	v6 =	vmul.f32 v19, v33  }
0x1f1: {  	[tilespmem:s25+$0x4260] =	vst v13;
	v8 =	vmul.f32 v14, v31;
	v3 =	vadd.f32 v4, v9;
	v4 =	vmul.f32 v22, v33  }
0x1f2: {  	v10 =	vmul.f32 v10, v33;
	v9 =	vmul.f32 v12, v31;
	[tilespmem:s25+$0x5640] =	vst v5;
	v5 =	vadd.f32 v6, v7  }
0x1f3: {  	[tilespmem:s25+$0x5650] =	vst v3;
	v3 =	vadd.f32 v4, v8  }
0x1f4: {  	v4 =	vadd.f32 v10, v9;
	[tilespmem:s25+$0x5660] =	vst v5  }
0x1f5: {  	[tilespmem:s25+$0x5670] =	vst v3  }
0x1f6: {  	s10 =	rddreg [dreg:$0x6];
	s9 =	simm.s32 $0x0;
	[tilespmem:s25+$0x4200] =	vst v4  }
0x1f7: {  	[hbm4b:s10+s9] =	stream.linear.scatter [tilespmem:s15], [sflag:$0x3], $0xC000, $0x38;
	[tilespmem:$0x1C200] =	vst v63  }
0x1f8: {  	_ =	swait.ge [sflag:s12], $0xC000  }
0x1f9: {  	[sflag:s12] =	ssyncset.done $0x0  }
0x1fa: {  	[sflag:s12] =	ssyncadd.s32 $0xFFFF4000  }
0x1fb: {  	v3 =	vld [tilespmem:$0x80];
	_ =	sdelay $0x4  }
0x1fc: {  	v4 =	vshrl.u32 v3, $0x3  }
0x1fd: {  	v4 =	vmul.u32 $0x30, v4  }
0x1fe: {  	v3 =	vand.u32 $0x7, v3  }
0x1ff: {  	v3 =	vor.u32 v3, v4  }
0x200: {  	v4 =	vperm.xlane v3, v0;
	_ =	sdelay $0x1  }
0x201: {  	v4 =	vadd.s32 v1, v4;
	_ =	sdelay $0x3  }
0x202: {  	v3 =	vperm.xlane v3, v2  }
0x203: {  	[tilespmem:s15], [sflag:$0x1] =	stream.indirect_vreg.gather [hbm4b:s3+s9], $0x80, v4, vm0, $0xb8;
	[tilespmem:$0x1C200] =	vst v63  }
0x204: {  	s28 =	simm.s32 $0x4A00;
	v3 =	vadd.s32 v1, v3  }
0x205: {  	[tilespmem:s28], [sflag:$0x1] =	stream.indirect_vreg.gather [hbm4b:s7+s9], $0x80, v4, vm0, $0xb8;
	[tilespmem:$0x1C200] =	vst v63  }
0x206: {  	s11 =	simm.s32 $0x5200  }
0x207: {  	[tilespmem:s11], [sflag:$0x1] =	stream.indirect_vreg.gather [hbm4b:s8+s9], $0x80, v4, vm0, $0xb8;
	[tilespmem:$0x1C200] =	vst v63  }
0x208: {  	s25 =	simm.s32 $0x5A00  }
0x209: {  	[tilespmem:s25], [sflag:$0x1] =	stream.indirect_vreg.gather [hbm4b:s3+s9], $0x80, v3, vm0, $0xb8;
	[tilespmem:$0x1C200] =	vst v63  }
0x20a: {  	s26 =	simm.s32 $0x6200  }
0x20b: {  	[tilespmem:s26], [sflag:$0x1] =	stream.indirect_vreg.gather [hbm4b:s7+s9], $0x80, v3, vm0, $0xb8;
	[tilespmem:$0x1C200] =	vst v63  }
0x20c: {  	s28 =	simm.s32 $0x6A00  }
0x20d: {  	[tilespmem:s28], [sflag:$0x1] =	stream.indirect_vreg.gather [hbm4b:s8+s9], $0x80, v3, vm0, $0xb8;
	[tilespmem:$0x1C200] =	vst v63  }
0x20e: {  	v3 =	vld [tilespmem:$0x90];
	_ =	sdelay $0x4  }
0x20f: {  	v4 =	vshrl.u32 v3, $0x3  }
0x210: {  	v4 =	vmul.u32 $0x30, v4  }
0x211: {  	v3 =	vand.u32 $0x7, v3  }
0x212: {  	v3 =	vor.u32 v3, v4  }
0x213: {  	v4 =	vperm.xlane v3, v0;
	_ =	sdelay $0x1  }
0x214: {  	v4 =	vadd.s32 v1, v4;
	_ =	sdelay $0x3  }
0x215: {  	s11 =	simm.s32 $0x7200;
	v3 =	vperm.xlane v3, v2  }
0x216: {  	[tilespmem:s11], [sflag:$0x1] =	stream.indirect_vreg.gather [hbm4b:s3+s9], $0x80, v4, vm0, $0xb8;
	[tilespmem:$0x1C200] =	vst v63  }
0x217: {  	s25 =	simm.s32 $0x7A00;
	v3 =	vadd.s32 v1, v3  }
0x218: {  	[tilespmem:s25], [sflag:$0x1] =	stream.indirect_vreg.gather [hbm4b:s7+s9], $0x80, v4, vm0, $0xb8;
	[tilespmem:$0x1C200] =	vst v63  }
0x219: {  	s26 =	simm.s32 $0x8200  }
0x21a: {  	[tilespmem:s26], [sflag:$0x1] =	stream.indirect_vreg.gather [hbm4b:s8+s9], $0x80, v4, vm0, $0xb8;
	[tilespmem:$0x1C200] =	vst v63  }
0x21b: {  	s28 =	simm.s32 $0x8A00  }
0x21c: {  	[tilespmem:s28], [sflag:$0x1] =	stream.indirect_vreg.gather [hbm4b:s3+s9], $0x80, v3, vm0, $0xb8;
	[tilespmem:$0x1C200] =	vst v63  }
0x21d: {  	s11 =	simm.s32 $0x9200  }
0x21e: {  	[tilespmem:s11], [sflag:$0x1] =	stream.indirect_vreg.gather [hbm4b:s7+s9], $0x80, v3, vm0, $0xb8;
	[tilespmem:$0x1C200] =	vst v63  }
0x21f: {  	s25 =	simm.s32 $0x9A00  }
0x220: {  	[tilespmem:s25], [sflag:$0x1] =	stream.indirect_vreg.gather [hbm4b:s8+s9], $0x80, v3, vm0, $0xb8;
	[tilespmem:$0x1C200] =	vst v63  }
0x221: {  	v3 =	vld [tilespmem:$0xA0];
	_ =	sdelay $0x4  }
0x222: {  	v4 =	vshrl.u32 v3, $0x3  }
0x223: {  	v4 =	vmul.u32 $0x30, v4  }
0x224: {  	v3 =	vand.u32 $0x7, v3  }
0x225: {  	v3 =	vor.u32 v3, v4  }
0x226: {  	v4 =	vperm.xlane v3, v0;
	_ =	sdelay $0x1  }
0x227: {  	v4 =	vadd.s32 v1, v4;
	_ =	sdelay $0x3  }
0x228: {  	s26 =	simm.s32 $0xA200;
	v3 =	vperm.xlane v3, v2  }
0x229: {  	[tilespmem:s26], [sflag:$0x1] =	stream.indirect_vreg.gather [hbm4b:s3+s9], $0x80, v4, vm0, $0xb8;
	[tilespmem:$0x1C200] =	vst v63  }
0x22a: {  	s28 =	simm.s32 $0xAA00;
	v3 =	vadd.s32 v1, v3  }
0x22b: {  	[tilespmem:s28], [sflag:$0x1] =	stream.indirect_vreg.gather [hbm4b:s7+s9], $0x80, v4, vm0, $0xb8;
	[tilespmem:$0x1C200] =	vst v63  }
0x22c: {  	s11 =	simm.s32 $0xB200  }
0x22d: {  	[tilespmem:s11], [sflag:$0x1] =	stream.indirect_vreg.gather [hbm4b:s8+s9], $0x80, v4, vm0, $0xb8;
	[tilespmem:$0x1C200] =	vst v63  }
0x22e: {  	s25 =	simm.s32 $0xBA00  }
0x22f: {  	[tilespmem:s25], [sflag:$0x1] =	stream.indirect_vreg.gather [hbm4b:s3+s9], $0x80, v3, vm0, $0xb8;
	[tilespmem:$0x1C200] =	vst v63  }
0x230: {  	s26 =	simm.s32 $0xC200  }
0x231: {  	[tilespmem:s26], [sflag:$0x1] =	stream.indirect_vreg.gather [hbm4b:s7+s9], $0x80, v3, vm0, $0xb8;
	[tilespmem:$0x1C200] =	vst v63  }
0x232: {  	s28 =	simm.s32 $0xCA00  }
0x233: {  	[tilespmem:s28], [sflag:$0x1] =	stream.indirect_vreg.gather [hbm4b:s8+s9], $0x80, v3, vm0, $0xb8;
	[tilespmem:$0x1C200] =	vst v63  }
0x234: {  	v3 =	vld [tilespmem:$0xB0];
	_ =	sdelay $0x4  }
0x235: {  	v4 =	vshrl.u32 v3, $0x3  }
0x236: {  	v4 =	vmul.u32 $0x30, v4  }
0x237: {  	v3 =	vand.u32 $0x7, v3  }
0x238: {  	v3 =	vor.u32 v3, v4  }
0x239: {  	v4 =	vperm.xlane v3, v0;
	_ =	sdelay $0x1  }
0x23a: {  	v4 =	vadd.s32 v1, v4;
	_ =	sdelay $0x3  }
0x23b: {  	s11 =	simm.s32 $0xD200;
	v3 =	vperm.xlane v3, v2  }
0x23c: {  	[tilespmem:s11], [sflag:$0x1] =	stream.indirect_vreg.gather [hbm4b:s3+s9], $0x80, v4, vm0, $0xb8;
	[tilespmem:$0x1C200] =	vst v63  }
0x23d: {  	s25 =	simm.s32 $0xDA00;
	v3 =	vadd.s32 v1, v3  }
0x23e: {  	[tilespmem:s25], [sflag:$0x1] =	stream.indirect_vreg.gather [hbm4b:s7+s9], $0x80, v4, vm0, $0xb8;
	[tilespmem:$0x1C200] =	vst v63  }
0x23f: {  	s26 =	simm.s32 $0xE200  }
0x240: {  	[tilespmem:s26], [sflag:$0x1] =	stream.indirect_vreg.gather [hbm4b:s8+s9], $0x80, v4, vm0, $0xb8;
	[tilespmem:$0x1C200] =	vst v63  }
0x241: {  	s28 =	simm.s32 $0xEA00  }
0x242: {  	[tilespmem:s28], [sflag:$0x1] =	stream.indirect_vreg.gather [hbm4b:s3+s9], $0x80, v3, vm0, $0xb8;
	[tilespmem:$0x1C200] =	vst v63  }
0x243: {  	s11 =	simm.s32 $0xF200  }
0x244: {  	[tilespmem:s11], [sflag:$0x1] =	stream.indirect_vreg.gather [hbm4b:s7+s9], $0x80, v3, vm0, $0xb8;
	[tilespmem:$0x1C200] =	vst v63  }
0x245: {  	s25 =	simm.s32 $0xFA00  }
0x246: {  	[tilespmem:s25], [sflag:$0x1] =	stream.indirect_vreg.gather [hbm4b:s8+s9], $0x80, v3, vm0, $0xb8;
	[tilespmem:$0x1C200] =	vst v63  }
0x247: {  	v3 =	vld [tilespmem:$0x180];
	_ =	sdelay $0x4  }
0x248: {  	v4 =	vshrl.u32 v3, $0x3  }
0x249: {  	v4 =	vmul.u32 $0x30, v4  }
0x24a: {  	v3 =	vand.u32 $0x7, v3  }
0x24b: {  	v3 =	vor.u32 v3, v4  }
0x24c: {  	v4 =	vperm.xlane v3, v0;
	_ =	sdelay $0x1  }
0x24d: {  	v4 =	vadd.s32 v1, v4;
	_ =	sdelay $0x3  }
0x24e: {  	s26 =	simm.s32 $0x10200;
	v3 =	vperm.xlane v3, v2  }
0x24f: {  	[tilespmem:s26], [sflag:$0x2] =	stream.indirect_vreg.gather [hbm4b:s3+s9], $0x80, v4, vm0, $0xb8;
	[tilespmem:$0x1C200] =	vst v63  }
0x250: {  	s28 =	simm.s32 $0x10A00;
	v3 =	vadd.s32 v1, v3  }
0x251: {  	[tilespmem:s28], [sflag:$0x2] =	stream.indirect_vreg.gather [hbm4b:s7+s9], $0x80, v4, vm0, $0xb8;
	[tilespmem:$0x1C200] =	vst v63  }
0x252: {  	s11 =	simm.s32 $0x11200  }
0x253: {  	[tilespmem:s11], [sflag:$0x2] =	stream.indirect_vreg.gather [hbm4b:s8+s9], $0x80, v4, vm0, $0xb8;
	[tilespmem:$0x1C200] =	vst v63  }
0x254: {  	s25 =	simm.s32 $0x11A00  }
0x255: {  	[tilespmem:s25], [sflag:$0x2] =	stream.indirect_vreg.gather [hbm4b:s3+s9], $0x80, v3, vm0, $0xb8;
	[tilespmem:$0x1C200] =	vst v63  }
0x256: {  	s26 =	simm.s32 $0x12200  }
0x257: {  	[tilespmem:s26], [sflag:$0x2] =	stream.indirect_vreg.gather [hbm4b:s7+s9], $0x80, v3, vm0, $0xb8;
	[tilespmem:$0x1C200] =	vst v63  }
0x258: {  	s28 =	simm.s32 $0x12A00  }
0x259: {  	[tilespmem:s28], [sflag:$0x2] =	stream.indirect_vreg.gather [hbm4b:s8+s9], $0x80, v3, vm0, $0xb8;
	[tilespmem:$0x1C200] =	vst v63  }
0x25a: {  	v3 =	vld [tilespmem:$0x190];
	_ =	sdelay $0x4  }
0x25b: {  	v4 =	vshrl.u32 v3, $0x3  }
0x25c: {  	v4 =	vmul.u32 $0x30, v4  }
0x25d: {  	v3 =	vand.u32 $0x7, v3  }
0x25e: {  	v3 =	vor.u32 v3, v4  }
0x25f: {  	v4 =	vperm.xlane v3, v0;
	_ =	sdelay $0x1  }
0x260: {  	v4 =	vadd.s32 v1, v4;
	_ =	sdelay $0x3  }
0x261: {  	s11 =	simm.s32 $0x13200;
	v3 =	vperm.xlane v3, v2  }
0x262: {  	[tilespmem:s11], [sflag:$0x2] =	stream.indirect_vreg.gather [hbm4b:s3+s9], $0x80, v4, vm0, $0xb8;
	[tilespmem:$0x1C200] =	vst v63  }
0x263: {  	s25 =	simm.s32 $0x13A00;
	v3 =	vadd.s32 v1, v3  }
0x264: {  	[tilespmem:s25], [sflag:$0x2] =	stream.indirect_vreg.gather [hbm4b:s7+s9], $0x80, v4, vm0, $0xb8;
	[tilespmem:$0x1C200] =	vst v63  }
0x265: {  	_ = 	snop  }
0x266: {  	[tilespmem:s29], [sflag:$0x2] =	stream.indirect_vreg.gather [hbm4b:s8+s9], $0x80, v4, vm0, $0xb8;
	[tilespmem:$0x1C200] =	vst v63  }
0x267: {  	_ = 	snop  }
0x268: {  	[tilespmem:s30], [sflag:$0x2] =	stream.indirect_vreg.gather [hbm4b:s3+s9], $0x80, v3, vm0, $0xb8;
	[tilespmem:$0x1C200] =	vst v63  }
0x269: {  	_ = 	snop  }
0x26a: {  	[tilespmem:s31], [sflag:$0x2] =	stream.indirect_vreg.gather [hbm4b:s7+s9], $0x80, v3, vm0, $0xb8;
	[tilespmem:$0x1C200] =	vst v63  }
0x26b: {  	_ = 	snop  }
0x26c: {  	[tilespmem:s0], [sflag:$0x2] =	stream.indirect_vreg.gather [hbm4b:s8+s9], $0x80, v3, vm0, $0xb8;
	[tilespmem:$0x1C200] =	vst v63  }
0x26d: {  	v3 =	vld [tilespmem:$0x1A0];
	_ =	sdelay $0x4  }
0x26e: {  	v4 =	vshrl.u32 v3, $0x3  }
0x26f: {  	v4 =	vmul.u32 $0x30, v4  }
0x270: {  	v3 =	vand.u32 $0x7, v3  }
0x271: {  	v3 =	vor.u32 v3, v4  }
0x272: {  	v4 =	vperm.xlane v3, v0;
	_ =	sdelay $0x1  }
0x273: {  	v4 =	vadd.s32 v1, v4;
	_ =	sdelay $0x3  }
0x274: {  	v3 =	vperm.xlane v3, v2  }
0x275: {  	[tilespmem:s1], [sflag:$0x2] =	stream.indirect_vreg.gather [hbm4b:s3+s9], $0x80, v4, vm0, $0xb8;
	[tilespmem:$0x1C200] =	vst v63  }
0x276: {  	v3 =	vadd.s32 v1, v3  }
0x277: {  	[tilespmem:s13], [sflag:$0x2] =	stream.indirect_vreg.gather [hbm4b:s7+s9], $0x80, v4, vm0, $0xb8;
	[tilespmem:$0x1C200] =	vst v63  }
0x278: {  	_ = 	snop  }
0x279: {  	[tilespmem:s14], [sflag:$0x2] =	stream.indirect_vreg.gather [hbm4b:s8+s9], $0x80, v4, vm0, $0xb8;
	[tilespmem:$0x1C200] =	vst v63  }
0x27a: {  	_ = 	snop  }
0x27b: {  	[tilespmem:s16], [sflag:$0x2] =	stream.indirect_vreg.gather [hbm4b:s3+s9], $0x80, v3, vm0, $0xb8;
	[tilespmem:$0x1C200] =	vst v63  }
0x27c: {  	_ = 	snop  }
0x27d: {  	[tilespmem:s17], [sflag:$0x2] =	stream.indirect_vreg.gather [hbm4b:s7+s9], $0x80, v3, vm0, $0xb8;
	[tilespmem:$0x1C200] =	vst v63  }
0x27e: {  	_ = 	snop  }
0x27f: {  	[tilespmem:s4], [sflag:$0x2] =	stream.indirect_vreg.gather [hbm4b:s8+s9], $0x80, v3, vm0, $0xb8;
	[tilespmem:$0x1C200] =	vst v63  }
0x280: {  	v3 =	vld [tilespmem:$0x1B0];
	_ =	sdelay $0x4  }
0x281: {  	v4 =	vshrl.u32 v3, $0x3  }
0x282: {  	v4 =	vmul.u32 $0x30, v4  }
0x283: {  	v3 =	vand.u32 $0x7, v3  }
0x284: {  	v3 =	vor.u32 v3, v4  }
0x285: {  	v4 =	vperm.xlane v3, v0;
	_ =	sdelay $0x1  }
0x286: {  	v4 =	vadd.s32 v1, v4;
	_ =	sdelay $0x3  }
0x287: {  	v3 =	vperm.xlane v3, v2  }
0x288: {  	[tilespmem:s18], [sflag:$0x2] =	stream.indirect_vreg.gather [hbm4b:s3+s9], $0x80, v4, vm0, $0xb8;
	[tilespmem:$0x1C200] =	vst v63  }
0x289: {  	v3 =	vadd.s32 v1, v3  }
0x28a: {  	[tilespmem:s5], [sflag:$0x2] =	stream.indirect_vreg.gather [hbm4b:s7+s9], $0x80, v4, vm0, $0xb8;
	[tilespmem:$0x1C200] =	vst v63  }
0x28b: {  	_ = 	snop  }
0x28c: {  	[tilespmem:s19], [sflag:$0x2] =	stream.indirect_vreg.gather [hbm4b:s8+s9], $0x80, v4, vm0, $0xb8;
	[tilespmem:$0x1C200] =	vst v63  }
0x28d: {  	_ = 	snop  }
0x28e: {  	[tilespmem:s6], [sflag:$0x2] =	stream.indirect_vreg.gather [hbm4b:s3+s9], $0x80, v3, vm0, $0xb8;
	[tilespmem:$0x1C200] =	vst v63  }
0x28f: {  	_ = 	snop  }
0x290: {  	[tilespmem:s20], [sflag:$0x2] =	stream.indirect_vreg.gather [hbm4b:s7+s9], $0x80, v3, vm0, $0xb8;
	[tilespmem:$0x1C200] =	vst v63  }
0x291: {  	_ = 	snop  }
0x292: {  	[tilespmem:s21], [sflag:$0x2] =	stream.indirect_vreg.gather [hbm4b:s8+s9], $0x80, v3, vm0, $0xb8;
	[tilespmem:$0x1C200] =	vst v63  }
0x293: {  	_ =	swait.ge [sflag:s22], $0xC000  }
0x294: {  	[sflag:s22] =	ssyncset.done $0x0  }
0x295: {  	s26 =	simm.s32 $0x0;
	[sflag:s22] =	ssyncadd.s32 $0xFFFF4000  }
0x296: {  	s10 =	smul.u32 $0x1800, s26;
	_ =	swait.ge [sflag:s23], $0xC000  }
0x297: {  	s9 =	sand.u32 $0x380, s9;
	[sflag:s23] =	ssyncset.done $0x0  }
0x298: {  	s10 =	sor.u32 s9, s10;
	[sflag:s23] =	ssyncadd.s32 $0xFFFF4000  }
0x299: {  	v4 =	vld [tilespmem:s10+$0x4210]  }
0x29a: {  	v3 =	vld [tilespmem:s10+$0x10210]  }
0x29b: {  	v6 =	vld [tilespmem:s10+$0x4220]  }
0x29c: {  	v5 =	vld [tilespmem:s10+$0x10220]  }
0x29d: {  	v10 =	vld [tilespmem:s10+$0x4230]  }
0x29e: {  	v7 =	vld [tilespmem:s10+$0x10230]  }
0x29f: {  	v12 =	vld [tilespmem:s10+$0x4240]  }
0x2a0: {  	v11 =	vld [tilespmem:s10+$0x10240]  }
0x2a1: {  	v13 =	vld [tilespmem:s10+$0x4260]  }
0x2a2: {  	v14 =	vld [tilespmem:s10+$0x4270]  }
0x2a3: {  	v15 =	vld [tilespmem:s10+$0x4600]  }
0x2a4: {  	v16 =	vld [tilespmem:s10+$0x4610]  }
0x2a5: {  	v17 =	vld [tilespmem:s10+$0x4620]  }
0x2a6: {  	v18 =	vld [tilespmem:s10+$0x4630]  }
0x2a7: {  	v19 =	vld [tilespmem:s10+$0x4640]  }
0x2a8: {  	v20 =	vld [tilespmem:s10+$0x4650]  }
0x2a9: {  	v21 =	vld [tilespmem:s10+$0x4660]  }
0x2aa: {  	v22 =	vld [tilespmem:s10+$0x4670]  }
0x2ab: {  	v23 =	vld [tilespmem:s10+$0x4A00]  }
0x2ac: {  	v24 =	vld [tilespmem:s10+$0x4A10]  }
0x2ad: {  	v25 =	vld [tilespmem:s10+$0x4A20]  }
0x2ae: {  	v26 =	vld [tilespmem:s10+$0x4A30]  }
0x2af: {  	v27 =	vld [tilespmem:s10+$0x4A40]  }
0x2b0: {  	v28 =	vld [tilespmem:s10+$0x4A50]  }
0x2b1: {  	v29 =	vld [tilespmem:s10+$0x4A60]  }
0x2b2: {  	v30 =	vld [tilespmem:s10+$0x4A70]  }
0x2b3: {  	v31 =	vld [tilespmem:s10+$0x4E00]  }
0x2b4: {  	v32 =	vld [tilespmem:s10+$0x4E10]  }
0x2b5: {  	v33 =	vld [tilespmem:s10+$0x4E20]  }
0x2b6: {  	v34 =	vld [tilespmem:s10+$0x4E30]  }
0x2b7: {  	v35 =	vld [tilespmem:s10+$0x4E40]  }
0x2b8: {  	v36 =	vld [tilespmem:s10+$0x4E50]  }
0x2b9: {  	v37 =	vld [tilespmem:s10+$0x4E60]  }
0x2ba: {  	v38 =	vld [tilespmem:s10+$0x4E70]  }
0x2bb: {  	v39 =	vld [tilespmem:s10+$0x5200]  }
0x2bc: {  	v40 =	vld [tilespmem:s10+$0x5210]  }
0x2bd: {  	v41 =	vld [tilespmem:s10+$0x5220]  }
0x2be: {  	v42 =	vld [tilespmem:s10+$0x5230]  }
0x2bf: {  	v43 =	vld [tilespmem:s10+$0x5240]  }
0x2c0: {  	v44 =	vld [tilespmem:s10+$0x5250]  }
0x2c1: {  	v45 =	vld [tilespmem:s10+$0x5260]  }
0x2c2: {  	v46 =	vld [tilespmem:s10+$0x5600]  }
0x2c3: {  	v47 =	vld [tilespmem:s10+$0x5610]  }
0x2c4: {  	v48 =	vld [tilespmem:s10+$0x11610]  }
0x2c5: {  	v49 =	vld [tilespmem:s10+$0x11630]  }
0x2c6: {  	v50 =	vld [tilespmem:s10+$0x5630]  }
0x2c7: {  	s9 =	simm.s32 $0x2210;
	v51 =	vld [tilespmem:s10+$0x5620]  }
0x2c8: {  	v8 =	vld [tilespmem:s9+$0xFFFFFFF0]  }
0x2c9: {  	v9 =	vld [tilespmem:s9+$0x0]  }
0x2ca: {  	v52 =	vld [tilespmem:s10+$0x11620]  }
0x2cb: {  	v62 =	vld [tilespmem:s10+$0x11600]  }
0x2cc: {  	v63 =	vld [tilespmem:s10+$0x5270]  }
0x2cd: {  	v60 =	vld [tilespmem:s10+$0x11270];
	v50 =	vmul.f32 v50, v8  }
0x2ce: {  	v61 =	vld [tilespmem:s10+$0x11260];
	v49 =	vmul.f32 v49, v9;
	v51 =	vmul.f32 v51, v8  }
0x2cf: {  	v57 =	vld [tilespmem:s10+$0x11250];
	v52 =	vmul.f32 v52, v9;
	v47 =	vmul.f32 v47, v8  }
0x2d0: {  	v58 =	vld [tilespmem:s10+$0x11240];
	v48 =	vmul.f32 v48, v9;
	v46 =	vmul.f32 v46, v8;
	v49 =	vadd.f32 v49, v50  }
0x2d1: {  	v53 =	vld [tilespmem:s10+$0x11230];
	v62 =	vmul.f32 v62, v9;
	v63 =	vmul.f32 v63, v8;
	v51 =	vadd.f32 v52, v51  }
0x2d2: {  	v56 =	vld [tilespmem:s10+$0x10E60];
	v59 =	vmul.f32 v60, v9;
	v45 =	vmul.f32 v45, v8;
	v47 =	vadd.f32 v48, v47;
	[tilespmem:s10+$0x5630] =	vst v49  }
0x2d3: {  	v55 =	vld [tilespmem:s10+$0x10A70];
	v60 =	vmul.f32 v61, v9;
	v44 =	vmul.f32 v44, v8;
	v46 =	vadd.f32 v62, v46;
	[tilespmem:s10+$0x5620] =	vst v51  }
0x2d4: {  	v61 =	vld [tilespmem:s10+$0x11200];
	v12 =	vmul.f32 v12, v8;
	v11 =	vmul.f32 v11, v9;
	v52 =	vadd.f32 v59, v63;
	[tilespmem:s10+$0x5610] =	vst v47  }
0x2d5: {  	v10 =	vmul.f32 v10, v8;
	v7 =	vmul.f32 v7, v9;
	v48 =	vld [tilespmem:s10+$0x11220];
	v45 =	vadd.f32 v60, v45;
	[tilespmem:s10+$0x5600] =	vst v46  }
0x2d6: {  	v62 =	vmul.f32 v57, v9;
	v63 =	vmul.f32 v58, v9;
	v58 =	vld [tilespmem:s10+$0x10E50];
	v11 =	vadd.f32 v11, v12;
	[tilespmem:s10+$0x5270] =	vst v52  }
0x2d7: {  	v43 =	vmul.f32 v43, v8;
	v59 =	vld [tilespmem:s10+$0x10E40];
	v7 =	vadd.f32 v7, v10;
	[tilespmem:s10+$0x5260] =	vst v45  }
0x2d8: {  	v42 =	vmul.f32 v42, v8;
	v57 =	vmul.f32 v53, v9;
	v60 =	vld [tilespmem:s10+$0x10E30];
	v44 =	vadd.f32 v62, v44;
	[tilespmem:s10+$0x4240] =	vst v11  }
0x2d9: {  	v37 =	vmul.f32 v37, v8;
	v53 =	vld [tilespmem:s10+$0x10E00];
	v43 =	vadd.f32 v63, v43;
	v46 =	vmul.f32 v56, v9;
	[tilespmem:s10+$0x4230] =	vst v7  }
0x2da: {  	v39 =	vmul.f32 v39, v8;
	v49 =	vld [tilespmem:s10+$0x11210];
	v42 =	vadd.f32 v57, v42;
	v61 =	vmul.f32 v61, v9;
	[tilespmem:s10+$0x5250] =	vst v44  }
0x2db: {  	v41 =	vmul.f32 v41, v8;
	v47 =	vld [tilespmem:s10+$0x10E70];
	[tilespmem:s10+$0x5240] =	vst v43;
	v37 =	vadd.f32 v46, v37;
	v48 =	vmul.f32 v48, v9  }
0x2dc: {  	v36 =	vmul.f32 v36, v8;
	v62 =	vld [tilespmem:s10+$0x10E20];
	[tilespmem:s10+$0x5230] =	vst v42;
	v39 =	vadd.f32 v61, v39;
	v54 =	vmul.f32 v58, v9  }
0x2dd: {  	v35 =	vmul.f32 v35, v8;
	v63 =	vld [tilespmem:s10+$0x10E10];
	v45 =	vmul.f32 v59, v9;
	[tilespmem:s10+$0x4E60] =	vst v37;
	v41 =	vadd.f32 v48, v41  }
0x2de: {  	v34 =	vmul.f32 v34, v8;
	v56 =	vld [tilespmem:s10+$0x10A60];
	v44 =	vmul.f32 v60, v9;
	[tilespmem:s10+$0x5200] =	vst v39;
	v36 =	vadd.f32 v54, v36  }
0x2df: {  	v40 =	vmul.f32 v40, v8;
	v12 =	vld [tilespmem:s10+$0x5660];
	v49 =	vmul.f32 v49, v9;
	v35 =	vadd.f32 v45, v35;
	[tilespmem:s10+$0x5220] =	vst v41  }
0x2e0: {  	v38 =	vmul.f32 v38, v8;
	v58 =	vld [tilespmem:s10+$0x10A40];
	v47 =	vmul.f32 v47, v9;
	v34 =	vadd.f32 v44, v34;
	[tilespmem:s10+$0x4E50] =	vst v36  }
0x2e1: {  	v33 =	vmul.f32 v33, v8;
	v59 =	vld [tilespmem:s10+$0x10A30];
	v43 =	vmul.f32 v62, v9;
	v40 =	vadd.f32 v49, v40;
	[tilespmem:s10+$0x4E40] =	vst v35  }
0x2e2: {  	v32 =	vmul.f32 v32, v8;
	v57 =	vld [tilespmem:s10+$0x10A50];
	v42 =	vmul.f32 v63, v9;
	v38 =	vadd.f32 v47, v38;
	[tilespmem:s10+$0x4E30] =	vst v34  }
0x2e3: {  	v29 =	vmul.f32 v29, v8;
	v60 =	vld [tilespmem:s10+$0x10A20];
	v39 =	vmul.f32 v56, v9;
	v33 =	vadd.f32 v43, v33;
	[tilespmem:s10+$0x5210] =	vst v40  }
0x2e4: {  	v31 =	vmul.f32 v31, v8;
	v61 =	vld [tilespmem:s10+$0x10A10];
	v41 =	vmul.f32 v53, v9;
	v32 =	vadd.f32 v42, v32;
	[tilespmem:s10+$0x4E70] =	vst v38  }
0x2e5: {  	v27 =	vmul.f32 v27, v8;
	v62 =	vld [tilespmem:s10+$0x10A00];
	v29 =	vadd.f32 v39, v29;
	v37 =	vmul.f32 v58, v9;
	[tilespmem:s10+$0x4E20] =	vst v33  }
0x2e6: {  	v26 =	vmul.f32 v26, v8;
	v63 =	vld [tilespmem:s10+$0x10670];
	v36 =	vmul.f32 v59, v9;
	v31 =	vadd.f32 v41, v31;
	[tilespmem:s10+$0x4E10] =	vst v32  }
0x2e7: {  	v30 =	vmul.f32 v30, v8;
	v40 =	vmul.f32 v55, v9;
	[tilespmem:s10+$0x4A60] =	vst v29;
	v29 =	vld [tilespmem:s10+$0x10640];
	v27 =	vadd.f32 v37, v27  }
0x2e8: {  	v25 =	vmul.f32 v25, v8;
	v35 =	vmul.f32 v60, v9;
	v26 =	vadd.f32 v36, v26;
	[tilespmem:s10+$0x4E00] =	vst v31;
	v31 =	vld [tilespmem:s10+$0x10660]  }
0x2e9: {  	v28 =	vmul.f32 v28, v8;
	v38 =	vmul.f32 v57, v9;
	v30 =	vadd.f32 v40, v30;
	[tilespmem:s10+$0x4A40] =	vst v27;
	v27 =	vld [tilespmem:s10+$0x10620]  }
0x2ea: {  	v23 =	vmul.f32 v23, v8;
	v33 =	vmul.f32 v62, v9;
	v25 =	vadd.f32 v35, v25;
	[tilespmem:s10+$0x4A30] =	vst v26;
	v26 =	vld [tilespmem:s10+$0x10610]  }
0x2eb: {  	v24 =	vmul.f32 v24, v8;
	v34 =	vmul.f32 v61, v9;
	v28 =	vadd.f32 v38, v28;
	[tilespmem:s10+$0x4A70] =	vst v30;
	v30 =	vld [tilespmem:s10+$0x10650]  }
0x2ec: {  	v22 =	vmul.f32 v22, v8;
	v32 =	vmul.f32 v63, v9;
	v23 =	vadd.f32 v33, v23;
	[tilespmem:s10+$0x4A20] =	vst v25;
	v25 =	vld [tilespmem:s10+$0x10600]  }
0x2ed: {  	v19 =	vmul.f32 v19, v8;
	v24 =	vadd.f32 v34, v24;
	[tilespmem:s10+$0x4A50] =	vst v28;
	v28 =	vld [tilespmem:s10+$0x10630];
	v29 =	vmul.f32 v29, v9  }
0x2ee: {  	v21 =	vmul.f32 v21, v8;
	v22 =	vadd.f32 v32, v22;
	[tilespmem:s10+$0x4A00] =	vst v23;
	v23 =	vld [tilespmem:s10+$0x10260];
	v31 =	vmul.f32 v31, v9  }
0x2ef: {  	v17 =	vmul.f32 v17, v8;
	[tilespmem:s10+$0x4A10] =	vst v24;
	v24 =	vld [tilespmem:s10+$0x10270];
	v19 =	vadd.f32 v29, v19;
	v27 =	vmul.f32 v27, v9  }
0x2f0: {  	v20 =	vmul.f32 v20, v8;
	[tilespmem:s10+$0x4670] =	vst v22;
	v22 =	vld [tilespmem:s10+$0x4250];
	v30 =	vmul.f32 v30, v9;
	v21 =	vadd.f32 v31, v21  }
0x2f1: {  	v15 =	vmul.f32 v15, v8;
	v25 =	vmul.f32 v25, v9;
	[tilespmem:s10+$0x4640] =	vst v19;
	v19 =	vld [tilespmem:s10+$0x11650];
	v17 =	vadd.f32 v27, v17  }
0x2f2: {  	v18 =	vmul.f32 v18, v8;
	v28 =	vmul.f32 v28, v9;
	v20 =	vadd.f32 v30, v20;
	[tilespmem:s10+$0x4660] =	vst v21;
	v21 =	vld [tilespmem:s10+$0x10250]  }
0x2f3: {  	v13 =	vmul.f32 v13, v8;
	v23 =	vmul.f32 v23, v9;
	v15 =	vadd.f32 v25, v15;
	[tilespmem:s10+$0x4620] =	vst v17;
	v17 =	vld [tilespmem:s10+$0x5640]  }
0x2f4: {  	v6 =	vmul.f32 v6, v8;
	v5 =	vmul.f32 v5, v9;
	v18 =	vadd.f32 v28, v18;
	[tilespmem:s10+$0x4650] =	vst v20;
	v20 =	vld [tilespmem:s10+$0x11640]  }
0x2f5: {  	v14 =	vmul.f32 v14, v8;
	v24 =	vmul.f32 v24, v9;
	v13 =	vadd.f32 v23, v13;
	[tilespmem:s10+$0x4600] =	vst v15;
	v15 =	vld [tilespmem:s10+$0x5650]  }
0x2f6: {  	v4 =	vmul.f32 v4, v8;
	v3 =	vmul.f32 v3, v9;
	v5 =	vadd.f32 v5, v6;
	[tilespmem:s10+$0x4630] =	vst v18;
	v18 =	vld [tilespmem:s10+$0x11660]  }
0x2f7: {  	v6 =	vld [tilespmem:s10+$0x4200];
	v14 =	vadd.f32 v24, v14;
	v10 =	vmul.f32 v22, v8;
	[tilespmem:s10+$0x4260] =	vst v13;
	v13 =	vmul.f32 v21, v9  }
0x2f8: {  	s11 =	simm.s32 $0x0;
	v16 =	vmul.f32 v16, v8;
	v3 =	vadd.f32 v3, v4;
	v7 =	vld [tilespmem:s10+$0x10200];
	[tilespmem:s10+$0x4220] =	vst v5;
	v26 =	vmul.f32 v26, v9  }
0x2f9: {  	s26 =	simm.s32 $0x80;
	s11 =	smul.u32 $0x1800, s11;
	[tilespmem:s10+$0x4270] =	vst v14;
	v14 =	vld [tilespmem:s10+$0x5670];
	v11 =	vmul.f32 v17, v8;
	v17 =	vmul.f32 v20, v9;
	v4 =	vadd.f32 v13, v10  }
0x2fa: {  	s28 =	sand.u32 $0x380, s26;
	[tilespmem:s10+$0x4210] =	vst v3;
	v16 =	vadd.f32 v26, v16;
	v5 =	vmul.f32 v15, v8;
	v10 =	vmul.f32 v19, v9  }
0x2fb: {  	s25 =	sor.u32 s28, s11;
	v11 =	vadd.f32 v17, v11;
	[tilespmem:s10+$0x4250] =	vst v4;
	v4 =	vmul.f32 v12, v8;
	v12 =	vmul.f32 v18, v9  }
0x2fc: {  	v3 =	vld [tilespmem:s25+$0x4210];
	[tilespmem:s10+$0x4610] =	vst v16;
	v5 =	vadd.f32 v10, v5  }
0x2fd: {  	v7 =	vmul.f32 v7, v9;
	v16 =	vld [tilespmem:s10+$0x11670];
	[tilespmem:s10+$0x5640] =	vst v11;
	v12 =	vadd.f32 v12, v4  }
0x2fe: {  	v10 =	vmul.f32 v14, v8;
	v8 =	vmul.f32 v6, v8;
	v4 =	vld [tilespmem:s25+$0x10210];
	[tilespmem:s10+$0x5650] =	vst v5  }
0x2ff: {  	v6 =	vld [tilespmem:s25+$0x4220];
	[tilespmem:s10+$0x5660] =	vst v12  }
0x300: {  	v7 =	vadd.f32 v7, v8;
	v5 =	vld [tilespmem:s25+$0x10220]  }
0x301: {  	v8 =	vld [tilespmem:s25+$0x4230]  }
0x302: {  	[tilespmem:s10+$0x4200] =	vst v7;
	v18 =	vld [tilespmem:s25+$0x4630]  }
0x303: {  	v11 =	vmul.f32 v16, v9;
	v26 =	vld [tilespmem:s25+$0x4A30]  }
0x304: {  	v36 =	vld [tilespmem:s25+$0x4E30]  }
0x305: {  	v9 =	vadd.f32 v11, v10;
	v44 =	vld [tilespmem:s25+$0x5230]  }
0x306: {  	v48 =	vld [tilespmem:s25+$0x5600]  }
0x307: {  	[tilespmem:s10+$0x5670] =	vst v9;
	v50 =	vld [tilespmem:s25+$0x5610]  }
0x308: {  	v7 =	vld [tilespmem:s25+$0x10230]  }
0x309: {  	v10 =	vld [tilespmem:s25+$0x4240]  }
0x30a: {  	v9 =	vld [tilespmem:s25+$0x10240]  }
0x30b: {  	v12 =	vld [tilespmem:s25+$0x4250]  }
0x30c: {  	v11 =	vld [tilespmem:s25+$0x10250]  }
0x30d: {  	v13 =	vld [tilespmem:s25+$0x4260]  }
0x30e: {  	v14 =	vld [tilespmem:s25+$0x4270]  }
0x30f: {  	v15 =	vld [tilespmem:s25+$0x4600]  }
0x310: {  	v16 =	vld [tilespmem:s25+$0x4610]  }
0x311: {  	v17 =	vld [tilespmem:s25+$0x4620]  }
0x312: {  	v19 =	vld [tilespmem:s25+$0x4640]  }
0x313: {  	v20 =	vld [tilespmem:s25+$0x4650]  }
0x314: {  	v21 =	vld [tilespmem:s25+$0x4660]  }
0x315: {  	v22 =	vld [tilespmem:s25+$0x4670]  }
0x316: {  	v23 =	vld [tilespmem:s25+$0x4A00]  }
0x317: {  	v24 =	vld [tilespmem:s25+$0x4A10]  }
0x318: {  	v25 =	vld [tilespmem:s25+$0x4A20]  }
0x319: {  	v27 =	vld [tilespmem:s25+$0x4A40]  }
0x31a: {  	v28 =	vld [tilespmem:s25+$0x4A50]  }
0x31b: {  	v29 =	vld [tilespmem:s25+$0x4A60]  }
0x31c: {  	v30 =	vld [tilespmem:s25+$0x4A70]  }
0x31d: {  	v32 =	vld [tilespmem:s25+$0x4E00]  }
0x31e: {  	v34 =	vld [tilespmem:s25+$0x4E10]  }
0x31f: {  	v35 =	vld [tilespmem:s25+$0x4E20]  }
0x320: {  	v37 =	vld [tilespmem:s25+$0x4E40]  }
0x321: {  	v38 =	vld [tilespmem:s25+$0x4E50]  }
0x322: {  	v39 =	vld [tilespmem:s25+$0x4E60]  }
0x323: {  	v40 =	vld [tilespmem:s25+$0x4E70]  }
0x324: {  	v41 =	vld [tilespmem:s25+$0x5200]  }
0x325: {  	v42 =	vld [tilespmem:s25+$0x5210]  }
0x326: {  	v43 =	vld [tilespmem:s25+$0x5220]  }
0x327: {  	v45 =	vld [tilespmem:s25+$0x5240]  }
0x328: {  	v46 =	vld [tilespmem:s25+$0x5250]  }
0x329: {  	v47 =	vld [tilespmem:s25+$0x5260]  }
0x32a: {  	v49 =	vld [tilespmem:s25+$0x11610]  }
0x32b: {  	s10 =	simm.s32 $0x2;
	v51 =	vld [tilespmem:s25+$0x11630]  }
.LBB2_4:
0x32c: {  	p0 =	sne.s32 s10, $0x3F;
	v52 =	vld [tilespmem:s25+$0x5630]  }
0x32d: {  	s9 =	sadd.s32 $0x80, s9;
	v53 =	vld [tilespmem:s25+$0x5620]  }
0x32e: {  	v33 =	vld [tilespmem:s9+$0xFFFFFFF0]  }
0x32f: {  	v31 =	vld [tilespmem:s9+$0x0]  }
0x330: {  	v54 =	vld [tilespmem:s25+$0x11620]  }
0x331: {  	v55 =	vld [tilespmem:s25+$0x11600]  }
0x332: {  	v56 =	vld [tilespmem:s25+$0x5270]  }
0x333: {  	v57 =	vld [tilespmem:s25+$0x11270];
	v50 =	vmul.f32 v50, v33;
	v53 =	vmul.f32 v53, v33  }
0x334: {  	v52 =	vmul.f32 v52, v33;
	v58 =	vld [tilespmem:s25+$0x11260];
	v51 =	vmul.f32 v51, v31  }
0x335: {  	v49 =	vmul.f32 v49, v31;
	v59 =	vld [tilespmem:s25+$0x11250];
	v54 =	vmul.f32 v54, v31  }
0x336: {  	v48 =	vmul.f32 v48, v33;
	v60 =	vld [tilespmem:s25+$0x11240];
	v55 =	vmul.f32 v55, v31;
	v51 =	vadd.f32 v51, v52  }
0x337: {  	v49 =	vadd.f32 v49, v50;
	v52 =	vld [tilespmem:s25+$0x11230];
	v56 =	vmul.f32 v56, v33;
	v50 =	vadd.f32 v54, v53  }
0x338: {  	v47 =	vmul.f32 v47, v33;
	v53 =	vld [tilespmem:s25+$0x11220];
	v54 =	vmul.f32 v57, v31;
	v48 =	vadd.f32 v55, v48;
	[tilespmem:s25+$0x5630] =	vst v51  }
0x339: {  	v46 =	vmul.f32 v46, v33;
	v51 =	vld [tilespmem:s25+$0x11210];
	v55 =	vmul.f32 v58, v31;
	[tilespmem:s25+$0x5620] =	vst v50  }
0x33a: {  	v45 =	vmul.f32 v45, v33;
	v50 =	vld [tilespmem:s25+$0x11200];
	v57 =	vmul.f32 v59, v31;
	v54 =	vadd.f32 v54, v56;
	[tilespmem:s25+$0x5610] =	vst v49  }
0x33b: {  	v44 =	vmul.f32 v44, v33;
	v49 =	vld [tilespmem:s25+$0x10E70];
	v56 =	vmul.f32 v60, v31;
	v47 =	vadd.f32 v55, v47;
	[tilespmem:s25+$0x5600] =	vst v48  }
0x33c: {  	v43 =	vmul.f32 v43, v33;
	v48 =	vld [tilespmem:s25+$0x10E60];
	v52 =	vmul.f32 v52, v31;
	v46 =	vadd.f32 v57, v46;
	[tilespmem:s25+$0x5270] =	vst v54  }
0x33d: {  	v42 =	vmul.f32 v42, v33;
	v54 =	vld [tilespmem:s25+$0x10E50];
	v53 =	vmul.f32 v53, v31;
	v45 =	vadd.f32 v56, v45;
	[tilespmem:s25+$0x5260] =	vst v47  }
0x33e: {  	v41 =	vmul.f32 v41, v33;
	v47 =	vld [tilespmem:s25+$0x10E40];
	v51 =	vmul.f32 v51, v31;
	v44 =	vadd.f32 v52, v44;
	[tilespmem:s25+$0x5250] =	vst v46  }
0x33f: {  	v40 =	vmul.f32 v40, v33;
	v46 =	vld [tilespmem:s25+$0x10E30];
	v50 =	vmul.f32 v50, v31;
	v43 =	vadd.f32 v53, v43;
	[tilespmem:s25+$0x5240] =	vst v45  }
0x340: {  	v39 =	vmul.f32 v39, v33;
	v45 =	vld [tilespmem:s25+$0x10E20];
	v49 =	vmul.f32 v49, v31;
	v42 =	vadd.f32 v51, v42;
	[tilespmem:s25+$0x5230] =	vst v44  }
0x341: {  	v38 =	vmul.f32 v38, v33;
	v44 =	vld [tilespmem:s25+$0x10E10];
	v48 =	vmul.f32 v48, v31;
	v41 =	vadd.f32 v50, v41;
	[tilespmem:s25+$0x5220] =	vst v43  }
0x342: {  	v37 =	vmul.f32 v37, v33;
	v43 =	vld [tilespmem:s25+$0x10E00];
	v50 =	vmul.f32 v54, v31;
	v40 =	vadd.f32 v49, v40;
	[tilespmem:s25+$0x5210] =	vst v42  }
0x343: {  	v36 =	vmul.f32 v36, v33;
	v42 =	vld [tilespmem:s25+$0x10A70];
	v47 =	vmul.f32 v47, v31;
	v39 =	vadd.f32 v48, v39;
	[tilespmem:s25+$0x5200] =	vst v41  }
0x344: {  	v35 =	vmul.f32 v35, v33;
	v41 =	vld [tilespmem:s25+$0x10A60];
	v46 =	vmul.f32 v46, v31;
	v38 =	vadd.f32 v50, v38;
	[tilespmem:s25+$0x4E70] =	vst v40  }
0x345: {  	v34 =	vmul.f32 v34, v33;
	v40 =	vld [tilespmem:s25+$0x10A50];
	v45 =	vmul.f32 v45, v31;
	v37 =	vadd.f32 v47, v37;
	[tilespmem:s25+$0x4E60] =	vst v39  }
0x346: {  	v32 =	vmul.f32 v32, v33;
	v39 =	vld [tilespmem:s25+$0x10A40];
	v44 =	vmul.f32 v44, v31;
	v36 =	vadd.f32 v46, v36;
	[tilespmem:s25+$0x4E50] =	vst v38  }
0x347: {  	v30 =	vmul.f32 v30, v33;
	v38 =	vld [tilespmem:s25+$0x10A30];
	v43 =	vmul.f32 v43, v31;
	v35 =	vadd.f32 v45, v35;
	[tilespmem:s25+$0x4E40] =	vst v37  }
0x348: {  	v29 =	vmul.f32 v29, v33;
	v37 =	vld [tilespmem:s25+$0x10A20];
	v42 =	vmul.f32 v42, v31;
	v34 =	vadd.f32 v44, v34;
	[tilespmem:s25+$0x4E30] =	vst v36  }
0x349: {  	v28 =	vmul.f32 v28, v33;
	v36 =	vld [tilespmem:s25+$0x10A10];
	v41 =	vmul.f32 v41, v31;
	v32 =	vadd.f32 v43, v32;
	[tilespmem:s25+$0x4E20] =	vst v35  }
0x34a: {  	v27 =	vmul.f32 v27, v33;
	v35 =	vld [tilespmem:s25+$0x10A00];
	v40 =	vmul.f32 v40, v31;
	v30 =	vadd.f32 v42, v30;
	[tilespmem:s25+$0x4E10] =	vst v34  }
0x34b: {  	v26 =	vmul.f32 v26, v33;
	v34 =	vld [tilespmem:s25+$0x10670];
	v39 =	vmul.f32 v39, v31;
	v29 =	vadd.f32 v41, v29;
	[tilespmem:s25+$0x4E00] =	vst v32  }
0x34c: {  	v25 =	vmul.f32 v25, v33;
	v32 =	vld [tilespmem:s25+$0x10660];
	v38 =	vmul.f32 v38, v31;
	v28 =	vadd.f32 v40, v28;
	[tilespmem:s25+$0x4A70] =	vst v30  }
0x34d: {  	v24 =	vmul.f32 v24, v33;
	v30 =	vld [tilespmem:s25+$0x10650];
	v37 =	vmul.f32 v37, v31;
	v27 =	vadd.f32 v39, v27;
	[tilespmem:s25+$0x4A60] =	vst v29  }
0x34e: {  	v23 =	vmul.f32 v23, v33;
	v29 =	vld [tilespmem:s25+$0x10640];
	v36 =	vmul.f32 v36, v31;
	v26 =	vadd.f32 v38, v26;
	[tilespmem:s25+$0x4A50] =	vst v28  }
0x34f: {  	v22 =	vmul.f32 v22, v33;
	v28 =	vld [tilespmem:s25+$0x10630];
	v35 =	vmul.f32 v35, v31;
	v25 =	vadd.f32 v37, v25;
	[tilespmem:s25+$0x4A40] =	vst v27  }
0x350: {  	v21 =	vmul.f32 v21, v33;
	v27 =	vld [tilespmem:s25+$0x10620];
	v34 =	vmul.f32 v34, v31;
	v24 =	vadd.f32 v36, v24;
	[tilespmem:s25+$0x4A30] =	vst v26  }
0x351: {  	v20 =	vmul.f32 v20, v33;
	v26 =	vld [tilespmem:s25+$0x10610];
	v32 =	vmul.f32 v32, v31;
	v23 =	vadd.f32 v35, v23;
	[tilespmem:s25+$0x4A20] =	vst v25  }
0x352: {  	v19 =	vmul.f32 v19, v33;
	v25 =	vld [tilespmem:s25+$0x10600];
	v30 =	vmul.f32 v30, v31;
	v22 =	vadd.f32 v34, v22;
	[tilespmem:s25+$0x4A10] =	vst v24  }
0x353: {  	v18 =	vmul.f32 v18, v33;
	v24 =	vld [tilespmem:s25+$0x10270];
	v29 =	vmul.f32 v29, v31;
	v21 =	vadd.f32 v32, v21;
	[tilespmem:s25+$0x4A00] =	vst v23  }
0x354: {  	v17 =	vmul.f32 v17, v33;
	v23 =	vld [tilespmem:s25+$0x10260];
	v28 =	vmul.f32 v28, v31;
	v20 =	vadd.f32 v30, v20;
	[tilespmem:s25+$0x4670] =	vst v22  }
0x355: {  	v16 =	vmul.f32 v16, v33;
	v22 =	vmul.f32 v27, v31;
	v19 =	vadd.f32 v29, v19;
	[tilespmem:s25+$0x4660] =	vst v21;
	v21 =	vld [tilespmem:s25+$0x11640]  }
0x356: {  	v15 =	vmul.f32 v15, v33;
	v26 =	vmul.f32 v26, v31;
	v18 =	vadd.f32 v28, v18;
	[tilespmem:s25+$0x4650] =	vst v20;
	v20 =	vld [tilespmem:s25+$0x11650]  }
0x357: {  	v14 =	vmul.f32 v14, v33;
	v25 =	vmul.f32 v25, v31;
	v17 =	vadd.f32 v22, v17;
	[tilespmem:s25+$0x4640] =	vst v19;
	v19 =	vld [tilespmem:s25+$0x11660]  }
0x358: {  	v13 =	vmul.f32 v13, v33;
	v22 =	vmul.f32 v24, v31;
	v16 =	vadd.f32 v26, v16;
	[tilespmem:s25+$0x4630] =	vst v18;
	v18 =	vld [tilespmem:s25+$0x11670]  }
0x359: {  	v12 =	vmul.f32 v12, v33;
	v23 =	vmul.f32 v23, v31;
	v15 =	vadd.f32 v25, v15;
	[tilespmem:s25+$0x4620] =	vst v17;
	v17 =	vld [tilespmem:s25+$0x5640]  }
0x35a: {  	v10 =	vmul.f32 v10, v33;
	v11 =	vmul.f32 v11, v31;
	v14 =	vadd.f32 v22, v14;
	[tilespmem:s25+$0x4610] =	vst v16;
	v16 =	vld [tilespmem:s25+$0x5650]  }
0x35b: {  	v8 =	vmul.f32 v8, v33;
	v9 =	vmul.f32 v9, v31;
	v13 =	vadd.f32 v23, v13;
	[tilespmem:s25+$0x4600] =	vst v15;
	v15 =	vld [tilespmem:s25+$0x5660]  }
0x35c: {  	v6 =	vmul.f32 v6, v33;
	v7 =	vmul.f32 v7, v31;
	v11 =	vadd.f32 v11, v12;
	[tilespmem:s25+$0x4270] =	vst v14;
	v12 =	vld [tilespmem:s25+$0x5670]  }
0x35d: {  	v3 =	vmul.f32 v3, v33;
	v5 =	vmul.f32 v5, v31;
	v9 =	vadd.f32 v9, v10;
	v14 =	vld [tilespmem:s25+$0x4200];
	[tilespmem:s25+$0x4260] =	vst v13  }
0x35e: {  	v4 =	vmul.f32 v4, v31;
	v7 =	vadd.f32 v7, v8;
	v10 =	vld [tilespmem:s25+$0x10200];
	[tilespmem:s25+$0x4250] =	vst v11;
	v8 =	vmul.f32 v17, v33  }
0x35f: {  	s11 =	sshrl.u32 s10, $0x3;
	v5 =	vadd.f32 v5, v6;
	v6 =	vmul.f32 v21, v31;
	[tilespmem:s25+$0x4240] =	vst v9;
	v9 =	vmul.f32 v16, v33  }
0x360: {  	s26 =	sadd.s32 $0x80, s26;
	s11 =	smul.u32 $0x1800, s11;
	v3 =	vadd.f32 v4, v3;
	v4 =	vmul.f32 v20, v31;
	[tilespmem:s25+$0x4230] =	vst v7;
	v7 =	vmul.f32 v15, v33  }
0x361: {  	s28 =	sand.u32 $0x380, s26;
	[tilespmem:s25+$0x4220] =	vst v5;
	v5 =	vadd.f32 v6, v8;
	v6 =	vmul.f32 v19, v31;
	v8 =	vmul.f32 v12, v33  }
0x362: {  	s11 =	sor.u32 s28, s11;
	v9 =	vadd.f32 v4, v9;
	v12 =	vmul.f32 v18, v31;
	v11 =	vmul.f32 v14, v33;
	[tilespmem:s25+$0x4210] =	vst v3  }
0x363: {  	v3 =	vld [tilespmem:s11+$0x4210];
	v10 =	vmul.f32 v10, v31;
	[tilespmem:s25+$0x5640] =	vst v5;
	v5 =	vadd.f32 v6, v7  }
0x364: {  	v7 =	vadd.f32 v12, v8;
	v4 =	vld [tilespmem:s11+$0x10210];
	[tilespmem:s25+$0x5650] =	vst v9  }
0x365: {  	v6 =	vld [tilespmem:s11+$0x4220];
	v9 =	vadd.f32 v10, v11;
	[tilespmem:s25+$0x5660] =	vst v5  }
0x366: {  	v5 =	vld [tilespmem:s11+$0x10220];
	[tilespmem:s25+$0x5670] =	vst v7  }
0x367: {  	v8 =	vld [tilespmem:s11+$0x4230];
	[tilespmem:s25+$0x4200] =	vst v9;
	s25 =	smov.u32 s11  }
0x368: {  	v7 =	vld [tilespmem:s25+$0x10230]  }
0x369: {  	v10 =	vld [tilespmem:s25+$0x4240]  }
0x36a: {  	v9 =	vld [tilespmem:s25+$0x10240]  }
0x36b: {  	v12 =	vld [tilespmem:s25+$0x4250]  }
0x36c: {  	v11 =	vld [tilespmem:s25+$0x10250]  }
0x36d: {  	v13 =	vld [tilespmem:s25+$0x4260]  }
0x36e: {  	v14 =	vld [tilespmem:s25+$0x4270]  }
0x36f: {  	v15 =	vld [tilespmem:s25+$0x4600]  }
0x370: {  	v16 =	vld [tilespmem:s25+$0x4610]  }
0x371: {  	v17 =	vld [tilespmem:s25+$0x4620]  }
0x372: {  	v18 =	vld [tilespmem:s25+$0x4630]  }
0x373: {  	v19 =	vld [tilespmem:s25+$0x4640]  }
0x374: {  	v20 =	vld [tilespmem:s25+$0x4650]  }
0x375: {  	v21 =	vld [tilespmem:s25+$0x4660]  }
0x376: {  	v22 =	vld [tilespmem:s25+$0x4670]  }
0x377: {  	v23 =	vld [tilespmem:s25+$0x4A00]  }
0x378: {  	v24 =	vld [tilespmem:s25+$0x4A10]  }
0x379: {  	v25 =	vld [tilespmem:s25+$0x4A20]  }
0x37a: {  	v26 =	vld [tilespmem:s25+$0x4A30]  }
0x37b: {  	v27 =	vld [tilespmem:s25+$0x4A40]  }
0x37c: {  	v28 =	vld [tilespmem:s25+$0x4A50]  }
0x37d: {  	v29 =	vld [tilespmem:s25+$0x4A60]  }
0x37e: {  	v30 =	vld [tilespmem:s25+$0x4A70]  }
0x37f: {  	v32 =	vld [tilespmem:s25+$0x4E00]  }
0x380: {  	v34 =	vld [tilespmem:s25+$0x4E10]  }
0x381: {  	v35 =	vld [tilespmem:s25+$0x4E20]  }
0x382: {  	v36 =	vld [tilespmem:s25+$0x4E30]  }
0x383: {  	v37 =	vld [tilespmem:s25+$0x4E40]  }
0x384: {  	v38 =	vld [tilespmem:s25+$0x4E50]  }
0x385: {  	v39 =	vld [tilespmem:s25+$0x4E60]  }
0x386: {  	v40 =	vld [tilespmem:s25+$0x4E70]  }
0x387: {  	v41 =	vld [tilespmem:s25+$0x5200]  }
0x388: {  	v42 =	vld [tilespmem:s25+$0x5210]  }
0x389: {  	v43 =	vld [tilespmem:s25+$0x5220]  }
0x38a: {  	v44 =	vld [tilespmem:s25+$0x5230]  }
0x38b: {  	v45 =	vld [tilespmem:s25+$0x5240]  }
0x38c: {  	v46 =	vld [tilespmem:s25+$0x5250]  }
.Ltmp1:
0x38d: {  	v47 =	vld [tilespmem:s25+$0x5260];
	(pc) =	sbr.rel @p0 .LBB2_4-.Ltmp1, $4  }
0x38e: {  	v48 =	vld [tilespmem:s25+$0x5600]  }
0x38f: {  	v50 =	vld [tilespmem:s25+$0x5610]  }
0x390: {  	v49 =	vld [tilespmem:s25+$0x11610]  }
0x391: {  	s10 =	sadd.s32 $0x1, s10;
	v51 =	vld [tilespmem:s25+$0x11630]  }
0x392: {  	v52 =	vld [tilespmem:s25+$0x5630]  }
0x393: {  	v53 =	vld [tilespmem:s25+$0x5620];
	s9 =	sadd.s32 $0x80, s9  }
0x394: {  	v31 =	vld [tilespmem:s9+$0xFFFFFFF0]  }
0x395: {  	v33 =	vld [tilespmem:s9+$0x0]  }
0x396: {  	v54 =	vld [tilespmem:s25+$0x11620];
	_ =	sdelay $0x1  }
0x397: {  	v55 =	vld [tilespmem:s25+$0x11600]  }
0x398: {  	v56 =	vld [tilespmem:s25+$0x5270]  }
0x399: {  	v58 =	vld [tilespmem:s25+$0x11260];
	v52 =	vmul.f32 v52, v31;
	v51 =	vmul.f32 v51, v33  }
0x39a: {  	v57 =	vld [tilespmem:s25+$0x11270];
	v53 =	vmul.f32 v53, v31;
	v54 =	vmul.f32 v54, v33  }
0x39b: {  	v59 =	vld [tilespmem:s25+$0x11250];
	v50 =	vmul.f32 v50, v31;
	v49 =	vmul.f32 v49, v33  }
0x39c: {  	v60 =	vld [tilespmem:s25+$0x11240];
	v48 =	vmul.f32 v48, v31;
	v62 =	vmul.f32 v55, v33;
	v51 =	vadd.f32 v51, v52  }
0x39d: {  	v61 =	vld [tilespmem:s25+$0x11220];
	v63 =	vmul.f32 v56, v31;
	v47 =	vmul.f32 v47, v31;
	v53 =	vadd.f32 v54, v53  }
0x39e: {  	v58 =	vmul.f32 v58, v33;
	v55 =	vld [tilespmem:s25+$0x10660];
	v12 =	vmul.f32 v12, v31;
	v49 =	vadd.f32 v49, v50;
	[tilespmem:s25+$0x5630] =	vst v51  }
0x39f: {  	v56 =	vld [tilespmem:s25+$0x10650];
	v11 =	vmul.f32 v11, v33;
	v10 =	vmul.f32 v10, v31;
	v48 =	vadd.f32 v62, v48;
	[tilespmem:s25+$0x5620] =	vst v53  }
0x3a0: {  	v9 =	vmul.f32 v9, v33;
	v8 =	vmul.f32 v8, v31;
	v52 =	vld [tilespmem:s25+$0x11230];
	v47 =	vadd.f32 v58, v47;
	[tilespmem:s25+$0x5610] =	vst v49  }
0x3a1: {  	v7 =	vmul.f32 v7, v33;
	v6 =	vmul.f32 v6, v31;
	v50 =	vld [tilespmem:s25+$0x11200];
	v11 =	vadd.f32 v11, v12;
	[tilespmem:s25+$0x5600] =	vst v48  }
0x3a2: {  	v5 =	vmul.f32 v5, v33;
	v3 =	vmul.f32 v3, v31;
	v58 =	vld [tilespmem:s25+$0x10E20];
	v9 =	vadd.f32 v9, v10;
	[tilespmem:s25+$0x5260] =	vst v47  }
0x3a3: {  	v4 =	vmul.f32 v4, v33;
	v62 =	vmul.f32 v59, v33;
	v59 =	vld [tilespmem:s25+$0x10E10];
	v7 =	vadd.f32 v7, v8;
	[tilespmem:s25+$0x4250] =	vst v11  }
0x3a4: {  	v57 =	vmul.f32 v57, v33;
	v54 =	vld [tilespmem:s25+$0x10670];
	v5 =	vadd.f32 v5, v6;
	[tilespmem:s25+$0x4240] =	vst v9  }
0x3a5: {  	v46 =	vmul.f32 v46, v31;
	v3 =	vadd.f32 v4, v3;
	v51 =	vld [tilespmem:s25+$0x11210];
	[tilespmem:s25+$0x4230] =	vst v7  }
0x3a6: {  	v45 =	vmul.f32 v45, v31;
	v49 =	vld [tilespmem:s25+$0x10E70];
	v53 =	vadd.f32 v57, v63;
	v63 =	vmul.f32 v60, v33;
	[tilespmem:s25+$0x4220] =	vst v5  }
0x3a7: {  	v43 =	vmul.f32 v43, v31;
	v48 =	vld [tilespmem:s25+$0x10E60];
	v46 =	vadd.f32 v62, v46;
	v57 =	vmul.f32 v61, v33;
	[tilespmem:s25+$0x4210] =	vst v3  }
0x3a8: {  	v44 =	vmul.f32 v44, v31;
	v47 =	vld [tilespmem:s25+$0x10E40];
	[tilespmem:s25+$0x5270] =	vst v53;
	v45 =	vadd.f32 v63, v45;
	v52 =	vmul.f32 v52, v33  }
0x3a9: {  	v41 =	vmul.f32 v41, v31;
	v60 =	vld [tilespmem:s25+$0x10E00];
	[tilespmem:s25+$0x5250] =	vst v46;
	v43 =	vadd.f32 v57, v43;
	v50 =	vmul.f32 v50, v33  }
0x3aa: {  	v35 =	vmul.f32 v35, v31;
	v61 =	vld [tilespmem:s25+$0x10A70];
	[tilespmem:s25+$0x5240] =	vst v45;
	v45 =	vmul.f32 v58, v33;
	v44 =	vadd.f32 v52, v44  }
0x3ab: {  	v42 =	vmul.f32 v42, v31;
	v53 =	vld [tilespmem:s25+$0x10E50];
	[tilespmem:s25+$0x5220] =	vst v43;
	v51 =	vmul.f32 v51, v33;
	v41 =	vadd.f32 v50, v41  }
0x3ac: {  	v40 =	vmul.f32 v40, v31;
	v46 =	vld [tilespmem:s25+$0x10E30];
	v49 =	vmul.f32 v49, v33;
	v35 =	vadd.f32 v45, v35;
	[tilespmem:s25+$0x5230] =	vst v44  }
0x3ad: {  	v39 =	vmul.f32 v39, v31;
	v62 =	vld [tilespmem:s25+$0x10A60];
	v48 =	vmul.f32 v48, v33;
	v42 =	vadd.f32 v51, v42;
	[tilespmem:s25+$0x5200] =	vst v41  }
0x3ae: {  	v37 =	vmul.f32 v37, v31;
	v57 =	vld [tilespmem:s25+$0x10640];
	v47 =	vmul.f32 v47, v33;
	v40 =	vadd.f32 v49, v40;
	[tilespmem:s25+$0x4E20] =	vst v35  }
0x3af: {  	v32 =	vmul.f32 v32, v31;
	v58 =	vld [tilespmem:s25+$0x10630];
	v43 =	vmul.f32 v60, v33;
	v39 =	vadd.f32 v48, v39;
	[tilespmem:s25+$0x5210] =	vst v42  }
0x3b0: {  	v38 =	vmul.f32 v38, v31;
	v50 =	vld [tilespmem:s25+$0x10A30];
	v63 =	vmul.f32 v53, v33;
	v37 =	vadd.f32 v47, v37;
	[tilespmem:s25+$0x4E70] =	vst v40  }
0x3b1: {  	v36 =	vmul.f32 v36, v31;
	v60 =	vld [tilespmem:s25+$0x10610];
	v46 =	vmul.f32 v46, v33;
	v32 =	vadd.f32 v43, v32;
	[tilespmem:s25+$0x4E60] =	vst v39  }
0x3b2: {  	v34 =	vmul.f32 v34, v31;
	v52 =	vld [tilespmem:s25+$0x10A10];
	v44 =	vmul.f32 v59, v33;
	v38 =	vadd.f32 v63, v38;
	[tilespmem:s25+$0x4E40] =	vst v37  }
0x3b3: {  	v29 =	vmul.f32 v29, v31;
	v45 =	vld [tilespmem:s25+$0x5640];
	v41 =	vmul.f32 v62, v33;
	v36 =	vadd.f32 v46, v36;
	[tilespmem:s25+$0x4E00] =	vst v32  }
0x3b4: {  	v21 =	vmul.f32 v21, v31;
	v48 =	vld [tilespmem:s25+$0x10A50];
	v62 =	vmul.f32 v55, v33;
	v34 =	vadd.f32 v44, v34;
	[tilespmem:s25+$0x4E50] =	vst v38  }
0x3b5: {  	v30 =	vmul.f32 v30, v31;
	v49 =	vld [tilespmem:s25+$0x10A40];
	v42 =	vmul.f32 v61, v33;
	v29 =	vadd.f32 v41, v29;
	[tilespmem:s25+$0x4E30] =	vst v36  }
0x3b6: {  	v16 =	vmul.f32 v16, v31;
	v51 =	vld [tilespmem:s25+$0x10A20];
	v21 =	vadd.f32 v62, v21;
	v41 =	vmul.f32 v60, v33;
	[tilespmem:s25+$0x4E10] =	vst v34  }
0x3b7: {  	v26 =	vmul.f32 v26, v31;
	v53 =	vld [tilespmem:s25+$0x10A00];
	v30 =	vadd.f32 v42, v30;
	[tilespmem:s25+$0x4A60] =	vst v29;
	v38 =	vmul.f32 v50, v33  }
0x3b8: {  	v24 =	vmul.f32 v24, v31;
	v59 =	vld [tilespmem:s25+$0x10620];
	v36 =	vmul.f32 v52, v33;
	[tilespmem:s25+$0x4660] =	vst v21;
	v16 =	vadd.f32 v41, v16  }
0x3b9: {  	v22 =	vmul.f32 v22, v31;
	v43 =	vld [tilespmem:s25+$0x11670];
	v34 =	vmul.f32 v54, v33;
	[tilespmem:s25+$0x4A70] =	vst v30;
	v26 =	vadd.f32 v38, v26  }
0x3ba: {  	v28 =	vmul.f32 v28, v31;
	v61 =	vld [tilespmem:s25+$0x10600];
	v40 =	vmul.f32 v48, v33;
	v24 =	vadd.f32 v36, v24;
	[tilespmem:s25+$0x4610] =	vst v16  }
0x3bb: {  	v27 =	vmul.f32 v27, v31;
	v63 =	vld [tilespmem:s25+$0x10270];
	v39 =	vmul.f32 v49, v33;
	v22 =	vadd.f32 v34, v22;
	[tilespmem:s25+$0x4A30] =	vst v26  }
0x3bc: {  	v25 =	vmul.f32 v25, v31;
	v46 =	vld [tilespmem:s25+$0x5650];
	v37 =	vmul.f32 v51, v33;
	v28 =	vadd.f32 v40, v28;
	[tilespmem:s25+$0x4A10] =	vst v24  }
0x3bd: {  	v23 =	vmul.f32 v23, v31;
	v50 =	vld [tilespmem:s25+$0x10200];
	v35 =	vmul.f32 v53, v33;
	v27 =	vadd.f32 v39, v27;
	[tilespmem:s25+$0x4670] =	vst v22  }
0x3be: {  	v20 =	vmul.f32 v20, v31;
	v48 =	vld [tilespmem:s25+$0x5660];
	v30 =	vmul.f32 v56, v33;
	v25 =	vadd.f32 v37, v25;
	[tilespmem:s25+$0x4A50] =	vst v28  }
0x3bf: {  	v19 =	vmul.f32 v19, v31;
	v51 =	vld [tilespmem:s25+$0x4200];
	v23 =	vadd.f32 v35, v23;
	v35 =	vmul.f32 v57, v33;
	[tilespmem:s25+$0x4A40] =	vst v27  }
0x3c0: {  	v18 =	vmul.f32 v18, v31;
	v34 =	vld [tilespmem:s25+$0x10260];
	v37 =	vmul.f32 v58, v33;
	v20 =	vadd.f32 v30, v20;
	[tilespmem:s25+$0x4A20] =	vst v25  }
0x3c1: {  	v17 =	vmul.f32 v17, v31;
	v36 =	vld [tilespmem:s25+$0x11640];
	v39 =	vmul.f32 v59, v33;
	[tilespmem:s25+$0x4A00] =	vst v23;
	v19 =	vadd.f32 v35, v19  }
0x3c2: {  	v15 =	vmul.f32 v15, v31;
	v38 =	vld [tilespmem:s25+$0x11650];
	v42 =	vmul.f32 v61, v33;
	v18 =	vadd.f32 v37, v18;
	[tilespmem:s25+$0x4650] =	vst v20  }
0x3c3: {  	v14 =	vmul.f32 v14, v31;
	v40 =	vld [tilespmem:s25+$0x11660];
	v44 =	vmul.f32 v63, v33;
	v17 =	vadd.f32 v39, v17;
	[tilespmem:s25+$0x4640] =	vst v19  }
0x3c4: {  	v49 =	vld [tilespmem:s25+$0x5670];
	v15 =	vadd.f32 v42, v15;
	v10 =	vmul.f32 v50, v33;
	v61 =	vmul.f32 v51, v31;
	[tilespmem:s25+$0x4630] =	vst v18  }
0x3c5: {  	v13 =	vmul.f32 v13, v31;
	v14 =	vadd.f32 v44, v14;
	[tilespmem:s25+$0x4620] =	vst v17;
	v47 =	vmul.f32 v34, v33  }
0x3c6: {  	v52 =	vmul.f32 v45, v31;
	[tilespmem:s25+$0x4600] =	vst v15;
	v53 =	vmul.f32 v36, v33;
	v63 =	vadd.f32 v10, v61  }
0x3c7: {  	v54 =	vmul.f32 v46, v31;
	[tilespmem:s25+$0x4270] =	vst v14;
	v55 =	vmul.f32 v38, v33;
	v13 =	vadd.f32 v47, v13  }
0x3c8: {  	v56 =	vmul.f32 v48, v31;
	v58 =	vmul.f32 v40, v33;
	v57 =	vadd.f32 v53, v52;
	[tilespmem:s25+$0x4200] =	vst v63  }
0x3c9: {  	v60 =	vmul.f32 v43, v33;
	v59 =	vmul.f32 v49, v31;
	v3 =	vadd.f32 v55, v54;
	[tilespmem:s25+$0x4260] =	vst v13  }
0x3ca: {  	v62 =	vadd.f32 v58, v56;
	[tilespmem:s25+$0x5640] =	vst v57  }
0x3cb: {  	[tilespmem:s25+$0x5650] =	vst v3;
	v3 =	vadd.f32 v60, v59  }
0x3cc: {  	[tilespmem:s25+$0x5660] =	vst v62  }
0x3cd: {  	s26 =	rddreg [dreg:$0x7];
	[tilespmem:s25+$0x5670] =	vst v3  }
0x3ce: {  	[hbm4b:s26+s2] =	stream.linear.scatter [tilespmem:s15], [sflag:$0x3], $0xC000, $0x38;
	[tilespmem:$0x1C200] =	vst v63  }
0x3cf: {  	_ =	swait.ge [sflag:s12], $0xC000  }
0x3d0: {  	s24 =	sadd.s32 $0x1, s24;
	s28 =	rddreg [dreg:$0x8]  }
0x3d1: {  	p0 =	sne.s32 s24, s28  }
.Ltmp2:
0x3d2: {  	_ = 	snop;
	(pc) =	sbr.rel @p0 .LBB2_1-.Ltmp2, $3  }
0x3d3: {  	_ =	sdelay $0x1  }
0x3d4: {  	[sflag:s12] =	ssyncset.done $0x0  }
0x3d5: {  	[sflag:s12] =	ssyncadd.s32 $0xFFFF4000  }
0x3d6: {  	_ =	sfence.sel $0x180000  }
0x3d7: {  	[bflag:$0x0] =	sbarrier.arrive $0xFFFF  }
0x3d8: {  	_ =	strace $0x9000004A  }
0x3d9: {  	s0 =	stileid.u32;
	[bflag:$0x2] =	sbarrier.arrive $0xFFFF  }
0x3da: {  	p0 =	sne.s32 s0, $0x0;
	s0 =	rddreg [dreg:$0x2]  }
0x3db: {  	s0 =	sadd.s32 @!p0 $0x100000, s0  }
0x3dc: {  	[sflag:s0] =	ssyncadd.tile.s32 @!p0 $0x1;
	_ =	shalt  }
.Lfunc_end2:
_tile_overlayer_lowered:
.L_overlay_start_2:
0x3dd: {  	(tag) =	ssettag $0x2  }
0x3de: {  	s0 =	rddreg [dreg:$0x0];
	s2 =	stileid.u32  }
0x3df: {  	s1 =	rddreg [dreg:$0x1];
	p0 =	sne.s32 s2, $0x0  }
0x3e0: {  	s3 =	rddreg [dreg:$0x2];
	[bflag:$0x3] =	sbarrier.arrive $0xFFFF;
	s2 =	simm.s32 @!p0 $0x1C03  }
0x3e1: {  	[timem:s3], [sflag:s2] =	dma.local @!p0 [hbm:s0], s1  }
0x3e2: {  	s0 =	simm.s32 @!p0 $0x3  }
0x3e3: {  	_ =	swait.ge @!p0 [sflag:s0], s1  }
0x3e4: {  	s1 =	ssub.s32 @!p0 $0x0, s1;
	[sflag:s0] =	ssyncset.done @!p0 $0x0  }
0x3e5: {  	[sflag:s0] =	ssyncadd.s32 @!p0 s1  }
0x3e6: {  	[bflag:$0x3] =	sbarrier.arrive $0xFFFF  }
0x3e7: {  	_ =	shalt  }

</sc_bundles>
